<compile_context>
chip_gen: v7x
topology: tpu7x:2x2x1
jax: 0.10.2.dev20260603
libtpu: 0.0.44.dev20260713+nightly
codegen_flags: <defaults>
</compile_context>

<pallas_src>
import functools

import jax
import jax.numpy as jnp
from jax import lax
from jax.experimental import pallas as pl
from jax.experimental.pallas import tpu as pltpu
from jax.experimental.pallas import tpu_sc as plsc

TEMP = 0.7
TOP_P = 0.9
REP = 1.1
PAD = -3.0e38

L = 16
CAP = 256
BUF = CAP + 32
NBUF = BUF // L
KEEP = 64
CAND = 128
NCAND = CAND // L
ROWS_PER_SUBCORE = 2


def _body(logits_hbm, ids_hbm, tk_hbm, out_hbm, tok_hbm,
          row_v, ids_v, pen_v, bufv, bufi, wv, civ, spv, cmv, tkv, tokv):
    V = row_v.shape[0]
    T = ids_v.shape[0]
    NV = V // L
    NT = T // L
    wid = lax.axis_index("s") * 2 + lax.axis_index("c")
    iota = lax.iota(jnp.int32, L)
    pltpu.sync_copy(tk_hbm, tkv)
    tk = tkv[...][0]

    def _count_ge(t, ptr):
        def cg(k, acc):
            v = bufv[pl.ds(k * L, L)]
            valid = (iota + k * L) < ptr
            return acc + jnp.sum(jnp.where(valid & (v >= t), 1, 0).astype(jnp.int32))
        return lax.fori_loop(0, NBUF, cg, jnp.int32(0))

    def _prune(c):
        ptr, _thr = c

        def mm(k, mc):
            mn, mx = mc
            v = bufv[pl.ds(k * L, L)]
            valid = (iota + k * L) < ptr
            mn = jnp.minimum(mn, jnp.min(jnp.where(valid, v, jnp.float32(3e38))))
            mx = jnp.maximum(mx, jnp.max(jnp.where(valid, v, jnp.float32(-3e38))))
            return mn, mx
        mn, mx = lax.fori_loop(0, NBUF, mm,
                               (jnp.float32(3e38), jnp.float32(-3e38)))
        span = jnp.maximum(mx - mn, jnp.float32(1e-30))

        def bis(_, lh):
            lo, hi = lh
            mid = lo + (hi - lo) * jnp.float32(0.5)
            ok = _count_ge(mid, ptr) >= KEEP
            return jnp.where(ok, mid, lo), jnp.where(ok, hi, mid)
        lo, _ = lax.fori_loop(0, 40, bis, (mn, mx + span))

        def comp(k, cp):
            v = bufv[pl.ds(k * L, L)]
            ii = bufi[pl.ds(k * L, L)]
            m = ((iota + k * L) < ptr) & (v >= lo)
            pos = cp + plsc.cumsum(m.astype(jnp.int32)) - 1
            plsc.store_scatter(bufv, [pos], v, mask=m)
            plsc.store_scatter(bufi, [pos], ii, mask=m)
            return cp + jnp.sum(m.astype(jnp.int32))
        ptr2 = lax.fori_loop(0, NBUF, comp, jnp.int32(0))
        return jnp.minimum(ptr2, jnp.int32(CAP - 1)), lo

    for r in range(ROWS_PER_SUBCORE):
        row = wid * ROWS_PER_SUBCORE + r
        pltpu.sync_copy(logits_hbm.at[row], row_v)
        pltpu.sync_copy(ids_hbm.at[row], ids_v)

        def pgather(k, _):
            iv = ids_v[pl.ds(k * L, L)]
            g = plsc.load_gather(row_v, [iv])
            pen_v[pl.ds(k * L, L)] = jnp.where(g < 0, g * REP, g / REP)
            return 0
        lax.fori_loop(0, NT, pgather, 0)

        def pscatter(k, _):
            iv = ids_v[pl.ds(k * L, L)]
            plsc.store_scatter(row_v, [iv], pen_v[pl.ds(k * L, L)])
            return 0
        lax.fori_loop(0, NT, pscatter, 0)

        def scan_body(i, c):
            ptr, thr = c
            v = row_v[pl.ds(i * L, L)]
            hit = jnp.max(jnp.where(v >= thr, 1, 0).astype(jnp.int32))

            def app(c2):
                p2, t2 = lax.cond(c2[0] >= CAP - L, _prune, lambda x: x, c2)
                m = v >= t2
                pos = p2 + plsc.cumsum(m.astype(jnp.int32)) - 1
                plsc.store_scatter(bufv, [pos], v, mask=m)
                plsc.store_scatter(bufi, [pos], iota + i * L, mask=m)
                return p2 + jnp.sum(m.astype(jnp.int32)), t2
            return lax.cond(hit > 0, app, lambda c2: c2, c)
        ptr, thr = lax.fori_loop(0, NV, scan_body,
                                 (jnp.int32(0), jnp.float32(PAD)))

        ptr, thr = lax.cond(ptr > CAND, _prune, lambda c: c, (ptr, thr))
        nf = jnp.minimum(ptr, jnp.int32(CAND))
        for k in range(NCAND):
            lane = iota + k * L
            valid = lane < nf
            v = bufv[pl.ds(k * L, L)]
            ii = bufi[pl.ds(k * L, L)]
            wv[pl.ds(k * L, L)] = jnp.where(valid, v / TEMP, jnp.float32(PAD))
            civ[pl.ds(k * L, L)] = jnp.where(valid, ii, jnp.int32(0))

        def rk(j, accs):
            s = wv[pl.ds(j, L)][0]
            out = []
            for k in range(NCAND):
                wk = wv[pl.ds(k * L, L)]
                lane = iota + k * L
                beat = (s > wk) | ((s == wk) & (j < lane))
                out.append(accs[k] + jnp.where(beat, 1, 0).astype(jnp.int32))
            return tuple(out)
        ranks = lax.fori_loop(0, CAND, rk,
                              tuple(jnp.zeros((L,), jnp.int32)
                                    for _ in range(NCAND)))

        v50 = jnp.float32(0.0)
        mx = jnp.float32(0.0)
        ntok = jnp.int32(0)
        for k in range(NCAND):
            wk = wv[pl.ds(k * L, L)]
            ck = civ[pl.ds(k * L, L)]
            v50 += jnp.sum(jnp.where(ranks[k] == tk - 1, wk, jnp.float32(0.0)))
            mx += jnp.sum(jnp.where(ranks[k] == 0, wk, jnp.float32(0.0)))
            ntok += jnp.sum(jnp.where(ranks[k] == 0, ck, 0))

        es = []
        den = jnp.float32(0.0)
        for k in range(NCAND):
            wk = wv[pl.ds(k * L, L)]
            e = jnp.where(wk >= v50, jnp.exp(wk - mx), jnp.float32(0.0))
            es.append(e)
            den += jnp.sum(e)
        for k in range(NCAND):
            plsc.store_scatter(spv, [ranks[k]], es[k] / den)

        carry = jnp.float32(0.0)
        for k in range(NCAND):
            v = spv[pl.ds(k * L, L)]
            cum = plsc.cumsum(v) + carry
            cmv[pl.ds(k * L, L)] = cum
            carry = jnp.sum(jnp.where(iota == L - 1, cum, jnp.float32(0.0)))

        e2s = []
        den2 = jnp.float32(0.0)
        for k in range(NCAND):
            wk = wv[pl.ds(k * L, L)]
            cum = plsc.load_gather(cmv, [ranks[k]])
            keep = (wk >= v50) & ((ranks[k] == 0) | (cum <= TOP_P))
            e2 = jnp.where(keep, es[k], jnp.float32(0.0))
            e2s.append(e2)
            den2 += jnp.sum(e2)

        zero = jnp.zeros((L,), jnp.float32)
        def zb(k, _):
            row_v[pl.ds(k * L, L)] = zero
            return 0
        lax.fori_loop(0, NV, zb, 0)
        for k in range(NCAND):
            pf = e2s[k] / den2
            plsc.store_scatter(row_v, [civ[pl.ds(k * L, L)]], pf,
                               mask=pf > jnp.float32(0.0))
        pltpu.sync_copy(row_v, out_hbm.at[row])
        tokv[...] = jnp.full((L,), ntok, dtype=jnp.int32)
        pltpu.sync_copy(tokv, tok_hbm.at[row])


def kernel(logits, input_ids, top_k):
    B, V = logits.shape
    T = input_ids.shape[1]
    tk_arr = jnp.full((L,), top_k, dtype=jnp.int32)
    mesh = plsc.VectorSubcoreMesh(core_axis_name="c", subcore_axis_name="s")
    run = pl.kernel(
        _body,
        out_type=(
            jax.ShapeDtypeStruct((B, V), jnp.float32),
            jax.ShapeDtypeStruct((B, L), jnp.int32),
        ),
        mesh=mesh,
        compiler_params=pltpu.CompilerParams(needs_layout_passes=False),
        scratch_types=[
            pltpu.VMEM((V,), jnp.float32),
            pltpu.VMEM((T,), jnp.int32),
            pltpu.VMEM((T,), jnp.float32),
            pltpu.VMEM((BUF,), jnp.float32),
            pltpu.VMEM((BUF,), jnp.int32),
            pltpu.VMEM((CAND + L,), jnp.float32),
            pltpu.VMEM((CAND,), jnp.int32),
            pltpu.VMEM((CAND,), jnp.float32),
            pltpu.VMEM((CAND,), jnp.float32),
            pltpu.VMEM((L,), jnp.int32),
            pltpu.VMEM((L,), jnp.int32),
        ],
    )
    probs, tok = run(logits, input_ids.astype(jnp.int32), tk_arr)
    return probs, tok[:, 0]

# --- scband reference (transcript-rebuilt; emitter-appended) ---
"""Pipeline reference for scband-qwen2-audio-kvopt-45595372815189 (READ-ONLY COPY).

The authoritative reference and input builder live on the scoring server;
editing this copy changes nothing except your own understanding.
"""

import jax, jax.numpy as jnp
import numpy as np

B, V, T = 64, 100000, 2048
TEMPERATURE = 0.7
TOP_P = 0.9
REP_PENALTY = 1.1
FILTER_VALUE = -1e30


def setup_inputs(seed: int = 0) -> dict:
    key = jax.random.key(seed)
    k1, k2 = jax.random.split(key)
    logits = jax.random.normal(k1, (B, V), dtype=jnp.float32)
    input_ids = jax.random.randint(k2, (B, T), 0, V)
    return {"logits": logits, "input_ids": input_ids, "top_k": 50}


def reference(logits, input_ids, top_k):
    # Faithful jax translation of Qwen2AudioKVOpt._decode + _top_k_top_p_filtering
    # (next-token sampling path). multinomial replaced with deterministic argmax
    # over the filtered distribution for reproducibility.
    Bs = logits.shape[0]
    batch_idx = jnp.arange(Bs)[:, None]
    # --- repetition penalty (gather prev-token logits, penalize, scatter back) ---
    gathered = jnp.take_along_axis(logits, input_ids, axis=-1)
    penalized = jnp.where(gathered < 0, gathered * REP_PENALTY, gathered / REP_PENALTY)
    # duplicates in input_ids write identical values, so .at[].set is deterministic
    logits = logits.at[batch_idx, input_ids].set(penalized)
    # --- temperature ---
    logits = logits / TEMPERATURE
    # --- top-k filtering ---
    sorted_desc = -jnp.sort(-logits, axis=-1)
    kth_idx = jnp.broadcast_to(jnp.asarray(top_k - 1).reshape(1, 1), (Bs, 1))
    min_vals = jnp.take_along_axis(sorted_desc, kth_idx, axis=-1)
    logits = jnp.where(logits < min_vals, FILTER_VALUE, logits)
    # --- top-p (nucleus) filtering ---
    sorted_idx = jnp.argsort(-logits, axis=-1)
    sorted_logits = jnp.take_along_axis(logits, sorted_idx, axis=-1)
    probs = jax.nn.softmax(sorted_logits, axis=-1)
    cumprobs = jnp.cumsum(probs, axis=-1)
    mask = cumprobs > TOP_P
    mask = mask.at[..., 0].set(False)
    sorted_logits = jnp.where(mask, FILTER_VALUE, sorted_logits)
    filtered = jnp.full_like(logits, FILTER_VALUE)
    filtered = filtered.at[batch_idx, sorted_idx].set(sorted_logits)
    # --- final distribution + next token ---
    probs_out = jax.nn.softmax(filtered, axis=-1)
    next_token = jnp.argmax(filtered, axis=-1)
    return probs_out, next_token

if __name__ == "__main__":
    import jax
    _d = setup_inputs()
    print(jax.jit(kernel)(*tuple(_d.values())))

</pallas_src>

<mosaic_0001>
#map = affine_map<(d0, d1) -> (0, 0)>
#map1 = affine_map<(d0, d1) -> (0)>
module attributes {stable_mosaic.version = 14 : i64} {
  func.func @_body(%arg0: i32, %arg1: i32, %arg2: memref<64x100000xf32, #tpu.memory_space<hbm>>, %arg3: memref<64x2048xi32, #tpu.memory_space<hbm>>, %arg4: memref<16xi32, #tpu.memory_space<hbm>>, %arg5: memref<64x100000xf32, #tpu.memory_space<hbm>>, %arg6: memref<64x16xi32, #tpu.memory_space<hbm>>, %arg7: memref<100000xf32, #tpu.memory_space<vmem>>, %arg8: memref<2048xi32, #tpu.memory_space<vmem>>, %arg9: memref<2048xf32, #tpu.memory_space<vmem>>, %arg10: memref<288xf32, #tpu.memory_space<vmem>>, %arg11: memref<288xi32, #tpu.memory_space<vmem>>, %arg12: memref<144xf32, #tpu.memory_space<vmem>>, %arg13: memref<128xi32, #tpu.memory_space<vmem>>, %arg14: memref<128xf32, #tpu.memory_space<vmem>>, %arg15: memref<128xf32, #tpu.memory_space<vmem>>, %arg16: memref<16xi32, #tpu.memory_space<vmem>>, %arg17: memref<16xi32, #tpu.memory_space<vmem>>) attributes {dimension_semantics = [#tpu.dimension_semantics<core_parallel>, #tpu.dimension_semantics<subcore_parallel>], iteration_bounds = array<i64: 2, 16>, scalar_prefetch = 0 : i64, scratch_operands = 11 : i64, tpu.core_type = #tpu.core_type<sc_vector_subcore>, window_params = [{transform_indices = #map}, {transform_indices = #map}, {transform_indices = #map1}, {transform_indices = #map}, {transform_indices = #map}]} {
    %mul3A = arith.constant 2 : i32
    %mul3A_0 = arith.muli %arg1, %mul3A : i32
    %add3A = arith.addi %mul3A_0, %arg0 : i32
    %iota3A = tpu.iota {dimensions = array<i32: 0>} : vector<16xi32>
    "tpu.region"() ({
      %run_scoped3A = tpu.sem_alloc : memref<!tpu.dma_semaphore, #tpu.memory_space<semaphore_mem>>
      tpu.enqueue_dma source(%arg4 : memref<16xi32, #tpu.memory_space<hbm>>) target(%arg16 : memref<16xi32, #tpu.memory_space<vmem>>) target_semaphore(%run_scoped3A : memref<!tpu.dma_semaphore, #tpu.memory_space<semaphore_mem>>)
      tpu.wait_dma2 semaphore(%run_scoped3A : memref<!tpu.dma_semaphore, #tpu.memory_space<semaphore_mem>>) src(%arg4 : memref<16xi32, #tpu.memory_space<hbm>>) dst(%arg16 : memref<16xi32, #tpu.memory_space<vmem>>)
      tpu.yield
    }) : () -> ()
    %get3A = arith.constant 0 : index
    %get3A_1 = tpu.vector_load %arg16[%get3A] {strides = array<i32>} : memref<16xi32, #tpu.memory_space<vmem>>, vector<16xi32>,
    %slice3A = vector.extract_strided_slice %get3A_1 {offsets = [0], sizes = [1], strides = [1]} : vector<16xi32> to vector<1xi32>
    %squeeze3A = vector.extract %slice3A[0] : i32 from vector<1xi32>
    %mul3A_2 = arith.constant 2 : i32
    %mul3A_3 = arith.muli %add3A, %mul3A_2 : i32
    %add3A_4 = arith.constant 0 : i32
    %add3A_5 = arith.addi %mul3A_3, %add3A_4 : i32
    "tpu.region"() ({
      %run_scoped3A = tpu.sem_alloc : memref<!tpu.dma_semaphore, #tpu.memory_space<semaphore_mem>>
      %dma_start3A = arith.constant 0 : i32
      %dma_start3A_2113 = tpu.memref_slice %arg2[%add3A_5, %dma_start3A] : memref<64x100000xf32, #tpu.memory_space<hbm>> -> memref<1x100000xf32, #tpu.memory_space<hbm>>
      %dma_start3A_2114 = tpu.memref_squeeze %dma_start3A_2113 : memref<1x100000xf32, #tpu.memory_space<hbm>> -> memref<100000xf32, #tpu.memory_space<hbm>>
      %dma_start3A_2115 = arith.constant 0 : i32
      %dma_start3A_2116 = tpu.memref_slice %arg2[%add3A_5, %dma_start3A_2115] : memref<64x100000xf32, #tpu.memory_space<hbm>> -> memref<1x100000xf32, #tpu.memory_space<hbm>>
      %dma_start3A_2117 = tpu.memref_squeeze %dma_start3A_2116 : memref<1x100000xf32, #tpu.memory_space<hbm>> -> memref<100000xf32, #tpu.memory_space<hbm>>
      tpu.enqueue_dma source(%dma_start3A_2117 : memref<100000xf32, #tpu.memory_space<hbm>>) target(%arg7 : memref<100000xf32, #tpu.memory_space<vmem>>) target_semaphore(%run_scoped3A : memref<!tpu.dma_semaphore, #tpu.memory_space<semaphore_mem>>)
      %dma_wait3A = arith.constant 0 : i32
      %dma_wait3A_2118 = tpu.memref_slice %arg2[%add3A_5, %dma_wait3A] : memref<64x100000xf32, #tpu.memory_space<hbm>> -> memref<1x100000xf32, #tpu.memory_space<hbm>>
      %dma_wait3A_2119 = tpu.memref_squeeze %dma_wait3A_2118 : memref<1x100000xf32, #tpu.memory_space<hbm>> -> memref<100000xf32, #tpu.memory_space<hbm>>
      %dma_wait3A_2120 = arith.constant 0 : i32
      %dma_wait3A_2121 = tpu.memref_slice %arg2[%add3A_5, %dma_wait3A_2120] : memref<64x100000xf32, #tpu.memory_space<hbm>> -> memref<1x100000xf32, #tpu.memory_space<hbm>>
      %dma_wait3A_2122 = tpu.memref_squeeze %dma_wait3A_2121 : memref<1x100000xf32, #tpu.memory_space<hbm>> -> memref<100000xf32, #tpu.memory_space<hbm>>
      tpu.wait_dma2 semaphore(%run_scoped3A : memref<!tpu.dma_semaphore, #tpu.memory_space<semaphore_mem>>) src(%dma_wait3A_2122 : memref<100000xf32, #tpu.memory_space<hbm>>) dst(%arg7 : memref<100000xf32, #tpu.memory_space<vmem>>)
      tpu.yield
    }) : () -> ()
    "tpu.region"() ({
      %run_scoped3A = tpu.sem_alloc : memref<!tpu.dma_semaphore, #tpu.memory_space<semaphore_mem>>
      %dma_start3A = arith.constant 0 : i32
      %dma_start3A_2113 = tpu.memref_slice %arg3[%add3A_5, %dma_start3A] : memref<64x2048xi32, #tpu.memory_space<hbm>> -> memref<1x2048xi32, #tpu.memory_space<hbm>>
      %dma_start3A_2114 = tpu.memref_squeeze %dma_start3A_2113 : memref<1x2048xi32, #tpu.memory_space<hbm>> -> memref<2048xi32, #tpu.memory_space<hbm>>
      %dma_start3A_2115 = arith.constant 0 : i32
      %dma_start3A_2116 = tpu.memref_slice %arg3[%add3A_5, %dma_start3A_2115] : memref<64x2048xi32, #tpu.memory_space<hbm>> -> memref<1x2048xi32, #tpu.memory_space<hbm>>
      %dma_start3A_2117 = tpu.memref_squeeze %dma_start3A_2116 : memref<1x2048xi32, #tpu.memory_space<hbm>> -> memref<2048xi32, #tpu.memory_space<hbm>>
      tpu.enqueue_dma source(%dma_start3A_2117 : memref<2048xi32, #tpu.memory_space<hbm>>) target(%arg8 : memref<2048xi32, #tpu.memory_space<vmem>>) target_semaphore(%run_scoped3A : memref<!tpu.dma_semaphore, #tpu.memory_space<semaphore_mem>>)
      %dma_wait3A = arith.constant 0 : i32
      %dma_wait3A_2118 = tpu.memref_slice %arg3[%add3A_5, %dma_wait3A] : memref<64x2048xi32, #tpu.memory_space<hbm>> -> memref<1x2048xi32, #tpu.memory_space<hbm>>
      %dma_wait3A_2119 = tpu.memref_squeeze %dma_wait3A_2118 : memref<1x2048xi32, #tpu.memory_space<hbm>> -> memref<2048xi32, #tpu.memory_space<hbm>>
      %dma_wait3A_2120 = arith.constant 0 : i32
      %dma_wait3A_2121 = tpu.memref_slice %arg3[%add3A_5, %dma_wait3A_2120] : memref<64x2048xi32, #tpu.memory_space<hbm>> -> memref<1x2048xi32, #tpu.memory_space<hbm>>
      %dma_wait3A_2122 = tpu.memref_squeeze %dma_wait3A_2121 : memref<1x2048xi32, #tpu.memory_space<hbm>> -> memref<2048xi32, #tpu.memory_space<hbm>>
      tpu.wait_dma2 semaphore(%run_scoped3A : memref<!tpu.dma_semaphore, #tpu.memory_space<semaphore_mem>>) src(%dma_wait3A_2122 : memref<2048xi32, #tpu.memory_space<hbm>>) dst(%arg8 : memref<2048xi32, #tpu.memory_space<vmem>>)
      tpu.yield
    }) : () -> ()
    %scan3A = arith.constant 0 : i32
    %scan3A_6 = arith.constant 0 : i32
    %scan3A_7 = arith.constant 128 : i32
    %scan3A_8 = arith.addi %scan3A_6, %scan3A_7 : i32
    %scan3A_9 = arith.constant 1 : i32
    %scan3A_10 = scf.for %scan3A_2113 = %scan3A_6 to %scan3A_8 step %scan3A_9 iter_args(%scan3A_2114 = %scan3A) -> (i32)  : i32 {
      %mul3A_2115 = arith.constant 16 : i32
      %mul3A_2116 = arith.muli %scan3A_2113, %mul3A_2115 : i32
      %get3A_2117 = arith.index_cast %mul3A_2116 : i32 to index
      %get3A_2118 = tpu.vector_load %arg8[%get3A_2117] {strides = array<i32>} : memref<2048xi32, #tpu.memory_space<vmem>>, vector<16xi32>,
      %gather3A_2119 = tpu.vector_load_idx %arg7[%get3A_2118] : memref<100000xf32, #tpu.memory_space<vmem>>[vector<16xi32>], vector<16xf32>,
      %lt3A_2120 = arith.constant 0.000000e+00 : f32
      %lt3A_2121 = vector.broadcast %lt3A_2120 : f32 to vector<16xf32>
      %lt3A_2122 = arith.cmpf olt, %gather3A_2119, %lt3A_2121 : vector<16xf32>
      %mul3A_2123 = arith.constant 1.100000e+00 : f32
      %mul3A_2124 = vector.broadcast %mul3A_2123 : f32 to vector<16xf32>
      %mul3A_2125 = arith.mulf %gather3A_2119, %mul3A_2124 : vector<16xf32>
      %div3A_2126 = arith.constant 1.100000e+00 : f32
      %div3A_2127 = vector.broadcast %div3A_2126 : f32 to vector<16xf32>
      %div3A_2128 = arith.divf %gather3A_2119, %div3A_2127 : vector<16xf32>
      %select_n3A_2129 = arith.select %lt3A_2122, %mul3A_2125, %div3A_2128 : vector<16xi1>, vector<16xf32>
      %mul3A_2130 = arith.constant 16 : i32
      %mul3A_2131 = arith.muli %scan3A_2113, %mul3A_2130 : i32
      %swap3A_2132 = arith.index_cast %mul3A_2131 : i32 to index
      %swap3A_2133 = tpu.vector_load %arg9[%swap3A_2132] {strides = array<i32>} : memref<2048xf32, #tpu.memory_space<vmem>>, vector<16xf32>,
      tpu.vector_store %arg9[%swap3A_2132], %select_n3A_2129 {strides = array<i32>} : memref<2048xf32, #tpu.memory_space<vmem>>, vector<16xf32>,
      %scan3A_2134 = arith.constant 0 : i32
      scf.yield %scan3A_2134 : i32
    }
    %scan3A_11 = arith.constant 128 : i32
    %scan3A_12 = arith.constant 0 : i32
    %scan3A_13 = arith.constant 0 : i32
    %scan3A_14 = arith.constant 128 : i32
    %scan3A_15 = arith.addi %scan3A_13, %scan3A_14 : i32
    %scan3A_16 = arith.constant 1 : i32
    %scan3A_17 = scf.for %scan3A_2113 = %scan3A_13 to %scan3A_15 step %scan3A_16 iter_args(%scan3A_2114 = %scan3A_12) -> (i32)  : i32 {
      %mul3A_2115 = arith.constant 16 : i32
      %mul3A_2116 = arith.muli %scan3A_2113, %mul3A_2115 : i32
      %get3A_2117 = arith.index_cast %mul3A_2116 : i32 to index
      %get3A_2118 = tpu.vector_load %arg8[%get3A_2117] {strides = array<i32>} : memref<2048xi32, #tpu.memory_space<vmem>>, vector<16xi32>,
      %mul3A_2119 = arith.constant 16 : i32
      %mul3A_2120 = arith.muli %scan3A_2113, %mul3A_2119 : i32
      %get3A_2121 = arith.index_cast %mul3A_2120 : i32 to index
      %get3A_2122 = tpu.vector_load %arg9[%get3A_2121] {strides = array<i32>} : memref<2048xf32, #tpu.memory_space<vmem>>, vector<16xf32>,
      tpu.vector_store_idx %arg7[%get3A_2118], %get3A_2122 : memref<100000xf32, #tpu.memory_space<vmem>>[vector<16xi32>], vector<16xf32>,
      %scan3A_2123 = arith.constant 0 : i32
      scf.yield %scan3A_2123 : i32
    }
    %scan3A_18 = arith.constant 128 : i32
    %scan3A_19 = arith.constant 0 : i32
    %scan3A_20 = arith.constant -3.000000e+38 : f32
    %scan3A_21 = arith.constant 0 : i32
    %scan3A_22 = arith.constant 6250 : i32
    %scan3A_23 = arith.addi %scan3A_21, %scan3A_22 : i32
    %scan3A_24 = arith.constant 1 : i32
    %scan3A_25:2 = scf.for %scan3A_2113 = %scan3A_21 to %scan3A_23 step %scan3A_24 iter_args(%scan3A_2114 = %scan3A_19, %scan3A_2115 = %scan3A_20) -> (i32, f32)  : i32 {
      %mul3A_2116 = arith.constant 16 : i32
      %mul3A_2117 = arith.muli %scan3A_2113, %mul3A_2116 : i32
      %get3A_2118 = arith.index_cast %mul3A_2117 : i32 to index
      %get3A_2119 = tpu.vector_load %arg7[%get3A_2118] {strides = array<i32>} : memref<100000xf32, #tpu.memory_space<vmem>>, vector<16xf32>,
      %ge3A_2120 = vector.broadcast %scan3A_2115 : f32 to vector<16xf32>
      %ge3A_2121 = arith.cmpf oge, %get3A_2119, %ge3A_2120 : vector<16xf32>
      %jit3A_2122 = arith.constant 1 : i32
      %jit3A_2123 = arith.constant 0 : i32
      %broadcast_in_dim3A_2124 = vector.broadcast %jit3A_2122 : i32 to vector<16xi32>
      %broadcast_in_dim3A_2125 = vector.broadcast %jit3A_2123 : i32 to vector<16xi32>
      %select_n3A_2126 = arith.select %ge3A_2121, %broadcast_in_dim3A_2124, %broadcast_in_dim3A_2125 : vector<16xi1>, vector<16xi32>
      %reduce_max3A = arith.constant true
      %reduce_max3A_2127 = vector.broadcast %reduce_max3A : i1 to vector<16xi1>
      %reduce_max3A_2128 = arith.constant -2147483648 : i32
      %reduce_max3A_2129 = vector.broadcast %reduce_max3A_2128 : i32 to vector<16xi32>
      %reduce_max3A_2130 = arith.xori %select_n3A_2126, %reduce_max3A_2129 : vector<16xi32>
      %reduce_max3A_2131 = tpu.scan <max>, %reduce_max3A_2130 masked %reduce_max3A_2127 : vector<16xi32>, vector<16xi1> -> vector<16xi32>
      %reduce_max3A_2132 = arith.xori %reduce_max3A_2131, %reduce_max3A_2129 : vector<16xi32>
      %reduce_max3A_2133 = vector.extract %reduce_max3A_2132[15] : i32 from vector<16xi32>
      %gt3A_2134 = arith.constant 0 : i32
      %gt3A_2135 = arith.cmpi sgt, %reduce_max3A_2133, %gt3A_2134 : i32
      %convert_element_type3A_2136 = arith.extui %gt3A_2135 : i1 to i32
      %cond3A_2137 = arith.constant 0 : i32
      %cond3A_2138 = arith.cmpi ne, %convert_element_type3A_2136, %cond3A_2137 : i32
      %cond3A_2139:2 = scf.if %cond3A_2138 -> (i32, f32) {
        %ge3A_2140 = arith.constant 240 : i32
        %ge3A_2141 = arith.cmpi sge, %scan3A_2114, %ge3A_2140 : i32
        %convert_element_type3A_2142 = arith.extui %ge3A_2141 : i1 to i32
        %cond3A_2143 = arith.constant 0 : i32
        %cond3A_2144 = arith.cmpi ne, %convert_element_type3A_2142, %cond3A_2143 : i32
        %cond3A_2145:2 = scf.if %cond3A_2144 -> (i32, f32) {
          %scan3A_2167 = arith.constant 3.000000e+38 : f32
          %scan3A_2168 = arith.constant -3.000000e+38 : f32
          %scan3A_2169 = arith.constant 0 : i32
          %scan3A_2170 = arith.constant 18 : i32
          %scan3A_2171 = arith.addi %scan3A_2169, %scan3A_2170 : i32
          %scan3A_2172 = arith.constant 1 : i32
          %scan3A_2173:2 = scf.for %scan3A_2193 = %scan3A_2169 to %scan3A_2171 step %scan3A_2172 iter_args(%scan3A_2194 = %scan3A_2167, %scan3A_2195 = %scan3A_2168) -> (f32, f32)  : i32 {
            %mul3A_2196 = arith.constant 16 : i32
            %mul3A_2197 = arith.muli %scan3A_2193, %mul3A_2196 : i32
            %get3A_2198 = arith.index_cast %mul3A_2197 : i32 to index
            %get3A_2199 = tpu.vector_load %arg10[%get3A_2198] {strides = array<i32>} : memref<288xf32, #tpu.memory_space<vmem>>, vector<16xf32>,
            %mul3A_2200 = arith.constant 16 : i32
            %mul3A_2201 = arith.muli %scan3A_2193, %mul3A_2200 : i32
            %add3A_2202 = vector.broadcast %mul3A_2201 : i32 to vector<16xi32>
            %add3A_2203 = arith.addi %iota3A, %add3A_2202 : vector<16xi32>
            %lt3A_2204 = vector.broadcast %scan3A_2114 : i32 to vector<16xi32>
            %lt3A_2205 = arith.cmpi slt, %add3A_2203, %lt3A_2204 : vector<16xi32>
            %jit3A_2206 = arith.constant 3.000000e+38 : f32
            %broadcast_in_dim3A_2207 = vector.broadcast %jit3A_2206 : f32 to vector<16xf32>
            %select_n3A_2208 = arith.select %lt3A_2205, %get3A_2199, %broadcast_in_dim3A_2207 : vector<16xi1>, vector<16xf32>
            %reduce_min3A = arith.constant true
            %reduce_min3A_2209 = vector.broadcast %reduce_min3A : i1 to vector<16xi1>
            %reduce_min3A_2210 = tpu.scan <min>, %select_n3A_2208 masked %reduce_min3A_2209 : vector<16xf32>, vector<16xi1> -> vector<16xf32>
            %reduce_min3A_2211 = vector.extract %reduce_min3A_2210[15] : f32 from vector<16xf32>
            %min3A_2212 = arith.minimumf %scan3A_2194, %reduce_min3A_2211 : f32
            %jit3A_2213 = arith.constant -3.000000e+38 : f32
            %broadcast_in_dim3A_2214 = vector.broadcast %jit3A_2213 : f32 to vector<16xf32>
            %select_n3A_2215 = arith.select %lt3A_2205, %get3A_2199, %broadcast_in_dim3A_2214 : vector<16xi1>, vector<16xf32>
            %reduce_max3A_2216 = arith.constant true
            %reduce_max3A_2217 = vector.broadcast %reduce_max3A_2216 : i1 to vector<16xi1>
            %reduce_max3A_2218 = tpu.scan <max>, %select_n3A_2215 masked %reduce_max3A_2217 : vector<16xf32>, vector<16xi1> -> vector<16xf32>
            %reduce_max3A_2219 = vector.extract %reduce_max3A_2218[15] : f32 from vector<16xf32>
            %max3A_2220 = arith.maximumf %scan3A_2195, %reduce_max3A_2219 : f32
            scf.yield %min3A_2212, %max3A_2220 : f32, f32
          }
          %scan3A_2174 = arith.constant 18 : i32
          %sub3A_2175 = arith.subf %scan3A_2173#1, %scan3A_2173#0 : f32
          %max3A = arith.constant 1.000000e-30 : f32
          %max3A_2176 = arith.maximumf %sub3A_2175, %max3A : f32
          %add3A_2177 = arith.addf %scan3A_2173#1, %max3A_2176 : f32
          %scan3A_2178 = arith.constant 0 : i32
          %scan3A_2179 = arith.constant 40 : i32
          %scan3A_2180 = arith.addi %scan3A_2178, %scan3A_2179 : i32
          %scan3A_2181 = arith.constant 1 : i32
          %scan3A_2182:2 = scf.for %scan3A_2193 = %scan3A_2178 to %scan3A_2180 step %scan3A_2181 iter_args(%scan3A_2194 = %scan3A_2173#0, %scan3A_2195 = %add3A_2177) -> (f32, f32)  : i32 {
            %sub3A_2196 = arith.subf %scan3A_2195, %scan3A_2194 : f32
            %mul3A_2197 = arith.constant 5.000000e-01 : f32
            %mul3A_2198 = arith.mulf %sub3A_2196, %mul3A_2197 : f32
            %add3A_2199 = arith.addf %scan3A_2194, %mul3A_2198 : f32
            %scan3A_2200 = arith.constant 0 : i32
            %scan3A_2201 = arith.constant 0 : i32
            %scan3A_2202 = arith.constant 18 : i32
            %scan3A_2203 = arith.addi %scan3A_2201, %scan3A_2202 : i32
            %scan3A_2204 = arith.constant 1 : i32
            %scan3A_2205 = scf.for %scan3A_2211 = %scan3A_2201 to %scan3A_2203 step %scan3A_2204 iter_args(%scan3A_2212 = %scan3A_2200) -> (i32)  : i32 {
              %mul3A_2213 = arith.constant 16 : i32
              %mul3A_2214 = arith.muli %scan3A_2211, %mul3A_2213 : i32
              %get3A_2215 = arith.index_cast %mul3A_2214 : i32 to index
              %get3A_2216 = tpu.vector_load %arg10[%get3A_2215] {strides = array<i32>} : memref<288xf32, #tpu.memory_space<vmem>>, vector<16xf32>,
              %mul3A_2217 = arith.constant 16 : i32
              %mul3A_2218 = arith.muli %scan3A_2211, %mul3A_2217 : i32
              %add3A_2219 = vector.broadcast %mul3A_2218 : i32 to vector<16xi32>
              %add3A_2220 = arith.addi %iota3A, %add3A_2219 : vector<16xi32>
              %lt3A_2221 = vector.broadcast %scan3A_2114 : i32 to vector<16xi32>
              %lt3A_2222 = arith.cmpi slt, %add3A_2220, %lt3A_2221 : vector<16xi32>
              %ge3A_2223 = vector.broadcast %add3A_2199 : f32 to vector<16xf32>
              %ge3A_2224 = arith.cmpf oge, %get3A_2216, %ge3A_2223 : vector<16xf32>
              %and3A_2225 = arith.andi %lt3A_2222, %ge3A_2224 : vector<16xi1>
              %jit3A_2226 = arith.constant 1 : i32
              %jit3A_2227 = arith.constant 0 : i32
              %broadcast_in_dim3A_2228 = vector.broadcast %jit3A_2226 : i32 to vector<16xi32>
              %broadcast_in_dim3A_2229 = vector.broadcast %jit3A_2227 : i32 to vector<16xi32>
              %select_n3A_2230 = arith.select %and3A_2225, %broadcast_in_dim3A_2228, %broadcast_in_dim3A_2229 : vector<16xi1>, vector<16xi32>
              %reduce_sum3A_2231 = arith.constant true
              %reduce_sum3A_2232 = vector.broadcast %reduce_sum3A_2231 : i1 to vector<16xi1>
              %reduce_sum3A_2233 = tpu.scan <sum>, %select_n3A_2230 masked %reduce_sum3A_2232 : vector<16xi32>, vector<16xi1> -> vector<16xi32>
              %reduce_sum3A_2234 = vector.extract %reduce_sum3A_2233[15] : i32 from vector<16xi32>
              %add3A_2235 = arith.addi %scan3A_2212, %reduce_sum3A_2234 : i32
              scf.yield %add3A_2235 : i32
            }
            %scan3A_2206 = arith.constant 18 : i32
            %ge3A_2207 = arith.constant 64 : i32
            %ge3A_2208 = arith.cmpi sge, %scan3A_2205, %ge3A_2207 : i32
            %select_n3A_2209 = arith.select %ge3A_2208, %add3A_2199, %scan3A_2194 : f32
            %select_n3A_2210 = arith.select %ge3A_2208, %scan3A_2195, %add3A_2199 : f32
            scf.yield %select_n3A_2209, %select_n3A_2210 : f32, f32
          }
          %scan3A_2183 = arith.constant 40 : i32
          %scan3A_2184 = arith.constant 0 : i32
          %scan3A_2185 = arith.constant 0 : i32
          %scan3A_2186 = arith.constant 18 : i32
          %scan3A_2187 = arith.addi %scan3A_2185, %scan3A_2186 : i32
          %scan3A_2188 = arith.constant 1 : i32
          %scan3A_2189 = scf.for %scan3A_2193 = %scan3A_2185 to %scan3A_2187 step %scan3A_2188 iter_args(%scan3A_2194 = %scan3A_2184) -> (i32)  : i32 {
            %mul3A_2195 = arith.constant 16 : i32
            %mul3A_2196 = arith.muli %scan3A_2193, %mul3A_2195 : i32
            %get3A_2197 = arith.index_cast %mul3A_2196 : i32 to index
            %get3A_2198 = tpu.vector_load %arg10[%get3A_2197] {strides = array<i32>} : memref<288xf32, #tpu.memory_space<vmem>>, vector<16xf32>,
            %mul3A_2199 = arith.constant 16 : i32
            %mul3A_2200 = arith.muli %scan3A_2193, %mul3A_2199 : i32
            %get3A_2201 = arith.index_cast %mul3A_2200 : i32 to index
            %get3A_2202 = tpu.vector_load %arg11[%get3A_2201] {strides = array<i32>} : memref<288xi32, #tpu.memory_space<vmem>>, vector<16xi32>,
            %mul3A_2203 = arith.constant 16 : i32
            %mul3A_2204 = arith.muli %scan3A_2193, %mul3A_2203 : i32
            %add3A_2205 = vector.broadcast %mul3A_2204 : i32 to vector<16xi32>
            %add3A_2206 = arith.addi %iota3A, %add3A_2205 : vector<16xi32>
            %lt3A_2207 = vector.broadcast %scan3A_2114 : i32 to vector<16xi32>
            %lt3A_2208 = arith.cmpi slt, %add3A_2206, %lt3A_2207 : vector<16xi32>
            %ge3A_2209 = vector.broadcast %scan3A_2182#0 : f32 to vector<16xf32>
            %ge3A_2210 = arith.cmpf oge, %get3A_2198, %ge3A_2209 : vector<16xf32>
            %and3A_2211 = arith.andi %lt3A_2208, %ge3A_2210 : vector<16xi1>
            %convert_element_type3A_2212 = arith.extui %and3A_2211 : vector<16xi1> to vector<16xi32>
            %broadcast_in_dim3A_2213 = arith.constant true
            %broadcast_in_dim3A_2214 = vector.broadcast %broadcast_in_dim3A_2213 : i1 to vector<16xi1>
            %masked_cumsum3A_2215 = tpu.scan <sum>, %convert_element_type3A_2212 masked %broadcast_in_dim3A_2214 : vector<16xi32>, vector<16xi1> -> vector<16xi32>
            %add3A_2216 = vector.broadcast %scan3A_2194 : i32 to vector<16xi32>
            %add3A_2217 = arith.addi %add3A_2216, %masked_cumsum3A_2215 : vector<16xi32>
            %sub3A_2218 = arith.constant 1 : i32
            %sub3A_2219 = vector.broadcast %sub3A_2218 : i32 to vector<16xi32>
            %sub3A_2220 = arith.subi %add3A_2217, %sub3A_2219 : vector<16xi32>
            tpu.vector_store_idx %arg10[%sub3A_2220], %get3A_2198 masked %and3A_2211 : memref<288xf32, #tpu.memory_space<vmem>>[vector<16xi32>], vector<16xf32>, vector<16xi1>
            tpu.vector_store_idx %arg11[%sub3A_2220], %get3A_2202 masked %and3A_2211 : memref<288xi32, #tpu.memory_space<vmem>>[vector<16xi32>], vector<16xi32>, vector<16xi1>
            %convert_element_type3A_2221 = arith.extui %and3A_2211 : vector<16xi1> to vector<16xi32>
            %reduce_sum3A_2222 = arith.constant true
            %reduce_sum3A_2223 = vector.broadcast %reduce_sum3A_2222 : i1 to vector<16xi1>
            %reduce_sum3A_2224 = tpu.scan <sum>, %convert_element_type3A_2221 masked %reduce_sum3A_2223 : vector<16xi32>, vector<16xi1> -> vector<16xi32>
            %reduce_sum3A_2225 = vector.extract %reduce_sum3A_2224[15] : i32 from vector<16xi32>
            %add3A_2226 = arith.addi %scan3A_2194, %reduce_sum3A_2225 : i32
            scf.yield %add3A_2226 : i32
          }
          %scan3A_2190 = arith.constant 18 : i32
          %min3A_2191 = arith.constant 255 : i32
          %min3A_2192 = arith.minsi %scan3A_2189, %min3A_2191 : i32
          scf.yield %min3A_2192, %scan3A_2182#0 : i32, f32
        } else {
          scf.yield %scan3A_2114, %scan3A_2115 : i32, f32
        }
        %ge3A_2146 = vector.broadcast %cond3A_2145#1 : f32 to vector<16xf32>
        %ge3A_2147 = arith.cmpf oge, %get3A_2119, %ge3A_2146 : vector<16xf32>
        %convert_element_type3A_2148 = arith.extui %ge3A_2147 : vector<16xi1> to vector<16xi32>
        %broadcast_in_dim3A_2149 = arith.constant true
        %broadcast_in_dim3A_2150 = vector.broadcast %broadcast_in_dim3A_2149 : i1 to vector<16xi1>
        %masked_cumsum3A_2151 = tpu.scan <sum>, %convert_element_type3A_2148 masked %broadcast_in_dim3A_2150 : vector<16xi32>, vector<16xi1> -> vector<16xi32>
        %add3A_2152 = vector.broadcast %cond3A_2145#0 : i32 to vector<16xi32>
        %add3A_2153 = arith.addi %add3A_2152, %masked_cumsum3A_2151 : vector<16xi32>
        %sub3A_2154 = arith.constant 1 : i32
        %sub3A_2155 = vector.broadcast %sub3A_2154 : i32 to vector<16xi32>
        %sub3A_2156 = arith.subi %add3A_2153, %sub3A_2155 : vector<16xi32>
        tpu.vector_store_idx %arg10[%sub3A_2156], %get3A_2119 masked %ge3A_2147 : memref<288xf32, #tpu.memory_space<vmem>>[vector<16xi32>], vector<16xf32>, vector<16xi1>
        %mul3A_2157 = arith.constant 16 : i32
        %mul3A_2158 = arith.muli %scan3A_2113, %mul3A_2157 : i32
        %add3A_2159 = vector.broadcast %mul3A_2158 : i32 to vector<16xi32>
        %add3A_2160 = arith.addi %iota3A, %add3A_2159 : vector<16xi32>
        tpu.vector_store_idx %arg11[%sub3A_2156], %add3A_2160 masked %ge3A_2147 : memref<288xi32, #tpu.memory_space<vmem>>[vector<16xi32>], vector<16xi32>, vector<16xi1>
        %convert_element_type3A_2161 = arith.extui %ge3A_2147 : vector<16xi1> to vector<16xi32>
        %reduce_sum3A_2162 = arith.constant true
        %reduce_sum3A_2163 = vector.broadcast %reduce_sum3A_2162 : i1 to vector<16xi1>
        %reduce_sum3A_2164 = tpu.scan <sum>, %convert_element_type3A_2161 masked %reduce_sum3A_2163 : vector<16xi32>, vector<16xi1> -> vector<16xi32>
        %reduce_sum3A_2165 = vector.extract %reduce_sum3A_2164[15] : i32 from vector<16xi32>
        %add3A_2166 = arith.addi %cond3A_2145#0, %reduce_sum3A_2165 : i32
        scf.yield %add3A_2166, %cond3A_2145#1 : i32, f32
      } else {
        scf.yield %scan3A_2114, %scan3A_2115 : i32, f32
      }
      scf.yield %cond3A_2139#0, %cond3A_2139#1 : i32, f32
    }
    %scan3A_26 = arith.constant 6250 : i32
    %gt3A = arith.constant 128 : i32
    %gt3A_27 = arith.cmpi sgt, %scan3A_25#0, %gt3A : i32
    %convert_element_type3A = arith.extui %gt3A_27 : i1 to i32
    %cond3A = arith.constant 0 : i32
    %cond3A_28 = arith.cmpi ne, %convert_element_type3A, %cond3A : i32
    %cond3A_29:2 = scf.if %cond3A_28 -> (i32, f32) {
      %scan3A_2113 = arith.constant 3.000000e+38 : f32
      %scan3A_2114 = arith.constant -3.000000e+38 : f32
      %scan3A_2115 = arith.constant 0 : i32
      %scan3A_2116 = arith.constant 18 : i32
      %scan3A_2117 = arith.addi %scan3A_2115, %scan3A_2116 : i32
      %scan3A_2118 = arith.constant 1 : i32
      %scan3A_2119:2 = scf.for %scan3A_2139 = %scan3A_2115 to %scan3A_2117 step %scan3A_2118 iter_args(%scan3A_2140 = %scan3A_2113, %scan3A_2141 = %scan3A_2114) -> (f32, f32)  : i32 {
        %mul3A_2142 = arith.constant 16 : i32
        %mul3A_2143 = arith.muli %scan3A_2139, %mul3A_2142 : i32
        %get3A_2144 = arith.index_cast %mul3A_2143 : i32 to index
        %get3A_2145 = tpu.vector_load %arg10[%get3A_2144] {strides = array<i32>} : memref<288xf32, #tpu.memory_space<vmem>>, vector<16xf32>,
        %mul3A_2146 = arith.constant 16 : i32
        %mul3A_2147 = arith.muli %scan3A_2139, %mul3A_2146 : i32
        %add3A_2148 = vector.broadcast %mul3A_2147 : i32 to vector<16xi32>
        %add3A_2149 = arith.addi %iota3A, %add3A_2148 : vector<16xi32>
        %lt3A_2150 = vector.broadcast %scan3A_25#0 : i32 to vector<16xi32>
        %lt3A_2151 = arith.cmpi slt, %add3A_2149, %lt3A_2150 : vector<16xi32>
        %jit3A_2152 = arith.constant 3.000000e+38 : f32
        %broadcast_in_dim3A_2153 = vector.broadcast %jit3A_2152 : f32 to vector<16xf32>
        %select_n3A_2154 = arith.select %lt3A_2151, %get3A_2145, %broadcast_in_dim3A_2153 : vector<16xi1>, vector<16xf32>
        %reduce_min3A = arith.constant true
        %reduce_min3A_2155 = vector.broadcast %reduce_min3A : i1 to vector<16xi1>
        %reduce_min3A_2156 = tpu.scan <min>, %select_n3A_2154 masked %reduce_min3A_2155 : vector<16xf32>, vector<16xi1> -> vector<16xf32>
        %reduce_min3A_2157 = vector.extract %reduce_min3A_2156[15] : f32 from vector<16xf32>
        %min3A_2158 = arith.minimumf %scan3A_2140, %reduce_min3A_2157 : f32
        %jit3A_2159 = arith.constant -3.000000e+38 : f32
        %broadcast_in_dim3A_2160 = vector.broadcast %jit3A_2159 : f32 to vector<16xf32>
        %select_n3A_2161 = arith.select %lt3A_2151, %get3A_2145, %broadcast_in_dim3A_2160 : vector<16xi1>, vector<16xf32>
        %reduce_max3A = arith.constant true
        %reduce_max3A_2162 = vector.broadcast %reduce_max3A : i1 to vector<16xi1>
        %reduce_max3A_2163 = tpu.scan <max>, %select_n3A_2161 masked %reduce_max3A_2162 : vector<16xf32>, vector<16xi1> -> vector<16xf32>
        %reduce_max3A_2164 = vector.extract %reduce_max3A_2163[15] : f32 from vector<16xf32>
        %max3A_2165 = arith.maximumf %scan3A_2141, %reduce_max3A_2164 : f32
        scf.yield %min3A_2158, %max3A_2165 : f32, f32
      }
      %scan3A_2120 = arith.constant 18 : i32
      %sub3A_2121 = arith.subf %scan3A_2119#1, %scan3A_2119#0 : f32
      %max3A = arith.constant 1.000000e-30 : f32
      %max3A_2122 = arith.maximumf %sub3A_2121, %max3A : f32
      %add3A_2123 = arith.addf %scan3A_2119#1, %max3A_2122 : f32
      %scan3A_2124 = arith.constant 0 : i32
      %scan3A_2125 = arith.constant 40 : i32
      %scan3A_2126 = arith.addi %scan3A_2124, %scan3A_2125 : i32
      %scan3A_2127 = arith.constant 1 : i32
      %scan3A_2128:2 = scf.for %scan3A_2139 = %scan3A_2124 to %scan3A_2126 step %scan3A_2127 iter_args(%scan3A_2140 = %scan3A_2119#0, %scan3A_2141 = %add3A_2123) -> (f32, f32)  : i32 {
        %sub3A_2142 = arith.subf %scan3A_2141, %scan3A_2140 : f32
        %mul3A_2143 = arith.constant 5.000000e-01 : f32
        %mul3A_2144 = arith.mulf %sub3A_2142, %mul3A_2143 : f32
        %add3A_2145 = arith.addf %scan3A_2140, %mul3A_2144 : f32
        %scan3A_2146 = arith.constant 0 : i32
        %scan3A_2147 = arith.constant 0 : i32
        %scan3A_2148 = arith.constant 18 : i32
        %scan3A_2149 = arith.addi %scan3A_2147, %scan3A_2148 : i32
        %scan3A_2150 = arith.constant 1 : i32
        %scan3A_2151 = scf.for %scan3A_2157 = %scan3A_2147 to %scan3A_2149 step %scan3A_2150 iter_args(%scan3A_2158 = %scan3A_2146) -> (i32)  : i32 {
          %mul3A_2159 = arith.constant 16 : i32
          %mul3A_2160 = arith.muli %scan3A_2157, %mul3A_2159 : i32
          %get3A_2161 = arith.index_cast %mul3A_2160 : i32 to index
          %get3A_2162 = tpu.vector_load %arg10[%get3A_2161] {strides = array<i32>} : memref<288xf32, #tpu.memory_space<vmem>>, vector<16xf32>,
          %mul3A_2163 = arith.constant 16 : i32
          %mul3A_2164 = arith.muli %scan3A_2157, %mul3A_2163 : i32
          %add3A_2165 = vector.broadcast %mul3A_2164 : i32 to vector<16xi32>
          %add3A_2166 = arith.addi %iota3A, %add3A_2165 : vector<16xi32>
          %lt3A_2167 = vector.broadcast %scan3A_25#0 : i32 to vector<16xi32>
          %lt3A_2168 = arith.cmpi slt, %add3A_2166, %lt3A_2167 : vector<16xi32>
          %ge3A_2169 = vector.broadcast %add3A_2145 : f32 to vector<16xf32>
          %ge3A_2170 = arith.cmpf oge, %get3A_2162, %ge3A_2169 : vector<16xf32>
          %and3A_2171 = arith.andi %lt3A_2168, %ge3A_2170 : vector<16xi1>
          %jit3A_2172 = arith.constant 1 : i32
          %jit3A_2173 = arith.constant 0 : i32
          %broadcast_in_dim3A_2174 = vector.broadcast %jit3A_2172 : i32 to vector<16xi32>
          %broadcast_in_dim3A_2175 = vector.broadcast %jit3A_2173 : i32 to vector<16xi32>
          %select_n3A_2176 = arith.select %and3A_2171, %broadcast_in_dim3A_2174, %broadcast_in_dim3A_2175 : vector<16xi1>, vector<16xi32>
          %reduce_sum3A_2177 = arith.constant true
          %reduce_sum3A_2178 = vector.broadcast %reduce_sum3A_2177 : i1 to vector<16xi1>
          %reduce_sum3A_2179 = tpu.scan <sum>, %select_n3A_2176 masked %reduce_sum3A_2178 : vector<16xi32>, vector<16xi1> -> vector<16xi32>
          %reduce_sum3A_2180 = vector.extract %reduce_sum3A_2179[15] : i32 from vector<16xi32>
          %add3A_2181 = arith.addi %scan3A_2158, %reduce_sum3A_2180 : i32
          scf.yield %add3A_2181 : i32
        }
        %scan3A_2152 = arith.constant 18 : i32
        %ge3A_2153 = arith.constant 64 : i32
        %ge3A_2154 = arith.cmpi sge, %scan3A_2151, %ge3A_2153 : i32
        %select_n3A_2155 = arith.select %ge3A_2154, %add3A_2145, %scan3A_2140 : f32
        %select_n3A_2156 = arith.select %ge3A_2154, %scan3A_2141, %add3A_2145 : f32
        scf.yield %select_n3A_2155, %select_n3A_2156 : f32, f32
      }
      %scan3A_2129 = arith.constant 40 : i32
      %scan3A_2130 = arith.constant 0 : i32
      %scan3A_2131 = arith.constant 0 : i32
      %scan3A_2132 = arith.constant 18 : i32
      %scan3A_2133 = arith.addi %scan3A_2131, %scan3A_2132 : i32
      %scan3A_2134 = arith.constant 1 : i32
      %scan3A_2135 = scf.for %scan3A_2139 = %scan3A_2131 to %scan3A_2133 step %scan3A_2134 iter_args(%scan3A_2140 = %scan3A_2130) -> (i32)  : i32 {
        %mul3A_2141 = arith.constant 16 : i32
        %mul3A_2142 = arith.muli %scan3A_2139, %mul3A_2141 : i32
        %get3A_2143 = arith.index_cast %mul3A_2142 : i32 to index
        %get3A_2144 = tpu.vector_load %arg10[%get3A_2143] {strides = array<i32>} : memref<288xf32, #tpu.memory_space<vmem>>, vector<16xf32>,
        %mul3A_2145 = arith.constant 16 : i32
        %mul3A_2146 = arith.muli %scan3A_2139, %mul3A_2145 : i32
        %get3A_2147 = arith.index_cast %mul3A_2146 : i32 to index
        %get3A_2148 = tpu.vector_load %arg11[%get3A_2147] {strides = array<i32>} : memref<288xi32, #tpu.memory_space<vmem>>, vector<16xi32>,
        %mul3A_2149 = arith.constant 16 : i32
        %mul3A_2150 = arith.muli %scan3A_2139, %mul3A_2149 : i32
        %add3A_2151 = vector.broadcast %mul3A_2150 : i32 to vector<16xi32>
        %add3A_2152 = arith.addi %iota3A, %add3A_2151 : vector<16xi32>
        %lt3A_2153 = vector.broadcast %scan3A_25#0 : i32 to vector<16xi32>
        %lt3A_2154 = arith.cmpi slt, %add3A_2152, %lt3A_2153 : vector<16xi32>
        %ge3A_2155 = vector.broadcast %scan3A_2128#0 : f32 to vector<16xf32>
        %ge3A_2156 = arith.cmpf oge, %get3A_2144, %ge3A_2155 : vector<16xf32>
        %and3A_2157 = arith.andi %lt3A_2154, %ge3A_2156 : vector<16xi1>
        %convert_element_type3A_2158 = arith.extui %and3A_2157 : vector<16xi1> to vector<16xi32>
        %broadcast_in_dim3A_2159 = arith.constant true
        %broadcast_in_dim3A_2160 = vector.broadcast %broadcast_in_dim3A_2159 : i1 to vector<16xi1>
        %masked_cumsum3A_2161 = tpu.scan <sum>, %convert_element_type3A_2158 masked %broadcast_in_dim3A_2160 : vector<16xi32>, vector<16xi1> -> vector<16xi32>
        %add3A_2162 = vector.broadcast %scan3A_2140 : i32 to vector<16xi32>
        %add3A_2163 = arith.addi %add3A_2162, %masked_cumsum3A_2161 : vector<16xi32>
        %sub3A_2164 = arith.constant 1 : i32
        %sub3A_2165 = vector.broadcast %sub3A_2164 : i32 to vector<16xi32>
        %sub3A_2166 = arith.subi %add3A_2163, %sub3A_2165 : vector<16xi32>
        tpu.vector_store_idx %arg10[%sub3A_2166], %get3A_2144 masked %and3A_2157 : memref<288xf32, #tpu.memory_space<vmem>>[vector<16xi32>], vector<16xf32>, vector<16xi1>
        tpu.vector_store_idx %arg11[%sub3A_2166], %get3A_2148 masked %and3A_2157 : memref<288xi32, #tpu.memory_space<vmem>>[vector<16xi32>], vector<16xi32>, vector<16xi1>
        %convert_element_type3A_2167 = arith.extui %and3A_2157 : vector<16xi1> to vector<16xi32>
        %reduce_sum3A_2168 = arith.constant true
        %reduce_sum3A_2169 = vector.broadcast %reduce_sum3A_2168 : i1 to vector<16xi1>
        %reduce_sum3A_2170 = tpu.scan <sum>, %convert_element_type3A_2167 masked %reduce_sum3A_2169 : vector<16xi32>, vector<16xi1> -> vector<16xi32>
        %reduce_sum3A_2171 = vector.extract %reduce_sum3A_2170[15] : i32 from vector<16xi32>
        %add3A_2172 = arith.addi %scan3A_2140, %reduce_sum3A_2171 : i32
        scf.yield %add3A_2172 : i32
      }
      %scan3A_2136 = arith.constant 18 : i32
      %min3A_2137 = arith.constant 255 : i32
      %min3A_2138 = arith.minsi %scan3A_2135, %min3A_2137 : i32
      scf.yield %min3A_2138, %scan3A_2128#0 : i32, f32
    } else {
      scf.yield %scan3A_25#0, %scan3A_25#1 : i32, f32
    }
    %min3A = arith.constant 128 : i32
    %min3A_30 = arith.minsi %cond3A_29#0, %min3A : i32
    %add3A_31 = arith.constant 0 : i32
    %add3A_32 = vector.broadcast %add3A_31 : i32 to vector<16xi32>
    %add3A_33 = arith.addi %iota3A, %add3A_32 : vector<16xi32>
    %lt3A = vector.broadcast %min3A_30 : i32 to vector<16xi32>
    %lt3A_34 = arith.cmpi slt, %add3A_33, %lt3A : vector<16xi32>
    %get3A_35 = arith.constant 0 : index
    %get3A_36 = tpu.vector_load %arg10[%get3A_35] {strides = array<i32>} : memref<288xf32, #tpu.memory_space<vmem>>, vector<16xf32>,
    %get3A_37 = arith.constant 0 : index
    %get3A_38 = tpu.vector_load %arg11[%get3A_37] {strides = array<i32>} : memref<288xi32, #tpu.memory_space<vmem>>, vector<16xi32>,
    %div3A = arith.constant 0.699999988 : f32
    %div3A_39 = vector.broadcast %div3A : f32 to vector<16xf32>
    %div3A_40 = arith.divf %get3A_36, %div3A_39 : vector<16xf32>
    %jit3A = arith.constant -3.000000e+38 : f32
    %broadcast_in_dim3A = vector.broadcast %jit3A : f32 to vector<16xf32>
    %select_n3A = arith.select %lt3A_34, %div3A_40, %broadcast_in_dim3A : vector<16xi1>, vector<16xf32>
    %swap3A = arith.constant 0 : index
    %swap3A_41 = tpu.vector_load %arg12[%swap3A] {strides = array<i32>} : memref<144xf32, #tpu.memory_space<vmem>>, vector<16xf32>,
    tpu.vector_store %arg12[%swap3A], %select_n3A {strides = array<i32>} : memref<144xf32, #tpu.memory_space<vmem>>, vector<16xf32>,
    %jit3A_42 = arith.constant 0 : i32
    %broadcast_in_dim3A_43 = vector.broadcast %jit3A_42 : i32 to vector<16xi32>
    %select_n3A_44 = arith.select %lt3A_34, %get3A_38, %broadcast_in_dim3A_43 : vector<16xi1>, vector<16xi32>
    %swap3A_45 = arith.constant 0 : index
    %swap3A_46 = tpu.vector_load %arg13[%swap3A_45] {strides = array<i32>} : memref<128xi32, #tpu.memory_space<vmem>>, vector<16xi32>,
    tpu.vector_store %arg13[%swap3A_45], %select_n3A_44 {strides = array<i32>} : memref<128xi32, #tpu.memory_space<vmem>>, vector<16xi32>,
    %add3A_47 = arith.constant 16 : i32
    %add3A_48 = vector.broadcast %add3A_47 : i32 to vector<16xi32>
    %add3A_49 = arith.addi %iota3A, %add3A_48 : vector<16xi32>
    %lt3A_50 = vector.broadcast %min3A_30 : i32 to vector<16xi32>
    %lt3A_51 = arith.cmpi slt, %add3A_49, %lt3A_50 : vector<16xi32>
    %get3A_52 = arith.constant 16 : index
    %get3A_53 = tpu.vector_load %arg10[%get3A_52] {strides = array<i32>} : memref<288xf32, #tpu.memory_space<vmem>>, vector<16xf32>,
    %get3A_54 = arith.constant 16 : index
    %get3A_55 = tpu.vector_load %arg11[%get3A_54] {strides = array<i32>} : memref<288xi32, #tpu.memory_space<vmem>>, vector<16xi32>,
    %div3A_56 = arith.constant 0.699999988 : f32
    %div3A_57 = vector.broadcast %div3A_56 : f32 to vector<16xf32>
    %div3A_58 = arith.divf %get3A_53, %div3A_57 : vector<16xf32>
    %jit3A_59 = arith.constant -3.000000e+38 : f32
    %broadcast_in_dim3A_60 = vector.broadcast %jit3A_59 : f32 to vector<16xf32>
    %select_n3A_61 = arith.select %lt3A_51, %div3A_58, %broadcast_in_dim3A_60 : vector<16xi1>, vector<16xf32>
    %swap3A_62 = arith.constant 16 : index
    %swap3A_63 = tpu.vector_load %arg12[%swap3A_62] {strides = array<i32>} : memref<144xf32, #tpu.memory_space<vmem>>, vector<16xf32>,
    tpu.vector_store %arg12[%swap3A_62], %select_n3A_61 {strides = array<i32>} : memref<144xf32, #tpu.memory_space<vmem>>, vector<16xf32>,
    %jit3A_64 = arith.constant 0 : i32
    %broadcast_in_dim3A_65 = vector.broadcast %jit3A_64 : i32 to vector<16xi32>
    %select_n3A_66 = arith.select %lt3A_51, %get3A_55, %broadcast_in_dim3A_65 : vector<16xi1>, vector<16xi32>
    %swap3A_67 = arith.constant 16 : index
    %swap3A_68 = tpu.vector_load %arg13[%swap3A_67] {strides = array<i32>} : memref<128xi32, #tpu.memory_space<vmem>>, vector<16xi32>,
    tpu.vector_store %arg13[%swap3A_67], %select_n3A_66 {strides = array<i32>} : memref<128xi32, #tpu.memory_space<vmem>>, vector<16xi32>,
    %add3A_69 = arith.constant 32 : i32
    %add3A_70 = vector.broadcast %add3A_69 : i32 to vector<16xi32>
    %add3A_71 = arith.addi %iota3A, %add3A_70 : vector<16xi32>
    %lt3A_72 = vector.broadcast %min3A_30 : i32 to vector<16xi32>
    %lt3A_73 = arith.cmpi slt, %add3A_71, %lt3A_72 : vector<16xi32>
    %get3A_74 = arith.constant 32 : index
    %get3A_75 = tpu.vector_load %arg10[%get3A_74] {strides = array<i32>} : memref<288xf32, #tpu.memory_space<vmem>>, vector<16xf32>,
    %get3A_76 = arith.constant 32 : index
    %get3A_77 = tpu.vector_load %arg11[%get3A_76] {strides = array<i32>} : memref<288xi32, #tpu.memory_space<vmem>>, vector<16xi32>,
    %div3A_78 = arith.constant 0.699999988 : f32
    %div3A_79 = vector.broadcast %div3A_78 : f32 to vector<16xf32>
    %div3A_80 = arith.divf %get3A_75, %div3A_79 : vector<16xf32>
    %jit3A_81 = arith.constant -3.000000e+38 : f32
    %broadcast_in_dim3A_82 = vector.broadcast %jit3A_81 : f32 to vector<16xf32>
    %select_n3A_83 = arith.select %lt3A_73, %div3A_80, %broadcast_in_dim3A_82 : vector<16xi1>, vector<16xf32>
    %swap3A_84 = arith.constant 32 : index
    %swap3A_85 = tpu.vector_load %arg12[%swap3A_84] {strides = array<i32>} : memref<144xf32, #tpu.memory_space<vmem>>, vector<16xf32>,
    tpu.vector_store %arg12[%swap3A_84], %select_n3A_83 {strides = array<i32>} : memref<144xf32, #tpu.memory_space<vmem>>, vector<16xf32>,
    %jit3A_86 = arith.constant 0 : i32
    %broadcast_in_dim3A_87 = vector.broadcast %jit3A_86 : i32 to vector<16xi32>
    %select_n3A_88 = arith.select %lt3A_73, %get3A_77, %broadcast_in_dim3A_87 : vector<16xi1>, vector<16xi32>
    %swap3A_89 = arith.constant 32 : index
    %swap3A_90 = tpu.vector_load %arg13[%swap3A_89] {strides = array<i32>} : memref<128xi32, #tpu.memory_space<vmem>>, vector<16xi32>,
    tpu.vector_store %arg13[%swap3A_89], %select_n3A_88 {strides = array<i32>} : memref<128xi32, #tpu.memory_space<vmem>>, vector<16xi32>,
    %add3A_91 = arith.constant 48 : i32
    %add3A_92 = vector.broadcast %add3A_91 : i32 to vector<16xi32>
    %add3A_93 = arith.addi %iota3A, %add3A_92 : vector<16xi32>
    %lt3A_94 = vector.broadcast %min3A_30 : i32 to vector<16xi32>
    %lt3A_95 = arith.cmpi slt, %add3A_93, %lt3A_94 : vector<16xi32>
    %get3A_96 = arith.constant 48 : index
    %get3A_97 = tpu.vector_load %arg10[%get3A_96] {strides = array<i32>} : memref<288xf32, #tpu.memory_space<vmem>>, vector<16xf32>,
    %get3A_98 = arith.constant 48 : index
    %get3A_99 = tpu.vector_load %arg11[%get3A_98] {strides = array<i32>} : memref<288xi32, #tpu.memory_space<vmem>>, vector<16xi32>,
    %div3A_100 = arith.constant 0.699999988 : f32
    %div3A_101 = vector.broadcast %div3A_100 : f32 to vector<16xf32>
    %div3A_102 = arith.divf %get3A_97, %div3A_101 : vector<16xf32>
    %jit3A_103 = arith.constant -3.000000e+38 : f32
    %broadcast_in_dim3A_104 = vector.broadcast %jit3A_103 : f32 to vector<16xf32>
    %select_n3A_105 = arith.select %lt3A_95, %div3A_102, %broadcast_in_dim3A_104 : vector<16xi1>, vector<16xf32>
    %swap3A_106 = arith.constant 48 : index
    %swap3A_107 = tpu.vector_load %arg12[%swap3A_106] {strides = array<i32>} : memref<144xf32, #tpu.memory_space<vmem>>, vector<16xf32>,
    tpu.vector_store %arg12[%swap3A_106], %select_n3A_105 {strides = array<i32>} : memref<144xf32, #tpu.memory_space<vmem>>, vector<16xf32>,
    %jit3A_108 = arith.constant 0 : i32
    %broadcast_in_dim3A_109 = vector.broadcast %jit3A_108 : i32 to vector<16xi32>
    %select_n3A_110 = arith.select %lt3A_95, %get3A_99, %broadcast_in_dim3A_109 : vector<16xi1>, vector<16xi32>
    %swap3A_111 = arith.constant 48 : index
    %swap3A_112 = tpu.vector_load %arg13[%swap3A_111] {strides = array<i32>} : memref<128xi32, #tpu.memory_space<vmem>>, vector<16xi32>,
    tpu.vector_store %arg13[%swap3A_111], %select_n3A_110 {strides = array<i32>} : memref<128xi32, #tpu.memory_space<vmem>>, vector<16xi32>,
    %add3A_113 = arith.constant 64 : i32
    %add3A_114 = vector.broadcast %add3A_113 : i32 to vector<16xi32>
    %add3A_115 = arith.addi %iota3A, %add3A_114 : vector<16xi32>
    %lt3A_116 = vector.broadcast %min3A_30 : i32 to vector<16xi32>
    %lt3A_117 = arith.cmpi slt, %add3A_115, %lt3A_116 : vector<16xi32>
    %get3A_118 = arith.constant 64 : index
    %get3A_119 = tpu.vector_load %arg10[%get3A_118] {strides = array<i32>} : memref<288xf32, #tpu.memory_space<vmem>>, vector<16xf32>,
    %get3A_120 = arith.constant 64 : index
    %get3A_121 = tpu.vector_load %arg11[%get3A_120] {strides = array<i32>} : memref<288xi32, #tpu.memory_space<vmem>>, vector<16xi32>,
    %div3A_122 = arith.constant 0.699999988 : f32
    %div3A_123 = vector.broadcast %div3A_122 : f32 to vector<16xf32>
    %div3A_124 = arith.divf %get3A_119, %div3A_123 : vector<16xf32>
    %jit3A_125 = arith.constant -3.000000e+38 : f32
    %broadcast_in_dim3A_126 = vector.broadcast %jit3A_125 : f32 to vector<16xf32>
    %select_n3A_127 = arith.select %lt3A_117, %div3A_124, %broadcast_in_dim3A_126 : vector<16xi1>, vector<16xf32>
    %swap3A_128 = arith.constant 64 : index
    %swap3A_129 = tpu.vector_load %arg12[%swap3A_128] {strides = array<i32>} : memref<144xf32, #tpu.memory_space<vmem>>, vector<16xf32>,
    tpu.vector_store %arg12[%swap3A_128], %select_n3A_127 {strides = array<i32>} : memref<144xf32, #tpu.memory_space<vmem>>, vector<16xf32>,
    %jit3A_130 = arith.constant 0 : i32
    %broadcast_in_dim3A_131 = vector.broadcast %jit3A_130 : i32 to vector<16xi32>
    %select_n3A_132 = arith.select %lt3A_117, %get3A_121, %broadcast_in_dim3A_131 : vector<16xi1>, vector<16xi32>
    %swap3A_133 = arith.constant 64 : index
    %swap3A_134 = tpu.vector_load %arg13[%swap3A_133] {strides = array<i32>} : memref<128xi32, #tpu.memory_space<vmem>>, vector<16xi32>,
    tpu.vector_store %arg13[%swap3A_133], %select_n3A_132 {strides = array<i32>} : memref<128xi32, #tpu.memory_space<vmem>>, vector<16xi32>,
    %add3A_135 = arith.constant 80 : i32
    %add3A_136 = vector.broadcast %add3A_135 : i32 to vector<16xi32>
    %add3A_137 = arith.addi %iota3A, %add3A_136 : vector<16xi32>
    %lt3A_138 = vector.broadcast %min3A_30 : i32 to vector<16xi32>
    %lt3A_139 = arith.cmpi slt, %add3A_137, %lt3A_138 : vector<16xi32>
    %get3A_140 = arith.constant 80 : index
    %get3A_141 = tpu.vector_load %arg10[%get3A_140] {strides = array<i32>} : memref<288xf32, #tpu.memory_space<vmem>>, vector<16xf32>,
    %get3A_142 = arith.constant 80 : index
    %get3A_143 = tpu.vector_load %arg11[%get3A_142] {strides = array<i32>} : memref<288xi32, #tpu.memory_space<vmem>>, vector<16xi32>,
    %div3A_144 = arith.constant 0.699999988 : f32
    %div3A_145 = vector.broadcast %div3A_144 : f32 to vector<16xf32>
    %div3A_146 = arith.divf %get3A_141, %div3A_145 : vector<16xf32>
    %jit3A_147 = arith.constant -3.000000e+38 : f32
    %broadcast_in_dim3A_148 = vector.broadcast %jit3A_147 : f32 to vector<16xf32>
    %select_n3A_149 = arith.select %lt3A_139, %div3A_146, %broadcast_in_dim3A_148 : vector<16xi1>, vector<16xf32>
    %swap3A_150 = arith.constant 80 : index
    %swap3A_151 = tpu.vector_load %arg12[%swap3A_150] {strides = array<i32>} : memref<144xf32, #tpu.memory_space<vmem>>, vector<16xf32>,
    tpu.vector_store %arg12[%swap3A_150], %select_n3A_149 {strides = array<i32>} : memref<144xf32, #tpu.memory_space<vmem>>, vector<16xf32>,
    %jit3A_152 = arith.constant 0 : i32
    %broadcast_in_dim3A_153 = vector.broadcast %jit3A_152 : i32 to vector<16xi32>
    %select_n3A_154 = arith.select %lt3A_139, %get3A_143, %broadcast_in_dim3A_153 : vector<16xi1>, vector<16xi32>
    %swap3A_155 = arith.constant 80 : index
    %swap3A_156 = tpu.vector_load %arg13[%swap3A_155] {strides = array<i32>} : memref<128xi32, #tpu.memory_space<vmem>>, vector<16xi32>,
    tpu.vector_store %arg13[%swap3A_155], %select_n3A_154 {strides = array<i32>} : memref<128xi32, #tpu.memory_space<vmem>>, vector<16xi32>,
    %add3A_157 = arith.constant 96 : i32
    %add3A_158 = vector.broadcast %add3A_157 : i32 to vector<16xi32>
    %add3A_159 = arith.addi %iota3A, %add3A_158 : vector<16xi32>
    %lt3A_160 = vector.broadcast %min3A_30 : i32 to vector<16xi32>
    %lt3A_161 = arith.cmpi slt, %add3A_159, %lt3A_160 : vector<16xi32>
    %get3A_162 = arith.constant 96 : index
    %get3A_163 = tpu.vector_load %arg10[%get3A_162] {strides = array<i32>} : memref<288xf32, #tpu.memory_space<vmem>>, vector<16xf32>,
    %get3A_164 = arith.constant 96 : index
    %get3A_165 = tpu.vector_load %arg11[%get3A_164] {strides = array<i32>} : memref<288xi32, #tpu.memory_space<vmem>>, vector<16xi32>,
    %div3A_166 = arith.constant 0.699999988 : f32
    %div3A_167 = vector.broadcast %div3A_166 : f32 to vector<16xf32>
    %div3A_168 = arith.divf %get3A_163, %div3A_167 : vector<16xf32>
    %jit3A_169 = arith.constant -3.000000e+38 : f32
    %broadcast_in_dim3A_170 = vector.broadcast %jit3A_169 : f32 to vector<16xf32>
    %select_n3A_171 = arith.select %lt3A_161, %div3A_168, %broadcast_in_dim3A_170 : vector<16xi1>, vector<16xf32>
    %swap3A_172 = arith.constant 96 : index
    %swap3A_173 = tpu.vector_load %arg12[%swap3A_172] {strides = array<i32>} : memref<144xf32, #tpu.memory_space<vmem>>, vector<16xf32>,
    tpu.vector_store %arg12[%swap3A_172], %select_n3A_171 {strides = array<i32>} : memref<144xf32, #tpu.memory_space<vmem>>, vector<16xf32>,
    %jit3A_174 = arith.constant 0 : i32
    %broadcast_in_dim3A_175 = vector.broadcast %jit3A_174 : i32 to vector<16xi32>
    %select_n3A_176 = arith.select %lt3A_161, %get3A_165, %broadcast_in_dim3A_175 : vector<16xi1>, vector<16xi32>
    %swap3A_177 = arith.constant 96 : index
    %swap3A_178 = tpu.vector_load %arg13[%swap3A_177] {strides = array<i32>} : memref<128xi32, #tpu.memory_space<vmem>>, vector<16xi32>,
    tpu.vector_store %arg13[%swap3A_177], %select_n3A_176 {strides = array<i32>} : memref<128xi32, #tpu.memory_space<vmem>>, vector<16xi32>,
    %add3A_179 = arith.constant 112 : i32
    %add3A_180 = vector.broadcast %add3A_179 : i32 to vector<16xi32>
    %add3A_181 = arith.addi %iota3A, %add3A_180 : vector<16xi32>
    %lt3A_182 = vector.broadcast %min3A_30 : i32 to vector<16xi32>
    %lt3A_183 = arith.cmpi slt, %add3A_181, %lt3A_182 : vector<16xi32>
    %get3A_184 = arith.constant 112 : index
    %get3A_185 = tpu.vector_load %arg10[%get3A_184] {strides = array<i32>} : memref<288xf32, #tpu.memory_space<vmem>>, vector<16xf32>,
    %get3A_186 = arith.constant 112 : index
    %get3A_187 = tpu.vector_load %arg11[%get3A_186] {strides = array<i32>} : memref<288xi32, #tpu.memory_space<vmem>>, vector<16xi32>,
    %div3A_188 = arith.constant 0.699999988 : f32
    %div3A_189 = vector.broadcast %div3A_188 : f32 to vector<16xf32>
    %div3A_190 = arith.divf %get3A_185, %div3A_189 : vector<16xf32>
    %jit3A_191 = arith.constant -3.000000e+38 : f32
    %broadcast_in_dim3A_192 = vector.broadcast %jit3A_191 : f32 to vector<16xf32>
    %select_n3A_193 = arith.select %lt3A_183, %div3A_190, %broadcast_in_dim3A_192 : vector<16xi1>, vector<16xf32>
    %swap3A_194 = arith.constant 112 : index
    %swap3A_195 = tpu.vector_load %arg12[%swap3A_194] {strides = array<i32>} : memref<144xf32, #tpu.memory_space<vmem>>, vector<16xf32>,
    tpu.vector_store %arg12[%swap3A_194], %select_n3A_193 {strides = array<i32>} : memref<144xf32, #tpu.memory_space<vmem>>, vector<16xf32>,
    %jit3A_196 = arith.constant 0 : i32
    %broadcast_in_dim3A_197 = vector.broadcast %jit3A_196 : i32 to vector<16xi32>
    %select_n3A_198 = arith.select %lt3A_183, %get3A_187, %broadcast_in_dim3A_197 : vector<16xi1>, vector<16xi32>
    %swap3A_199 = arith.constant 112 : index
    %swap3A_200 = tpu.vector_load %arg13[%swap3A_199] {strides = array<i32>} : memref<128xi32, #tpu.memory_space<vmem>>, vector<16xi32>,
    tpu.vector_store %arg13[%swap3A_199], %select_n3A_198 {strides = array<i32>} : memref<128xi32, #tpu.memory_space<vmem>>, vector<16xi32>,
    %broadcast_in_dim3A_201 = arith.constant 0 : i32
    %broadcast_in_dim3A_202 = vector.broadcast %broadcast_in_dim3A_201 : i32 to vector<16xi32>
    %broadcast_in_dim3A_203 = arith.constant 0 : i32
    %broadcast_in_dim3A_204 = vector.broadcast %broadcast_in_dim3A_203 : i32 to vector<16xi32>
    %broadcast_in_dim3A_205 = arith.constant 0 : i32
    %broadcast_in_dim3A_206 = vector.broadcast %broadcast_in_dim3A_205 : i32 to vector<16xi32>
    %broadcast_in_dim3A_207 = arith.constant 0 : i32
    %broadcast_in_dim3A_208 = vector.broadcast %broadcast_in_dim3A_207 : i32 to vector<16xi32>
    %broadcast_in_dim3A_209 = arith.constant 0 : i32
    %broadcast_in_dim3A_210 = vector.broadcast %broadcast_in_dim3A_209 : i32 to vector<16xi32>
    %broadcast_in_dim3A_211 = arith.constant 0 : i32
    %broadcast_in_dim3A_212 = vector.broadcast %broadcast_in_dim3A_211 : i32 to vector<16xi32>
    %broadcast_in_dim3A_213 = arith.constant 0 : i32
    %broadcast_in_dim3A_214 = vector.broadcast %broadcast_in_dim3A_213 : i32 to vector<16xi32>
    %broadcast_in_dim3A_215 = arith.constant 0 : i32
    %broadcast_in_dim3A_216 = vector.broadcast %broadcast_in_dim3A_215 : i32 to vector<16xi32>
    %scan3A_217 = arith.constant 0 : i32
    %scan3A_218 = arith.constant 128 : i32
    %scan3A_219 = arith.addi %scan3A_217, %scan3A_218 : i32
    %scan3A_220 = arith.constant 1 : i32
    %scan3A_221:8 = scf.for %scan3A_2113 = %scan3A_217 to %scan3A_219 step %scan3A_220 iter_args(%scan3A_2114 = %broadcast_in_dim3A_202, %scan3A_2115 = %broadcast_in_dim3A_204, %scan3A_2116 = %broadcast_in_dim3A_206, %scan3A_2117 = %broadcast_in_dim3A_208, %scan3A_2118 = %broadcast_in_dim3A_210, %scan3A_2119 = %broadcast_in_dim3A_212, %scan3A_2120 = %broadcast_in_dim3A_214, %scan3A_2121 = %broadcast_in_dim3A_216) -> (vector<16xi32>, vector<16xi32>, vector<16xi32>, vector<16xi32>, vector<16xi32>, vector<16xi32>, vector<16xi32>, vector<16xi32>)  : i32 {
      %get3A_2122 = arith.index_cast %scan3A_2113 : i32 to index
      %get3A_2123 = tpu.vector_load %arg12[%get3A_2122] {strides = array<i32>} : memref<144xf32, #tpu.memory_space<vmem>>, vector<16xf32>,
      %slice3A_2124 = vector.extract_strided_slice %get3A_2123 {offsets = [0], sizes = [1], strides = [1]} : vector<16xf32> to vector<1xf32>
      %squeeze3A_2125 = vector.extract %slice3A_2124[0] : f32 from vector<1xf32>
      %get3A_2126 = arith.constant 0 : index
      %get3A_2127 = tpu.vector_load %arg12[%get3A_2126] {strides = array<i32>} : memref<144xf32, #tpu.memory_space<vmem>>, vector<16xf32>,
      %add3A_2128 = arith.constant 0 : i32
      %add3A_2129 = vector.broadcast %add3A_2128 : i32 to vector<16xi32>
      %add3A_2130 = arith.addi %iota3A, %add3A_2129 : vector<16xi32>
      %gt3A_2131 = vector.broadcast %squeeze3A_2125 : f32 to vector<16xf32>
      %gt3A_2132 = arith.cmpf ogt, %gt3A_2131, %get3A_2127 : vector<16xf32>
      %eq3A_2133 = vector.broadcast %squeeze3A_2125 : f32 to vector<16xf32>
      %eq3A_2134 = arith.cmpf oeq, %eq3A_2133, %get3A_2127 : vector<16xf32>
      %lt3A_2135 = vector.broadcast %scan3A_2113 : i32 to vector<16xi32>
      %lt3A_2136 = arith.cmpi slt, %lt3A_2135, %add3A_2130 : vector<16xi32>
      %and3A_2137 = arith.andi %eq3A_2134, %lt3A_2136 : vector<16xi1>
      %or3A_2138 = arith.ori %gt3A_2132, %and3A_2137 : vector<16xi1>
      %jit3A_2139 = arith.constant 1 : i32
      %jit3A_2140 = arith.constant 0 : i32
      %broadcast_in_dim3A_2141 = vector.broadcast %jit3A_2139 : i32 to vector<16xi32>
      %broadcast_in_dim3A_2142 = vector.broadcast %jit3A_2140 : i32 to vector<16xi32>
      %select_n3A_2143 = arith.select %or3A_2138, %broadcast_in_dim3A_2141, %broadcast_in_dim3A_2142 : vector<16xi1>, vector<16xi32>
      %add3A_2144 = arith.addi %scan3A_2114, %select_n3A_2143 : vector<16xi32>
      %get3A_2145 = arith.constant 16 : index
      %get3A_2146 = tpu.vector_load %arg12[%get3A_2145] {strides = array<i32>} : memref<144xf32, #tpu.memory_space<vmem>>, vector<16xf32>,
      %add3A_2147 = arith.constant 16 : i32
      %add3A_2148 = vector.broadcast %add3A_2147 : i32 to vector<16xi32>
      %add3A_2149 = arith.addi %iota3A, %add3A_2148 : vector<16xi32>
      %gt3A_2150 = vector.broadcast %squeeze3A_2125 : f32 to vector<16xf32>
      %gt3A_2151 = arith.cmpf ogt, %gt3A_2150, %get3A_2146 : vector<16xf32>
      %eq3A_2152 = vector.broadcast %squeeze3A_2125 : f32 to vector<16xf32>
      %eq3A_2153 = arith.cmpf oeq, %eq3A_2152, %get3A_2146 : vector<16xf32>
      %lt3A_2154 = vector.broadcast %scan3A_2113 : i32 to vector<16xi32>
      %lt3A_2155 = arith.cmpi slt, %lt3A_2154, %add3A_2149 : vector<16xi32>
      %and3A_2156 = arith.andi %eq3A_2153, %lt3A_2155 : vector<16xi1>
      %or3A_2157 = arith.ori %gt3A_2151, %and3A_2156 : vector<16xi1>
      %jit3A_2158 = arith.constant 1 : i32
      %jit3A_2159 = arith.constant 0 : i32
      %broadcast_in_dim3A_2160 = vector.broadcast %jit3A_2158 : i32 to vector<16xi32>
      %broadcast_in_dim3A_2161 = vector.broadcast %jit3A_2159 : i32 to vector<16xi32>
      %select_n3A_2162 = arith.select %or3A_2157, %broadcast_in_dim3A_2160, %broadcast_in_dim3A_2161 : vector<16xi1>, vector<16xi32>
      %add3A_2163 = arith.addi %scan3A_2115, %select_n3A_2162 : vector<16xi32>
      %get3A_2164 = arith.constant 32 : index
      %get3A_2165 = tpu.vector_load %arg12[%get3A_2164] {strides = array<i32>} : memref<144xf32, #tpu.memory_space<vmem>>, vector<16xf32>,
      %add3A_2166 = arith.constant 32 : i32
      %add3A_2167 = vector.broadcast %add3A_2166 : i32 to vector<16xi32>
      %add3A_2168 = arith.addi %iota3A, %add3A_2167 : vector<16xi32>
      %gt3A_2169 = vector.broadcast %squeeze3A_2125 : f32 to vector<16xf32>
      %gt3A_2170 = arith.cmpf ogt, %gt3A_2169, %get3A_2165 : vector<16xf32>
      %eq3A_2171 = vector.broadcast %squeeze3A_2125 : f32 to vector<16xf32>
      %eq3A_2172 = arith.cmpf oeq, %eq3A_2171, %get3A_2165 : vector<16xf32>
      %lt3A_2173 = vector.broadcast %scan3A_2113 : i32 to vector<16xi32>
      %lt3A_2174 = arith.cmpi slt, %lt3A_2173, %add3A_2168 : vector<16xi32>
      %and3A_2175 = arith.andi %eq3A_2172, %lt3A_2174 : vector<16xi1>
      %or3A_2176 = arith.ori %gt3A_2170, %and3A_2175 : vector<16xi1>
      %jit3A_2177 = arith.constant 1 : i32
      %jit3A_2178 = arith.constant 0 : i32
      %broadcast_in_dim3A_2179 = vector.broadcast %jit3A_2177 : i32 to vector<16xi32>
      %broadcast_in_dim3A_2180 = vector.broadcast %jit3A_2178 : i32 to vector<16xi32>
      %select_n3A_2181 = arith.select %or3A_2176, %broadcast_in_dim3A_2179, %broadcast_in_dim3A_2180 : vector<16xi1>, vector<16xi32>
      %add3A_2182 = arith.addi %scan3A_2116, %select_n3A_2181 : vector<16xi32>
      %get3A_2183 = arith.constant 48 : index
      %get3A_2184 = tpu.vector_load %arg12[%get3A_2183] {strides = array<i32>} : memref<144xf32, #tpu.memory_space<vmem>>, vector<16xf32>,
      %add3A_2185 = arith.constant 48 : i32
      %add3A_2186 = vector.broadcast %add3A_2185 : i32 to vector<16xi32>
      %add3A_2187 = arith.addi %iota3A, %add3A_2186 : vector<16xi32>
      %gt3A_2188 = vector.broadcast %squeeze3A_2125 : f32 to vector<16xf32>
      %gt3A_2189 = arith.cmpf ogt, %gt3A_2188, %get3A_2184 : vector<16xf32>
      %eq3A_2190 = vector.broadcast %squeeze3A_2125 : f32 to vector<16xf32>
      %eq3A_2191 = arith.cmpf oeq, %eq3A_2190, %get3A_2184 : vector<16xf32>
      %lt3A_2192 = vector.broadcast %scan3A_2113 : i32 to vector<16xi32>
      %lt3A_2193 = arith.cmpi slt, %lt3A_2192, %add3A_2187 : vector<16xi32>
      %and3A_2194 = arith.andi %eq3A_2191, %lt3A_2193 : vector<16xi1>
      %or3A_2195 = arith.ori %gt3A_2189, %and3A_2194 : vector<16xi1>
      %jit3A_2196 = arith.constant 1 : i32
      %jit3A_2197 = arith.constant 0 : i32
      %broadcast_in_dim3A_2198 = vector.broadcast %jit3A_2196 : i32 to vector<16xi32>
      %broadcast_in_dim3A_2199 = vector.broadcast %jit3A_2197 : i32 to vector<16xi32>
      %select_n3A_2200 = arith.select %or3A_2195, %broadcast_in_dim3A_2198, %broadcast_in_dim3A_2199 : vector<16xi1>, vector<16xi32>
      %add3A_2201 = arith.addi %scan3A_2117, %select_n3A_2200 : vector<16xi32>
      %get3A_2202 = arith.constant 64 : index
      %get3A_2203 = tpu.vector_load %arg12[%get3A_2202] {strides = array<i32>} : memref<144xf32, #tpu.memory_space<vmem>>, vector<16xf32>,
      %add3A_2204 = arith.constant 64 : i32
      %add3A_2205 = vector.broadcast %add3A_2204 : i32 to vector<16xi32>
      %add3A_2206 = arith.addi %iota3A, %add3A_2205 : vector<16xi32>
      %gt3A_2207 = vector.broadcast %squeeze3A_2125 : f32 to vector<16xf32>
      %gt3A_2208 = arith.cmpf ogt, %gt3A_2207, %get3A_2203 : vector<16xf32>
      %eq3A_2209 = vector.broadcast %squeeze3A_2125 : f32 to vector<16xf32>
      %eq3A_2210 = arith.cmpf oeq, %eq3A_2209, %get3A_2203 : vector<16xf32>
      %lt3A_2211 = vector.broadcast %scan3A_2113 : i32 to vector<16xi32>
      %lt3A_2212 = arith.cmpi slt, %lt3A_2211, %add3A_2206 : vector<16xi32>
      %and3A_2213 = arith.andi %eq3A_2210, %lt3A_2212 : vector<16xi1>
      %or3A_2214 = arith.ori %gt3A_2208, %and3A_2213 : vector<16xi1>
      %jit3A_2215 = arith.constant 1 : i32
      %jit3A_2216 = arith.constant 0 : i32
      %broadcast_in_dim3A_2217 = vector.broadcast %jit3A_2215 : i32 to vector<16xi32>
      %broadcast_in_dim3A_2218 = vector.broadcast %jit3A_2216 : i32 to vector<16xi32>
      %select_n3A_2219 = arith.select %or3A_2214, %broadcast_in_dim3A_2217, %broadcast_in_dim3A_2218 : vector<16xi1>, vector<16xi32>
      %add3A_2220 = arith.addi %scan3A_2118, %select_n3A_2219 : vector<16xi32>
      %get3A_2221 = arith.constant 80 : index
      %get3A_2222 = tpu.vector_load %arg12[%get3A_2221] {strides = array<i32>} : memref<144xf32, #tpu.memory_space<vmem>>, vector<16xf32>,
      %add3A_2223 = arith.constant 80 : i32
      %add3A_2224 = vector.broadcast %add3A_2223 : i32 to vector<16xi32>
      %add3A_2225 = arith.addi %iota3A, %add3A_2224 : vector<16xi32>
      %gt3A_2226 = vector.broadcast %squeeze3A_2125 : f32 to vector<16xf32>
      %gt3A_2227 = arith.cmpf ogt, %gt3A_2226, %get3A_2222 : vector<16xf32>
      %eq3A_2228 = vector.broadcast %squeeze3A_2125 : f32 to vector<16xf32>
      %eq3A_2229 = arith.cmpf oeq, %eq3A_2228, %get3A_2222 : vector<16xf32>
      %lt3A_2230 = vector.broadcast %scan3A_2113 : i32 to vector<16xi32>
      %lt3A_2231 = arith.cmpi slt, %lt3A_2230, %add3A_2225 : vector<16xi32>
      %and3A_2232 = arith.andi %eq3A_2229, %lt3A_2231 : vector<16xi1>
      %or3A_2233 = arith.ori %gt3A_2227, %and3A_2232 : vector<16xi1>
      %jit3A_2234 = arith.constant 1 : i32
      %jit3A_2235 = arith.constant 0 : i32
      %broadcast_in_dim3A_2236 = vector.broadcast %jit3A_2234 : i32 to vector<16xi32>
      %broadcast_in_dim3A_2237 = vector.broadcast %jit3A_2235 : i32 to vector<16xi32>
      %select_n3A_2238 = arith.select %or3A_2233, %broadcast_in_dim3A_2236, %broadcast_in_dim3A_2237 : vector<16xi1>, vector<16xi32>
      %add3A_2239 = arith.addi %scan3A_2119, %select_n3A_2238 : vector<16xi32>
      %get3A_2240 = arith.constant 96 : index
      %get3A_2241 = tpu.vector_load %arg12[%get3A_2240] {strides = array<i32>} : memref<144xf32, #tpu.memory_space<vmem>>, vector<16xf32>,
      %add3A_2242 = arith.constant 96 : i32
      %add3A_2243 = vector.broadcast %add3A_2242 : i32 to vector<16xi32>
      %add3A_2244 = arith.addi %iota3A, %add3A_2243 : vector<16xi32>
      %gt3A_2245 = vector.broadcast %squeeze3A_2125 : f32 to vector<16xf32>
      %gt3A_2246 = arith.cmpf ogt, %gt3A_2245, %get3A_2241 : vector<16xf32>
      %eq3A_2247 = vector.broadcast %squeeze3A_2125 : f32 to vector<16xf32>
      %eq3A_2248 = arith.cmpf oeq, %eq3A_2247, %get3A_2241 : vector<16xf32>
      %lt3A_2249 = vector.broadcast %scan3A_2113 : i32 to vector<16xi32>
      %lt3A_2250 = arith.cmpi slt, %lt3A_2249, %add3A_2244 : vector<16xi32>
      %and3A_2251 = arith.andi %eq3A_2248, %lt3A_2250 : vector<16xi1>
      %or3A_2252 = arith.ori %gt3A_2246, %and3A_2251 : vector<16xi1>
      %jit3A_2253 = arith.constant 1 : i32
      %jit3A_2254 = arith.constant 0 : i32
      %broadcast_in_dim3A_2255 = vector.broadcast %jit3A_2253 : i32 to vector<16xi32>
      %broadcast_in_dim3A_2256 = vector.broadcast %jit3A_2254 : i32 to vector<16xi32>
      %select_n3A_2257 = arith.select %or3A_2252, %broadcast_in_dim3A_2255, %broadcast_in_dim3A_2256 : vector<16xi1>, vector<16xi32>
      %add3A_2258 = arith.addi %scan3A_2120, %select_n3A_2257 : vector<16xi32>
      %get3A_2259 = arith.constant 112 : index
      %get3A_2260 = tpu.vector_load %arg12[%get3A_2259] {strides = array<i32>} : memref<144xf32, #tpu.memory_space<vmem>>, vector<16xf32>,
      %add3A_2261 = arith.constant 112 : i32
      %add3A_2262 = vector.broadcast %add3A_2261 : i32 to vector<16xi32>
      %add3A_2263 = arith.addi %iota3A, %add3A_2262 : vector<16xi32>
      %gt3A_2264 = vector.broadcast %squeeze3A_2125 : f32 to vector<16xf32>
      %gt3A_2265 = arith.cmpf ogt, %gt3A_2264, %get3A_2260 : vector<16xf32>
      %eq3A_2266 = vector.broadcast %squeeze3A_2125 : f32 to vector<16xf32>
      %eq3A_2267 = arith.cmpf oeq, %eq3A_2266, %get3A_2260 : vector<16xf32>
      %lt3A_2268 = vector.broadcast %scan3A_2113 : i32 to vector<16xi32>
      %lt3A_2269 = arith.cmpi slt, %lt3A_2268, %add3A_2263 : vector<16xi32>
      %and3A_2270 = arith.andi %eq3A_2267, %lt3A_2269 : vector<16xi1>
      %or3A_2271 = arith.ori %gt3A_2265, %and3A_2270 : vector<16xi1>
      %jit3A_2272 = arith.constant 1 : i32
      %jit3A_2273 = arith.constant 0 : i32
      %broadcast_in_dim3A_2274 = vector.broadcast %jit3A_2272 : i32 to vector<16xi32>
      %broadcast_in_dim3A_2275 = vector.broadcast %jit3A_2273 : i32 to vector<16xi32>
      %select_n3A_2276 = arith.select %or3A_2271, %broadcast_in_dim3A_2274, %broadcast_in_dim3A_2275 : vector<16xi1>, vector<16xi32>
      %add3A_2277 = arith.addi %scan3A_2121, %select_n3A_2276 : vector<16xi32>
      scf.yield %add3A_2144, %add3A_2163, %add3A_2182, %add3A_2201, %add3A_2220, %add3A_2239, %add3A_2258, %add3A_2277 : vector<16xi32>, vector<16xi32>, vector<16xi32>, vector<16xi32>, vector<16xi32>, vector<16xi32>, vector<16xi32>, vector<16xi32>
    }
    %scan3A_222 = arith.constant 128 : i32
    %get3A_223 = arith.constant 0 : index
    %get3A_224 = tpu.vector_load %arg12[%get3A_223] {strides = array<i32>} : memref<144xf32, #tpu.memory_space<vmem>>, vector<16xf32>,
    %get3A_225 = arith.constant 0 : index
    %get3A_226 = tpu.vector_load %arg13[%get3A_225] {strides = array<i32>} : memref<128xi32, #tpu.memory_space<vmem>>, vector<16xi32>,
    %sub3A = arith.constant 1 : i32
    %sub3A_227 = arith.subi %squeeze3A, %sub3A : i32
    %eq3A = vector.broadcast %sub3A_227 : i32 to vector<16xi32>
    %eq3A_228 = arith.cmpi eq, %scan3A_221#0, %eq3A : vector<16xi32>
    %jit3A_229 = arith.constant 0.000000e+00 : f32
    %broadcast_in_dim3A_230 = vector.broadcast %jit3A_229 : f32 to vector<16xf32>
    %select_n3A_231 = arith.select %eq3A_228, %get3A_224, %broadcast_in_dim3A_230 : vector<16xi1>, vector<16xf32>
    %reduce_sum3A = arith.constant true
    %reduce_sum3A_232 = vector.broadcast %reduce_sum3A : i1 to vector<16xi1>
    %reduce_sum3A_233 = tpu.scan <sum>, %select_n3A_231 masked %reduce_sum3A_232 : vector<16xf32>, vector<16xi1> -> vector<16xf32>
    %reduce_sum3A_234 = vector.extract %reduce_sum3A_233[15] : f32 from vector<16xf32>
    %add3A_235 = arith.constant 0.000000e+00 : f32
    %add3A_236 = arith.addf %add3A_235, %reduce_sum3A_234 : f32
    %eq3A_237 = arith.constant 0 : i32
    %eq3A_238 = vector.broadcast %eq3A_237 : i32 to vector<16xi32>
    %eq3A_239 = arith.cmpi eq, %scan3A_221#0, %eq3A_238 : vector<16xi32>
    %jit3A_240 = arith.constant 0.000000e+00 : f32
    %broadcast_in_dim3A_241 = vector.broadcast %jit3A_240 : f32 to vector<16xf32>
    %select_n3A_242 = arith.select %eq3A_239, %get3A_224, %broadcast_in_dim3A_241 : vector<16xi1>, vector<16xf32>
    %reduce_sum3A_243 = arith.constant true
    %reduce_sum3A_244 = vector.broadcast %reduce_sum3A_243 : i1 to vector<16xi1>
    %reduce_sum3A_245 = tpu.scan <sum>, %select_n3A_242 masked %reduce_sum3A_244 : vector<16xf32>, vector<16xi1> -> vector<16xf32>
    %reduce_sum3A_246 = vector.extract %reduce_sum3A_245[15] : f32 from vector<16xf32>
    %add3A_247 = arith.constant 0.000000e+00 : f32
    %add3A_248 = arith.addf %add3A_247, %reduce_sum3A_246 : f32
    %eq3A_249 = arith.constant 0 : i32
    %eq3A_250 = vector.broadcast %eq3A_249 : i32 to vector<16xi32>
    %eq3A_251 = arith.cmpi eq, %scan3A_221#0, %eq3A_250 : vector<16xi32>
    %jit3A_252 = arith.constant 0 : i32
    %broadcast_in_dim3A_253 = vector.broadcast %jit3A_252 : i32 to vector<16xi32>
    %select_n3A_254 = arith.select %eq3A_251, %get3A_226, %broadcast_in_dim3A_253 : vector<16xi1>, vector<16xi32>
    %reduce_sum3A_255 = arith.constant true
    %reduce_sum3A_256 = vector.broadcast %reduce_sum3A_255 : i1 to vector<16xi1>
    %reduce_sum3A_257 = tpu.scan <sum>, %select_n3A_254 masked %reduce_sum3A_256 : vector<16xi32>, vector<16xi1> -> vector<16xi32>
    %reduce_sum3A_258 = vector.extract %reduce_sum3A_257[15] : i32 from vector<16xi32>
    %add3A_259 = arith.constant 0 : i32
    %add3A_260 = arith.addi %add3A_259, %reduce_sum3A_258 : i32
    %get3A_261 = arith.constant 16 : index
    %get3A_262 = tpu.vector_load %arg12[%get3A_261] {strides = array<i32>} : memref<144xf32, #tpu.memory_space<vmem>>, vector<16xf32>,
    %get3A_263 = arith.constant 16 : index
    %get3A_264 = tpu.vector_load %arg13[%get3A_263] {strides = array<i32>} : memref<128xi32, #tpu.memory_space<vmem>>, vector<16xi32>,
    %sub3A_265 = arith.constant 1 : i32
    %sub3A_266 = arith.subi %squeeze3A, %sub3A_265 : i32
    %eq3A_267 = vector.broadcast %sub3A_266 : i32 to vector<16xi32>
    %eq3A_268 = arith.cmpi eq, %scan3A_221#1, %eq3A_267 : vector<16xi32>
    %jit3A_269 = arith.constant 0.000000e+00 : f32
    %broadcast_in_dim3A_270 = vector.broadcast %jit3A_269 : f32 to vector<16xf32>
    %select_n3A_271 = arith.select %eq3A_268, %get3A_262, %broadcast_in_dim3A_270 : vector<16xi1>, vector<16xf32>
    %reduce_sum3A_272 = arith.constant true
    %reduce_sum3A_273 = vector.broadcast %reduce_sum3A_272 : i1 to vector<16xi1>
    %reduce_sum3A_274 = tpu.scan <sum>, %select_n3A_271 masked %reduce_sum3A_273 : vector<16xf32>, vector<16xi1> -> vector<16xf32>
    %reduce_sum3A_275 = vector.extract %reduce_sum3A_274[15] : f32 from vector<16xf32>
    %add3A_276 = arith.addf %add3A_236, %reduce_sum3A_275 : f32
    %eq3A_277 = arith.constant 0 : i32
    %eq3A_278 = vector.broadcast %eq3A_277 : i32 to vector<16xi32>
    %eq3A_279 = arith.cmpi eq, %scan3A_221#1, %eq3A_278 : vector<16xi32>
    %jit3A_280 = arith.constant 0.000000e+00 : f32
    %broadcast_in_dim3A_281 = vector.broadcast %jit3A_280 : f32 to vector<16xf32>
    %select_n3A_282 = arith.select %eq3A_279, %get3A_262, %broadcast_in_dim3A_281 : vector<16xi1>, vector<16xf32>
    %reduce_sum3A_283 = arith.constant true
    %reduce_sum3A_284 = vector.broadcast %reduce_sum3A_283 : i1 to vector<16xi1>
    %reduce_sum3A_285 = tpu.scan <sum>, %select_n3A_282 masked %reduce_sum3A_284 : vector<16xf32>, vector<16xi1> -> vector<16xf32>
    %reduce_sum3A_286 = vector.extract %reduce_sum3A_285[15] : f32 from vector<16xf32>
    %add3A_287 = arith.addf %add3A_248, %reduce_sum3A_286 : f32
    %eq3A_288 = arith.constant 0 : i32
    %eq3A_289 = vector.broadcast %eq3A_288 : i32 to vector<16xi32>
    %eq3A_290 = arith.cmpi eq, %scan3A_221#1, %eq3A_289 : vector<16xi32>
    %jit3A_291 = arith.constant 0 : i32
    %broadcast_in_dim3A_292 = vector.broadcast %jit3A_291 : i32 to vector<16xi32>
    %select_n3A_293 = arith.select %eq3A_290, %get3A_264, %broadcast_in_dim3A_292 : vector<16xi1>, vector<16xi32>
    %reduce_sum3A_294 = arith.constant true
    %reduce_sum3A_295 = vector.broadcast %reduce_sum3A_294 : i1 to vector<16xi1>
    %reduce_sum3A_296 = tpu.scan <sum>, %select_n3A_293 masked %reduce_sum3A_295 : vector<16xi32>, vector<16xi1> -> vector<16xi32>
    %reduce_sum3A_297 = vector.extract %reduce_sum3A_296[15] : i32 from vector<16xi32>
    %add3A_298 = arith.addi %add3A_260, %reduce_sum3A_297 : i32
    %get3A_299 = arith.constant 32 : index
    %get3A_300 = tpu.vector_load %arg12[%get3A_299] {strides = array<i32>} : memref<144xf32, #tpu.memory_space<vmem>>, vector<16xf32>,
    %get3A_301 = arith.constant 32 : index
    %get3A_302 = tpu.vector_load %arg13[%get3A_301] {strides = array<i32>} : memref<128xi32, #tpu.memory_space<vmem>>, vector<16xi32>,
    %sub3A_303 = arith.constant 1 : i32
    %sub3A_304 = arith.subi %squeeze3A, %sub3A_303 : i32
    %eq3A_305 = vector.broadcast %sub3A_304 : i32 to vector<16xi32>
    %eq3A_306 = arith.cmpi eq, %scan3A_221#2, %eq3A_305 : vector<16xi32>
    %jit3A_307 = arith.constant 0.000000e+00 : f32
    %broadcast_in_dim3A_308 = vector.broadcast %jit3A_307 : f32 to vector<16xf32>
    %select_n3A_309 = arith.select %eq3A_306, %get3A_300, %broadcast_in_dim3A_308 : vector<16xi1>, vector<16xf32>
    %reduce_sum3A_310 = arith.constant true
    %reduce_sum3A_311 = vector.broadcast %reduce_sum3A_310 : i1 to vector<16xi1>
    %reduce_sum3A_312 = tpu.scan <sum>, %select_n3A_309 masked %reduce_sum3A_311 : vector<16xf32>, vector<16xi1> -> vector<16xf32>
    %reduce_sum3A_313 = vector.extract %reduce_sum3A_312[15] : f32 from vector<16xf32>
    %add3A_314 = arith.addf %add3A_276, %reduce_sum3A_313 : f32
    %eq3A_315 = arith.constant 0 : i32
    %eq3A_316 = vector.broadcast %eq3A_315 : i32 to vector<16xi32>
    %eq3A_317 = arith.cmpi eq, %scan3A_221#2, %eq3A_316 : vector<16xi32>
    %jit3A_318 = arith.constant 0.000000e+00 : f32
    %broadcast_in_dim3A_319 = vector.broadcast %jit3A_318 : f32 to vector<16xf32>
    %select_n3A_320 = arith.select %eq3A_317, %get3A_300, %broadcast_in_dim3A_319 : vector<16xi1>, vector<16xf32>
    %reduce_sum3A_321 = arith.constant true
    %reduce_sum3A_322 = vector.broadcast %reduce_sum3A_321 : i1 to vector<16xi1>
    %reduce_sum3A_323 = tpu.scan <sum>, %select_n3A_320 masked %reduce_sum3A_322 : vector<16xf32>, vector<16xi1> -> vector<16xf32>
    %reduce_sum3A_324 = vector.extract %reduce_sum3A_323[15] : f32 from vector<16xf32>
    %add3A_325 = arith.addf %add3A_287, %reduce_sum3A_324 : f32
    %eq3A_326 = arith.constant 0 : i32
    %eq3A_327 = vector.broadcast %eq3A_326 : i32 to vector<16xi32>
    %eq3A_328 = arith.cmpi eq, %scan3A_221#2, %eq3A_327 : vector<16xi32>
    %jit3A_329 = arith.constant 0 : i32
    %broadcast_in_dim3A_330 = vector.broadcast %jit3A_329 : i32 to vector<16xi32>
    %select_n3A_331 = arith.select %eq3A_328, %get3A_302, %broadcast_in_dim3A_330 : vector<16xi1>, vector<16xi32>
    %reduce_sum3A_332 = arith.constant true
    %reduce_sum3A_333 = vector.broadcast %reduce_sum3A_332 : i1 to vector<16xi1>
    %reduce_sum3A_334 = tpu.scan <sum>, %select_n3A_331 masked %reduce_sum3A_333 : vector<16xi32>, vector<16xi1> -> vector<16xi32>
    %reduce_sum3A_335 = vector.extract %reduce_sum3A_334[15] : i32 from vector<16xi32>
    %add3A_336 = arith.addi %add3A_298, %reduce_sum3A_335 : i32
    %get3A_337 = arith.constant 48 : index
    %get3A_338 = tpu.vector_load %arg12[%get3A_337] {strides = array<i32>} : memref<144xf32, #tpu.memory_space<vmem>>, vector<16xf32>,
    %get3A_339 = arith.constant 48 : index
    %get3A_340 = tpu.vector_load %arg13[%get3A_339] {strides = array<i32>} : memref<128xi32, #tpu.memory_space<vmem>>, vector<16xi32>,
    %sub3A_341 = arith.constant 1 : i32
    %sub3A_342 = arith.subi %squeeze3A, %sub3A_341 : i32
    %eq3A_343 = vector.broadcast %sub3A_342 : i32 to vector<16xi32>
    %eq3A_344 = arith.cmpi eq, %scan3A_221#3, %eq3A_343 : vector<16xi32>
    %jit3A_345 = arith.constant 0.000000e+00 : f32
    %broadcast_in_dim3A_346 = vector.broadcast %jit3A_345 : f32 to vector<16xf32>
    %select_n3A_347 = arith.select %eq3A_344, %get3A_338, %broadcast_in_dim3A_346 : vector<16xi1>, vector<16xf32>
    %reduce_sum3A_348 = arith.constant true
    %reduce_sum3A_349 = vector.broadcast %reduce_sum3A_348 : i1 to vector<16xi1>
    %reduce_sum3A_350 = tpu.scan <sum>, %select_n3A_347 masked %reduce_sum3A_349 : vector<16xf32>, vector<16xi1> -> vector<16xf32>
    %reduce_sum3A_351 = vector.extract %reduce_sum3A_350[15] : f32 from vector<16xf32>
    %add3A_352 = arith.addf %add3A_314, %reduce_sum3A_351 : f32
    %eq3A_353 = arith.constant 0 : i32
    %eq3A_354 = vector.broadcast %eq3A_353 : i32 to vector<16xi32>
    %eq3A_355 = arith.cmpi eq, %scan3A_221#3, %eq3A_354 : vector<16xi32>
    %jit3A_356 = arith.constant 0.000000e+00 : f32
    %broadcast_in_dim3A_357 = vector.broadcast %jit3A_356 : f32 to vector<16xf32>
    %select_n3A_358 = arith.select %eq3A_355, %get3A_338, %broadcast_in_dim3A_357 : vector<16xi1>, vector<16xf32>
    %reduce_sum3A_359 = arith.constant true
    %reduce_sum3A_360 = vector.broadcast %reduce_sum3A_359 : i1 to vector<16xi1>
    %reduce_sum3A_361 = tpu.scan <sum>, %select_n3A_358 masked %reduce_sum3A_360 : vector<16xf32>, vector<16xi1> -> vector<16xf32>
    %reduce_sum3A_362 = vector.extract %reduce_sum3A_361[15] : f32 from vector<16xf32>
    %add3A_363 = arith.addf %add3A_325, %reduce_sum3A_362 : f32
    %eq3A_364 = arith.constant 0 : i32
    %eq3A_365 = vector.broadcast %eq3A_364 : i32 to vector<16xi32>
    %eq3A_366 = arith.cmpi eq, %scan3A_221#3, %eq3A_365 : vector<16xi32>
    %jit3A_367 = arith.constant 0 : i32
    %broadcast_in_dim3A_368 = vector.broadcast %jit3A_367 : i32 to vector<16xi32>
    %select_n3A_369 = arith.select %eq3A_366, %get3A_340, %broadcast_in_dim3A_368 : vector<16xi1>, vector<16xi32>
    %reduce_sum3A_370 = arith.constant true
    %reduce_sum3A_371 = vector.broadcast %reduce_sum3A_370 : i1 to vector<16xi1>
    %reduce_sum3A_372 = tpu.scan <sum>, %select_n3A_369 masked %reduce_sum3A_371 : vector<16xi32>, vector<16xi1> -> vector<16xi32>
    %reduce_sum3A_373 = vector.extract %reduce_sum3A_372[15] : i32 from vector<16xi32>
    %add3A_374 = arith.addi %add3A_336, %reduce_sum3A_373 : i32
    %get3A_375 = arith.constant 64 : index
    %get3A_376 = tpu.vector_load %arg12[%get3A_375] {strides = array<i32>} : memref<144xf32, #tpu.memory_space<vmem>>, vector<16xf32>,
    %get3A_377 = arith.constant 64 : index
    %get3A_378 = tpu.vector_load %arg13[%get3A_377] {strides = array<i32>} : memref<128xi32, #tpu.memory_space<vmem>>, vector<16xi32>,
    %sub3A_379 = arith.constant 1 : i32
    %sub3A_380 = arith.subi %squeeze3A, %sub3A_379 : i32
    %eq3A_381 = vector.broadcast %sub3A_380 : i32 to vector<16xi32>
    %eq3A_382 = arith.cmpi eq, %scan3A_221#4, %eq3A_381 : vector<16xi32>
    %jit3A_383 = arith.constant 0.000000e+00 : f32
    %broadcast_in_dim3A_384 = vector.broadcast %jit3A_383 : f32 to vector<16xf32>
    %select_n3A_385 = arith.select %eq3A_382, %get3A_376, %broadcast_in_dim3A_384 : vector<16xi1>, vector<16xf32>
    %reduce_sum3A_386 = arith.constant true
    %reduce_sum3A_387 = vector.broadcast %reduce_sum3A_386 : i1 to vector<16xi1>
    %reduce_sum3A_388 = tpu.scan <sum>, %select_n3A_385 masked %reduce_sum3A_387 : vector<16xf32>, vector<16xi1> -> vector<16xf32>
    %reduce_sum3A_389 = vector.extract %reduce_sum3A_388[15] : f32 from vector<16xf32>
    %add3A_390 = arith.addf %add3A_352, %reduce_sum3A_389 : f32
    %eq3A_391 = arith.constant 0 : i32
    %eq3A_392 = vector.broadcast %eq3A_391 : i32 to vector<16xi32>
    %eq3A_393 = arith.cmpi eq, %scan3A_221#4, %eq3A_392 : vector<16xi32>
    %jit3A_394 = arith.constant 0.000000e+00 : f32
    %broadcast_in_dim3A_395 = vector.broadcast %jit3A_394 : f32 to vector<16xf32>
    %select_n3A_396 = arith.select %eq3A_393, %get3A_376, %broadcast_in_dim3A_395 : vector<16xi1>, vector<16xf32>
    %reduce_sum3A_397 = arith.constant true
    %reduce_sum3A_398 = vector.broadcast %reduce_sum3A_397 : i1 to vector<16xi1>
    %reduce_sum3A_399 = tpu.scan <sum>, %select_n3A_396 masked %reduce_sum3A_398 : vector<16xf32>, vector<16xi1> -> vector<16xf32>
    %reduce_sum3A_400 = vector.extract %reduce_sum3A_399[15] : f32 from vector<16xf32>
    %add3A_401 = arith.addf %add3A_363, %reduce_sum3A_400 : f32
    %eq3A_402 = arith.constant 0 : i32
    %eq3A_403 = vector.broadcast %eq3A_402 : i32 to vector<16xi32>
    %eq3A_404 = arith.cmpi eq, %scan3A_221#4, %eq3A_403 : vector<16xi32>
    %jit3A_405 = arith.constant 0 : i32
    %broadcast_in_dim3A_406 = vector.broadcast %jit3A_405 : i32 to vector<16xi32>
    %select_n3A_407 = arith.select %eq3A_404, %get3A_378, %broadcast_in_dim3A_406 : vector<16xi1>, vector<16xi32>
    %reduce_sum3A_408 = arith.constant true
    %reduce_sum3A_409 = vector.broadcast %reduce_sum3A_408 : i1 to vector<16xi1>
    %reduce_sum3A_410 = tpu.scan <sum>, %select_n3A_407 masked %reduce_sum3A_409 : vector<16xi32>, vector<16xi1> -> vector<16xi32>
    %reduce_sum3A_411 = vector.extract %reduce_sum3A_410[15] : i32 from vector<16xi32>
    %add3A_412 = arith.addi %add3A_374, %reduce_sum3A_411 : i32
    %get3A_413 = arith.constant 80 : index
    %get3A_414 = tpu.vector_load %arg12[%get3A_413] {strides = array<i32>} : memref<144xf32, #tpu.memory_space<vmem>>, vector<16xf32>,
    %get3A_415 = arith.constant 80 : index
    %get3A_416 = tpu.vector_load %arg13[%get3A_415] {strides = array<i32>} : memref<128xi32, #tpu.memory_space<vmem>>, vector<16xi32>,
    %sub3A_417 = arith.constant 1 : i32
    %sub3A_418 = arith.subi %squeeze3A, %sub3A_417 : i32
    %eq3A_419 = vector.broadcast %sub3A_418 : i32 to vector<16xi32>
    %eq3A_420 = arith.cmpi eq, %scan3A_221#5, %eq3A_419 : vector<16xi32>
    %jit3A_421 = arith.constant 0.000000e+00 : f32
    %broadcast_in_dim3A_422 = vector.broadcast %jit3A_421 : f32 to vector<16xf32>
    %select_n3A_423 = arith.select %eq3A_420, %get3A_414, %broadcast_in_dim3A_422 : vector<16xi1>, vector<16xf32>
    %reduce_sum3A_424 = arith.constant true
    %reduce_sum3A_425 = vector.broadcast %reduce_sum3A_424 : i1 to vector<16xi1>
    %reduce_sum3A_426 = tpu.scan <sum>, %select_n3A_423 masked %reduce_sum3A_425 : vector<16xf32>, vector<16xi1> -> vector<16xf32>
    %reduce_sum3A_427 = vector.extract %reduce_sum3A_426[15] : f32 from vector<16xf32>
    %add3A_428 = arith.addf %add3A_390, %reduce_sum3A_427 : f32
    %eq3A_429 = arith.constant 0 : i32
    %eq3A_430 = vector.broadcast %eq3A_429 : i32 to vector<16xi32>
    %eq3A_431 = arith.cmpi eq, %scan3A_221#5, %eq3A_430 : vector<16xi32>
    %jit3A_432 = arith.constant 0.000000e+00 : f32
    %broadcast_in_dim3A_433 = vector.broadcast %jit3A_432 : f32 to vector<16xf32>
    %select_n3A_434 = arith.select %eq3A_431, %get3A_414, %broadcast_in_dim3A_433 : vector<16xi1>, vector<16xf32>
    %reduce_sum3A_435 = arith.constant true
    %reduce_sum3A_436 = vector.broadcast %reduce_sum3A_435 : i1 to vector<16xi1>
    %reduce_sum3A_437 = tpu.scan <sum>, %select_n3A_434 masked %reduce_sum3A_436 : vector<16xf32>, vector<16xi1> -> vector<16xf32>
    %reduce_sum3A_438 = vector.extract %reduce_sum3A_437[15] : f32 from vector<16xf32>
    %add3A_439 = arith.addf %add3A_401, %reduce_sum3A_438 : f32
    %eq3A_440 = arith.constant 0 : i32
    %eq3A_441 = vector.broadcast %eq3A_440 : i32 to vector<16xi32>
    %eq3A_442 = arith.cmpi eq, %scan3A_221#5, %eq3A_441 : vector<16xi32>
    %jit3A_443 = arith.constant 0 : i32
    %broadcast_in_dim3A_444 = vector.broadcast %jit3A_443 : i32 to vector<16xi32>
    %select_n3A_445 = arith.select %eq3A_442, %get3A_416, %broadcast_in_dim3A_444 : vector<16xi1>, vector<16xi32>
    %reduce_sum3A_446 = arith.constant true
    %reduce_sum3A_447 = vector.broadcast %reduce_sum3A_446 : i1 to vector<16xi1>
    %reduce_sum3A_448 = tpu.scan <sum>, %select_n3A_445 masked %reduce_sum3A_447 : vector<16xi32>, vector<16xi1> -> vector<16xi32>
    %reduce_sum3A_449 = vector.extract %reduce_sum3A_448[15] : i32 from vector<16xi32>
    %add3A_450 = arith.addi %add3A_412, %reduce_sum3A_449 : i32
    %get3A_451 = arith.constant 96 : index
    %get3A_452 = tpu.vector_load %arg12[%get3A_451] {strides = array<i32>} : memref<144xf32, #tpu.memory_space<vmem>>, vector<16xf32>,
    %get3A_453 = arith.constant 96 : index
    %get3A_454 = tpu.vector_load %arg13[%get3A_453] {strides = array<i32>} : memref<128xi32, #tpu.memory_space<vmem>>, vector<16xi32>,
    %sub3A_455 = arith.constant 1 : i32
    %sub3A_456 = arith.subi %squeeze3A, %sub3A_455 : i32
    %eq3A_457 = vector.broadcast %sub3A_456 : i32 to vector<16xi32>
    %eq3A_458 = arith.cmpi eq, %scan3A_221#6, %eq3A_457 : vector<16xi32>
    %jit3A_459 = arith.constant 0.000000e+00 : f32
    %broadcast_in_dim3A_460 = vector.broadcast %jit3A_459 : f32 to vector<16xf32>
    %select_n3A_461 = arith.select %eq3A_458, %get3A_452, %broadcast_in_dim3A_460 : vector<16xi1>, vector<16xf32>
    %reduce_sum3A_462 = arith.constant true
    %reduce_sum3A_463 = vector.broadcast %reduce_sum3A_462 : i1 to vector<16xi1>
    %reduce_sum3A_464 = tpu.scan <sum>, %select_n3A_461 masked %reduce_sum3A_463 : vector<16xf32>, vector<16xi1> -> vector<16xf32>
    %reduce_sum3A_465 = vector.extract %reduce_sum3A_464[15] : f32 from vector<16xf32>
    %add3A_466 = arith.addf %add3A_428, %reduce_sum3A_465 : f32
    %eq3A_467 = arith.constant 0 : i32
    %eq3A_468 = vector.broadcast %eq3A_467 : i32 to vector<16xi32>
    %eq3A_469 = arith.cmpi eq, %scan3A_221#6, %eq3A_468 : vector<16xi32>
    %jit3A_470 = arith.constant 0.000000e+00 : f32
    %broadcast_in_dim3A_471 = vector.broadcast %jit3A_470 : f32 to vector<16xf32>
    %select_n3A_472 = arith.select %eq3A_469, %get3A_452, %broadcast_in_dim3A_471 : vector<16xi1>, vector<16xf32>
    %reduce_sum3A_473 = arith.constant true
    %reduce_sum3A_474 = vector.broadcast %reduce_sum3A_473 : i1 to vector<16xi1>
    %reduce_sum3A_475 = tpu.scan <sum>, %select_n3A_472 masked %reduce_sum3A_474 : vector<16xf32>, vector<16xi1> -> vector<16xf32>
    %reduce_sum3A_476 = vector.extract %reduce_sum3A_475[15] : f32 from vector<16xf32>
    %add3A_477 = arith.addf %add3A_439, %reduce_sum3A_476 : f32
    %eq3A_478 = arith.constant 0 : i32
    %eq3A_479 = vector.broadcast %eq3A_478 : i32 to vector<16xi32>
    %eq3A_480 = arith.cmpi eq, %scan3A_221#6, %eq3A_479 : vector<16xi32>
    %jit3A_481 = arith.constant 0 : i32
    %broadcast_in_dim3A_482 = vector.broadcast %jit3A_481 : i32 to vector<16xi32>
    %select_n3A_483 = arith.select %eq3A_480, %get3A_454, %broadcast_in_dim3A_482 : vector<16xi1>, vector<16xi32>
    %reduce_sum3A_484 = arith.constant true
    %reduce_sum3A_485 = vector.broadcast %reduce_sum3A_484 : i1 to vector<16xi1>
    %reduce_sum3A_486 = tpu.scan <sum>, %select_n3A_483 masked %reduce_sum3A_485 : vector<16xi32>, vector<16xi1> -> vector<16xi32>
    %reduce_sum3A_487 = vector.extract %reduce_sum3A_486[15] : i32 from vector<16xi32>
    %add3A_488 = arith.addi %add3A_450, %reduce_sum3A_487 : i32
    %get3A_489 = arith.constant 112 : index
    %get3A_490 = tpu.vector_load %arg12[%get3A_489] {strides = array<i32>} : memref<144xf32, #tpu.memory_space<vmem>>, vector<16xf32>,
    %get3A_491 = arith.constant 112 : index
    %get3A_492 = tpu.vector_load %arg13[%get3A_491] {strides = array<i32>} : memref<128xi32, #tpu.memory_space<vmem>>, vector<16xi32>,
    %sub3A_493 = arith.constant 1 : i32
    %sub3A_494 = arith.subi %squeeze3A, %sub3A_493 : i32
    %eq3A_495 = vector.broadcast %sub3A_494 : i32 to vector<16xi32>
    %eq3A_496 = arith.cmpi eq, %scan3A_221#7, %eq3A_495 : vector<16xi32>
    %jit3A_497 = arith.constant 0.000000e+00 : f32
    %broadcast_in_dim3A_498 = vector.broadcast %jit3A_497 : f32 to vector<16xf32>
    %select_n3A_499 = arith.select %eq3A_496, %get3A_490, %broadcast_in_dim3A_498 : vector<16xi1>, vector<16xf32>
    %reduce_sum3A_500 = arith.constant true
    %reduce_sum3A_501 = vector.broadcast %reduce_sum3A_500 : i1 to vector<16xi1>
    %reduce_sum3A_502 = tpu.scan <sum>, %select_n3A_499 masked %reduce_sum3A_501 : vector<16xf32>, vector<16xi1> -> vector<16xf32>
    %reduce_sum3A_503 = vector.extract %reduce_sum3A_502[15] : f32 from vector<16xf32>
    %add3A_504 = arith.addf %add3A_466, %reduce_sum3A_503 : f32
    %eq3A_505 = arith.constant 0 : i32
    %eq3A_506 = vector.broadcast %eq3A_505 : i32 to vector<16xi32>
    %eq3A_507 = arith.cmpi eq, %scan3A_221#7, %eq3A_506 : vector<16xi32>
    %jit3A_508 = arith.constant 0.000000e+00 : f32
    %broadcast_in_dim3A_509 = vector.broadcast %jit3A_508 : f32 to vector<16xf32>
    %select_n3A_510 = arith.select %eq3A_507, %get3A_490, %broadcast_in_dim3A_509 : vector<16xi1>, vector<16xf32>
    %reduce_sum3A_511 = arith.constant true
    %reduce_sum3A_512 = vector.broadcast %reduce_sum3A_511 : i1 to vector<16xi1>
    %reduce_sum3A_513 = tpu.scan <sum>, %select_n3A_510 masked %reduce_sum3A_512 : vector<16xf32>, vector<16xi1> -> vector<16xf32>
    %reduce_sum3A_514 = vector.extract %reduce_sum3A_513[15] : f32 from vector<16xf32>
    %add3A_515 = arith.addf %add3A_477, %reduce_sum3A_514 : f32
    %eq3A_516 = arith.constant 0 : i32
    %eq3A_517 = vector.broadcast %eq3A_516 : i32 to vector<16xi32>
    %eq3A_518 = arith.cmpi eq, %scan3A_221#7, %eq3A_517 : vector<16xi32>
    %jit3A_519 = arith.constant 0 : i32
    %broadcast_in_dim3A_520 = vector.broadcast %jit3A_519 : i32 to vector<16xi32>
    %select_n3A_521 = arith.select %eq3A_518, %get3A_492, %broadcast_in_dim3A_520 : vector<16xi1>, vector<16xi32>
    %reduce_sum3A_522 = arith.constant true
    %reduce_sum3A_523 = vector.broadcast %reduce_sum3A_522 : i1 to vector<16xi1>
    %reduce_sum3A_524 = tpu.scan <sum>, %select_n3A_521 masked %reduce_sum3A_523 : vector<16xi32>, vector<16xi1> -> vector<16xi32>
    %reduce_sum3A_525 = vector.extract %reduce_sum3A_524[15] : i32 from vector<16xi32>
    %add3A_526 = arith.addi %add3A_488, %reduce_sum3A_525 : i32
    %get3A_527 = arith.constant 0 : index
    %get3A_528 = tpu.vector_load %arg12[%get3A_527] {strides = array<i32>} : memref<144xf32, #tpu.memory_space<vmem>>, vector<16xf32>,
    %ge3A = vector.broadcast %add3A_504 : f32 to vector<16xf32>
    %ge3A_529 = arith.cmpf oge, %get3A_528, %ge3A : vector<16xf32>
    %sub3A_530 = vector.broadcast %add3A_515 : f32 to vector<16xf32>
    %sub3A_531 = arith.subf %get3A_528, %sub3A_530 : vector<16xf32>
    %exp3A = math.exp %sub3A_531 : vector<16xf32>
    %jit3A_532 = arith.constant 0.000000e+00 : f32
    %broadcast_in_dim3A_533 = vector.broadcast %jit3A_532 : f32 to vector<16xf32>
    %select_n3A_534 = arith.select %ge3A_529, %exp3A, %broadcast_in_dim3A_533 : vector<16xi1>, vector<16xf32>
    %reduce_sum3A_535 = arith.constant true
    %reduce_sum3A_536 = vector.broadcast %reduce_sum3A_535 : i1 to vector<16xi1>
    %reduce_sum3A_537 = tpu.scan <sum>, %select_n3A_534 masked %reduce_sum3A_536 : vector<16xf32>, vector<16xi1> -> vector<16xf32>
    %reduce_sum3A_538 = vector.extract %reduce_sum3A_537[15] : f32 from vector<16xf32>
    %add3A_539 = arith.constant 0.000000e+00 : f32
    %add3A_540 = arith.addf %add3A_539, %reduce_sum3A_538 : f32
    %get3A_541 = arith.constant 16 : index
    %get3A_542 = tpu.vector_load %arg12[%get3A_541] {strides = array<i32>} : memref<144xf32, #tpu.memory_space<vmem>>, vector<16xf32>,
    %ge3A_543 = vector.broadcast %add3A_504 : f32 to vector<16xf32>
    %ge3A_544 = arith.cmpf oge, %get3A_542, %ge3A_543 : vector<16xf32>
    %sub3A_545 = vector.broadcast %add3A_515 : f32 to vector<16xf32>
    %sub3A_546 = arith.subf %get3A_542, %sub3A_545 : vector<16xf32>
    %exp3A_547 = math.exp %sub3A_546 : vector<16xf32>
    %jit3A_548 = arith.constant 0.000000e+00 : f32
    %broadcast_in_dim3A_549 = vector.broadcast %jit3A_548 : f32 to vector<16xf32>
    %select_n3A_550 = arith.select %ge3A_544, %exp3A_547, %broadcast_in_dim3A_549 : vector<16xi1>, vector<16xf32>
    %reduce_sum3A_551 = arith.constant true
    %reduce_sum3A_552 = vector.broadcast %reduce_sum3A_551 : i1 to vector<16xi1>
    %reduce_sum3A_553 = tpu.scan <sum>, %select_n3A_550 masked %reduce_sum3A_552 : vector<16xf32>, vector<16xi1> -> vector<16xf32>
    %reduce_sum3A_554 = vector.extract %reduce_sum3A_553[15] : f32 from vector<16xf32>
    %add3A_555 = arith.addf %add3A_540, %reduce_sum3A_554 : f32
    %get3A_556 = arith.constant 32 : index
    %get3A_557 = tpu.vector_load %arg12[%get3A_556] {strides = array<i32>} : memref<144xf32, #tpu.memory_space<vmem>>, vector<16xf32>,
    %ge3A_558 = vector.broadcast %add3A_504 : f32 to vector<16xf32>
    %ge3A_559 = arith.cmpf oge, %get3A_557, %ge3A_558 : vector<16xf32>
    %sub3A_560 = vector.broadcast %add3A_515 : f32 to vector<16xf32>
    %sub3A_561 = arith.subf %get3A_557, %sub3A_560 : vector<16xf32>
    %exp3A_562 = math.exp %sub3A_561 : vector<16xf32>
    %jit3A_563 = arith.constant 0.000000e+00 : f32
    %broadcast_in_dim3A_564 = vector.broadcast %jit3A_563 : f32 to vector<16xf32>
    %select_n3A_565 = arith.select %ge3A_559, %exp3A_562, %broadcast_in_dim3A_564 : vector<16xi1>, vector<16xf32>
    %reduce_sum3A_566 = arith.constant true
    %reduce_sum3A_567 = vector.broadcast %reduce_sum3A_566 : i1 to vector<16xi1>
    %reduce_sum3A_568 = tpu.scan <sum>, %select_n3A_565 masked %reduce_sum3A_567 : vector<16xf32>, vector<16xi1> -> vector<16xf32>
    %reduce_sum3A_569 = vector.extract %reduce_sum3A_568[15] : f32 from vector<16xf32>
    %add3A_570 = arith.addf %add3A_555, %reduce_sum3A_569 : f32
    %get3A_571 = arith.constant 48 : index
    %get3A_572 = tpu.vector_load %arg12[%get3A_571] {strides = array<i32>} : memref<144xf32, #tpu.memory_space<vmem>>, vector<16xf32>,
    %ge3A_573 = vector.broadcast %add3A_504 : f32 to vector<16xf32>
    %ge3A_574 = arith.cmpf oge, %get3A_572, %ge3A_573 : vector<16xf32>
    %sub3A_575 = vector.broadcast %add3A_515 : f32 to vector<16xf32>
    %sub3A_576 = arith.subf %get3A_572, %sub3A_575 : vector<16xf32>
    %exp3A_577 = math.exp %sub3A_576 : vector<16xf32>
    %jit3A_578 = arith.constant 0.000000e+00 : f32
    %broadcast_in_dim3A_579 = vector.broadcast %jit3A_578 : f32 to vector<16xf32>
    %select_n3A_580 = arith.select %ge3A_574, %exp3A_577, %broadcast_in_dim3A_579 : vector<16xi1>, vector<16xf32>
    %reduce_sum3A_581 = arith.constant true
    %reduce_sum3A_582 = vector.broadcast %reduce_sum3A_581 : i1 to vector<16xi1>
    %reduce_sum3A_583 = tpu.scan <sum>, %select_n3A_580 masked %reduce_sum3A_582 : vector<16xf32>, vector<16xi1> -> vector<16xf32>
    %reduce_sum3A_584 = vector.extract %reduce_sum3A_583[15] : f32 from vector<16xf32>
    %add3A_585 = arith.addf %add3A_570, %reduce_sum3A_584 : f32
    %get3A_586 = arith.constant 64 : index
    %get3A_587 = tpu.vector_load %arg12[%get3A_586] {strides = array<i32>} : memref<144xf32, #tpu.memory_space<vmem>>, vector<16xf32>,
    %ge3A_588 = vector.broadcast %add3A_504 : f32 to vector<16xf32>
    %ge3A_589 = arith.cmpf oge, %get3A_587, %ge3A_588 : vector<16xf32>
    %sub3A_590 = vector.broadcast %add3A_515 : f32 to vector<16xf32>
    %sub3A_591 = arith.subf %get3A_587, %sub3A_590 : vector<16xf32>
    %exp3A_592 = math.exp %sub3A_591 : vector<16xf32>
    %jit3A_593 = arith.constant 0.000000e+00 : f32
    %broadcast_in_dim3A_594 = vector.broadcast %jit3A_593 : f32 to vector<16xf32>
    %select_n3A_595 = arith.select %ge3A_589, %exp3A_592, %broadcast_in_dim3A_594 : vector<16xi1>, vector<16xf32>
    %reduce_sum3A_596 = arith.constant true
    %reduce_sum3A_597 = vector.broadcast %reduce_sum3A_596 : i1 to vector<16xi1>
    %reduce_sum3A_598 = tpu.scan <sum>, %select_n3A_595 masked %reduce_sum3A_597 : vector<16xf32>, vector<16xi1> -> vector<16xf32>
    %reduce_sum3A_599 = vector.extract %reduce_sum3A_598[15] : f32 from vector<16xf32>
    %add3A_600 = arith.addf %add3A_585, %reduce_sum3A_599 : f32
    %get3A_601 = arith.constant 80 : index
    %get3A_602 = tpu.vector_load %arg12[%get3A_601] {strides = array<i32>} : memref<144xf32, #tpu.memory_space<vmem>>, vector<16xf32>,
    %ge3A_603 = vector.broadcast %add3A_504 : f32 to vector<16xf32>
    %ge3A_604 = arith.cmpf oge, %get3A_602, %ge3A_603 : vector<16xf32>
    %sub3A_605 = vector.broadcast %add3A_515 : f32 to vector<16xf32>
    %sub3A_606 = arith.subf %get3A_602, %sub3A_605 : vector<16xf32>
    %exp3A_607 = math.exp %sub3A_606 : vector<16xf32>
    %jit3A_608 = arith.constant 0.000000e+00 : f32
    %broadcast_in_dim3A_609 = vector.broadcast %jit3A_608 : f32 to vector<16xf32>
    %select_n3A_610 = arith.select %ge3A_604, %exp3A_607, %broadcast_in_dim3A_609 : vector<16xi1>, vector<16xf32>
    %reduce_sum3A_611 = arith.constant true
    %reduce_sum3A_612 = vector.broadcast %reduce_sum3A_611 : i1 to vector<16xi1>
    %reduce_sum3A_613 = tpu.scan <sum>, %select_n3A_610 masked %reduce_sum3A_612 : vector<16xf32>, vector<16xi1> -> vector<16xf32>
    %reduce_sum3A_614 = vector.extract %reduce_sum3A_613[15] : f32 from vector<16xf32>
    %add3A_615 = arith.addf %add3A_600, %reduce_sum3A_614 : f32
    %get3A_616 = arith.constant 96 : index
    %get3A_617 = tpu.vector_load %arg12[%get3A_616] {strides = array<i32>} : memref<144xf32, #tpu.memory_space<vmem>>, vector<16xf32>,
    %ge3A_618 = vector.broadcast %add3A_504 : f32 to vector<16xf32>
    %ge3A_619 = arith.cmpf oge, %get3A_617, %ge3A_618 : vector<16xf32>
    %sub3A_620 = vector.broadcast %add3A_515 : f32 to vector<16xf32>
    %sub3A_621 = arith.subf %get3A_617, %sub3A_620 : vector<16xf32>
    %exp3A_622 = math.exp %sub3A_621 : vector<16xf32>
    %jit3A_623 = arith.constant 0.000000e+00 : f32
    %broadcast_in_dim3A_624 = vector.broadcast %jit3A_623 : f32 to vector<16xf32>
    %select_n3A_625 = arith.select %ge3A_619, %exp3A_622, %broadcast_in_dim3A_624 : vector<16xi1>, vector<16xf32>
    %reduce_sum3A_626 = arith.constant true
    %reduce_sum3A_627 = vector.broadcast %reduce_sum3A_626 : i1 to vector<16xi1>
    %reduce_sum3A_628 = tpu.scan <sum>, %select_n3A_625 masked %reduce_sum3A_627 : vector<16xf32>, vector<16xi1> -> vector<16xf32>
    %reduce_sum3A_629 = vector.extract %reduce_sum3A_628[15] : f32 from vector<16xf32>
    %add3A_630 = arith.addf %add3A_615, %reduce_sum3A_629 : f32
    %get3A_631 = arith.constant 112 : index
    %get3A_632 = tpu.vector_load %arg12[%get3A_631] {strides = array<i32>} : memref<144xf32, #tpu.memory_space<vmem>>, vector<16xf32>,
    %ge3A_633 = vector.broadcast %add3A_504 : f32 to vector<16xf32>
    %ge3A_634 = arith.cmpf oge, %get3A_632, %ge3A_633 : vector<16xf32>
    %sub3A_635 = vector.broadcast %add3A_515 : f32 to vector<16xf32>
    %sub3A_636 = arith.subf %get3A_632, %sub3A_635 : vector<16xf32>
    %exp3A_637 = math.exp %sub3A_636 : vector<16xf32>
    %jit3A_638 = arith.constant 0.000000e+00 : f32
    %broadcast_in_dim3A_639 = vector.broadcast %jit3A_638 : f32 to vector<16xf32>
    %select_n3A_640 = arith.select %ge3A_634, %exp3A_637, %broadcast_in_dim3A_639 : vector<16xi1>, vector<16xf32>
    %reduce_sum3A_641 = arith.constant true
    %reduce_sum3A_642 = vector.broadcast %reduce_sum3A_641 : i1 to vector<16xi1>
    %reduce_sum3A_643 = tpu.scan <sum>, %select_n3A_640 masked %reduce_sum3A_642 : vector<16xf32>, vector<16xi1> -> vector<16xf32>
    %reduce_sum3A_644 = vector.extract %reduce_sum3A_643[15] : f32 from vector<16xf32>
    %add3A_645 = arith.addf %add3A_630, %reduce_sum3A_644 : f32
    %div3A_646 = vector.broadcast %add3A_645 : f32 to vector<16xf32>
    %div3A_647 = arith.divf %select_n3A_534, %div3A_646 : vector<16xf32>
    tpu.vector_store_idx %arg14[%scan3A_221#0], %div3A_647 : memref<128xf32, #tpu.memory_space<vmem>>[vector<16xi32>], vector<16xf32>,
    %div3A_648 = vector.broadcast %add3A_645 : f32 to vector<16xf32>
    %div3A_649 = arith.divf %select_n3A_550, %div3A_648 : vector<16xf32>
    tpu.vector_store_idx %arg14[%scan3A_221#1], %div3A_649 : memref<128xf32, #tpu.memory_space<vmem>>[vector<16xi32>], vector<16xf32>,
    %div3A_650 = vector.broadcast %add3A_645 : f32 to vector<16xf32>
    %div3A_651 = arith.divf %select_n3A_565, %div3A_650 : vector<16xf32>
    tpu.vector_store_idx %arg14[%scan3A_221#2], %div3A_651 : memref<128xf32, #tpu.memory_space<vmem>>[vector<16xi32>], vector<16xf32>,
    %div3A_652 = vector.broadcast %add3A_645 : f32 to vector<16xf32>
    %div3A_653 = arith.divf %select_n3A_580, %div3A_652 : vector<16xf32>
    tpu.vector_store_idx %arg14[%scan3A_221#3], %div3A_653 : memref<128xf32, #tpu.memory_space<vmem>>[vector<16xi32>], vector<16xf32>,
    %div3A_654 = vector.broadcast %add3A_645 : f32 to vector<16xf32>
    %div3A_655 = arith.divf %select_n3A_595, %div3A_654 : vector<16xf32>
    tpu.vector_store_idx %arg14[%scan3A_221#4], %div3A_655 : memref<128xf32, #tpu.memory_space<vmem>>[vector<16xi32>], vector<16xf32>,
    %div3A_656 = vector.broadcast %add3A_645 : f32 to vector<16xf32>
    %div3A_657 = arith.divf %select_n3A_610, %div3A_656 : vector<16xf32>
    tpu.vector_store_idx %arg14[%scan3A_221#5], %div3A_657 : memref<128xf32, #tpu.memory_space<vmem>>[vector<16xi32>], vector<16xf32>,
    %div3A_658 = vector.broadcast %add3A_645 : f32 to vector<16xf32>
    %div3A_659 = arith.divf %select_n3A_625, %div3A_658 : vector<16xf32>
    tpu.vector_store_idx %arg14[%scan3A_221#6], %div3A_659 : memref<128xf32, #tpu.memory_space<vmem>>[vector<16xi32>], vector<16xf32>,
    %div3A_660 = vector.broadcast %add3A_645 : f32 to vector<16xf32>
    %div3A_661 = arith.divf %select_n3A_640, %div3A_660 : vector<16xf32>
    tpu.vector_store_idx %arg14[%scan3A_221#7], %div3A_661 : memref<128xf32, #tpu.memory_space<vmem>>[vector<16xi32>], vector<16xf32>,
    %get3A_662 = arith.constant 0 : index
    %get3A_663 = tpu.vector_load %arg14[%get3A_662] {strides = array<i32>} : memref<128xf32, #tpu.memory_space<vmem>>, vector<16xf32>,
    %broadcast_in_dim3A_664 = arith.constant true
    %broadcast_in_dim3A_665 = vector.broadcast %broadcast_in_dim3A_664 : i1 to vector<16xi1>
    %masked_cumsum3A = tpu.scan <sum>, %get3A_663 masked %broadcast_in_dim3A_665 : vector<16xf32>, vector<16xi1> -> vector<16xf32>
    %add3A_666 = arith.constant 0.000000e+00 : f32
    %add3A_667 = vector.broadcast %add3A_666 : f32 to vector<16xf32>
    %add3A_668 = arith.addf %masked_cumsum3A, %add3A_667 : vector<16xf32>
    %swap3A_669 = arith.constant 0 : index
    %swap3A_670 = tpu.vector_load %arg15[%swap3A_669] {strides = array<i32>} : memref<128xf32, #tpu.memory_space<vmem>>, vector<16xf32>,
    tpu.vector_store %arg15[%swap3A_669], %add3A_668 {strides = array<i32>} : memref<128xf32, #tpu.memory_space<vmem>>, vector<16xf32>,
    %eq3A_671 = arith.constant 15 : i32
    %eq3A_672 = vector.broadcast %eq3A_671 : i32 to vector<16xi32>
    %eq3A_673 = arith.cmpi eq, %iota3A, %eq3A_672 : vector<16xi32>
    %jit3A_674 = arith.constant 0.000000e+00 : f32
    %broadcast_in_dim3A_675 = vector.broadcast %jit3A_674 : f32 to vector<16xf32>
    %select_n3A_676 = arith.select %eq3A_673, %add3A_668, %broadcast_in_dim3A_675 : vector<16xi1>, vector<16xf32>
    %reduce_sum3A_677 = arith.constant true
    %reduce_sum3A_678 = vector.broadcast %reduce_sum3A_677 : i1 to vector<16xi1>
    %reduce_sum3A_679 = tpu.scan <sum>, %select_n3A_676 masked %reduce_sum3A_678 : vector<16xf32>, vector<16xi1> -> vector<16xf32>
    %reduce_sum3A_680 = vector.extract %reduce_sum3A_679[15] : f32 from vector<16xf32>
    %get3A_681 = arith.constant 16 : index
    %get3A_682 = tpu.vector_load %arg14[%get3A_681] {strides = array<i32>} : memref<128xf32, #tpu.memory_space<vmem>>, vector<16xf32>,
    %broadcast_in_dim3A_683 = arith.constant true
    %broadcast_in_dim3A_684 = vector.broadcast %broadcast_in_dim3A_683 : i1 to vector<16xi1>
    %masked_cumsum3A_685 = tpu.scan <sum>, %get3A_682 masked %broadcast_in_dim3A_684 : vector<16xf32>, vector<16xi1> -> vector<16xf32>
    %add3A_686 = vector.broadcast %reduce_sum3A_680 : f32 to vector<16xf32>
    %add3A_687 = arith.addf %masked_cumsum3A_685, %add3A_686 : vector<16xf32>
    %swap3A_688 = arith.constant 16 : index
    %swap3A_689 = tpu.vector_load %arg15[%swap3A_688] {strides = array<i32>} : memref<128xf32, #tpu.memory_space<vmem>>, vector<16xf32>,
    tpu.vector_store %arg15[%swap3A_688], %add3A_687 {strides = array<i32>} : memref<128xf32, #tpu.memory_space<vmem>>, vector<16xf32>,
    %eq3A_690 = arith.constant 15 : i32
    %eq3A_691 = vector.broadcast %eq3A_690 : i32 to vector<16xi32>
    %eq3A_692 = arith.cmpi eq, %iota3A, %eq3A_691 : vector<16xi32>
    %jit3A_693 = arith.constant 0.000000e+00 : f32
    %broadcast_in_dim3A_694 = vector.broadcast %jit3A_693 : f32 to vector<16xf32>
    %select_n3A_695 = arith.select %eq3A_692, %add3A_687, %broadcast_in_dim3A_694 : vector<16xi1>, vector<16xf32>
    %reduce_sum3A_696 = arith.constant true
    %reduce_sum3A_697 = vector.broadcast %reduce_sum3A_696 : i1 to vector<16xi1>
    %reduce_sum3A_698 = tpu.scan <sum>, %select_n3A_695 masked %reduce_sum3A_697 : vector<16xf32>, vector<16xi1> -> vector<16xf32>
    %reduce_sum3A_699 = vector.extract %reduce_sum3A_698[15] : f32 from vector<16xf32>
    %get3A_700 = arith.constant 32 : index
    %get3A_701 = tpu.vector_load %arg14[%get3A_700] {strides = array<i32>} : memref<128xf32, #tpu.memory_space<vmem>>, vector<16xf32>,
    %broadcast_in_dim3A_702 = arith.constant true
    %broadcast_in_dim3A_703 = vector.broadcast %broadcast_in_dim3A_702 : i1 to vector<16xi1>
    %masked_cumsum3A_704 = tpu.scan <sum>, %get3A_701 masked %broadcast_in_dim3A_703 : vector<16xf32>, vector<16xi1> -> vector<16xf32>
    %add3A_705 = vector.broadcast %reduce_sum3A_699 : f32 to vector<16xf32>
    %add3A_706 = arith.addf %masked_cumsum3A_704, %add3A_705 : vector<16xf32>
    %swap3A_707 = arith.constant 32 : index
    %swap3A_708 = tpu.vector_load %arg15[%swap3A_707] {strides = array<i32>} : memref<128xf32, #tpu.memory_space<vmem>>, vector<16xf32>,
    tpu.vector_store %arg15[%swap3A_707], %add3A_706 {strides = array<i32>} : memref<128xf32, #tpu.memory_space<vmem>>, vector<16xf32>,
    %eq3A_709 = arith.constant 15 : i32
    %eq3A_710 = vector.broadcast %eq3A_709 : i32 to vector<16xi32>
    %eq3A_711 = arith.cmpi eq, %iota3A, %eq3A_710 : vector<16xi32>
    %jit3A_712 = arith.constant 0.000000e+00 : f32
    %broadcast_in_dim3A_713 = vector.broadcast %jit3A_712 : f32 to vector<16xf32>
    %select_n3A_714 = arith.select %eq3A_711, %add3A_706, %broadcast_in_dim3A_713 : vector<16xi1>, vector<16xf32>
    %reduce_sum3A_715 = arith.constant true
    %reduce_sum3A_716 = vector.broadcast %reduce_sum3A_715 : i1 to vector<16xi1>
    %reduce_sum3A_717 = tpu.scan <sum>, %select_n3A_714 masked %reduce_sum3A_716 : vector<16xf32>, vector<16xi1> -> vector<16xf32>
    %reduce_sum3A_718 = vector.extract %reduce_sum3A_717[15] : f32 from vector<16xf32>
    %get3A_719 = arith.constant 48 : index
    %get3A_720 = tpu.vector_load %arg14[%get3A_719] {strides = array<i32>} : memref<128xf32, #tpu.memory_space<vmem>>, vector<16xf32>,
    %broadcast_in_dim3A_721 = arith.constant true
    %broadcast_in_dim3A_722 = vector.broadcast %broadcast_in_dim3A_721 : i1 to vector<16xi1>
    %masked_cumsum3A_723 = tpu.scan <sum>, %get3A_720 masked %broadcast_in_dim3A_722 : vector<16xf32>, vector<16xi1> -> vector<16xf32>
    %add3A_724 = vector.broadcast %reduce_sum3A_718 : f32 to vector<16xf32>
    %add3A_725 = arith.addf %masked_cumsum3A_723, %add3A_724 : vector<16xf32>
    %swap3A_726 = arith.constant 48 : index
    %swap3A_727 = tpu.vector_load %arg15[%swap3A_726] {strides = array<i32>} : memref<128xf32, #tpu.memory_space<vmem>>, vector<16xf32>,
    tpu.vector_store %arg15[%swap3A_726], %add3A_725 {strides = array<i32>} : memref<128xf32, #tpu.memory_space<vmem>>, vector<16xf32>,
    %eq3A_728 = arith.constant 15 : i32
    %eq3A_729 = vector.broadcast %eq3A_728 : i32 to vector<16xi32>
    %eq3A_730 = arith.cmpi eq, %iota3A, %eq3A_729 : vector<16xi32>
    %jit3A_731 = arith.constant 0.000000e+00 : f32
    %broadcast_in_dim3A_732 = vector.broadcast %jit3A_731 : f32 to vector<16xf32>
    %select_n3A_733 = arith.select %eq3A_730, %add3A_725, %broadcast_in_dim3A_732 : vector<16xi1>, vector<16xf32>
    %reduce_sum3A_734 = arith.constant true
    %reduce_sum3A_735 = vector.broadcast %reduce_sum3A_734 : i1 to vector<16xi1>
    %reduce_sum3A_736 = tpu.scan <sum>, %select_n3A_733 masked %reduce_sum3A_735 : vector<16xf32>, vector<16xi1> -> vector<16xf32>
    %reduce_sum3A_737 = vector.extract %reduce_sum3A_736[15] : f32 from vector<16xf32>
    %get3A_738 = arith.constant 64 : index
    %get3A_739 = tpu.vector_load %arg14[%get3A_738] {strides = array<i32>} : memref<128xf32, #tpu.memory_space<vmem>>, vector<16xf32>,
    %broadcast_in_dim3A_740 = arith.constant true
    %broadcast_in_dim3A_741 = vector.broadcast %broadcast_in_dim3A_740 : i1 to vector<16xi1>
    %masked_cumsum3A_742 = tpu.scan <sum>, %get3A_739 masked %broadcast_in_dim3A_741 : vector<16xf32>, vector<16xi1> -> vector<16xf32>
    %add3A_743 = vector.broadcast %reduce_sum3A_737 : f32 to vector<16xf32>
    %add3A_744 = arith.addf %masked_cumsum3A_742, %add3A_743 : vector<16xf32>
    %swap3A_745 = arith.constant 64 : index
    %swap3A_746 = tpu.vector_load %arg15[%swap3A_745] {strides = array<i32>} : memref<128xf32, #tpu.memory_space<vmem>>, vector<16xf32>,
    tpu.vector_store %arg15[%swap3A_745], %add3A_744 {strides = array<i32>} : memref<128xf32, #tpu.memory_space<vmem>>, vector<16xf32>,
    %eq3A_747 = arith.constant 15 : i32
    %eq3A_748 = vector.broadcast %eq3A_747 : i32 to vector<16xi32>
    %eq3A_749 = arith.cmpi eq, %iota3A, %eq3A_748 : vector<16xi32>
    %jit3A_750 = arith.constant 0.000000e+00 : f32
    %broadcast_in_dim3A_751 = vector.broadcast %jit3A_750 : f32 to vector<16xf32>
    %select_n3A_752 = arith.select %eq3A_749, %add3A_744, %broadcast_in_dim3A_751 : vector<16xi1>, vector<16xf32>
    %reduce_sum3A_753 = arith.constant true
    %reduce_sum3A_754 = vector.broadcast %reduce_sum3A_753 : i1 to vector<16xi1>
    %reduce_sum3A_755 = tpu.scan <sum>, %select_n3A_752 masked %reduce_sum3A_754 : vector<16xf32>, vector<16xi1> -> vector<16xf32>
    %reduce_sum3A_756 = vector.extract %reduce_sum3A_755[15] : f32 from vector<16xf32>
    %get3A_757 = arith.constant 80 : index
    %get3A_758 = tpu.vector_load %arg14[%get3A_757] {strides = array<i32>} : memref<128xf32, #tpu.memory_space<vmem>>, vector<16xf32>,
    %broadcast_in_dim3A_759 = arith.constant true
    %broadcast_in_dim3A_760 = vector.broadcast %broadcast_in_dim3A_759 : i1 to vector<16xi1>
    %masked_cumsum3A_761 = tpu.scan <sum>, %get3A_758 masked %broadcast_in_dim3A_760 : vector<16xf32>, vector<16xi1> -> vector<16xf32>
    %add3A_762 = vector.broadcast %reduce_sum3A_756 : f32 to vector<16xf32>
    %add3A_763 = arith.addf %masked_cumsum3A_761, %add3A_762 : vector<16xf32>
    %swap3A_764 = arith.constant 80 : index
    %swap3A_765 = tpu.vector_load %arg15[%swap3A_764] {strides = array<i32>} : memref<128xf32, #tpu.memory_space<vmem>>, vector<16xf32>,
    tpu.vector_store %arg15[%swap3A_764], %add3A_763 {strides = array<i32>} : memref<128xf32, #tpu.memory_space<vmem>>, vector<16xf32>,
    %eq3A_766 = arith.constant 15 : i32
    %eq3A_767 = vector.broadcast %eq3A_766 : i32 to vector<16xi32>
    %eq3A_768 = arith.cmpi eq, %iota3A, %eq3A_767 : vector<16xi32>
    %jit3A_769 = arith.constant 0.000000e+00 : f32
    %broadcast_in_dim3A_770 = vector.broadcast %jit3A_769 : f32 to vector<16xf32>
    %select_n3A_771 = arith.select %eq3A_768, %add3A_763, %broadcast_in_dim3A_770 : vector<16xi1>, vector<16xf32>
    %reduce_sum3A_772 = arith.constant true
    %reduce_sum3A_773 = vector.broadcast %reduce_sum3A_772 : i1 to vector<16xi1>
    %reduce_sum3A_774 = tpu.scan <sum>, %select_n3A_771 masked %reduce_sum3A_773 : vector<16xf32>, vector<16xi1> -> vector<16xf32>
    %reduce_sum3A_775 = vector.extract %reduce_sum3A_774[15] : f32 from vector<16xf32>
    %get3A_776 = arith.constant 96 : index
    %get3A_777 = tpu.vector_load %arg14[%get3A_776] {strides = array<i32>} : memref<128xf32, #tpu.memory_space<vmem>>, vector<16xf32>,
    %broadcast_in_dim3A_778 = arith.constant true
    %broadcast_in_dim3A_779 = vector.broadcast %broadcast_in_dim3A_778 : i1 to vector<16xi1>
    %masked_cumsum3A_780 = tpu.scan <sum>, %get3A_777 masked %broadcast_in_dim3A_779 : vector<16xf32>, vector<16xi1> -> vector<16xf32>
    %add3A_781 = vector.broadcast %reduce_sum3A_775 : f32 to vector<16xf32>
    %add3A_782 = arith.addf %masked_cumsum3A_780, %add3A_781 : vector<16xf32>
    %swap3A_783 = arith.constant 96 : index
    %swap3A_784 = tpu.vector_load %arg15[%swap3A_783] {strides = array<i32>} : memref<128xf32, #tpu.memory_space<vmem>>, vector<16xf32>,
    tpu.vector_store %arg15[%swap3A_783], %add3A_782 {strides = array<i32>} : memref<128xf32, #tpu.memory_space<vmem>>, vector<16xf32>,
    %eq3A_785 = arith.constant 15 : i32
    %eq3A_786 = vector.broadcast %eq3A_785 : i32 to vector<16xi32>
    %eq3A_787 = arith.cmpi eq, %iota3A, %eq3A_786 : vector<16xi32>
    %jit3A_788 = arith.constant 0.000000e+00 : f32
    %broadcast_in_dim3A_789 = vector.broadcast %jit3A_788 : f32 to vector<16xf32>
    %select_n3A_790 = arith.select %eq3A_787, %add3A_782, %broadcast_in_dim3A_789 : vector<16xi1>, vector<16xf32>
    %reduce_sum3A_791 = arith.constant true
    %reduce_sum3A_792 = vector.broadcast %reduce_sum3A_791 : i1 to vector<16xi1>
    %reduce_sum3A_793 = tpu.scan <sum>, %select_n3A_790 masked %reduce_sum3A_792 : vector<16xf32>, vector<16xi1> -> vector<16xf32>
    %reduce_sum3A_794 = vector.extract %reduce_sum3A_793[15] : f32 from vector<16xf32>
    %get3A_795 = arith.constant 112 : index
    %get3A_796 = tpu.vector_load %arg14[%get3A_795] {strides = array<i32>} : memref<128xf32, #tpu.memory_space<vmem>>, vector<16xf32>,
    %broadcast_in_dim3A_797 = arith.constant true
    %broadcast_in_dim3A_798 = vector.broadcast %broadcast_in_dim3A_797 : i1 to vector<16xi1>
    %masked_cumsum3A_799 = tpu.scan <sum>, %get3A_796 masked %broadcast_in_dim3A_798 : vector<16xf32>, vector<16xi1> -> vector<16xf32>
    %add3A_800 = vector.broadcast %reduce_sum3A_794 : f32 to vector<16xf32>
    %add3A_801 = arith.addf %masked_cumsum3A_799, %add3A_800 : vector<16xf32>
    %swap3A_802 = arith.constant 112 : index
    %swap3A_803 = tpu.vector_load %arg15[%swap3A_802] {strides = array<i32>} : memref<128xf32, #tpu.memory_space<vmem>>, vector<16xf32>,
    tpu.vector_store %arg15[%swap3A_802], %add3A_801 {strides = array<i32>} : memref<128xf32, #tpu.memory_space<vmem>>, vector<16xf32>,
    %eq3A_804 = arith.constant 15 : i32
    %eq3A_805 = vector.broadcast %eq3A_804 : i32 to vector<16xi32>
    %eq3A_806 = arith.cmpi eq, %iota3A, %eq3A_805 : vector<16xi32>
    %jit3A_807 = arith.constant 0.000000e+00 : f32
    %broadcast_in_dim3A_808 = vector.broadcast %jit3A_807 : f32 to vector<16xf32>
    %select_n3A_809 = arith.select %eq3A_806, %add3A_801, %broadcast_in_dim3A_808 : vector<16xi1>, vector<16xf32>
    %reduce_sum3A_810 = arith.constant true
    %reduce_sum3A_811 = vector.broadcast %reduce_sum3A_810 : i1 to vector<16xi1>
    %reduce_sum3A_812 = tpu.scan <sum>, %select_n3A_809 masked %reduce_sum3A_811 : vector<16xf32>, vector<16xi1> -> vector<16xf32>
    %reduce_sum3A_813 = vector.extract %reduce_sum3A_812[15] : f32 from vector<16xf32>
    %get3A_814 = arith.constant 0 : index
    %get3A_815 = tpu.vector_load %arg12[%get3A_814] {strides = array<i32>} : memref<144xf32, #tpu.memory_space<vmem>>, vector<16xf32>,
    %gather3A = tpu.vector_load_idx %arg15[%scan3A_221#0] : memref<128xf32, #tpu.memory_space<vmem>>[vector<16xi32>], vector<16xf32>,
    %ge3A_816 = vector.broadcast %add3A_504 : f32 to vector<16xf32>
    %ge3A_817 = arith.cmpf oge, %get3A_815, %ge3A_816 : vector<16xf32>
    %eq3A_818 = arith.constant 0 : i32
    %eq3A_819 = vector.broadcast %eq3A_818 : i32 to vector<16xi32>
    %eq3A_820 = arith.cmpi eq, %scan3A_221#0, %eq3A_819 : vector<16xi32>
    %le3A = arith.constant 0.899999976 : f32
    %le3A_821 = vector.broadcast %le3A : f32 to vector<16xf32>
    %le3A_822 = arith.cmpf ole, %gather3A, %le3A_821 : vector<16xf32>
    %or3A = arith.ori %eq3A_820, %le3A_822 : vector<16xi1>
    %and3A = arith.andi %ge3A_817, %or3A : vector<16xi1>
    %jit3A_823 = arith.constant 0.000000e+00 : f32
    %broadcast_in_dim3A_824 = vector.broadcast %jit3A_823 : f32 to vector<16xf32>
    %select_n3A_825 = arith.select %and3A, %select_n3A_534, %broadcast_in_dim3A_824 : vector<16xi1>, vector<16xf32>
    %reduce_sum3A_826 = arith.constant true
    %reduce_sum3A_827 = vector.broadcast %reduce_sum3A_826 : i1 to vector<16xi1>
    %reduce_sum3A_828 = tpu.scan <sum>, %select_n3A_825 masked %reduce_sum3A_827 : vector<16xf32>, vector<16xi1> -> vector<16xf32>
    %reduce_sum3A_829 = vector.extract %reduce_sum3A_828[15] : f32 from vector<16xf32>
    %add3A_830 = arith.constant 0.000000e+00 : f32
    %add3A_831 = arith.addf %add3A_830, %reduce_sum3A_829 : f32
    %get3A_832 = arith.constant 16 : index
    %get3A_833 = tpu.vector_load %arg12[%get3A_832] {strides = array<i32>} : memref<144xf32, #tpu.memory_space<vmem>>, vector<16xf32>,
    %gather3A_834 = tpu.vector_load_idx %arg15[%scan3A_221#1] : memref<128xf32, #tpu.memory_space<vmem>>[vector<16xi32>], vector<16xf32>,
    %ge3A_835 = vector.broadcast %add3A_504 : f32 to vector<16xf32>
    %ge3A_836 = arith.cmpf oge, %get3A_833, %ge3A_835 : vector<16xf32>
    %eq3A_837 = arith.constant 0 : i32
    %eq3A_838 = vector.broadcast %eq3A_837 : i32 to vector<16xi32>
    %eq3A_839 = arith.cmpi eq, %scan3A_221#1, %eq3A_838 : vector<16xi32>
    %le3A_840 = arith.constant 0.899999976 : f32
    %le3A_841 = vector.broadcast %le3A_840 : f32 to vector<16xf32>
    %le3A_842 = arith.cmpf ole, %gather3A_834, %le3A_841 : vector<16xf32>
    %or3A_843 = arith.ori %eq3A_839, %le3A_842 : vector<16xi1>
    %and3A_844 = arith.andi %ge3A_836, %or3A_843 : vector<16xi1>
    %jit3A_845 = arith.constant 0.000000e+00 : f32
    %broadcast_in_dim3A_846 = vector.broadcast %jit3A_845 : f32 to vector<16xf32>
    %select_n3A_847 = arith.select %and3A_844, %select_n3A_550, %broadcast_in_dim3A_846 : vector<16xi1>, vector<16xf32>
    %reduce_sum3A_848 = arith.constant true
    %reduce_sum3A_849 = vector.broadcast %reduce_sum3A_848 : i1 to vector<16xi1>
    %reduce_sum3A_850 = tpu.scan <sum>, %select_n3A_847 masked %reduce_sum3A_849 : vector<16xf32>, vector<16xi1> -> vector<16xf32>
    %reduce_sum3A_851 = vector.extract %reduce_sum3A_850[15] : f32 from vector<16xf32>
    %add3A_852 = arith.addf %add3A_831, %reduce_sum3A_851 : f32
    %get3A_853 = arith.constant 32 : index
    %get3A_854 = tpu.vector_load %arg12[%get3A_853] {strides = array<i32>} : memref<144xf32, #tpu.memory_space<vmem>>, vector<16xf32>,
    %gather3A_855 = tpu.vector_load_idx %arg15[%scan3A_221#2] : memref<128xf32, #tpu.memory_space<vmem>>[vector<16xi32>], vector<16xf32>,
    %ge3A_856 = vector.broadcast %add3A_504 : f32 to vector<16xf32>
    %ge3A_857 = arith.cmpf oge, %get3A_854, %ge3A_856 : vector<16xf32>
    %eq3A_858 = arith.constant 0 : i32
    %eq3A_859 = vector.broadcast %eq3A_858 : i32 to vector<16xi32>
    %eq3A_860 = arith.cmpi eq, %scan3A_221#2, %eq3A_859 : vector<16xi32>
    %le3A_861 = arith.constant 0.899999976 : f32
    %le3A_862 = vector.broadcast %le3A_861 : f32 to vector<16xf32>
    %le3A_863 = arith.cmpf ole, %gather3A_855, %le3A_862 : vector<16xf32>
    %or3A_864 = arith.ori %eq3A_860, %le3A_863 : vector<16xi1>
    %and3A_865 = arith.andi %ge3A_857, %or3A_864 : vector<16xi1>
    %jit3A_866 = arith.constant 0.000000e+00 : f32
    %broadcast_in_dim3A_867 = vector.broadcast %jit3A_866 : f32 to vector<16xf32>
    %select_n3A_868 = arith.select %and3A_865, %select_n3A_565, %broadcast_in_dim3A_867 : vector<16xi1>, vector<16xf32>
    %reduce_sum3A_869 = arith.constant true
    %reduce_sum3A_870 = vector.broadcast %reduce_sum3A_869 : i1 to vector<16xi1>
    %reduce_sum3A_871 = tpu.scan <sum>, %select_n3A_868 masked %reduce_sum3A_870 : vector<16xf32>, vector<16xi1> -> vector<16xf32>
    %reduce_sum3A_872 = vector.extract %reduce_sum3A_871[15] : f32 from vector<16xf32>
    %add3A_873 = arith.addf %add3A_852, %reduce_sum3A_872 : f32
    %get3A_874 = arith.constant 48 : index
    %get3A_875 = tpu.vector_load %arg12[%get3A_874] {strides = array<i32>} : memref<144xf32, #tpu.memory_space<vmem>>, vector<16xf32>,
    %gather3A_876 = tpu.vector_load_idx %arg15[%scan3A_221#3] : memref<128xf32, #tpu.memory_space<vmem>>[vector<16xi32>], vector<16xf32>,
    %ge3A_877 = vector.broadcast %add3A_504 : f32 to vector<16xf32>
    %ge3A_878 = arith.cmpf oge, %get3A_875, %ge3A_877 : vector<16xf32>
    %eq3A_879 = arith.constant 0 : i32
    %eq3A_880 = vector.broadcast %eq3A_879 : i32 to vector<16xi32>
    %eq3A_881 = arith.cmpi eq, %scan3A_221#3, %eq3A_880 : vector<16xi32>
    %le3A_882 = arith.constant 0.899999976 : f32
    %le3A_883 = vector.broadcast %le3A_882 : f32 to vector<16xf32>
    %le3A_884 = arith.cmpf ole, %gather3A_876, %le3A_883 : vector<16xf32>
    %or3A_885 = arith.ori %eq3A_881, %le3A_884 : vector<16xi1>
    %and3A_886 = arith.andi %ge3A_878, %or3A_885 : vector<16xi1>
    %jit3A_887 = arith.constant 0.000000e+00 : f32
    %broadcast_in_dim3A_888 = vector.broadcast %jit3A_887 : f32 to vector<16xf32>
    %select_n3A_889 = arith.select %and3A_886, %select_n3A_580, %broadcast_in_dim3A_888 : vector<16xi1>, vector<16xf32>
    %reduce_sum3A_890 = arith.constant true
    %reduce_sum3A_891 = vector.broadcast %reduce_sum3A_890 : i1 to vector<16xi1>
    %reduce_sum3A_892 = tpu.scan <sum>, %select_n3A_889 masked %reduce_sum3A_891 : vector<16xf32>, vector<16xi1> -> vector<16xf32>
    %reduce_sum3A_893 = vector.extract %reduce_sum3A_892[15] : f32 from vector<16xf32>
    %add3A_894 = arith.addf %add3A_873, %reduce_sum3A_893 : f32
    %get3A_895 = arith.constant 64 : index
    %get3A_896 = tpu.vector_load %arg12[%get3A_895] {strides = array<i32>} : memref<144xf32, #tpu.memory_space<vmem>>, vector<16xf32>,
    %gather3A_897 = tpu.vector_load_idx %arg15[%scan3A_221#4] : memref<128xf32, #tpu.memory_space<vmem>>[vector<16xi32>], vector<16xf32>,
    %ge3A_898 = vector.broadcast %add3A_504 : f32 to vector<16xf32>
    %ge3A_899 = arith.cmpf oge, %get3A_896, %ge3A_898 : vector<16xf32>
    %eq3A_900 = arith.constant 0 : i32
    %eq3A_901 = vector.broadcast %eq3A_900 : i32 to vector<16xi32>
    %eq3A_902 = arith.cmpi eq, %scan3A_221#4, %eq3A_901 : vector<16xi32>
    %le3A_903 = arith.constant 0.899999976 : f32
    %le3A_904 = vector.broadcast %le3A_903 : f32 to vector<16xf32>
    %le3A_905 = arith.cmpf ole, %gather3A_897, %le3A_904 : vector<16xf32>
    %or3A_906 = arith.ori %eq3A_902, %le3A_905 : vector<16xi1>
    %and3A_907 = arith.andi %ge3A_899, %or3A_906 : vector<16xi1>
    %jit3A_908 = arith.constant 0.000000e+00 : f32
    %broadcast_in_dim3A_909 = vector.broadcast %jit3A_908 : f32 to vector<16xf32>
    %select_n3A_910 = arith.select %and3A_907, %select_n3A_595, %broadcast_in_dim3A_909 : vector<16xi1>, vector<16xf32>
    %reduce_sum3A_911 = arith.constant true
    %reduce_sum3A_912 = vector.broadcast %reduce_sum3A_911 : i1 to vector<16xi1>
    %reduce_sum3A_913 = tpu.scan <sum>, %select_n3A_910 masked %reduce_sum3A_912 : vector<16xf32>, vector<16xi1> -> vector<16xf32>
    %reduce_sum3A_914 = vector.extract %reduce_sum3A_913[15] : f32 from vector<16xf32>
    %add3A_915 = arith.addf %add3A_894, %reduce_sum3A_914 : f32
    %get3A_916 = arith.constant 80 : index
    %get3A_917 = tpu.vector_load %arg12[%get3A_916] {strides = array<i32>} : memref<144xf32, #tpu.memory_space<vmem>>, vector<16xf32>,
    %gather3A_918 = tpu.vector_load_idx %arg15[%scan3A_221#5] : memref<128xf32, #tpu.memory_space<vmem>>[vector<16xi32>], vector<16xf32>,
    %ge3A_919 = vector.broadcast %add3A_504 : f32 to vector<16xf32>
    %ge3A_920 = arith.cmpf oge, %get3A_917, %ge3A_919 : vector<16xf32>
    %eq3A_921 = arith.constant 0 : i32
    %eq3A_922 = vector.broadcast %eq3A_921 : i32 to vector<16xi32>
    %eq3A_923 = arith.cmpi eq, %scan3A_221#5, %eq3A_922 : vector<16xi32>
    %le3A_924 = arith.constant 0.899999976 : f32
    %le3A_925 = vector.broadcast %le3A_924 : f32 to vector<16xf32>
    %le3A_926 = arith.cmpf ole, %gather3A_918, %le3A_925 : vector<16xf32>
    %or3A_927 = arith.ori %eq3A_923, %le3A_926 : vector<16xi1>
    %and3A_928 = arith.andi %ge3A_920, %or3A_927 : vector<16xi1>
    %jit3A_929 = arith.constant 0.000000e+00 : f32
    %broadcast_in_dim3A_930 = vector.broadcast %jit3A_929 : f32 to vector<16xf32>
    %select_n3A_931 = arith.select %and3A_928, %select_n3A_610, %broadcast_in_dim3A_930 : vector<16xi1>, vector<16xf32>
    %reduce_sum3A_932 = arith.constant true
    %reduce_sum3A_933 = vector.broadcast %reduce_sum3A_932 : i1 to vector<16xi1>
    %reduce_sum3A_934 = tpu.scan <sum>, %select_n3A_931 masked %reduce_sum3A_933 : vector<16xf32>, vector<16xi1> -> vector<16xf32>
    %reduce_sum3A_935 = vector.extract %reduce_sum3A_934[15] : f32 from vector<16xf32>
    %add3A_936 = arith.addf %add3A_915, %reduce_sum3A_935 : f32
    %get3A_937 = arith.constant 96 : index
    %get3A_938 = tpu.vector_load %arg12[%get3A_937] {strides = array<i32>} : memref<144xf32, #tpu.memory_space<vmem>>, vector<16xf32>,
    %gather3A_939 = tpu.vector_load_idx %arg15[%scan3A_221#6] : memref<128xf32, #tpu.memory_space<vmem>>[vector<16xi32>], vector<16xf32>,
    %ge3A_940 = vector.broadcast %add3A_504 : f32 to vector<16xf32>
    %ge3A_941 = arith.cmpf oge, %get3A_938, %ge3A_940 : vector<16xf32>
    %eq3A_942 = arith.constant 0 : i32
    %eq3A_943 = vector.broadcast %eq3A_942 : i32 to vector<16xi32>
    %eq3A_944 = arith.cmpi eq, %scan3A_221#6, %eq3A_943 : vector<16xi32>
    %le3A_945 = arith.constant 0.899999976 : f32
    %le3A_946 = vector.broadcast %le3A_945 : f32 to vector<16xf32>
    %le3A_947 = arith.cmpf ole, %gather3A_939, %le3A_946 : vector<16xf32>
    %or3A_948 = arith.ori %eq3A_944, %le3A_947 : vector<16xi1>
    %and3A_949 = arith.andi %ge3A_941, %or3A_948 : vector<16xi1>
    %jit3A_950 = arith.constant 0.000000e+00 : f32
    %broadcast_in_dim3A_951 = vector.broadcast %jit3A_950 : f32 to vector<16xf32>
    %select_n3A_952 = arith.select %and3A_949, %select_n3A_625, %broadcast_in_dim3A_951 : vector<16xi1>, vector<16xf32>
    %reduce_sum3A_953 = arith.constant true
    %reduce_sum3A_954 = vector.broadcast %reduce_sum3A_953 : i1 to vector<16xi1>
    %reduce_sum3A_955 = tpu.scan <sum>, %select_n3A_952 masked %reduce_sum3A_954 : vector<16xf32>, vector<16xi1> -> vector<16xf32>
    %reduce_sum3A_956 = vector.extract %reduce_sum3A_955[15] : f32 from vector<16xf32>
    %add3A_957 = arith.addf %add3A_936, %reduce_sum3A_956 : f32
    %get3A_958 = arith.constant 112 : index
    %get3A_959 = tpu.vector_load %arg12[%get3A_958] {strides = array<i32>} : memref<144xf32, #tpu.memory_space<vmem>>, vector<16xf32>,
    %gather3A_960 = tpu.vector_load_idx %arg15[%scan3A_221#7] : memref<128xf32, #tpu.memory_space<vmem>>[vector<16xi32>], vector<16xf32>,
    %ge3A_961 = vector.broadcast %add3A_504 : f32 to vector<16xf32>
    %ge3A_962 = arith.cmpf oge, %get3A_959, %ge3A_961 : vector<16xf32>
    %eq3A_963 = arith.constant 0 : i32
    %eq3A_964 = vector.broadcast %eq3A_963 : i32 to vector<16xi32>
    %eq3A_965 = arith.cmpi eq, %scan3A_221#7, %eq3A_964 : vector<16xi32>
    %le3A_966 = arith.constant 0.899999976 : f32
    %le3A_967 = vector.broadcast %le3A_966 : f32 to vector<16xf32>
    %le3A_968 = arith.cmpf ole, %gather3A_960, %le3A_967 : vector<16xf32>
    %or3A_969 = arith.ori %eq3A_965, %le3A_968 : vector<16xi1>
    %and3A_970 = arith.andi %ge3A_962, %or3A_969 : vector<16xi1>
    %jit3A_971 = arith.constant 0.000000e+00 : f32
    %broadcast_in_dim3A_972 = vector.broadcast %jit3A_971 : f32 to vector<16xf32>
    %select_n3A_973 = arith.select %and3A_970, %select_n3A_640, %broadcast_in_dim3A_972 : vector<16xi1>, vector<16xf32>
    %reduce_sum3A_974 = arith.constant true
    %reduce_sum3A_975 = vector.broadcast %reduce_sum3A_974 : i1 to vector<16xi1>
    %reduce_sum3A_976 = tpu.scan <sum>, %select_n3A_973 masked %reduce_sum3A_975 : vector<16xf32>, vector<16xi1> -> vector<16xf32>
    %reduce_sum3A_977 = vector.extract %reduce_sum3A_976[15] : f32 from vector<16xf32>
    %add3A_978 = arith.addf %add3A_957, %reduce_sum3A_977 : f32
    %broadcast_in_dim3A_979 = arith.constant 0.000000e+00 : f32
    %broadcast_in_dim3A_980 = vector.broadcast %broadcast_in_dim3A_979 : f32 to vector<16xf32>
    %scan3A_981 = arith.constant 0 : i32
    %scan3A_982 = arith.constant 0 : i32
    %scan3A_983 = arith.constant 6250 : i32
    %scan3A_984 = arith.addi %scan3A_982, %scan3A_983 : i32
    %scan3A_985 = arith.constant 1 : i32
    %scan3A_986 = scf.for %scan3A_2113 = %scan3A_982 to %scan3A_984 step %scan3A_985 iter_args(%scan3A_2114 = %scan3A_981) -> (i32)  : i32 {
      %mul3A_2115 = arith.constant 16 : i32
      %mul3A_2116 = arith.muli %scan3A_2113, %mul3A_2115 : i32
      %swap3A_2117 = arith.index_cast %mul3A_2116 : i32 to index
      %swap3A_2118 = tpu.vector_load %arg7[%swap3A_2117] {strides = array<i32>} : memref<100000xf32, #tpu.memory_space<vmem>>, vector<16xf32>,
      tpu.vector_store %arg7[%swap3A_2117], %broadcast_in_dim3A_980 {strides = array<i32>} : memref<100000xf32, #tpu.memory_space<vmem>>, vector<16xf32>,
      %scan3A_2119 = arith.constant 0 : i32
      scf.yield %scan3A_2119 : i32
    }
    %scan3A_987 = arith.constant 6250 : i32
    %div3A_988 = vector.broadcast %add3A_978 : f32 to vector<16xf32>
    %div3A_989 = arith.divf %select_n3A_825, %div3A_988 : vector<16xf32>
    %get3A_990 = arith.constant 0 : index
    %get3A_991 = tpu.vector_load %arg13[%get3A_990] {strides = array<i32>} : memref<128xi32, #tpu.memory_space<vmem>>, vector<16xi32>,
    %gt3A_992 = arith.constant 0.000000e+00 : f32
    %gt3A_993 = vector.broadcast %gt3A_992 : f32 to vector<16xf32>
    %gt3A_994 = arith.cmpf ogt, %div3A_989, %gt3A_993 : vector<16xf32>
    tpu.vector_store_idx %arg7[%get3A_991], %div3A_989 masked %gt3A_994 : memref<100000xf32, #tpu.memory_space<vmem>>[vector<16xi32>], vector<16xf32>, vector<16xi1>
    %div3A_995 = vector.broadcast %add3A_978 : f32 to vector<16xf32>
    %div3A_996 = arith.divf %select_n3A_847, %div3A_995 : vector<16xf32>
    %get3A_997 = arith.constant 16 : index
    %get3A_998 = tpu.vector_load %arg13[%get3A_997] {strides = array<i32>} : memref<128xi32, #tpu.memory_space<vmem>>, vector<16xi32>,
    %gt3A_999 = arith.constant 0.000000e+00 : f32
    %gt3A_1000 = vector.broadcast %gt3A_999 : f32 to vector<16xf32>
    %gt3A_1001 = arith.cmpf ogt, %div3A_996, %gt3A_1000 : vector<16xf32>
    tpu.vector_store_idx %arg7[%get3A_998], %div3A_996 masked %gt3A_1001 : memref<100000xf32, #tpu.memory_space<vmem>>[vector<16xi32>], vector<16xf32>, vector<16xi1>
    %div3A_1002 = vector.broadcast %add3A_978 : f32 to vector<16xf32>
    %div3A_1003 = arith.divf %select_n3A_868, %div3A_1002 : vector<16xf32>
    %get3A_1004 = arith.constant 32 : index
    %get3A_1005 = tpu.vector_load %arg13[%get3A_1004] {strides = array<i32>} : memref<128xi32, #tpu.memory_space<vmem>>, vector<16xi32>,
    %gt3A_1006 = arith.constant 0.000000e+00 : f32
    %gt3A_1007 = vector.broadcast %gt3A_1006 : f32 to vector<16xf32>
    %gt3A_1008 = arith.cmpf ogt, %div3A_1003, %gt3A_1007 : vector<16xf32>
    tpu.vector_store_idx %arg7[%get3A_1005], %div3A_1003 masked %gt3A_1008 : memref<100000xf32, #tpu.memory_space<vmem>>[vector<16xi32>], vector<16xf32>, vector<16xi1>
    %div3A_1009 = vector.broadcast %add3A_978 : f32 to vector<16xf32>
    %div3A_1010 = arith.divf %select_n3A_889, %div3A_1009 : vector<16xf32>
    %get3A_1011 = arith.constant 48 : index
    %get3A_1012 = tpu.vector_load %arg13[%get3A_1011] {strides = array<i32>} : memref<128xi32, #tpu.memory_space<vmem>>, vector<16xi32>,
    %gt3A_1013 = arith.constant 0.000000e+00 : f32
    %gt3A_1014 = vector.broadcast %gt3A_1013 : f32 to vector<16xf32>
    %gt3A_1015 = arith.cmpf ogt, %div3A_1010, %gt3A_1014 : vector<16xf32>
    tpu.vector_store_idx %arg7[%get3A_1012], %div3A_1010 masked %gt3A_1015 : memref<100000xf32, #tpu.memory_space<vmem>>[vector<16xi32>], vector<16xf32>, vector<16xi1>
    %div3A_1016 = vector.broadcast %add3A_978 : f32 to vector<16xf32>
    %div3A_1017 = arith.divf %select_n3A_910, %div3A_1016 : vector<16xf32>
    %get3A_1018 = arith.constant 64 : index
    %get3A_1019 = tpu.vector_load %arg13[%get3A_1018] {strides = array<i32>} : memref<128xi32, #tpu.memory_space<vmem>>, vector<16xi32>,
    %gt3A_1020 = arith.constant 0.000000e+00 : f32
    %gt3A_1021 = vector.broadcast %gt3A_1020 : f32 to vector<16xf32>
    %gt3A_1022 = arith.cmpf ogt, %div3A_1017, %gt3A_1021 : vector<16xf32>
    tpu.vector_store_idx %arg7[%get3A_1019], %div3A_1017 masked %gt3A_1022 : memref<100000xf32, #tpu.memory_space<vmem>>[vector<16xi32>], vector<16xf32>, vector<16xi1>
    %div3A_1023 = vector.broadcast %add3A_978 : f32 to vector<16xf32>
    %div3A_1024 = arith.divf %select_n3A_931, %div3A_1023 : vector<16xf32>
    %get3A_1025 = arith.constant 80 : index
    %get3A_1026 = tpu.vector_load %arg13[%get3A_1025] {strides = array<i32>} : memref<128xi32, #tpu.memory_space<vmem>>, vector<16xi32>,
    %gt3A_1027 = arith.constant 0.000000e+00 : f32
    %gt3A_1028 = vector.broadcast %gt3A_1027 : f32 to vector<16xf32>
    %gt3A_1029 = arith.cmpf ogt, %div3A_1024, %gt3A_1028 : vector<16xf32>
    tpu.vector_store_idx %arg7[%get3A_1026], %div3A_1024 masked %gt3A_1029 : memref<100000xf32, #tpu.memory_space<vmem>>[vector<16xi32>], vector<16xf32>, vector<16xi1>
    %div3A_1030 = vector.broadcast %add3A_978 : f32 to vector<16xf32>
    %div3A_1031 = arith.divf %select_n3A_952, %div3A_1030 : vector<16xf32>
    %get3A_1032 = arith.constant 96 : index
    %get3A_1033 = tpu.vector_load %arg13[%get3A_1032] {strides = array<i32>} : memref<128xi32, #tpu.memory_space<vmem>>, vector<16xi32>,
    %gt3A_1034 = arith.constant 0.000000e+00 : f32
    %gt3A_1035 = vector.broadcast %gt3A_1034 : f32 to vector<16xf32>
    %gt3A_1036 = arith.cmpf ogt, %div3A_1031, %gt3A_1035 : vector<16xf32>
    tpu.vector_store_idx %arg7[%get3A_1033], %div3A_1031 masked %gt3A_1036 : memref<100000xf32, #tpu.memory_space<vmem>>[vector<16xi32>], vector<16xf32>, vector<16xi1>
    %div3A_1037 = vector.broadcast %add3A_978 : f32 to vector<16xf32>
    %div3A_1038 = arith.divf %select_n3A_973, %div3A_1037 : vector<16xf32>
    %get3A_1039 = arith.constant 112 : index
    %get3A_1040 = tpu.vector_load %arg13[%get3A_1039] {strides = array<i32>} : memref<128xi32, #tpu.memory_space<vmem>>, vector<16xi32>,
    %gt3A_1041 = arith.constant 0.000000e+00 : f32
    %gt3A_1042 = vector.broadcast %gt3A_1041 : f32 to vector<16xf32>
    %gt3A_1043 = arith.cmpf ogt, %div3A_1038, %gt3A_1042 : vector<16xf32>
    tpu.vector_store_idx %arg7[%get3A_1040], %div3A_1038 masked %gt3A_1043 : memref<100000xf32, #tpu.memory_space<vmem>>[vector<16xi32>], vector<16xf32>, vector<16xi1>
    "tpu.region"() ({
      %run_scoped3A = tpu.sem_alloc : memref<!tpu.dma_semaphore, #tpu.memory_space<semaphore_mem>>
      %dma_start3A = arith.constant 0 : i32
      %dma_start3A_2113 = tpu.memref_slice %arg5[%add3A_5, %dma_start3A] : memref<64x100000xf32, #tpu.memory_space<hbm>> -> memref<1x100000xf32, #tpu.memory_space<hbm>>
      %dma_start3A_2114 = tpu.memref_squeeze %dma_start3A_2113 : memref<1x100000xf32, #tpu.memory_space<hbm>> -> memref<100000xf32, #tpu.memory_space<hbm>>
      %dma_start3A_2115 = arith.constant 0 : i32
      %dma_start3A_2116 = tpu.memref_slice %arg5[%add3A_5, %dma_start3A_2115] : memref<64x100000xf32, #tpu.memory_space<hbm>> -> memref<1x100000xf32, #tpu.memory_space<hbm>>
      %dma_start3A_2117 = tpu.memref_squeeze %dma_start3A_2116 : memref<1x100000xf32, #tpu.memory_space<hbm>> -> memref<100000xf32, #tpu.memory_space<hbm>>
      tpu.enqueue_dma source(%arg7 : memref<100000xf32, #tpu.memory_space<vmem>>) target(%dma_start3A_2117 : memref<100000xf32, #tpu.memory_space<hbm>>) target_semaphore(%run_scoped3A : memref<!tpu.dma_semaphore, #tpu.memory_space<semaphore_mem>>)
      %dma_wait3A = arith.constant 0 : i32
      %dma_wait3A_2118 = tpu.memref_slice %arg5[%add3A_5, %dma_wait3A] : memref<64x100000xf32, #tpu.memory_space<hbm>> -> memref<1x100000xf32, #tpu.memory_space<hbm>>
      %dma_wait3A_2119 = tpu.memref_squeeze %dma_wait3A_2118 : memref<1x100000xf32, #tpu.memory_space<hbm>> -> memref<100000xf32, #tpu.memory_space<hbm>>
      %dma_wait3A_2120 = arith.constant 0 : i32
      %dma_wait3A_2121 = tpu.memref_slice %arg5[%add3A_5, %dma_wait3A_2120] : memref<64x100000xf32, #tpu.memory_space<hbm>> -> memref<1x100000xf32, #tpu.memory_space<hbm>>
      %dma_wait3A_2122 = tpu.memref_squeeze %dma_wait3A_2121 : memref<1x100000xf32, #tpu.memory_space<hbm>> -> memref<100000xf32, #tpu.memory_space<hbm>>
      tpu.wait_dma2 semaphore(%run_scoped3A : memref<!tpu.dma_semaphore, #tpu.memory_space<semaphore_mem>>) src(%arg7 : memref<100000xf32, #tpu.memory_space<vmem>>) dst(%dma_wait3A_2122 : memref<100000xf32, #tpu.memory_space<hbm>>)
      tpu.yield
    }) : () -> ()
    %broadcast_in_dim3A_1044 = vector.broadcast %add3A_526 : i32 to vector<16xi32>
    %swap3A_1045 = arith.constant 0 : index
    %swap3A_1046 = tpu.vector_load %arg17[%swap3A_1045] {strides = array<i32>} : memref<16xi32, #tpu.memory_space<vmem>>, vector<16xi32>,
    tpu.vector_store %arg17[%swap3A_1045], %broadcast_in_dim3A_1044 {strides = array<i32>} : memref<16xi32, #tpu.memory_space<vmem>>, vector<16xi32>,
    "tpu.region"() ({
      %run_scoped3A = tpu.sem_alloc : memref<!tpu.dma_semaphore, #tpu.memory_space<semaphore_mem>>
      %dma_start3A = arith.constant 0 : i32
      %dma_start3A_2113 = tpu.memref_slice %arg6[%add3A_5, %dma_start3A] : memref<64x16xi32, #tpu.memory_space<hbm>> -> memref<1x16xi32, #tpu.memory_space<hbm>>
      %dma_start3A_2114 = tpu.memref_squeeze %dma_start3A_2113 : memref<1x16xi32, #tpu.memory_space<hbm>> -> memref<16xi32, #tpu.memory_space<hbm>>
      %dma_start3A_2115 = arith.constant 0 : i32
      %dma_start3A_2116 = tpu.memref_slice %arg6[%add3A_5, %dma_start3A_2115] : memref<64x16xi32, #tpu.memory_space<hbm>> -> memref<1x16xi32, #tpu.memory_space<hbm>>
      %dma_start3A_2117 = tpu.memref_squeeze %dma_start3A_2116 : memref<1x16xi32, #tpu.memory_space<hbm>> -> memref<16xi32, #tpu.memory_space<hbm>>
      tpu.enqueue_dma source(%arg17 : memref<16xi32, #tpu.memory_space<vmem>>) target(%dma_start3A_2117 : memref<16xi32, #tpu.memory_space<hbm>>) target_semaphore(%run_scoped3A : memref<!tpu.dma_semaphore, #tpu.memory_space<semaphore_mem>>)
      %dma_wait3A = arith.constant 0 : i32
      %dma_wait3A_2118 = tpu.memref_slice %arg6[%add3A_5, %dma_wait3A] : memref<64x16xi32, #tpu.memory_space<hbm>> -> memref<1x16xi32, #tpu.memory_space<hbm>>
      %dma_wait3A_2119 = tpu.memref_squeeze %dma_wait3A_2118 : memref<1x16xi32, #tpu.memory_space<hbm>> -> memref<16xi32, #tpu.memory_space<hbm>>
      %dma_wait3A_2120 = arith.constant 0 : i32
      %dma_wait3A_2121 = tpu.memref_slice %arg6[%add3A_5, %dma_wait3A_2120] : memref<64x16xi32, #tpu.memory_space<hbm>> -> memref<1x16xi32, #tpu.memory_space<hbm>>
      %dma_wait3A_2122 = tpu.memref_squeeze %dma_wait3A_2121 : memref<1x16xi32, #tpu.memory_space<hbm>> -> memref<16xi32, #tpu.memory_space<hbm>>
      tpu.wait_dma2 semaphore(%run_scoped3A : memref<!tpu.dma_semaphore, #tpu.memory_space<semaphore_mem>>) src(%arg17 : memref<16xi32, #tpu.memory_space<vmem>>) dst(%dma_wait3A_2122 : memref<16xi32, #tpu.memory_space<hbm>>)
      tpu.yield
    }) : () -> ()
    %mul3A_1047 = arith.constant 2 : i32
    %mul3A_1048 = arith.muli %add3A, %mul3A_1047 : i32
    %add3A_1049 = arith.constant 1 : i32
    %add3A_1050 = arith.addi %mul3A_1048, %add3A_1049 : i32
    "tpu.region"() ({
      %run_scoped3A = tpu.sem_alloc : memref<!tpu.dma_semaphore, #tpu.memory_space<semaphore_mem>>
      %dma_start3A = arith.constant 0 : i32
      %dma_start3A_2113 = tpu.memref_slice %arg2[%add3A_1050, %dma_start3A] : memref<64x100000xf32, #tpu.memory_space<hbm>> -> memref<1x100000xf32, #tpu.memory_space<hbm>>
      %dma_start3A_2114 = tpu.memref_squeeze %dma_start3A_2113 : memref<1x100000xf32, #tpu.memory_space<hbm>> -> memref<100000xf32, #tpu.memory_space<hbm>>
      %dma_start3A_2115 = arith.constant 0 : i32
      %dma_start3A_2116 = tpu.memref_slice %arg2[%add3A_1050, %dma_start3A_2115] : memref<64x100000xf32, #tpu.memory_space<hbm>> -> memref<1x100000xf32, #tpu.memory_space<hbm>>
      %dma_start3A_2117 = tpu.memref_squeeze %dma_start3A_2116 : memref<1x100000xf32, #tpu.memory_space<hbm>> -> memref<100000xf32, #tpu.memory_space<hbm>>
      tpu.enqueue_dma source(%dma_start3A_2117 : memref<100000xf32, #tpu.memory_space<hbm>>) target(%arg7 : memref<100000xf32, #tpu.memory_space<vmem>>) target_semaphore(%run_scoped3A : memref<!tpu.dma_semaphore, #tpu.memory_space<semaphore_mem>>)
      %dma_wait3A = arith.constant 0 : i32
      %dma_wait3A_2118 = tpu.memref_slice %arg2[%add3A_1050, %dma_wait3A] : memref<64x100000xf32, #tpu.memory_space<hbm>> -> memref<1x100000xf32, #tpu.memory_space<hbm>>
      %dma_wait3A_2119 = tpu.memref_squeeze %dma_wait3A_2118 : memref<1x100000xf32, #tpu.memory_space<hbm>> -> memref<100000xf32, #tpu.memory_space<hbm>>
      %dma_wait3A_2120 = arith.constant 0 : i32
      %dma_wait3A_2121 = tpu.memref_slice %arg2[%add3A_1050, %dma_wait3A_2120] : memref<64x100000xf32, #tpu.memory_space<hbm>> -> memref<1x100000xf32, #tpu.memory_space<hbm>>
      %dma_wait3A_2122 = tpu.memref_squeeze %dma_wait3A_2121 : memref<1x100000xf32, #tpu.memory_space<hbm>> -> memref<100000xf32, #tpu.memory_space<hbm>>
      tpu.wait_dma2 semaphore(%run_scoped3A : memref<!tpu.dma_semaphore, #tpu.memory_space<semaphore_mem>>) src(%dma_wait3A_2122 : memref<100000xf32, #tpu.memory_space<hbm>>) dst(%arg7 : memref<100000xf32, #tpu.memory_space<vmem>>)
      tpu.yield
    }) : () -> ()
    "tpu.region"() ({
      %run_scoped3A = tpu.sem_alloc : memref<!tpu.dma_semaphore, #tpu.memory_space<semaphore_mem>>
      %dma_start3A = arith.constant 0 : i32
      %dma_start3A_2113 = tpu.memref_slice %arg3[%add3A_1050, %dma_start3A] : memref<64x2048xi32, #tpu.memory_space<hbm>> -> memref<1x2048xi32, #tpu.memory_space<hbm>>
      %dma_start3A_2114 = tpu.memref_squeeze %dma_start3A_2113 : memref<1x2048xi32, #tpu.memory_space<hbm>> -> memref<2048xi32, #tpu.memory_space<hbm>>
      %dma_start3A_2115 = arith.constant 0 : i32
      %dma_start3A_2116 = tpu.memref_slice %arg3[%add3A_1050, %dma_start3A_2115] : memref<64x2048xi32, #tpu.memory_space<hbm>> -> memref<1x2048xi32, #tpu.memory_space<hbm>>
      %dma_start3A_2117 = tpu.memref_squeeze %dma_start3A_2116 : memref<1x2048xi32, #tpu.memory_space<hbm>> -> memref<2048xi32, #tpu.memory_space<hbm>>
      tpu.enqueue_dma source(%dma_start3A_2117 : memref<2048xi32, #tpu.memory_space<hbm>>) target(%arg8 : memref<2048xi32, #tpu.memory_space<vmem>>) target_semaphore(%run_scoped3A : memref<!tpu.dma_semaphore, #tpu.memory_space<semaphore_mem>>)
      %dma_wait3A = arith.constant 0 : i32
      %dma_wait3A_2118 = tpu.memref_slice %arg3[%add3A_1050, %dma_wait3A] : memref<64x2048xi32, #tpu.memory_space<hbm>> -> memref<1x2048xi32, #tpu.memory_space<hbm>>
      %dma_wait3A_2119 = tpu.memref_squeeze %dma_wait3A_2118 : memref<1x2048xi32, #tpu.memory_space<hbm>> -> memref<2048xi32, #tpu.memory_space<hbm>>
      %dma_wait3A_2120 = arith.constant 0 : i32
      %dma_wait3A_2121 = tpu.memref_slice %arg3[%add3A_1050, %dma_wait3A_2120] : memref<64x2048xi32, #tpu.memory_space<hbm>> -> memref<1x2048xi32, #tpu.memory_space<hbm>>
      %dma_wait3A_2122 = tpu.memref_squeeze %dma_wait3A_2121 : memref<1x2048xi32, #tpu.memory_space<hbm>> -> memref<2048xi32, #tpu.memory_space<hbm>>
      tpu.wait_dma2 semaphore(%run_scoped3A : memref<!tpu.dma_semaphore, #tpu.memory_space<semaphore_mem>>) src(%dma_wait3A_2122 : memref<2048xi32, #tpu.memory_space<hbm>>) dst(%arg8 : memref<2048xi32, #tpu.memory_space<vmem>>)
      tpu.yield
    }) : () -> ()
    %scan3A_1051 = arith.constant 0 : i32
    %scan3A_1052 = arith.constant 0 : i32
    %scan3A_1053 = arith.constant 128 : i32
    %scan3A_1054 = arith.addi %scan3A_1052, %scan3A_1053 : i32
    %scan3A_1055 = arith.constant 1 : i32
    %scan3A_1056 = scf.for %scan3A_2113 = %scan3A_1052 to %scan3A_1054 step %scan3A_1055 iter_args(%scan3A_2114 = %scan3A_1051) -> (i32)  : i32 {
      %mul3A_2115 = arith.constant 16 : i32
      %mul3A_2116 = arith.muli %scan3A_2113, %mul3A_2115 : i32
      %get3A_2117 = arith.index_cast %mul3A_2116 : i32 to index
      %get3A_2118 = tpu.vector_load %arg8[%get3A_2117] {strides = array<i32>} : memref<2048xi32, #tpu.memory_space<vmem>>, vector<16xi32>,
      %gather3A_2119 = tpu.vector_load_idx %arg7[%get3A_2118] : memref<100000xf32, #tpu.memory_space<vmem>>[vector<16xi32>], vector<16xf32>,
      %lt3A_2120 = arith.constant 0.000000e+00 : f32
      %lt3A_2121 = vector.broadcast %lt3A_2120 : f32 to vector<16xf32>
      %lt3A_2122 = arith.cmpf olt, %gather3A_2119, %lt3A_2121 : vector<16xf32>
      %mul3A_2123 = arith.constant 1.100000e+00 : f32
      %mul3A_2124 = vector.broadcast %mul3A_2123 : f32 to vector<16xf32>
      %mul3A_2125 = arith.mulf %gather3A_2119, %mul3A_2124 : vector<16xf32>
      %div3A_2126 = arith.constant 1.100000e+00 : f32
      %div3A_2127 = vector.broadcast %div3A_2126 : f32 to vector<16xf32>
      %div3A_2128 = arith.divf %gather3A_2119, %div3A_2127 : vector<16xf32>
      %select_n3A_2129 = arith.select %lt3A_2122, %mul3A_2125, %div3A_2128 : vector<16xi1>, vector<16xf32>
      %mul3A_2130 = arith.constant 16 : i32
      %mul3A_2131 = arith.muli %scan3A_2113, %mul3A_2130 : i32
      %swap3A_2132 = arith.index_cast %mul3A_2131 : i32 to index
      %swap3A_2133 = tpu.vector_load %arg9[%swap3A_2132] {strides = array<i32>} : memref<2048xf32, #tpu.memory_space<vmem>>, vector<16xf32>,
      tpu.vector_store %arg9[%swap3A_2132], %select_n3A_2129 {strides = array<i32>} : memref<2048xf32, #tpu.memory_space<vmem>>, vector<16xf32>,
      %scan3A_2134 = arith.constant 0 : i32
      scf.yield %scan3A_2134 : i32
    }
    %scan3A_1057 = arith.constant 128 : i32
    %scan3A_1058 = arith.constant 0 : i32
    %scan3A_1059 = arith.constant 0 : i32
    %scan3A_1060 = arith.constant 128 : i32
    %scan3A_1061 = arith.addi %scan3A_1059, %scan3A_1060 : i32
    %scan3A_1062 = arith.constant 1 : i32
    %scan3A_1063 = scf.for %scan3A_2113 = %scan3A_1059 to %scan3A_1061 step %scan3A_1062 iter_args(%scan3A_2114 = %scan3A_1058) -> (i32)  : i32 {
      %mul3A_2115 = arith.constant 16 : i32
      %mul3A_2116 = arith.muli %scan3A_2113, %mul3A_2115 : i32
      %get3A_2117 = arith.index_cast %mul3A_2116 : i32 to index
      %get3A_2118 = tpu.vector_load %arg8[%get3A_2117] {strides = array<i32>} : memref<2048xi32, #tpu.memory_space<vmem>>, vector<16xi32>,
      %mul3A_2119 = arith.constant 16 : i32
      %mul3A_2120 = arith.muli %scan3A_2113, %mul3A_2119 : i32
      %get3A_2121 = arith.index_cast %mul3A_2120 : i32 to index
      %get3A_2122 = tpu.vector_load %arg9[%get3A_2121] {strides = array<i32>} : memref<2048xf32, #tpu.memory_space<vmem>>, vector<16xf32>,
      tpu.vector_store_idx %arg7[%get3A_2118], %get3A_2122 : memref<100000xf32, #tpu.memory_space<vmem>>[vector<16xi32>], vector<16xf32>,
      %scan3A_2123 = arith.constant 0 : i32
      scf.yield %scan3A_2123 : i32
    }
    %scan3A_1064 = arith.constant 128 : i32
    %scan3A_1065 = arith.constant 0 : i32
    %scan3A_1066 = arith.constant -3.000000e+38 : f32
    %scan3A_1067 = arith.constant 0 : i32
    %scan3A_1068 = arith.constant 6250 : i32
    %scan3A_1069 = arith.addi %scan3A_1067, %scan3A_1068 : i32
    %scan3A_1070 = arith.constant 1 : i32
    %scan3A_1071:2 = scf.for %scan3A_2113 = %scan3A_1067 to %scan3A_1069 step %scan3A_1070 iter_args(%scan3A_2114 = %scan3A_1065, %scan3A_2115 = %scan3A_1066) -> (i32, f32)  : i32 {
      %mul3A_2116 = arith.constant 16 : i32
      %mul3A_2117 = arith.muli %scan3A_2113, %mul3A_2116 : i32
      %get3A_2118 = arith.index_cast %mul3A_2117 : i32 to index
      %get3A_2119 = tpu.vector_load %arg7[%get3A_2118] {strides = array<i32>} : memref<100000xf32, #tpu.memory_space<vmem>>, vector<16xf32>,
      %ge3A_2120 = vector.broadcast %scan3A_2115 : f32 to vector<16xf32>
      %ge3A_2121 = arith.cmpf oge, %get3A_2119, %ge3A_2120 : vector<16xf32>
      %jit3A_2122 = arith.constant 1 : i32
      %jit3A_2123 = arith.constant 0 : i32
      %broadcast_in_dim3A_2124 = vector.broadcast %jit3A_2122 : i32 to vector<16xi32>
      %broadcast_in_dim3A_2125 = vector.broadcast %jit3A_2123 : i32 to vector<16xi32>
      %select_n3A_2126 = arith.select %ge3A_2121, %broadcast_in_dim3A_2124, %broadcast_in_dim3A_2125 : vector<16xi1>, vector<16xi32>
      %reduce_max3A = arith.constant true
      %reduce_max3A_2127 = vector.broadcast %reduce_max3A : i1 to vector<16xi1>
      %reduce_max3A_2128 = arith.constant -2147483648 : i32
      %reduce_max3A_2129 = vector.broadcast %reduce_max3A_2128 : i32 to vector<16xi32>
      %reduce_max3A_2130 = arith.xori %select_n3A_2126, %reduce_max3A_2129 : vector<16xi32>
      %reduce_max3A_2131 = tpu.scan <max>, %reduce_max3A_2130 masked %reduce_max3A_2127 : vector<16xi32>, vector<16xi1> -> vector<16xi32>
      %reduce_max3A_2132 = arith.xori %reduce_max3A_2131, %reduce_max3A_2129 : vector<16xi32>
      %reduce_max3A_2133 = vector.extract %reduce_max3A_2132[15] : i32 from vector<16xi32>
      %gt3A_2134 = arith.constant 0 : i32
      %gt3A_2135 = arith.cmpi sgt, %reduce_max3A_2133, %gt3A_2134 : i32
      %convert_element_type3A_2136 = arith.extui %gt3A_2135 : i1 to i32
      %cond3A_2137 = arith.constant 0 : i32
      %cond3A_2138 = arith.cmpi ne, %convert_element_type3A_2136, %cond3A_2137 : i32
      %cond3A_2139:2 = scf.if %cond3A_2138 -> (i32, f32) {
        %ge3A_2140 = arith.constant 240 : i32
        %ge3A_2141 = arith.cmpi sge, %scan3A_2114, %ge3A_2140 : i32
        %convert_element_type3A_2142 = arith.extui %ge3A_2141 : i1 to i32
        %cond3A_2143 = arith.constant 0 : i32
        %cond3A_2144 = arith.cmpi ne, %convert_element_type3A_2142, %cond3A_2143 : i32
        %cond3A_2145:2 = scf.if %cond3A_2144 -> (i32, f32) {
          %scan3A_2167 = arith.constant 3.000000e+38 : f32
          %scan3A_2168 = arith.constant -3.000000e+38 : f32
          %scan3A_2169 = arith.constant 0 : i32
          %scan3A_2170 = arith.constant 18 : i32
          %scan3A_2171 = arith.addi %scan3A_2169, %scan3A_2170 : i32
          %scan3A_2172 = arith.constant 1 : i32
          %scan3A_2173:2 = scf.for %scan3A_2193 = %scan3A_2169 to %scan3A_2171 step %scan3A_2172 iter_args(%scan3A_2194 = %scan3A_2167, %scan3A_2195 = %scan3A_2168) -> (f32, f32)  : i32 {
            %mul3A_2196 = arith.constant 16 : i32
            %mul3A_2197 = arith.muli %scan3A_2193, %mul3A_2196 : i32
            %get3A_2198 = arith.index_cast %mul3A_2197 : i32 to index
            %get3A_2199 = tpu.vector_load %arg10[%get3A_2198] {strides = array<i32>} : memref<288xf32, #tpu.memory_space<vmem>>, vector<16xf32>,
            %mul3A_2200 = arith.constant 16 : i32
            %mul3A_2201 = arith.muli %scan3A_2193, %mul3A_2200 : i32
            %add3A_2202 = vector.broadcast %mul3A_2201 : i32 to vector<16xi32>
            %add3A_2203 = arith.addi %iota3A, %add3A_2202 : vector<16xi32>
            %lt3A_2204 = vector.broadcast %scan3A_2114 : i32 to vector<16xi32>
            %lt3A_2205 = arith.cmpi slt, %add3A_2203, %lt3A_2204 : vector<16xi32>
            %jit3A_2206 = arith.constant 3.000000e+38 : f32
            %broadcast_in_dim3A_2207 = vector.broadcast %jit3A_2206 : f32 to vector<16xf32>
            %select_n3A_2208 = arith.select %lt3A_2205, %get3A_2199, %broadcast_in_dim3A_2207 : vector<16xi1>, vector<16xf32>
            %reduce_min3A = arith.constant true
            %reduce_min3A_2209 = vector.broadcast %reduce_min3A : i1 to vector<16xi1>
            %reduce_min3A_2210 = tpu.scan <min>, %select_n3A_2208 masked %reduce_min3A_2209 : vector<16xf32>, vector<16xi1> -> vector<16xf32>
            %reduce_min3A_2211 = vector.extract %reduce_min3A_2210[15] : f32 from vector<16xf32>
            %min3A_2212 = arith.minimumf %scan3A_2194, %reduce_min3A_2211 : f32
            %jit3A_2213 = arith.constant -3.000000e+38 : f32
            %broadcast_in_dim3A_2214 = vector.broadcast %jit3A_2213 : f32 to vector<16xf32>
            %select_n3A_2215 = arith.select %lt3A_2205, %get3A_2199, %broadcast_in_dim3A_2214 : vector<16xi1>, vector<16xf32>
            %reduce_max3A_2216 = arith.constant true
            %reduce_max3A_2217 = vector.broadcast %reduce_max3A_2216 : i1 to vector<16xi1>
            %reduce_max3A_2218 = tpu.scan <max>, %select_n3A_2215 masked %reduce_max3A_2217 : vector<16xf32>, vector<16xi1> -> vector<16xf32>
            %reduce_max3A_2219 = vector.extract %reduce_max3A_2218[15] : f32 from vector<16xf32>
            %max3A_2220 = arith.maximumf %scan3A_2195, %reduce_max3A_2219 : f32
            scf.yield %min3A_2212, %max3A_2220 : f32, f32
          }
          %scan3A_2174 = arith.constant 18 : i32
          %sub3A_2175 = arith.subf %scan3A_2173#1, %scan3A_2173#0 : f32
          %max3A = arith.constant 1.000000e-30 : f32
          %max3A_2176 = arith.maximumf %sub3A_2175, %max3A : f32
          %add3A_2177 = arith.addf %scan3A_2173#1, %max3A_2176 : f32
          %scan3A_2178 = arith.constant 0 : i32
          %scan3A_2179 = arith.constant 40 : i32
          %scan3A_2180 = arith.addi %scan3A_2178, %scan3A_2179 : i32
          %scan3A_2181 = arith.constant 1 : i32
          %scan3A_2182:2 = scf.for %scan3A_2193 = %scan3A_2178 to %scan3A_2180 step %scan3A_2181 iter_args(%scan3A_2194 = %scan3A_2173#0, %scan3A_2195 = %add3A_2177) -> (f32, f32)  : i32 {
            %sub3A_2196 = arith.subf %scan3A_2195, %scan3A_2194 : f32
            %mul3A_2197 = arith.constant 5.000000e-01 : f32
            %mul3A_2198 = arith.mulf %sub3A_2196, %mul3A_2197 : f32
            %add3A_2199 = arith.addf %scan3A_2194, %mul3A_2198 : f32
            %scan3A_2200 = arith.constant 0 : i32
            %scan3A_2201 = arith.constant 0 : i32
            %scan3A_2202 = arith.constant 18 : i32
            %scan3A_2203 = arith.addi %scan3A_2201, %scan3A_2202 : i32
            %scan3A_2204 = arith.constant 1 : i32
            %scan3A_2205 = scf.for %scan3A_2211 = %scan3A_2201 to %scan3A_2203 step %scan3A_2204 iter_args(%scan3A_2212 = %scan3A_2200) -> (i32)  : i32 {
              %mul3A_2213 = arith.constant 16 : i32
              %mul3A_2214 = arith.muli %scan3A_2211, %mul3A_2213 : i32
              %get3A_2215 = arith.index_cast %mul3A_2214 : i32 to index
              %get3A_2216 = tpu.vector_load %arg10[%get3A_2215] {strides = array<i32>} : memref<288xf32, #tpu.memory_space<vmem>>, vector<16xf32>,
              %mul3A_2217 = arith.constant 16 : i32
              %mul3A_2218 = arith.muli %scan3A_2211, %mul3A_2217 : i32
              %add3A_2219 = vector.broadcast %mul3A_2218 : i32 to vector<16xi32>
              %add3A_2220 = arith.addi %iota3A, %add3A_2219 : vector<16xi32>
              %lt3A_2221 = vector.broadcast %scan3A_2114 : i32 to vector<16xi32>
              %lt3A_2222 = arith.cmpi slt, %add3A_2220, %lt3A_2221 : vector<16xi32>
              %ge3A_2223 = vector.broadcast %add3A_2199 : f32 to vector<16xf32>
              %ge3A_2224 = arith.cmpf oge, %get3A_2216, %ge3A_2223 : vector<16xf32>
              %and3A_2225 = arith.andi %lt3A_2222, %ge3A_2224 : vector<16xi1>
              %jit3A_2226 = arith.constant 1 : i32
              %jit3A_2227 = arith.constant 0 : i32
              %broadcast_in_dim3A_2228 = vector.broadcast %jit3A_2226 : i32 to vector<16xi32>
              %broadcast_in_dim3A_2229 = vector.broadcast %jit3A_2227 : i32 to vector<16xi32>
              %select_n3A_2230 = arith.select %and3A_2225, %broadcast_in_dim3A_2228, %broadcast_in_dim3A_2229 : vector<16xi1>, vector<16xi32>
              %reduce_sum3A_2231 = arith.constant true
              %reduce_sum3A_2232 = vector.broadcast %reduce_sum3A_2231 : i1 to vector<16xi1>
              %reduce_sum3A_2233 = tpu.scan <sum>, %select_n3A_2230 masked %reduce_sum3A_2232 : vector<16xi32>, vector<16xi1> -> vector<16xi32>
              %reduce_sum3A_2234 = vector.extract %reduce_sum3A_2233[15] : i32 from vector<16xi32>
              %add3A_2235 = arith.addi %scan3A_2212, %reduce_sum3A_2234 : i32
              scf.yield %add3A_2235 : i32
            }
            %scan3A_2206 = arith.constant 18 : i32
            %ge3A_2207 = arith.constant 64 : i32
            %ge3A_2208 = arith.cmpi sge, %scan3A_2205, %ge3A_2207 : i32
            %select_n3A_2209 = arith.select %ge3A_2208, %add3A_2199, %scan3A_2194 : f32
            %select_n3A_2210 = arith.select %ge3A_2208, %scan3A_2195, %add3A_2199 : f32
            scf.yield %select_n3A_2209, %select_n3A_2210 : f32, f32
          }
          %scan3A_2183 = arith.constant 40 : i32
          %scan3A_2184 = arith.constant 0 : i32
          %scan3A_2185 = arith.constant 0 : i32
          %scan3A_2186 = arith.constant 18 : i32
          %scan3A_2187 = arith.addi %scan3A_2185, %scan3A_2186 : i32
          %scan3A_2188 = arith.constant 1 : i32
          %scan3A_2189 = scf.for %scan3A_2193 = %scan3A_2185 to %scan3A_2187 step %scan3A_2188 iter_args(%scan3A_2194 = %scan3A_2184) -> (i32)  : i32 {
            %mul3A_2195 = arith.constant 16 : i32
            %mul3A_2196 = arith.muli %scan3A_2193, %mul3A_2195 : i32
            %get3A_2197 = arith.index_cast %mul3A_2196 : i32 to index
            %get3A_2198 = tpu.vector_load %arg10[%get3A_2197] {strides = array<i32>} : memref<288xf32, #tpu.memory_space<vmem>>, vector<16xf32>,
            %mul3A_2199 = arith.constant 16 : i32
            %mul3A_2200 = arith.muli %scan3A_2193, %mul3A_2199 : i32
            %get3A_2201 = arith.index_cast %mul3A_2200 : i32 to index
            %get3A_2202 = tpu.vector_load %arg11[%get3A_2201] {strides = array<i32>} : memref<288xi32, #tpu.memory_space<vmem>>, vector<16xi32>,
            %mul3A_2203 = arith.constant 16 : i32
            %mul3A_2204 = arith.muli %scan3A_2193, %mul3A_2203 : i32
            %add3A_2205 = vector.broadcast %mul3A_2204 : i32 to vector<16xi32>
            %add3A_2206 = arith.addi %iota3A, %add3A_2205 : vector<16xi32>
            %lt3A_2207 = vector.broadcast %scan3A_2114 : i32 to vector<16xi32>
            %lt3A_2208 = arith.cmpi slt, %add3A_2206, %lt3A_2207 : vector<16xi32>
            %ge3A_2209 = vector.broadcast %scan3A_2182#0 : f32 to vector<16xf32>
            %ge3A_2210 = arith.cmpf oge, %get3A_2198, %ge3A_2209 : vector<16xf32>
            %and3A_2211 = arith.andi %lt3A_2208, %ge3A_2210 : vector<16xi1>
            %convert_element_type3A_2212 = arith.extui %and3A_2211 : vector<16xi1> to vector<16xi32>
            %broadcast_in_dim3A_2213 = arith.constant true
            %broadcast_in_dim3A_2214 = vector.broadcast %broadcast_in_dim3A_2213 : i1 to vector<16xi1>
            %masked_cumsum3A_2215 = tpu.scan <sum>, %convert_element_type3A_2212 masked %broadcast_in_dim3A_2214 : vector<16xi32>, vector<16xi1> -> vector<16xi32>
            %add3A_2216 = vector.broadcast %scan3A_2194 : i32 to vector<16xi32>
            %add3A_2217 = arith.addi %add3A_2216, %masked_cumsum3A_2215 : vector<16xi32>
            %sub3A_2218 = arith.constant 1 : i32
            %sub3A_2219 = vector.broadcast %sub3A_2218 : i32 to vector<16xi32>
            %sub3A_2220 = arith.subi %add3A_2217, %sub3A_2219 : vector<16xi32>
            tpu.vector_store_idx %arg10[%sub3A_2220], %get3A_2198 masked %and3A_2211 : memref<288xf32, #tpu.memory_space<vmem>>[vector<16xi32>], vector<16xf32>, vector<16xi1>
            tpu.vector_store_idx %arg11[%sub3A_2220], %get3A_2202 masked %and3A_2211 : memref<288xi32, #tpu.memory_space<vmem>>[vector<16xi32>], vector<16xi32>, vector<16xi1>
            %convert_element_type3A_2221 = arith.extui %and3A_2211 : vector<16xi1> to vector<16xi32>
            %reduce_sum3A_2222 = arith.constant true
            %reduce_sum3A_2223 = vector.broadcast %reduce_sum3A_2222 : i1 to vector<16xi1>
            %reduce_sum3A_2224 = tpu.scan <sum>, %convert_element_type3A_2221 masked %reduce_sum3A_2223 : vector<16xi32>, vector<16xi1> -> vector<16xi32>
            %reduce_sum3A_2225 = vector.extract %reduce_sum3A_2224[15] : i32 from vector<16xi32>
            %add3A_2226 = arith.addi %scan3A_2194, %reduce_sum3A_2225 : i32
            scf.yield %add3A_2226 : i32
          }
          %scan3A_2190 = arith.constant 18 : i32
          %min3A_2191 = arith.constant 255 : i32
          %min3A_2192 = arith.minsi %scan3A_2189, %min3A_2191 : i32
          scf.yield %min3A_2192, %scan3A_2182#0 : i32, f32
        } else {
          scf.yield %scan3A_2114, %scan3A_2115 : i32, f32
        }
        %ge3A_2146 = vector.broadcast %cond3A_2145#1 : f32 to vector<16xf32>
        %ge3A_2147 = arith.cmpf oge, %get3A_2119, %ge3A_2146 : vector<16xf32>
        %convert_element_type3A_2148 = arith.extui %ge3A_2147 : vector<16xi1> to vector<16xi32>
        %broadcast_in_dim3A_2149 = arith.constant true
        %broadcast_in_dim3A_2150 = vector.broadcast %broadcast_in_dim3A_2149 : i1 to vector<16xi1>
        %masked_cumsum3A_2151 = tpu.scan <sum>, %convert_element_type3A_2148 masked %broadcast_in_dim3A_2150 : vector<16xi32>, vector<16xi1> -> vector<16xi32>
        %add3A_2152 = vector.broadcast %cond3A_2145#0 : i32 to vector<16xi32>
        %add3A_2153 = arith.addi %add3A_2152, %masked_cumsum3A_2151 : vector<16xi32>
        %sub3A_2154 = arith.constant 1 : i32
        %sub3A_2155 = vector.broadcast %sub3A_2154 : i32 to vector<16xi32>
        %sub3A_2156 = arith.subi %add3A_2153, %sub3A_2155 : vector<16xi32>
        tpu.vector_store_idx %arg10[%sub3A_2156], %get3A_2119 masked %ge3A_2147 : memref<288xf32, #tpu.memory_space<vmem>>[vector<16xi32>], vector<16xf32>, vector<16xi1>
        %mul3A_2157 = arith.constant 16 : i32
        %mul3A_2158 = arith.muli %scan3A_2113, %mul3A_2157 : i32
        %add3A_2159 = vector.broadcast %mul3A_2158 : i32 to vector<16xi32>
        %add3A_2160 = arith.addi %iota3A, %add3A_2159 : vector<16xi32>
        tpu.vector_store_idx %arg11[%sub3A_2156], %add3A_2160 masked %ge3A_2147 : memref<288xi32, #tpu.memory_space<vmem>>[vector<16xi32>], vector<16xi32>, vector<16xi1>
        %convert_element_type3A_2161 = arith.extui %ge3A_2147 : vector<16xi1> to vector<16xi32>
        %reduce_sum3A_2162 = arith.constant true
        %reduce_sum3A_2163 = vector.broadcast %reduce_sum3A_2162 : i1 to vector<16xi1>
        %reduce_sum3A_2164 = tpu.scan <sum>, %convert_element_type3A_2161 masked %reduce_sum3A_2163 : vector<16xi32>, vector<16xi1> -> vector<16xi32>
        %reduce_sum3A_2165 = vector.extract %reduce_sum3A_2164[15] : i32 from vector<16xi32>
        %add3A_2166 = arith.addi %cond3A_2145#0, %reduce_sum3A_2165 : i32
        scf.yield %add3A_2166, %cond3A_2145#1 : i32, f32
      } else {
        scf.yield %scan3A_2114, %scan3A_2115 : i32, f32
      }
      scf.yield %cond3A_2139#0, %cond3A_2139#1 : i32, f32
    }
    %scan3A_1072 = arith.constant 6250 : i32
    %gt3A_1073 = arith.constant 128 : i32
    %gt3A_1074 = arith.cmpi sgt, %scan3A_1071#0, %gt3A_1073 : i32
    %convert_element_type3A_1075 = arith.extui %gt3A_1074 : i1 to i32
    %cond3A_1076 = arith.constant 0 : i32
    %cond3A_1077 = arith.cmpi ne, %convert_element_type3A_1075, %cond3A_1076 : i32
    %cond3A_1078:2 = scf.if %cond3A_1077 -> (i32, f32) {
      %scan3A_2113 = arith.constant 3.000000e+38 : f32
      %scan3A_2114 = arith.constant -3.000000e+38 : f32
      %scan3A_2115 = arith.constant 0 : i32
      %scan3A_2116 = arith.constant 18 : i32
      %scan3A_2117 = arith.addi %scan3A_2115, %scan3A_2116 : i32
      %scan3A_2118 = arith.constant 1 : i32
      %scan3A_2119:2 = scf.for %scan3A_2139 = %scan3A_2115 to %scan3A_2117 step %scan3A_2118 iter_args(%scan3A_2140 = %scan3A_2113, %scan3A_2141 = %scan3A_2114) -> (f32, f32)  : i32 {
        %mul3A_2142 = arith.constant 16 : i32
        %mul3A_2143 = arith.muli %scan3A_2139, %mul3A_2142 : i32
        %get3A_2144 = arith.index_cast %mul3A_2143 : i32 to index
        %get3A_2145 = tpu.vector_load %arg10[%get3A_2144] {strides = array<i32>} : memref<288xf32, #tpu.memory_space<vmem>>, vector<16xf32>,
        %mul3A_2146 = arith.constant 16 : i32
        %mul3A_2147 = arith.muli %scan3A_2139, %mul3A_2146 : i32
        %add3A_2148 = vector.broadcast %mul3A_2147 : i32 to vector<16xi32>
        %add3A_2149 = arith.addi %iota3A, %add3A_2148 : vector<16xi32>
        %lt3A_2150 = vector.broadcast %scan3A_1071#0 : i32 to vector<16xi32>
        %lt3A_2151 = arith.cmpi slt, %add3A_2149, %lt3A_2150 : vector<16xi32>
        %jit3A_2152 = arith.constant 3.000000e+38 : f32
        %broadcast_in_dim3A_2153 = vector.broadcast %jit3A_2152 : f32 to vector<16xf32>
        %select_n3A_2154 = arith.select %lt3A_2151, %get3A_2145, %broadcast_in_dim3A_2153 : vector<16xi1>, vector<16xf32>
        %reduce_min3A = arith.constant true
        %reduce_min3A_2155 = vector.broadcast %reduce_min3A : i1 to vector<16xi1>
        %reduce_min3A_2156 = tpu.scan <min>, %select_n3A_2154 masked %reduce_min3A_2155 : vector<16xf32>, vector<16xi1> -> vector<16xf32>
        %reduce_min3A_2157 = vector.extract %reduce_min3A_2156[15] : f32 from vector<16xf32>
        %min3A_2158 = arith.minimumf %scan3A_2140, %reduce_min3A_2157 : f32
        %jit3A_2159 = arith.constant -3.000000e+38 : f32
        %broadcast_in_dim3A_2160 = vector.broadcast %jit3A_2159 : f32 to vector<16xf32>
        %select_n3A_2161 = arith.select %lt3A_2151, %get3A_2145, %broadcast_in_dim3A_2160 : vector<16xi1>, vector<16xf32>
        %reduce_max3A = arith.constant true
        %reduce_max3A_2162 = vector.broadcast %reduce_max3A : i1 to vector<16xi1>
        %reduce_max3A_2163 = tpu.scan <max>, %select_n3A_2161 masked %reduce_max3A_2162 : vector<16xf32>, vector<16xi1> -> vector<16xf32>
        %reduce_max3A_2164 = vector.extract %reduce_max3A_2163[15] : f32 from vector<16xf32>
        %max3A_2165 = arith.maximumf %scan3A_2141, %reduce_max3A_2164 : f32
        scf.yield %min3A_2158, %max3A_2165 : f32, f32
      }
      %scan3A_2120 = arith.constant 18 : i32
      %sub3A_2121 = arith.subf %scan3A_2119#1, %scan3A_2119#0 : f32
      %max3A = arith.constant 1.000000e-30 : f32
      %max3A_2122 = arith.maximumf %sub3A_2121, %max3A : f32
      %add3A_2123 = arith.addf %scan3A_2119#1, %max3A_2122 : f32
      %scan3A_2124 = arith.constant 0 : i32
      %scan3A_2125 = arith.constant 40 : i32
      %scan3A_2126 = arith.addi %scan3A_2124, %scan3A_2125 : i32
      %scan3A_2127 = arith.constant 1 : i32
      %scan3A_2128:2 = scf.for %scan3A_2139 = %scan3A_2124 to %scan3A_2126 step %scan3A_2127 iter_args(%scan3A_2140 = %scan3A_2119#0, %scan3A_2141 = %add3A_2123) -> (f32, f32)  : i32 {
        %sub3A_2142 = arith.subf %scan3A_2141, %scan3A_2140 : f32
        %mul3A_2143 = arith.constant 5.000000e-01 : f32
        %mul3A_2144 = arith.mulf %sub3A_2142, %mul3A_2143 : f32
        %add3A_2145 = arith.addf %scan3A_2140, %mul3A_2144 : f32
        %scan3A_2146 = arith.constant 0 : i32
        %scan3A_2147 = arith.constant 0 : i32
        %scan3A_2148 = arith.constant 18 : i32
        %scan3A_2149 = arith.addi %scan3A_2147, %scan3A_2148 : i32
        %scan3A_2150 = arith.constant 1 : i32
        %scan3A_2151 = scf.for %scan3A_2157 = %scan3A_2147 to %scan3A_2149 step %scan3A_2150 iter_args(%scan3A_2158 = %scan3A_2146) -> (i32)  : i32 {
          %mul3A_2159 = arith.constant 16 : i32
          %mul3A_2160 = arith.muli %scan3A_2157, %mul3A_2159 : i32
          %get3A_2161 = arith.index_cast %mul3A_2160 : i32 to index
          %get3A_2162 = tpu.vector_load %arg10[%get3A_2161] {strides = array<i32>} : memref<288xf32, #tpu.memory_space<vmem>>, vector<16xf32>,
          %mul3A_2163 = arith.constant 16 : i32
          %mul3A_2164 = arith.muli %scan3A_2157, %mul3A_2163 : i32
          %add3A_2165 = vector.broadcast %mul3A_2164 : i32 to vector<16xi32>
          %add3A_2166 = arith.addi %iota3A, %add3A_2165 : vector<16xi32>
          %lt3A_2167 = vector.broadcast %scan3A_1071#0 : i32 to vector<16xi32>
          %lt3A_2168 = arith.cmpi slt, %add3A_2166, %lt3A_2167 : vector<16xi32>
          %ge3A_2169 = vector.broadcast %add3A_2145 : f32 to vector<16xf32>
          %ge3A_2170 = arith.cmpf oge, %get3A_2162, %ge3A_2169 : vector<16xf32>
          %and3A_2171 = arith.andi %lt3A_2168, %ge3A_2170 : vector<16xi1>
          %jit3A_2172 = arith.constant 1 : i32
          %jit3A_2173 = arith.constant 0 : i32
          %broadcast_in_dim3A_2174 = vector.broadcast %jit3A_2172 : i32 to vector<16xi32>
          %broadcast_in_dim3A_2175 = vector.broadcast %jit3A_2173 : i32 to vector<16xi32>
          %select_n3A_2176 = arith.select %and3A_2171, %broadcast_in_dim3A_2174, %broadcast_in_dim3A_2175 : vector<16xi1>, vector<16xi32>
          %reduce_sum3A_2177 = arith.constant true
          %reduce_sum3A_2178 = vector.broadcast %reduce_sum3A_2177 : i1 to vector<16xi1>
          %reduce_sum3A_2179 = tpu.scan <sum>, %select_n3A_2176 masked %reduce_sum3A_2178 : vector<16xi32>, vector<16xi1> -> vector<16xi32>
          %reduce_sum3A_2180 = vector.extract %reduce_sum3A_2179[15] : i32 from vector<16xi32>
          %add3A_2181 = arith.addi %scan3A_2158, %reduce_sum3A_2180 : i32
          scf.yield %add3A_2181 : i32
        }
        %scan3A_2152 = arith.constant 18 : i32
        %ge3A_2153 = arith.constant 64 : i32
        %ge3A_2154 = arith.cmpi sge, %scan3A_2151, %ge3A_2153 : i32
        %select_n3A_2155 = arith.select %ge3A_2154, %add3A_2145, %scan3A_2140 : f32
        %select_n3A_2156 = arith.select %ge3A_2154, %scan3A_2141, %add3A_2145 : f32
        scf.yield %select_n3A_2155, %select_n3A_2156 : f32, f32
      }
      %scan3A_2129 = arith.constant 40 : i32
      %scan3A_2130 = arith.constant 0 : i32
      %scan3A_2131 = arith.constant 0 : i32
      %scan3A_2132 = arith.constant 18 : i32
      %scan3A_2133 = arith.addi %scan3A_2131, %scan3A_2132 : i32
      %scan3A_2134 = arith.constant 1 : i32
      %scan3A_2135 = scf.for %scan3A_2139 = %scan3A_2131 to %scan3A_2133 step %scan3A_2134 iter_args(%scan3A_2140 = %scan3A_2130) -> (i32)  : i32 {
        %mul3A_2141 = arith.constant 16 : i32
        %mul3A_2142 = arith.muli %scan3A_2139, %mul3A_2141 : i32
        %get3A_2143 = arith.index_cast %mul3A_2142 : i32 to index
        %get3A_2144 = tpu.vector_load %arg10[%get3A_2143] {strides = array<i32>} : memref<288xf32, #tpu.memory_space<vmem>>, vector<16xf32>,
        %mul3A_2145 = arith.constant 16 : i32
        %mul3A_2146 = arith.muli %scan3A_2139, %mul3A_2145 : i32
        %get3A_2147 = arith.index_cast %mul3A_2146 : i32 to index
        %get3A_2148 = tpu.vector_load %arg11[%get3A_2147] {strides = array<i32>} : memref<288xi32, #tpu.memory_space<vmem>>, vector<16xi32>,
        %mul3A_2149 = arith.constant 16 : i32
        %mul3A_2150 = arith.muli %scan3A_2139, %mul3A_2149 : i32
        %add3A_2151 = vector.broadcast %mul3A_2150 : i32 to vector<16xi32>
        %add3A_2152 = arith.addi %iota3A, %add3A_2151 : vector<16xi32>
        %lt3A_2153 = vector.broadcast %scan3A_1071#0 : i32 to vector<16xi32>
        %lt3A_2154 = arith.cmpi slt, %add3A_2152, %lt3A_2153 : vector<16xi32>
        %ge3A_2155 = vector.broadcast %scan3A_2128#0 : f32 to vector<16xf32>
        %ge3A_2156 = arith.cmpf oge, %get3A_2144, %ge3A_2155 : vector<16xf32>
        %and3A_2157 = arith.andi %lt3A_2154, %ge3A_2156 : vector<16xi1>
        %convert_element_type3A_2158 = arith.extui %and3A_2157 : vector<16xi1> to vector<16xi32>
        %broadcast_in_dim3A_2159 = arith.constant true
        %broadcast_in_dim3A_2160 = vector.broadcast %broadcast_in_dim3A_2159 : i1 to vector<16xi1>
        %masked_cumsum3A_2161 = tpu.scan <sum>, %convert_element_type3A_2158 masked %broadcast_in_dim3A_2160 : vector<16xi32>, vector<16xi1> -> vector<16xi32>
        %add3A_2162 = vector.broadcast %scan3A_2140 : i32 to vector<16xi32>
        %add3A_2163 = arith.addi %add3A_2162, %masked_cumsum3A_2161 : vector<16xi32>
        %sub3A_2164 = arith.constant 1 : i32
        %sub3A_2165 = vector.broadcast %sub3A_2164 : i32 to vector<16xi32>
        %sub3A_2166 = arith.subi %add3A_2163, %sub3A_2165 : vector<16xi32>
        tpu.vector_store_idx %arg10[%sub3A_2166], %get3A_2144 masked %and3A_2157 : memref<288xf32, #tpu.memory_space<vmem>>[vector<16xi32>], vector<16xf32>, vector<16xi1>
        tpu.vector_store_idx %arg11[%sub3A_2166], %get3A_2148 masked %and3A_2157 : memref<288xi32, #tpu.memory_space<vmem>>[vector<16xi32>], vector<16xi32>, vector<16xi1>
        %convert_element_type3A_2167 = arith.extui %and3A_2157 : vector<16xi1> to vector<16xi32>
        %reduce_sum3A_2168 = arith.constant true
        %reduce_sum3A_2169 = vector.broadcast %reduce_sum3A_2168 : i1 to vector<16xi1>
        %reduce_sum3A_2170 = tpu.scan <sum>, %convert_element_type3A_2167 masked %reduce_sum3A_2169 : vector<16xi32>, vector<16xi1> -> vector<16xi32>
        %reduce_sum3A_2171 = vector.extract %reduce_sum3A_2170[15] : i32 from vector<16xi32>
        %add3A_2172 = arith.addi %scan3A_2140, %reduce_sum3A_2171 : i32
        scf.yield %add3A_2172 : i32
      }
      %scan3A_2136 = arith.constant 18 : i32
      %min3A_2137 = arith.constant 255 : i32
      %min3A_2138 = arith.minsi %scan3A_2135, %min3A_2137 : i32
      scf.yield %min3A_2138, %scan3A_2128#0 : i32, f32
    } else {
      scf.yield %scan3A_1071#0, %scan3A_1071#1 : i32, f32
    }
    %min3A_1079 = arith.constant 128 : i32
    %min3A_1080 = arith.minsi %cond3A_1078#0, %min3A_1079 : i32
    %add3A_1081 = arith.constant 0 : i32
    %add3A_1082 = vector.broadcast %add3A_1081 : i32 to vector<16xi32>
    %add3A_1083 = arith.addi %iota3A, %add3A_1082 : vector<16xi32>
    %lt3A_1084 = vector.broadcast %min3A_1080 : i32 to vector<16xi32>
    %lt3A_1085 = arith.cmpi slt, %add3A_1083, %lt3A_1084 : vector<16xi32>
    %get3A_1086 = arith.constant 0 : index
    %get3A_1087 = tpu.vector_load %arg10[%get3A_1086] {strides = array<i32>} : memref<288xf32, #tpu.memory_space<vmem>>, vector<16xf32>,
    %get3A_1088 = arith.constant 0 : index
    %get3A_1089 = tpu.vector_load %arg11[%get3A_1088] {strides = array<i32>} : memref<288xi32, #tpu.memory_space<vmem>>, vector<16xi32>,
    %div3A_1090 = arith.constant 0.699999988 : f32
    %div3A_1091 = vector.broadcast %div3A_1090 : f32 to vector<16xf32>
    %div3A_1092 = arith.divf %get3A_1087, %div3A_1091 : vector<16xf32>
    %jit3A_1093 = arith.constant -3.000000e+38 : f32
    %broadcast_in_dim3A_1094 = vector.broadcast %jit3A_1093 : f32 to vector<16xf32>
    %select_n3A_1095 = arith.select %lt3A_1085, %div3A_1092, %broadcast_in_dim3A_1094 : vector<16xi1>, vector<16xf32>
    %swap3A_1096 = arith.constant 0 : index
    %swap3A_1097 = tpu.vector_load %arg12[%swap3A_1096] {strides = array<i32>} : memref<144xf32, #tpu.memory_space<vmem>>, vector<16xf32>,
    tpu.vector_store %arg12[%swap3A_1096], %select_n3A_1095 {strides = array<i32>} : memref<144xf32, #tpu.memory_space<vmem>>, vector<16xf32>,
    %jit3A_1098 = arith.constant 0 : i32
    %broadcast_in_dim3A_1099 = vector.broadcast %jit3A_1098 : i32 to vector<16xi32>
    %select_n3A_1100 = arith.select %lt3A_1085, %get3A_1089, %broadcast_in_dim3A_1099 : vector<16xi1>, vector<16xi32>
    %swap3A_1101 = arith.constant 0 : index
    %swap3A_1102 = tpu.vector_load %arg13[%swap3A_1101] {strides = array<i32>} : memref<128xi32, #tpu.memory_space<vmem>>, vector<16xi32>,
    tpu.vector_store %arg13[%swap3A_1101], %select_n3A_1100 {strides = array<i32>} : memref<128xi32, #tpu.memory_space<vmem>>, vector<16xi32>,
    %add3A_1103 = arith.constant 16 : i32
    %add3A_1104 = vector.broadcast %add3A_1103 : i32 to vector<16xi32>
    %add3A_1105 = arith.addi %iota3A, %add3A_1104 : vector<16xi32>
    %lt3A_1106 = vector.broadcast %min3A_1080 : i32 to vector<16xi32>
    %lt3A_1107 = arith.cmpi slt, %add3A_1105, %lt3A_1106 : vector<16xi32>
    %get3A_1108 = arith.constant 16 : index
    %get3A_1109 = tpu.vector_load %arg10[%get3A_1108] {strides = array<i32>} : memref<288xf32, #tpu.memory_space<vmem>>, vector<16xf32>,
    %get3A_1110 = arith.constant 16 : index
    %get3A_1111 = tpu.vector_load %arg11[%get3A_1110] {strides = array<i32>} : memref<288xi32, #tpu.memory_space<vmem>>, vector<16xi32>,
    %div3A_1112 = arith.constant 0.699999988 : f32
    %div3A_1113 = vector.broadcast %div3A_1112 : f32 to vector<16xf32>
    %div3A_1114 = arith.divf %get3A_1109, %div3A_1113 : vector<16xf32>
    %jit3A_1115 = arith.constant -3.000000e+38 : f32
    %broadcast_in_dim3A_1116 = vector.broadcast %jit3A_1115 : f32 to vector<16xf32>
    %select_n3A_1117 = arith.select %lt3A_1107, %div3A_1114, %broadcast_in_dim3A_1116 : vector<16xi1>, vector<16xf32>
    %swap3A_1118 = arith.constant 16 : index
    %swap3A_1119 = tpu.vector_load %arg12[%swap3A_1118] {strides = array<i32>} : memref<144xf32, #tpu.memory_space<vmem>>, vector<16xf32>,
    tpu.vector_store %arg12[%swap3A_1118], %select_n3A_1117 {strides = array<i32>} : memref<144xf32, #tpu.memory_space<vmem>>, vector<16xf32>,
    %jit3A_1120 = arith.constant 0 : i32
    %broadcast_in_dim3A_1121 = vector.broadcast %jit3A_1120 : i32 to vector<16xi32>
    %select_n3A_1122 = arith.select %lt3A_1107, %get3A_1111, %broadcast_in_dim3A_1121 : vector<16xi1>, vector<16xi32>
    %swap3A_1123 = arith.constant 16 : index
    %swap3A_1124 = tpu.vector_load %arg13[%swap3A_1123] {strides = array<i32>} : memref<128xi32, #tpu.memory_space<vmem>>, vector<16xi32>,
    tpu.vector_store %arg13[%swap3A_1123], %select_n3A_1122 {strides = array<i32>} : memref<128xi32, #tpu.memory_space<vmem>>, vector<16xi32>,
    %add3A_1125 = arith.constant 32 : i32
    %add3A_1126 = vector.broadcast %add3A_1125 : i32 to vector<16xi32>
    %add3A_1127 = arith.addi %iota3A, %add3A_1126 : vector<16xi32>
    %lt3A_1128 = vector.broadcast %min3A_1080 : i32 to vector<16xi32>
    %lt3A_1129 = arith.cmpi slt, %add3A_1127, %lt3A_1128 : vector<16xi32>
    %get3A_1130 = arith.constant 32 : index
    %get3A_1131 = tpu.vector_load %arg10[%get3A_1130] {strides = array<i32>} : memref<288xf32, #tpu.memory_space<vmem>>, vector<16xf32>,
    %get3A_1132 = arith.constant 32 : index
    %get3A_1133 = tpu.vector_load %arg11[%get3A_1132] {strides = array<i32>} : memref<288xi32, #tpu.memory_space<vmem>>, vector<16xi32>,
    %div3A_1134 = arith.constant 0.699999988 : f32
    %div3A_1135 = vector.broadcast %div3A_1134 : f32 to vector<16xf32>
    %div3A_1136 = arith.divf %get3A_1131, %div3A_1135 : vector<16xf32>
    %jit3A_1137 = arith.constant -3.000000e+38 : f32
    %broadcast_in_dim3A_1138 = vector.broadcast %jit3A_1137 : f32 to vector<16xf32>
    %select_n3A_1139 = arith.select %lt3A_1129, %div3A_1136, %broadcast_in_dim3A_1138 : vector<16xi1>, vector<16xf32>
    %swap3A_1140 = arith.constant 32 : index
    %swap3A_1141 = tpu.vector_load %arg12[%swap3A_1140] {strides = array<i32>} : memref<144xf32, #tpu.memory_space<vmem>>, vector<16xf32>,
    tpu.vector_store %arg12[%swap3A_1140], %select_n3A_1139 {strides = array<i32>} : memref<144xf32, #tpu.memory_space<vmem>>, vector<16xf32>,
    %jit3A_1142 = arith.constant 0 : i32
    %broadcast_in_dim3A_1143 = vector.broadcast %jit3A_1142 : i32 to vector<16xi32>
    %select_n3A_1144 = arith.select %lt3A_1129, %get3A_1133, %broadcast_in_dim3A_1143 : vector<16xi1>, vector<16xi32>
    %swap3A_1145 = arith.constant 32 : index
    %swap3A_1146 = tpu.vector_load %arg13[%swap3A_1145] {strides = array<i32>} : memref<128xi32, #tpu.memory_space<vmem>>, vector<16xi32>,
    tpu.vector_store %arg13[%swap3A_1145], %select_n3A_1144 {strides = array<i32>} : memref<128xi32, #tpu.memory_space<vmem>>, vector<16xi32>,
    %add3A_1147 = arith.constant 48 : i32
    %add3A_1148 = vector.broadcast %add3A_1147 : i32 to vector<16xi32>
    %add3A_1149 = arith.addi %iota3A, %add3A_1148 : vector<16xi32>
    %lt3A_1150 = vector.broadcast %min3A_1080 : i32 to vector<16xi32>
    %lt3A_1151 = arith.cmpi slt, %add3A_1149, %lt3A_1150 : vector<16xi32>
    %get3A_1152 = arith.constant 48 : index
    %get3A_1153 = tpu.vector_load %arg10[%get3A_1152] {strides = array<i32>} : memref<288xf32, #tpu.memory_space<vmem>>, vector<16xf32>,
    %get3A_1154 = arith.constant 48 : index
    %get3A_1155 = tpu.vector_load %arg11[%get3A_1154] {strides = array<i32>} : memref<288xi32, #tpu.memory_space<vmem>>, vector<16xi32>,
    %div3A_1156 = arith.constant 0.699999988 : f32
    %div3A_1157 = vector.broadcast %div3A_1156 : f32 to vector<16xf32>
    %div3A_1158 = arith.divf %get3A_1153, %div3A_1157 : vector<16xf32>
    %jit3A_1159 = arith.constant -3.000000e+38 : f32
    %broadcast_in_dim3A_1160 = vector.broadcast %jit3A_1159 : f32 to vector<16xf32>
    %select_n3A_1161 = arith.select %lt3A_1151, %div3A_1158, %broadcast_in_dim3A_1160 : vector<16xi1>, vector<16xf32>
    %swap3A_1162 = arith.constant 48 : index
    %swap3A_1163 = tpu.vector_load %arg12[%swap3A_1162] {strides = array<i32>} : memref<144xf32, #tpu.memory_space<vmem>>, vector<16xf32>,
    tpu.vector_store %arg12[%swap3A_1162], %select_n3A_1161 {strides = array<i32>} : memref<144xf32, #tpu.memory_space<vmem>>, vector<16xf32>,
    %jit3A_1164 = arith.constant 0 : i32
    %broadcast_in_dim3A_1165 = vector.broadcast %jit3A_1164 : i32 to vector<16xi32>
    %select_n3A_1166 = arith.select %lt3A_1151, %get3A_1155, %broadcast_in_dim3A_1165 : vector<16xi1>, vector<16xi32>
    %swap3A_1167 = arith.constant 48 : index
    %swap3A_1168 = tpu.vector_load %arg13[%swap3A_1167] {strides = array<i32>} : memref<128xi32, #tpu.memory_space<vmem>>, vector<16xi32>,
    tpu.vector_store %arg13[%swap3A_1167], %select_n3A_1166 {strides = array<i32>} : memref<128xi32, #tpu.memory_space<vmem>>, vector<16xi32>,
    %add3A_1169 = arith.constant 64 : i32
    %add3A_1170 = vector.broadcast %add3A_1169 : i32 to vector<16xi32>
    %add3A_1171 = arith.addi %iota3A, %add3A_1170 : vector<16xi32>
    %lt3A_1172 = vector.broadcast %min3A_1080 : i32 to vector<16xi32>
    %lt3A_1173 = arith.cmpi slt, %add3A_1171, %lt3A_1172 : vector<16xi32>
    %get3A_1174 = arith.constant 64 : index
    %get3A_1175 = tpu.vector_load %arg10[%get3A_1174] {strides = array<i32>} : memref<288xf32, #tpu.memory_space<vmem>>, vector<16xf32>,
    %get3A_1176 = arith.constant 64 : index
    %get3A_1177 = tpu.vector_load %arg11[%get3A_1176] {strides = array<i32>} : memref<288xi32, #tpu.memory_space<vmem>>, vector<16xi32>,
    %div3A_1178 = arith.constant 0.699999988 : f32
    %div3A_1179 = vector.broadcast %div3A_1178 : f32 to vector<16xf32>
    %div3A_1180 = arith.divf %get3A_1175, %div3A_1179 : vector<16xf32>
    %jit3A_1181 = arith.constant -3.000000e+38 : f32
    %broadcast_in_dim3A_1182 = vector.broadcast %jit3A_1181 : f32 to vector<16xf32>
    %select_n3A_1183 = arith.select %lt3A_1173, %div3A_1180, %broadcast_in_dim3A_1182 : vector<16xi1>, vector<16xf32>
    %swap3A_1184 = arith.constant 64 : index
    %swap3A_1185 = tpu.vector_load %arg12[%swap3A_1184] {strides = array<i32>} : memref<144xf32, #tpu.memory_space<vmem>>, vector<16xf32>,
    tpu.vector_store %arg12[%swap3A_1184], %select_n3A_1183 {strides = array<i32>} : memref<144xf32, #tpu.memory_space<vmem>>, vector<16xf32>,
    %jit3A_1186 = arith.constant 0 : i32
    %broadcast_in_dim3A_1187 = vector.broadcast %jit3A_1186 : i32 to vector<16xi32>
    %select_n3A_1188 = arith.select %lt3A_1173, %get3A_1177, %broadcast_in_dim3A_1187 : vector<16xi1>, vector<16xi32>
    %swap3A_1189 = arith.constant 64 : index
    %swap3A_1190 = tpu.vector_load %arg13[%swap3A_1189] {strides = array<i32>} : memref<128xi32, #tpu.memory_space<vmem>>, vector<16xi32>,
    tpu.vector_store %arg13[%swap3A_1189], %select_n3A_1188 {strides = array<i32>} : memref<128xi32, #tpu.memory_space<vmem>>, vector<16xi32>,
    %add3A_1191 = arith.constant 80 : i32
    %add3A_1192 = vector.broadcast %add3A_1191 : i32 to vector<16xi32>
    %add3A_1193 = arith.addi %iota3A, %add3A_1192 : vector<16xi32>
    %lt3A_1194 = vector.broadcast %min3A_1080 : i32 to vector<16xi32>
    %lt3A_1195 = arith.cmpi slt, %add3A_1193, %lt3A_1194 : vector<16xi32>
    %get3A_1196 = arith.constant 80 : index
    %get3A_1197 = tpu.vector_load %arg10[%get3A_1196] {strides = array<i32>} : memref<288xf32, #tpu.memory_space<vmem>>, vector<16xf32>,
    %get3A_1198 = arith.constant 80 : index
    %get3A_1199 = tpu.vector_load %arg11[%get3A_1198] {strides = array<i32>} : memref<288xi32, #tpu.memory_space<vmem>>, vector<16xi32>,
    %div3A_1200 = arith.constant 0.699999988 : f32
    %div3A_1201 = vector.broadcast %div3A_1200 : f32 to vector<16xf32>
    %div3A_1202 = arith.divf %get3A_1197, %div3A_1201 : vector<16xf32>
    %jit3A_1203 = arith.constant -3.000000e+38 : f32
    %broadcast_in_dim3A_1204 = vector.broadcast %jit3A_1203 : f32 to vector<16xf32>
    %select_n3A_1205 = arith.select %lt3A_1195, %div3A_1202, %broadcast_in_dim3A_1204 : vector<16xi1>, vector<16xf32>
    %swap3A_1206 = arith.constant 80 : index
    %swap3A_1207 = tpu.vector_load %arg12[%swap3A_1206] {strides = array<i32>} : memref<144xf32, #tpu.memory_space<vmem>>, vector<16xf32>,
    tpu.vector_store %arg12[%swap3A_1206], %select_n3A_1205 {strides = array<i32>} : memref<144xf32, #tpu.memory_space<vmem>>, vector<16xf32>,
    %jit3A_1208 = arith.constant 0 : i32
    %broadcast_in_dim3A_1209 = vector.broadcast %jit3A_1208 : i32 to vector<16xi32>
    %select_n3A_1210 = arith.select %lt3A_1195, %get3A_1199, %broadcast_in_dim3A_1209 : vector<16xi1>, vector<16xi32>
    %swap3A_1211 = arith.constant 80 : index
    %swap3A_1212 = tpu.vector_load %arg13[%swap3A_1211] {strides = array<i32>} : memref<128xi32, #tpu.memory_space<vmem>>, vector<16xi32>,
    tpu.vector_store %arg13[%swap3A_1211], %select_n3A_1210 {strides = array<i32>} : memref<128xi32, #tpu.memory_space<vmem>>, vector<16xi32>,
    %add3A_1213 = arith.constant 96 : i32
    %add3A_1214 = vector.broadcast %add3A_1213 : i32 to vector<16xi32>
    %add3A_1215 = arith.addi %iota3A, %add3A_1214 : vector<16xi32>
    %lt3A_1216 = vector.broadcast %min3A_1080 : i32 to vector<16xi32>
    %lt3A_1217 = arith.cmpi slt, %add3A_1215, %lt3A_1216 : vector<16xi32>
    %get3A_1218 = arith.constant 96 : index
    %get3A_1219 = tpu.vector_load %arg10[%get3A_1218] {strides = array<i32>} : memref<288xf32, #tpu.memory_space<vmem>>, vector<16xf32>,
    %get3A_1220 = arith.constant 96 : index
    %get3A_1221 = tpu.vector_load %arg11[%get3A_1220] {strides = array<i32>} : memref<288xi32, #tpu.memory_space<vmem>>, vector<16xi32>,
    %div3A_1222 = arith.constant 0.699999988 : f32
    %div3A_1223 = vector.broadcast %div3A_1222 : f32 to vector<16xf32>
    %div3A_1224 = arith.divf %get3A_1219, %div3A_1223 : vector<16xf32>
    %jit3A_1225 = arith.constant -3.000000e+38 : f32
    %broadcast_in_dim3A_1226 = vector.broadcast %jit3A_1225 : f32 to vector<16xf32>
    %select_n3A_1227 = arith.select %lt3A_1217, %div3A_1224, %broadcast_in_dim3A_1226 : vector<16xi1>, vector<16xf32>
    %swap3A_1228 = arith.constant 96 : index
    %swap3A_1229 = tpu.vector_load %arg12[%swap3A_1228] {strides = array<i32>} : memref<144xf32, #tpu.memory_space<vmem>>, vector<16xf32>,
    tpu.vector_store %arg12[%swap3A_1228], %select_n3A_1227 {strides = array<i32>} : memref<144xf32, #tpu.memory_space<vmem>>, vector<16xf32>,
    %jit3A_1230 = arith.constant 0 : i32
    %broadcast_in_dim3A_1231 = vector.broadcast %jit3A_1230 : i32 to vector<16xi32>
    %select_n3A_1232 = arith.select %lt3A_1217, %get3A_1221, %broadcast_in_dim3A_1231 : vector<16xi1>, vector<16xi32>
    %swap3A_1233 = arith.constant 96 : index
    %swap3A_1234 = tpu.vector_load %arg13[%swap3A_1233] {strides = array<i32>} : memref<128xi32, #tpu.memory_space<vmem>>, vector<16xi32>,
    tpu.vector_store %arg13[%swap3A_1233], %select_n3A_1232 {strides = array<i32>} : memref<128xi32, #tpu.memory_space<vmem>>, vector<16xi32>,
    %add3A_1235 = arith.constant 112 : i32
    %add3A_1236 = vector.broadcast %add3A_1235 : i32 to vector<16xi32>
    %add3A_1237 = arith.addi %iota3A, %add3A_1236 : vector<16xi32>
    %lt3A_1238 = vector.broadcast %min3A_1080 : i32 to vector<16xi32>
    %lt3A_1239 = arith.cmpi slt, %add3A_1237, %lt3A_1238 : vector<16xi32>
    %get3A_1240 = arith.constant 112 : index
    %get3A_1241 = tpu.vector_load %arg10[%get3A_1240] {strides = array<i32>} : memref<288xf32, #tpu.memory_space<vmem>>, vector<16xf32>,
    %get3A_1242 = arith.constant 112 : index
    %get3A_1243 = tpu.vector_load %arg11[%get3A_1242] {strides = array<i32>} : memref<288xi32, #tpu.memory_space<vmem>>, vector<16xi32>,
    %div3A_1244 = arith.constant 0.699999988 : f32
    %div3A_1245 = vector.broadcast %div3A_1244 : f32 to vector<16xf32>
    %div3A_1246 = arith.divf %get3A_1241, %div3A_1245 : vector<16xf32>
    %jit3A_1247 = arith.constant -3.000000e+38 : f32
    %broadcast_in_dim3A_1248 = vector.broadcast %jit3A_1247 : f32 to vector<16xf32>
    %select_n3A_1249 = arith.select %lt3A_1239, %div3A_1246, %broadcast_in_dim3A_1248 : vector<16xi1>, vector<16xf32>
    %swap3A_1250 = arith.constant 112 : index
    %swap3A_1251 = tpu.vector_load %arg12[%swap3A_1250] {strides = array<i32>} : memref<144xf32, #tpu.memory_space<vmem>>, vector<16xf32>,
    tpu.vector_store %arg12[%swap3A_1250], %select_n3A_1249 {strides = array<i32>} : memref<144xf32, #tpu.memory_space<vmem>>, vector<16xf32>,
    %jit3A_1252 = arith.constant 0 : i32
    %broadcast_in_dim3A_1253 = vector.broadcast %jit3A_1252 : i32 to vector<16xi32>
    %select_n3A_1254 = arith.select %lt3A_1239, %get3A_1243, %broadcast_in_dim3A_1253 : vector<16xi1>, vector<16xi32>
    %swap3A_1255 = arith.constant 112 : index
    %swap3A_1256 = tpu.vector_load %arg13[%swap3A_1255] {strides = array<i32>} : memref<128xi32, #tpu.memory_space<vmem>>, vector<16xi32>,
    tpu.vector_store %arg13[%swap3A_1255], %select_n3A_1254 {strides = array<i32>} : memref<128xi32, #tpu.memory_space<vmem>>, vector<16xi32>,
    %broadcast_in_dim3A_1257 = arith.constant 0 : i32
    %broadcast_in_dim3A_1258 = vector.broadcast %broadcast_in_dim3A_1257 : i32 to vector<16xi32>
    %broadcast_in_dim3A_1259 = arith.constant 0 : i32
    %broadcast_in_dim3A_1260 = vector.broadcast %broadcast_in_dim3A_1259 : i32 to vector<16xi32>
    %broadcast_in_dim3A_1261 = arith.constant 0 : i32
    %broadcast_in_dim3A_1262 = vector.broadcast %broadcast_in_dim3A_1261 : i32 to vector<16xi32>
    %broadcast_in_dim3A_1263 = arith.constant 0 : i32
    %broadcast_in_dim3A_1264 = vector.broadcast %broadcast_in_dim3A_1263 : i32 to vector<16xi32>
    %broadcast_in_dim3A_1265 = arith.constant 0 : i32
    %broadcast_in_dim3A_1266 = vector.broadcast %broadcast_in_dim3A_1265 : i32 to vector<16xi32>
    %broadcast_in_dim3A_1267 = arith.constant 0 : i32
    %broadcast_in_dim3A_1268 = vector.broadcast %broadcast_in_dim3A_1267 : i32 to vector<16xi32>
    %broadcast_in_dim3A_1269 = arith.constant 0 : i32
    %broadcast_in_dim3A_1270 = vector.broadcast %broadcast_in_dim3A_1269 : i32 to vector<16xi32>
    %broadcast_in_dim3A_1271 = arith.constant 0 : i32
    %broadcast_in_dim3A_1272 = vector.broadcast %broadcast_in_dim3A_1271 : i32 to vector<16xi32>
    %scan3A_1273 = arith.constant 0 : i32
    %scan3A_1274 = arith.constant 128 : i32
    %scan3A_1275 = arith.addi %scan3A_1273, %scan3A_1274 : i32
    %scan3A_1276 = arith.constant 1 : i32
    %scan3A_1277:8 = scf.for %scan3A_2113 = %scan3A_1273 to %scan3A_1275 step %scan3A_1276 iter_args(%scan3A_2114 = %broadcast_in_dim3A_1258, %scan3A_2115 = %broadcast_in_dim3A_1260, %scan3A_2116 = %broadcast_in_dim3A_1262, %scan3A_2117 = %broadcast_in_dim3A_1264, %scan3A_2118 = %broadcast_in_dim3A_1266, %scan3A_2119 = %broadcast_in_dim3A_1268, %scan3A_2120 = %broadcast_in_dim3A_1270, %scan3A_2121 = %broadcast_in_dim3A_1272) -> (vector<16xi32>, vector<16xi32>, vector<16xi32>, vector<16xi32>, vector<16xi32>, vector<16xi32>, vector<16xi32>, vector<16xi32>)  : i32 {
      %get3A_2122 = arith.index_cast %scan3A_2113 : i32 to index
      %get3A_2123 = tpu.vector_load %arg12[%get3A_2122] {strides = array<i32>} : memref<144xf32, #tpu.memory_space<vmem>>, vector<16xf32>,
      %slice3A_2124 = vector.extract_strided_slice %get3A_2123 {offsets = [0], sizes = [1], strides = [1]} : vector<16xf32> to vector<1xf32>
      %squeeze3A_2125 = vector.extract %slice3A_2124[0] : f32 from vector<1xf32>
      %get3A_2126 = arith.constant 0 : index
      %get3A_2127 = tpu.vector_load %arg12[%get3A_2126] {strides = array<i32>} : memref<144xf32, #tpu.memory_space<vmem>>, vector<16xf32>,
      %add3A_2128 = arith.constant 0 : i32
      %add3A_2129 = vector.broadcast %add3A_2128 : i32 to vector<16xi32>
      %add3A_2130 = arith.addi %iota3A, %add3A_2129 : vector<16xi32>
      %gt3A_2131 = vector.broadcast %squeeze3A_2125 : f32 to vector<16xf32>
      %gt3A_2132 = arith.cmpf ogt, %gt3A_2131, %get3A_2127 : vector<16xf32>
      %eq3A_2133 = vector.broadcast %squeeze3A_2125 : f32 to vector<16xf32>
      %eq3A_2134 = arith.cmpf oeq, %eq3A_2133, %get3A_2127 : vector<16xf32>
      %lt3A_2135 = vector.broadcast %scan3A_2113 : i32 to vector<16xi32>
      %lt3A_2136 = arith.cmpi slt, %lt3A_2135, %add3A_2130 : vector<16xi32>
      %and3A_2137 = arith.andi %eq3A_2134, %lt3A_2136 : vector<16xi1>
      %or3A_2138 = arith.ori %gt3A_2132, %and3A_2137 : vector<16xi1>
      %jit3A_2139 = arith.constant 1 : i32
      %jit3A_2140 = arith.constant 0 : i32
      %broadcast_in_dim3A_2141 = vector.broadcast %jit3A_2139 : i32 to vector<16xi32>
      %broadcast_in_dim3A_2142 = vector.broadcast %jit3A_2140 : i32 to vector<16xi32>
      %select_n3A_2143 = arith.select %or3A_2138, %broadcast_in_dim3A_2141, %broadcast_in_dim3A_2142 : vector<16xi1>, vector<16xi32>
      %add3A_2144 = arith.addi %scan3A_2114, %select_n3A_2143 : vector<16xi32>
      %get3A_2145 = arith.constant 16 : index
      %get3A_2146 = tpu.vector_load %arg12[%get3A_2145] {strides = array<i32>} : memref<144xf32, #tpu.memory_space<vmem>>, vector<16xf32>,
      %add3A_2147 = arith.constant 16 : i32
      %add3A_2148 = vector.broadcast %add3A_2147 : i32 to vector<16xi32>
      %add3A_2149 = arith.addi %iota3A, %add3A_2148 : vector<16xi32>
      %gt3A_2150 = vector.broadcast %squeeze3A_2125 : f32 to vector<16xf32>
      %gt3A_2151 = arith.cmpf ogt, %gt3A_2150, %get3A_2146 : vector<16xf32>
      %eq3A_2152 = vector.broadcast %squeeze3A_2125 : f32 to vector<16xf32>
      %eq3A_2153 = arith.cmpf oeq, %eq3A_2152, %get3A_2146 : vector<16xf32>
      %lt3A_2154 = vector.broadcast %scan3A_2113 : i32 to vector<16xi32>
      %lt3A_2155 = arith.cmpi slt, %lt3A_2154, %add3A_2149 : vector<16xi32>
      %and3A_2156 = arith.andi %eq3A_2153, %lt3A_2155 : vector<16xi1>
      %or3A_2157 = arith.ori %gt3A_2151, %and3A_2156 : vector<16xi1>
      %jit3A_2158 = arith.constant 1 : i32
      %jit3A_2159 = arith.constant 0 : i32
      %broadcast_in_dim3A_2160 = vector.broadcast %jit3A_2158 : i32 to vector<16xi32>
      %broadcast_in_dim3A_2161 = vector.broadcast %jit3A_2159 : i32 to vector<16xi32>
      %select_n3A_2162 = arith.select %or3A_2157, %broadcast_in_dim3A_2160, %broadcast_in_dim3A_2161 : vector<16xi1>, vector<16xi32>
      %add3A_2163 = arith.addi %scan3A_2115, %select_n3A_2162 : vector<16xi32>
      %get3A_2164 = arith.constant 32 : index
      %get3A_2165 = tpu.vector_load %arg12[%get3A_2164] {strides = array<i32>} : memref<144xf32, #tpu.memory_space<vmem>>, vector<16xf32>,
      %add3A_2166 = arith.constant 32 : i32
      %add3A_2167 = vector.broadcast %add3A_2166 : i32 to vector<16xi32>
      %add3A_2168 = arith.addi %iota3A, %add3A_2167 : vector<16xi32>
      %gt3A_2169 = vector.broadcast %squeeze3A_2125 : f32 to vector<16xf32>
      %gt3A_2170 = arith.cmpf ogt, %gt3A_2169, %get3A_2165 : vector<16xf32>
      %eq3A_2171 = vector.broadcast %squeeze3A_2125 : f32 to vector<16xf32>
      %eq3A_2172 = arith.cmpf oeq, %eq3A_2171, %get3A_2165 : vector<16xf32>
      %lt3A_2173 = vector.broadcast %scan3A_2113 : i32 to vector<16xi32>
      %lt3A_2174 = arith.cmpi slt, %lt3A_2173, %add3A_2168 : vector<16xi32>
      %and3A_2175 = arith.andi %eq3A_2172, %lt3A_2174 : vector<16xi1>
      %or3A_2176 = arith.ori %gt3A_2170, %and3A_2175 : vector<16xi1>
      %jit3A_2177 = arith.constant 1 : i32
      %jit3A_2178 = arith.constant 0 : i32
      %broadcast_in_dim3A_2179 = vector.broadcast %jit3A_2177 : i32 to vector<16xi32>
      %broadcast_in_dim3A_2180 = vector.broadcast %jit3A_2178 : i32 to vector<16xi32>
      %select_n3A_2181 = arith.select %or3A_2176, %broadcast_in_dim3A_2179, %broadcast_in_dim3A_2180 : vector<16xi1>, vector<16xi32>
      %add3A_2182 = arith.addi %scan3A_2116, %select_n3A_2181 : vector<16xi32>
      %get3A_2183 = arith.constant 48 : index
      %get3A_2184 = tpu.vector_load %arg12[%get3A_2183] {strides = array<i32>} : memref<144xf32, #tpu.memory_space<vmem>>, vector<16xf32>,
      %add3A_2185 = arith.constant 48 : i32
      %add3A_2186 = vector.broadcast %add3A_2185 : i32 to vector<16xi32>
      %add3A_2187 = arith.addi %iota3A, %add3A_2186 : vector<16xi32>
      %gt3A_2188 = vector.broadcast %squeeze3A_2125 : f32 to vector<16xf32>
      %gt3A_2189 = arith.cmpf ogt, %gt3A_2188, %get3A_2184 : vector<16xf32>
      %eq3A_2190 = vector.broadcast %squeeze3A_2125 : f32 to vector<16xf32>
      %eq3A_2191 = arith.cmpf oeq, %eq3A_2190, %get3A_2184 : vector<16xf32>
      %lt3A_2192 = vector.broadcast %scan3A_2113 : i32 to vector<16xi32>
      %lt3A_2193 = arith.cmpi slt, %lt3A_2192, %add3A_2187 : vector<16xi32>
      %and3A_2194 = arith.andi %eq3A_2191, %lt3A_2193 : vector<16xi1>
      %or3A_2195 = arith.ori %gt3A_2189, %and3A_2194 : vector<16xi1>
      %jit3A_2196 = arith.constant 1 : i32
      %jit3A_2197 = arith.constant 0 : i32
      %broadcast_in_dim3A_2198 = vector.broadcast %jit3A_2196 : i32 to vector<16xi32>
      %broadcast_in_dim3A_2199 = vector.broadcast %jit3A_2197 : i32 to vector<16xi32>
      %select_n3A_2200 = arith.select %or3A_2195, %broadcast_in_dim3A_2198, %broadcast_in_dim3A_2199 : vector<16xi1>, vector<16xi32>
      %add3A_2201 = arith.addi %scan3A_2117, %select_n3A_2200 : vector<16xi32>
      %get3A_2202 = arith.constant 64 : index
      %get3A_2203 = tpu.vector_load %arg12[%get3A_2202] {strides = array<i32>} : memref<144xf32, #tpu.memory_space<vmem>>, vector<16xf32>,
      %add3A_2204 = arith.constant 64 : i32
      %add3A_2205 = vector.broadcast %add3A_2204 : i32 to vector<16xi32>
      %add3A_2206 = arith.addi %iota3A, %add3A_2205 : vector<16xi32>
      %gt3A_2207 = vector.broadcast %squeeze3A_2125 : f32 to vector<16xf32>
      %gt3A_2208 = arith.cmpf ogt, %gt3A_2207, %get3A_2203 : vector<16xf32>
      %eq3A_2209 = vector.broadcast %squeeze3A_2125 : f32 to vector<16xf32>
      %eq3A_2210 = arith.cmpf oeq, %eq3A_2209, %get3A_2203 : vector<16xf32>
      %lt3A_2211 = vector.broadcast %scan3A_2113 : i32 to vector<16xi32>
      %lt3A_2212 = arith.cmpi slt, %lt3A_2211, %add3A_2206 : vector<16xi32>
      %and3A_2213 = arith.andi %eq3A_2210, %lt3A_2212 : vector<16xi1>
      %or3A_2214 = arith.ori %gt3A_2208, %and3A_2213 : vector<16xi1>
      %jit3A_2215 = arith.constant 1 : i32
      %jit3A_2216 = arith.constant 0 : i32
      %broadcast_in_dim3A_2217 = vector.broadcast %jit3A_2215 : i32 to vector<16xi32>
      %broadcast_in_dim3A_2218 = vector.broadcast %jit3A_2216 : i32 to vector<16xi32>
      %select_n3A_2219 = arith.select %or3A_2214, %broadcast_in_dim3A_2217, %broadcast_in_dim3A_2218 : vector<16xi1>, vector<16xi32>
      %add3A_2220 = arith.addi %scan3A_2118, %select_n3A_2219 : vector<16xi32>
      %get3A_2221 = arith.constant 80 : index
      %get3A_2222 = tpu.vector_load %arg12[%get3A_2221] {strides = array<i32>} : memref<144xf32, #tpu.memory_space<vmem>>, vector<16xf32>,
      %add3A_2223 = arith.constant 80 : i32
      %add3A_2224 = vector.broadcast %add3A_2223 : i32 to vector<16xi32>
      %add3A_2225 = arith.addi %iota3A, %add3A_2224 : vector<16xi32>
      %gt3A_2226 = vector.broadcast %squeeze3A_2125 : f32 to vector<16xf32>
      %gt3A_2227 = arith.cmpf ogt, %gt3A_2226, %get3A_2222 : vector<16xf32>
      %eq3A_2228 = vector.broadcast %squeeze3A_2125 : f32 to vector<16xf32>
      %eq3A_2229 = arith.cmpf oeq, %eq3A_2228, %get3A_2222 : vector<16xf32>
      %lt3A_2230 = vector.broadcast %scan3A_2113 : i32 to vector<16xi32>
      %lt3A_2231 = arith.cmpi slt, %lt3A_2230, %add3A_2225 : vector<16xi32>
      %and3A_2232 = arith.andi %eq3A_2229, %lt3A_2231 : vector<16xi1>
      %or3A_2233 = arith.ori %gt3A_2227, %and3A_2232 : vector<16xi1>
      %jit3A_2234 = arith.constant 1 : i32
      %jit3A_2235 = arith.constant 0 : i32
      %broadcast_in_dim3A_2236 = vector.broadcast %jit3A_2234 : i32 to vector<16xi32>
      %broadcast_in_dim3A_2237 = vector.broadcast %jit3A_2235 : i32 to vector<16xi32>
      %select_n3A_2238 = arith.select %or3A_2233, %broadcast_in_dim3A_2236, %broadcast_in_dim3A_2237 : vector<16xi1>, vector<16xi32>
      %add3A_2239 = arith.addi %scan3A_2119, %select_n3A_2238 : vector<16xi32>
      %get3A_2240 = arith.constant 96 : index
      %get3A_2241 = tpu.vector_load %arg12[%get3A_2240] {strides = array<i32>} : memref<144xf32, #tpu.memory_space<vmem>>, vector<16xf32>,
      %add3A_2242 = arith.constant 96 : i32
      %add3A_2243 = vector.broadcast %add3A_2242 : i32 to vector<16xi32>
      %add3A_2244 = arith.addi %iota3A, %add3A_2243 : vector<16xi32>
      %gt3A_2245 = vector.broadcast %squeeze3A_2125 : f32 to vector<16xf32>
      %gt3A_2246 = arith.cmpf ogt, %gt3A_2245, %get3A_2241 : vector<16xf32>
      %eq3A_2247 = vector.broadcast %squeeze3A_2125 : f32 to vector<16xf32>
      %eq3A_2248 = arith.cmpf oeq, %eq3A_2247, %get3A_2241 : vector<16xf32>
      %lt3A_2249 = vector.broadcast %scan3A_2113 : i32 to vector<16xi32>
      %lt3A_2250 = arith.cmpi slt, %lt3A_2249, %add3A_2244 : vector<16xi32>
      %and3A_2251 = arith.andi %eq3A_2248, %lt3A_2250 : vector<16xi1>
      %or3A_2252 = arith.ori %gt3A_2246, %and3A_2251 : vector<16xi1>
      %jit3A_2253 = arith.constant 1 : i32
      %jit3A_2254 = arith.constant 0 : i32
      %broadcast_in_dim3A_2255 = vector.broadcast %jit3A_2253 : i32 to vector<16xi32>
      %broadcast_in_dim3A_2256 = vector.broadcast %jit3A_2254 : i32 to vector<16xi32>
      %select_n3A_2257 = arith.select %or3A_2252, %broadcast_in_dim3A_2255, %broadcast_in_dim3A_2256 : vector<16xi1>, vector<16xi32>
      %add3A_2258 = arith.addi %scan3A_2120, %select_n3A_2257 : vector<16xi32>
      %get3A_2259 = arith.constant 112 : index
      %get3A_2260 = tpu.vector_load %arg12[%get3A_2259] {strides = array<i32>} : memref<144xf32, #tpu.memory_space<vmem>>, vector<16xf32>,
      %add3A_2261 = arith.constant 112 : i32
      %add3A_2262 = vector.broadcast %add3A_2261 : i32 to vector<16xi32>
      %add3A_2263 = arith.addi %iota3A, %add3A_2262 : vector<16xi32>
      %gt3A_2264 = vector.broadcast %squeeze3A_2125 : f32 to vector<16xf32>
      %gt3A_2265 = arith.cmpf ogt, %gt3A_2264, %get3A_2260 : vector<16xf32>
      %eq3A_2266 = vector.broadcast %squeeze3A_2125 : f32 to vector<16xf32>
      %eq3A_2267 = arith.cmpf oeq, %eq3A_2266, %get3A_2260 : vector<16xf32>
      %lt3A_2268 = vector.broadcast %scan3A_2113 : i32 to vector<16xi32>
      %lt3A_2269 = arith.cmpi slt, %lt3A_2268, %add3A_2263 : vector<16xi32>
      %and3A_2270 = arith.andi %eq3A_2267, %lt3A_2269 : vector<16xi1>
      %or3A_2271 = arith.ori %gt3A_2265, %and3A_2270 : vector<16xi1>
      %jit3A_2272 = arith.constant 1 : i32
      %jit3A_2273 = arith.constant 0 : i32
      %broadcast_in_dim3A_2274 = vector.broadcast %jit3A_2272 : i32 to vector<16xi32>
      %broadcast_in_dim3A_2275 = vector.broadcast %jit3A_2273 : i32 to vector<16xi32>
      %select_n3A_2276 = arith.select %or3A_2271, %broadcast_in_dim3A_2274, %broadcast_in_dim3A_2275 : vector<16xi1>, vector<16xi32>
      %add3A_2277 = arith.addi %scan3A_2121, %select_n3A_2276 : vector<16xi32>
      scf.yield %add3A_2144, %add3A_2163, %add3A_2182, %add3A_2201, %add3A_2220, %add3A_2239, %add3A_2258, %add3A_2277 : vector<16xi32>, vector<16xi32>, vector<16xi32>, vector<16xi32>, vector<16xi32>, vector<16xi32>, vector<16xi32>, vector<16xi32>
    }
    %scan3A_1278 = arith.constant 128 : i32
    %get3A_1279 = arith.constant 0 : index
    %get3A_1280 = tpu.vector_load %arg12[%get3A_1279] {strides = array<i32>} : memref<144xf32, #tpu.memory_space<vmem>>, vector<16xf32>,
    %get3A_1281 = arith.constant 0 : index
    %get3A_1282 = tpu.vector_load %arg13[%get3A_1281] {strides = array<i32>} : memref<128xi32, #tpu.memory_space<vmem>>, vector<16xi32>,
    %sub3A_1283 = arith.constant 1 : i32
    %sub3A_1284 = arith.subi %squeeze3A, %sub3A_1283 : i32
    %eq3A_1285 = vector.broadcast %sub3A_1284 : i32 to vector<16xi32>
    %eq3A_1286 = arith.cmpi eq, %scan3A_1277#0, %eq3A_1285 : vector<16xi32>
    %jit3A_1287 = arith.constant 0.000000e+00 : f32
    %broadcast_in_dim3A_1288 = vector.broadcast %jit3A_1287 : f32 to vector<16xf32>
    %select_n3A_1289 = arith.select %eq3A_1286, %get3A_1280, %broadcast_in_dim3A_1288 : vector<16xi1>, vector<16xf32>
    %reduce_sum3A_1290 = arith.constant true
    %reduce_sum3A_1291 = vector.broadcast %reduce_sum3A_1290 : i1 to vector<16xi1>
    %reduce_sum3A_1292 = tpu.scan <sum>, %select_n3A_1289 masked %reduce_sum3A_1291 : vector<16xf32>, vector<16xi1> -> vector<16xf32>
    %reduce_sum3A_1293 = vector.extract %reduce_sum3A_1292[15] : f32 from vector<16xf32>
    %add3A_1294 = arith.constant 0.000000e+00 : f32
    %add3A_1295 = arith.addf %add3A_1294, %reduce_sum3A_1293 : f32
    %eq3A_1296 = arith.constant 0 : i32
    %eq3A_1297 = vector.broadcast %eq3A_1296 : i32 to vector<16xi32>
    %eq3A_1298 = arith.cmpi eq, %scan3A_1277#0, %eq3A_1297 : vector<16xi32>
    %jit3A_1299 = arith.constant 0.000000e+00 : f32
    %broadcast_in_dim3A_1300 = vector.broadcast %jit3A_1299 : f32 to vector<16xf32>
    %select_n3A_1301 = arith.select %eq3A_1298, %get3A_1280, %broadcast_in_dim3A_1300 : vector<16xi1>, vector<16xf32>
    %reduce_sum3A_1302 = arith.constant true
    %reduce_sum3A_1303 = vector.broadcast %reduce_sum3A_1302 : i1 to vector<16xi1>
    %reduce_sum3A_1304 = tpu.scan <sum>, %select_n3A_1301 masked %reduce_sum3A_1303 : vector<16xf32>, vector<16xi1> -> vector<16xf32>
    %reduce_sum3A_1305 = vector.extract %reduce_sum3A_1304[15] : f32 from vector<16xf32>
    %add3A_1306 = arith.constant 0.000000e+00 : f32
    %add3A_1307 = arith.addf %add3A_1306, %reduce_sum3A_1305 : f32
    %eq3A_1308 = arith.constant 0 : i32
    %eq3A_1309 = vector.broadcast %eq3A_1308 : i32 to vector<16xi32>
    %eq3A_1310 = arith.cmpi eq, %scan3A_1277#0, %eq3A_1309 : vector<16xi32>
    %jit3A_1311 = arith.constant 0 : i32
    %broadcast_in_dim3A_1312 = vector.broadcast %jit3A_1311 : i32 to vector<16xi32>
    %select_n3A_1313 = arith.select %eq3A_1310, %get3A_1282, %broadcast_in_dim3A_1312 : vector<16xi1>, vector<16xi32>
    %reduce_sum3A_1314 = arith.constant true
    %reduce_sum3A_1315 = vector.broadcast %reduce_sum3A_1314 : i1 to vector<16xi1>
    %reduce_sum3A_1316 = tpu.scan <sum>, %select_n3A_1313 masked %reduce_sum3A_1315 : vector<16xi32>, vector<16xi1> -> vector<16xi32>
    %reduce_sum3A_1317 = vector.extract %reduce_sum3A_1316[15] : i32 from vector<16xi32>
    %add3A_1318 = arith.constant 0 : i32
    %add3A_1319 = arith.addi %add3A_1318, %reduce_sum3A_1317 : i32
    %get3A_1320 = arith.constant 16 : index
    %get3A_1321 = tpu.vector_load %arg12[%get3A_1320] {strides = array<i32>} : memref<144xf32, #tpu.memory_space<vmem>>, vector<16xf32>,
    %get3A_1322 = arith.constant 16 : index
    %get3A_1323 = tpu.vector_load %arg13[%get3A_1322] {strides = array<i32>} : memref<128xi32, #tpu.memory_space<vmem>>, vector<16xi32>,
    %sub3A_1324 = arith.constant 1 : i32
    %sub3A_1325 = arith.subi %squeeze3A, %sub3A_1324 : i32
    %eq3A_1326 = vector.broadcast %sub3A_1325 : i32 to vector<16xi32>
    %eq3A_1327 = arith.cmpi eq, %scan3A_1277#1, %eq3A_1326 : vector<16xi32>
    %jit3A_1328 = arith.constant 0.000000e+00 : f32
    %broadcast_in_dim3A_1329 = vector.broadcast %jit3A_1328 : f32 to vector<16xf32>
    %select_n3A_1330 = arith.select %eq3A_1327, %get3A_1321, %broadcast_in_dim3A_1329 : vector<16xi1>, vector<16xf32>
    %reduce_sum3A_1331 = arith.constant true
    %reduce_sum3A_1332 = vector.broadcast %reduce_sum3A_1331 : i1 to vector<16xi1>
    %reduce_sum3A_1333 = tpu.scan <sum>, %select_n3A_1330 masked %reduce_sum3A_1332 : vector<16xf32>, vector<16xi1> -> vector<16xf32>
    %reduce_sum3A_1334 = vector.extract %reduce_sum3A_1333[15] : f32 from vector<16xf32>
    %add3A_1335 = arith.addf %add3A_1295, %reduce_sum3A_1334 : f32
    %eq3A_1336 = arith.constant 0 : i32
    %eq3A_1337 = vector.broadcast %eq3A_1336 : i32 to vector<16xi32>
    %eq3A_1338 = arith.cmpi eq, %scan3A_1277#1, %eq3A_1337 : vector<16xi32>
    %jit3A_1339 = arith.constant 0.000000e+00 : f32
    %broadcast_in_dim3A_1340 = vector.broadcast %jit3A_1339 : f32 to vector<16xf32>
    %select_n3A_1341 = arith.select %eq3A_1338, %get3A_1321, %broadcast_in_dim3A_1340 : vector<16xi1>, vector<16xf32>
    %reduce_sum3A_1342 = arith.constant true
    %reduce_sum3A_1343 = vector.broadcast %reduce_sum3A_1342 : i1 to vector<16xi1>
    %reduce_sum3A_1344 = tpu.scan <sum>, %select_n3A_1341 masked %reduce_sum3A_1343 : vector<16xf32>, vector<16xi1> -> vector<16xf32>
    %reduce_sum3A_1345 = vector.extract %reduce_sum3A_1344[15] : f32 from vector<16xf32>
    %add3A_1346 = arith.addf %add3A_1307, %reduce_sum3A_1345 : f32
    %eq3A_1347 = arith.constant 0 : i32
    %eq3A_1348 = vector.broadcast %eq3A_1347 : i32 to vector<16xi32>
    %eq3A_1349 = arith.cmpi eq, %scan3A_1277#1, %eq3A_1348 : vector<16xi32>
    %jit3A_1350 = arith.constant 0 : i32
    %broadcast_in_dim3A_1351 = vector.broadcast %jit3A_1350 : i32 to vector<16xi32>
    %select_n3A_1352 = arith.select %eq3A_1349, %get3A_1323, %broadcast_in_dim3A_1351 : vector<16xi1>, vector<16xi32>
    %reduce_sum3A_1353 = arith.constant true
    %reduce_sum3A_1354 = vector.broadcast %reduce_sum3A_1353 : i1 to vector<16xi1>
    %reduce_sum3A_1355 = tpu.scan <sum>, %select_n3A_1352 masked %reduce_sum3A_1354 : vector<16xi32>, vector<16xi1> -> vector<16xi32>
    %reduce_sum3A_1356 = vector.extract %reduce_sum3A_1355[15] : i32 from vector<16xi32>
    %add3A_1357 = arith.addi %add3A_1319, %reduce_sum3A_1356 : i32
    %get3A_1358 = arith.constant 32 : index
    %get3A_1359 = tpu.vector_load %arg12[%get3A_1358] {strides = array<i32>} : memref<144xf32, #tpu.memory_space<vmem>>, vector<16xf32>,
    %get3A_1360 = arith.constant 32 : index
    %get3A_1361 = tpu.vector_load %arg13[%get3A_1360] {strides = array<i32>} : memref<128xi32, #tpu.memory_space<vmem>>, vector<16xi32>,
    %sub3A_1362 = arith.constant 1 : i32
    %sub3A_1363 = arith.subi %squeeze3A, %sub3A_1362 : i32
    %eq3A_1364 = vector.broadcast %sub3A_1363 : i32 to vector<16xi32>
    %eq3A_1365 = arith.cmpi eq, %scan3A_1277#2, %eq3A_1364 : vector<16xi32>
    %jit3A_1366 = arith.constant 0.000000e+00 : f32
    %broadcast_in_dim3A_1367 = vector.broadcast %jit3A_1366 : f32 to vector<16xf32>
    %select_n3A_1368 = arith.select %eq3A_1365, %get3A_1359, %broadcast_in_dim3A_1367 : vector<16xi1>, vector<16xf32>
    %reduce_sum3A_1369 = arith.constant true
    %reduce_sum3A_1370 = vector.broadcast %reduce_sum3A_1369 : i1 to vector<16xi1>
    %reduce_sum3A_1371 = tpu.scan <sum>, %select_n3A_1368 masked %reduce_sum3A_1370 : vector<16xf32>, vector<16xi1> -> vector<16xf32>
    %reduce_sum3A_1372 = vector.extract %reduce_sum3A_1371[15] : f32 from vector<16xf32>
    %add3A_1373 = arith.addf %add3A_1335, %reduce_sum3A_1372 : f32
    %eq3A_1374 = arith.constant 0 : i32
    %eq3A_1375 = vector.broadcast %eq3A_1374 : i32 to vector<16xi32>
    %eq3A_1376 = arith.cmpi eq, %scan3A_1277#2, %eq3A_1375 : vector<16xi32>
    %jit3A_1377 = arith.constant 0.000000e+00 : f32
    %broadcast_in_dim3A_1378 = vector.broadcast %jit3A_1377 : f32 to vector<16xf32>
    %select_n3A_1379 = arith.select %eq3A_1376, %get3A_1359, %broadcast_in_dim3A_1378 : vector<16xi1>, vector<16xf32>
    %reduce_sum3A_1380 = arith.constant true
    %reduce_sum3A_1381 = vector.broadcast %reduce_sum3A_1380 : i1 to vector<16xi1>
    %reduce_sum3A_1382 = tpu.scan <sum>, %select_n3A_1379 masked %reduce_sum3A_1381 : vector<16xf32>, vector<16xi1> -> vector<16xf32>
    %reduce_sum3A_1383 = vector.extract %reduce_sum3A_1382[15] : f32 from vector<16xf32>
    %add3A_1384 = arith.addf %add3A_1346, %reduce_sum3A_1383 : f32
    %eq3A_1385 = arith.constant 0 : i32
    %eq3A_1386 = vector.broadcast %eq3A_1385 : i32 to vector<16xi32>
    %eq3A_1387 = arith.cmpi eq, %scan3A_1277#2, %eq3A_1386 : vector<16xi32>
    %jit3A_1388 = arith.constant 0 : i32
    %broadcast_in_dim3A_1389 = vector.broadcast %jit3A_1388 : i32 to vector<16xi32>
    %select_n3A_1390 = arith.select %eq3A_1387, %get3A_1361, %broadcast_in_dim3A_1389 : vector<16xi1>, vector<16xi32>
    %reduce_sum3A_1391 = arith.constant true
    %reduce_sum3A_1392 = vector.broadcast %reduce_sum3A_1391 : i1 to vector<16xi1>
    %reduce_sum3A_1393 = tpu.scan <sum>, %select_n3A_1390 masked %reduce_sum3A_1392 : vector<16xi32>, vector<16xi1> -> vector<16xi32>
    %reduce_sum3A_1394 = vector.extract %reduce_sum3A_1393[15] : i32 from vector<16xi32>
    %add3A_1395 = arith.addi %add3A_1357, %reduce_sum3A_1394 : i32
    %get3A_1396 = arith.constant 48 : index
    %get3A_1397 = tpu.vector_load %arg12[%get3A_1396] {strides = array<i32>} : memref<144xf32, #tpu.memory_space<vmem>>, vector<16xf32>,
    %get3A_1398 = arith.constant 48 : index
    %get3A_1399 = tpu.vector_load %arg13[%get3A_1398] {strides = array<i32>} : memref<128xi32, #tpu.memory_space<vmem>>, vector<16xi32>,
    %sub3A_1400 = arith.constant 1 : i32
    %sub3A_1401 = arith.subi %squeeze3A, %sub3A_1400 : i32
    %eq3A_1402 = vector.broadcast %sub3A_1401 : i32 to vector<16xi32>
    %eq3A_1403 = arith.cmpi eq, %scan3A_1277#3, %eq3A_1402 : vector<16xi32>
    %jit3A_1404 = arith.constant 0.000000e+00 : f32
    %broadcast_in_dim3A_1405 = vector.broadcast %jit3A_1404 : f32 to vector<16xf32>
    %select_n3A_1406 = arith.select %eq3A_1403, %get3A_1397, %broadcast_in_dim3A_1405 : vector<16xi1>, vector<16xf32>
    %reduce_sum3A_1407 = arith.constant true
    %reduce_sum3A_1408 = vector.broadcast %reduce_sum3A_1407 : i1 to vector<16xi1>
    %reduce_sum3A_1409 = tpu.scan <sum>, %select_n3A_1406 masked %reduce_sum3A_1408 : vector<16xf32>, vector<16xi1> -> vector<16xf32>
    %reduce_sum3A_1410 = vector.extract %reduce_sum3A_1409[15] : f32 from vector<16xf32>
    %add3A_1411 = arith.addf %add3A_1373, %reduce_sum3A_1410 : f32
    %eq3A_1412 = arith.constant 0 : i32
    %eq3A_1413 = vector.broadcast %eq3A_1412 : i32 to vector<16xi32>
    %eq3A_1414 = arith.cmpi eq, %scan3A_1277#3, %eq3A_1413 : vector<16xi32>
    %jit3A_1415 = arith.constant 0.000000e+00 : f32
    %broadcast_in_dim3A_1416 = vector.broadcast %jit3A_1415 : f32 to vector<16xf32>
    %select_n3A_1417 = arith.select %eq3A_1414, %get3A_1397, %broadcast_in_dim3A_1416 : vector<16xi1>, vector<16xf32>
    %reduce_sum3A_1418 = arith.constant true
    %reduce_sum3A_1419 = vector.broadcast %reduce_sum3A_1418 : i1 to vector<16xi1>
    %reduce_sum3A_1420 = tpu.scan <sum>, %select_n3A_1417 masked %reduce_sum3A_1419 : vector<16xf32>, vector<16xi1> -> vector<16xf32>
    %reduce_sum3A_1421 = vector.extract %reduce_sum3A_1420[15] : f32 from vector<16xf32>
    %add3A_1422 = arith.addf %add3A_1384, %reduce_sum3A_1421 : f32
    %eq3A_1423 = arith.constant 0 : i32
    %eq3A_1424 = vector.broadcast %eq3A_1423 : i32 to vector<16xi32>
    %eq3A_1425 = arith.cmpi eq, %scan3A_1277#3, %eq3A_1424 : vector<16xi32>
    %jit3A_1426 = arith.constant 0 : i32
    %broadcast_in_dim3A_1427 = vector.broadcast %jit3A_1426 : i32 to vector<16xi32>
    %select_n3A_1428 = arith.select %eq3A_1425, %get3A_1399, %broadcast_in_dim3A_1427 : vector<16xi1>, vector<16xi32>
    %reduce_sum3A_1429 = arith.constant true
    %reduce_sum3A_1430 = vector.broadcast %reduce_sum3A_1429 : i1 to vector<16xi1>
    %reduce_sum3A_1431 = tpu.scan <sum>, %select_n3A_1428 masked %reduce_sum3A_1430 : vector<16xi32>, vector<16xi1> -> vector<16xi32>
    %reduce_sum3A_1432 = vector.extract %reduce_sum3A_1431[15] : i32 from vector<16xi32>
    %add3A_1433 = arith.addi %add3A_1395, %reduce_sum3A_1432 : i32
    %get3A_1434 = arith.constant 64 : index
    %get3A_1435 = tpu.vector_load %arg12[%get3A_1434] {strides = array<i32>} : memref<144xf32, #tpu.memory_space<vmem>>, vector<16xf32>,
    %get3A_1436 = arith.constant 64 : index
    %get3A_1437 = tpu.vector_load %arg13[%get3A_1436] {strides = array<i32>} : memref<128xi32, #tpu.memory_space<vmem>>, vector<16xi32>,
    %sub3A_1438 = arith.constant 1 : i32
    %sub3A_1439 = arith.subi %squeeze3A, %sub3A_1438 : i32
    %eq3A_1440 = vector.broadcast %sub3A_1439 : i32 to vector<16xi32>
    %eq3A_1441 = arith.cmpi eq, %scan3A_1277#4, %eq3A_1440 : vector<16xi32>
    %jit3A_1442 = arith.constant 0.000000e+00 : f32
    %broadcast_in_dim3A_1443 = vector.broadcast %jit3A_1442 : f32 to vector<16xf32>
    %select_n3A_1444 = arith.select %eq3A_1441, %get3A_1435, %broadcast_in_dim3A_1443 : vector<16xi1>, vector<16xf32>
    %reduce_sum3A_1445 = arith.constant true
    %reduce_sum3A_1446 = vector.broadcast %reduce_sum3A_1445 : i1 to vector<16xi1>
    %reduce_sum3A_1447 = tpu.scan <sum>, %select_n3A_1444 masked %reduce_sum3A_1446 : vector<16xf32>, vector<16xi1> -> vector<16xf32>
    %reduce_sum3A_1448 = vector.extract %reduce_sum3A_1447[15] : f32 from vector<16xf32>
    %add3A_1449 = arith.addf %add3A_1411, %reduce_sum3A_1448 : f32
    %eq3A_1450 = arith.constant 0 : i32
    %eq3A_1451 = vector.broadcast %eq3A_1450 : i32 to vector<16xi32>
    %eq3A_1452 = arith.cmpi eq, %scan3A_1277#4, %eq3A_1451 : vector<16xi32>
    %jit3A_1453 = arith.constant 0.000000e+00 : f32
    %broadcast_in_dim3A_1454 = vector.broadcast %jit3A_1453 : f32 to vector<16xf32>
    %select_n3A_1455 = arith.select %eq3A_1452, %get3A_1435, %broadcast_in_dim3A_1454 : vector<16xi1>, vector<16xf32>
    %reduce_sum3A_1456 = arith.constant true
    %reduce_sum3A_1457 = vector.broadcast %reduce_sum3A_1456 : i1 to vector<16xi1>
    %reduce_sum3A_1458 = tpu.scan <sum>, %select_n3A_1455 masked %reduce_sum3A_1457 : vector<16xf32>, vector<16xi1> -> vector<16xf32>
    %reduce_sum3A_1459 = vector.extract %reduce_sum3A_1458[15] : f32 from vector<16xf32>
    %add3A_1460 = arith.addf %add3A_1422, %reduce_sum3A_1459 : f32
    %eq3A_1461 = arith.constant 0 : i32
    %eq3A_1462 = vector.broadcast %eq3A_1461 : i32 to vector<16xi32>
    %eq3A_1463 = arith.cmpi eq, %scan3A_1277#4, %eq3A_1462 : vector<16xi32>
    %jit3A_1464 = arith.constant 0 : i32
    %broadcast_in_dim3A_1465 = vector.broadcast %jit3A_1464 : i32 to vector<16xi32>
    %select_n3A_1466 = arith.select %eq3A_1463, %get3A_1437, %broadcast_in_dim3A_1465 : vector<16xi1>, vector<16xi32>
    %reduce_sum3A_1467 = arith.constant true
    %reduce_sum3A_1468 = vector.broadcast %reduce_sum3A_1467 : i1 to vector<16xi1>
    %reduce_sum3A_1469 = tpu.scan <sum>, %select_n3A_1466 masked %reduce_sum3A_1468 : vector<16xi32>, vector<16xi1> -> vector<16xi32>
    %reduce_sum3A_1470 = vector.extract %reduce_sum3A_1469[15] : i32 from vector<16xi32>
    %add3A_1471 = arith.addi %add3A_1433, %reduce_sum3A_1470 : i32
    %get3A_1472 = arith.constant 80 : index
    %get3A_1473 = tpu.vector_load %arg12[%get3A_1472] {strides = array<i32>} : memref<144xf32, #tpu.memory_space<vmem>>, vector<16xf32>,
    %get3A_1474 = arith.constant 80 : index
    %get3A_1475 = tpu.vector_load %arg13[%get3A_1474] {strides = array<i32>} : memref<128xi32, #tpu.memory_space<vmem>>, vector<16xi32>,
    %sub3A_1476 = arith.constant 1 : i32
    %sub3A_1477 = arith.subi %squeeze3A, %sub3A_1476 : i32
    %eq3A_1478 = vector.broadcast %sub3A_1477 : i32 to vector<16xi32>
    %eq3A_1479 = arith.cmpi eq, %scan3A_1277#5, %eq3A_1478 : vector<16xi32>
    %jit3A_1480 = arith.constant 0.000000e+00 : f32
    %broadcast_in_dim3A_1481 = vector.broadcast %jit3A_1480 : f32 to vector<16xf32>
    %select_n3A_1482 = arith.select %eq3A_1479, %get3A_1473, %broadcast_in_dim3A_1481 : vector<16xi1>, vector<16xf32>
    %reduce_sum3A_1483 = arith.constant true
    %reduce_sum3A_1484 = vector.broadcast %reduce_sum3A_1483 : i1 to vector<16xi1>
    %reduce_sum3A_1485 = tpu.scan <sum>, %select_n3A_1482 masked %reduce_sum3A_1484 : vector<16xf32>, vector<16xi1> -> vector<16xf32>
    %reduce_sum3A_1486 = vector.extract %reduce_sum3A_1485[15] : f32 from vector<16xf32>
    %add3A_1487 = arith.addf %add3A_1449, %reduce_sum3A_1486 : f32
    %eq3A_1488 = arith.constant 0 : i32
    %eq3A_1489 = vector.broadcast %eq3A_1488 : i32 to vector<16xi32>
    %eq3A_1490 = arith.cmpi eq, %scan3A_1277#5, %eq3A_1489 : vector<16xi32>
    %jit3A_1491 = arith.constant 0.000000e+00 : f32
    %broadcast_in_dim3A_1492 = vector.broadcast %jit3A_1491 : f32 to vector<16xf32>
    %select_n3A_1493 = arith.select %eq3A_1490, %get3A_1473, %broadcast_in_dim3A_1492 : vector<16xi1>, vector<16xf32>
    %reduce_sum3A_1494 = arith.constant true
    %reduce_sum3A_1495 = vector.broadcast %reduce_sum3A_1494 : i1 to vector<16xi1>
    %reduce_sum3A_1496 = tpu.scan <sum>, %select_n3A_1493 masked %reduce_sum3A_1495 : vector<16xf32>, vector<16xi1> -> vector<16xf32>
    %reduce_sum3A_1497 = vector.extract %reduce_sum3A_1496[15] : f32 from vector<16xf32>
    %add3A_1498 = arith.addf %add3A_1460, %reduce_sum3A_1497 : f32
    %eq3A_1499 = arith.constant 0 : i32
    %eq3A_1500 = vector.broadcast %eq3A_1499 : i32 to vector<16xi32>
    %eq3A_1501 = arith.cmpi eq, %scan3A_1277#5, %eq3A_1500 : vector<16xi32>
    %jit3A_1502 = arith.constant 0 : i32
    %broadcast_in_dim3A_1503 = vector.broadcast %jit3A_1502 : i32 to vector<16xi32>
    %select_n3A_1504 = arith.select %eq3A_1501, %get3A_1475, %broadcast_in_dim3A_1503 : vector<16xi1>, vector<16xi32>
    %reduce_sum3A_1505 = arith.constant true
    %reduce_sum3A_1506 = vector.broadcast %reduce_sum3A_1505 : i1 to vector<16xi1>
    %reduce_sum3A_1507 = tpu.scan <sum>, %select_n3A_1504 masked %reduce_sum3A_1506 : vector<16xi32>, vector<16xi1> -> vector<16xi32>
    %reduce_sum3A_1508 = vector.extract %reduce_sum3A_1507[15] : i32 from vector<16xi32>
    %add3A_1509 = arith.addi %add3A_1471, %reduce_sum3A_1508 : i32
    %get3A_1510 = arith.constant 96 : index
    %get3A_1511 = tpu.vector_load %arg12[%get3A_1510] {strides = array<i32>} : memref<144xf32, #tpu.memory_space<vmem>>, vector<16xf32>,
    %get3A_1512 = arith.constant 96 : index
    %get3A_1513 = tpu.vector_load %arg13[%get3A_1512] {strides = array<i32>} : memref<128xi32, #tpu.memory_space<vmem>>, vector<16xi32>,
    %sub3A_1514 = arith.constant 1 : i32
    %sub3A_1515 = arith.subi %squeeze3A, %sub3A_1514 : i32
    %eq3A_1516 = vector.broadcast %sub3A_1515 : i32 to vector<16xi32>
    %eq3A_1517 = arith.cmpi eq, %scan3A_1277#6, %eq3A_1516 : vector<16xi32>
    %jit3A_1518 = arith.constant 0.000000e+00 : f32
    %broadcast_in_dim3A_1519 = vector.broadcast %jit3A_1518 : f32 to vector<16xf32>
    %select_n3A_1520 = arith.select %eq3A_1517, %get3A_1511, %broadcast_in_dim3A_1519 : vector<16xi1>, vector<16xf32>
    %reduce_sum3A_1521 = arith.constant true
    %reduce_sum3A_1522 = vector.broadcast %reduce_sum3A_1521 : i1 to vector<16xi1>
    %reduce_sum3A_1523 = tpu.scan <sum>, %select_n3A_1520 masked %reduce_sum3A_1522 : vector<16xf32>, vector<16xi1> -> vector<16xf32>
    %reduce_sum3A_1524 = vector.extract %reduce_sum3A_1523[15] : f32 from vector<16xf32>
    %add3A_1525 = arith.addf %add3A_1487, %reduce_sum3A_1524 : f32
    %eq3A_1526 = arith.constant 0 : i32
    %eq3A_1527 = vector.broadcast %eq3A_1526 : i32 to vector<16xi32>
    %eq3A_1528 = arith.cmpi eq, %scan3A_1277#6, %eq3A_1527 : vector<16xi32>
    %jit3A_1529 = arith.constant 0.000000e+00 : f32
    %broadcast_in_dim3A_1530 = vector.broadcast %jit3A_1529 : f32 to vector<16xf32>
    %select_n3A_1531 = arith.select %eq3A_1528, %get3A_1511, %broadcast_in_dim3A_1530 : vector<16xi1>, vector<16xf32>
    %reduce_sum3A_1532 = arith.constant true
    %reduce_sum3A_1533 = vector.broadcast %reduce_sum3A_1532 : i1 to vector<16xi1>
    %reduce_sum3A_1534 = tpu.scan <sum>, %select_n3A_1531 masked %reduce_sum3A_1533 : vector<16xf32>, vector<16xi1> -> vector<16xf32>
    %reduce_sum3A_1535 = vector.extract %reduce_sum3A_1534[15] : f32 from vector<16xf32>
    %add3A_1536 = arith.addf %add3A_1498, %reduce_sum3A_1535 : f32
    %eq3A_1537 = arith.constant 0 : i32
    %eq3A_1538 = vector.broadcast %eq3A_1537 : i32 to vector<16xi32>
    %eq3A_1539 = arith.cmpi eq, %scan3A_1277#6, %eq3A_1538 : vector<16xi32>
    %jit3A_1540 = arith.constant 0 : i32
    %broadcast_in_dim3A_1541 = vector.broadcast %jit3A_1540 : i32 to vector<16xi32>
    %select_n3A_1542 = arith.select %eq3A_1539, %get3A_1513, %broadcast_in_dim3A_1541 : vector<16xi1>, vector<16xi32>
    %reduce_sum3A_1543 = arith.constant true
    %reduce_sum3A_1544 = vector.broadcast %reduce_sum3A_1543 : i1 to vector<16xi1>
    %reduce_sum3A_1545 = tpu.scan <sum>, %select_n3A_1542 masked %reduce_sum3A_1544 : vector<16xi32>, vector<16xi1> -> vector<16xi32>
    %reduce_sum3A_1546 = vector.extract %reduce_sum3A_1545[15] : i32 from vector<16xi32>
    %add3A_1547 = arith.addi %add3A_1509, %reduce_sum3A_1546 : i32
    %get3A_1548 = arith.constant 112 : index
    %get3A_1549 = tpu.vector_load %arg12[%get3A_1548] {strides = array<i32>} : memref<144xf32, #tpu.memory_space<vmem>>, vector<16xf32>,
    %get3A_1550 = arith.constant 112 : index
    %get3A_1551 = tpu.vector_load %arg13[%get3A_1550] {strides = array<i32>} : memref<128xi32, #tpu.memory_space<vmem>>, vector<16xi32>,
    %sub3A_1552 = arith.constant 1 : i32
    %sub3A_1553 = arith.subi %squeeze3A, %sub3A_1552 : i32
    %eq3A_1554 = vector.broadcast %sub3A_1553 : i32 to vector<16xi32>
    %eq3A_1555 = arith.cmpi eq, %scan3A_1277#7, %eq3A_1554 : vector<16xi32>
    %jit3A_1556 = arith.constant 0.000000e+00 : f32
    %broadcast_in_dim3A_1557 = vector.broadcast %jit3A_1556 : f32 to vector<16xf32>
    %select_n3A_1558 = arith.select %eq3A_1555, %get3A_1549, %broadcast_in_dim3A_1557 : vector<16xi1>, vector<16xf32>
    %reduce_sum3A_1559 = arith.constant true
    %reduce_sum3A_1560 = vector.broadcast %reduce_sum3A_1559 : i1 to vector<16xi1>
    %reduce_sum3A_1561 = tpu.scan <sum>, %select_n3A_1558 masked %reduce_sum3A_1560 : vector<16xf32>, vector<16xi1> -> vector<16xf32>
    %reduce_sum3A_1562 = vector.extract %reduce_sum3A_1561[15] : f32 from vector<16xf32>
    %add3A_1563 = arith.addf %add3A_1525, %reduce_sum3A_1562 : f32
    %eq3A_1564 = arith.constant 0 : i32
    %eq3A_1565 = vector.broadcast %eq3A_1564 : i32 to vector<16xi32>
    %eq3A_1566 = arith.cmpi eq, %scan3A_1277#7, %eq3A_1565 : vector<16xi32>
    %jit3A_1567 = arith.constant 0.000000e+00 : f32
    %broadcast_in_dim3A_1568 = vector.broadcast %jit3A_1567 : f32 to vector<16xf32>
    %select_n3A_1569 = arith.select %eq3A_1566, %get3A_1549, %broadcast_in_dim3A_1568 : vector<16xi1>, vector<16xf32>
    %reduce_sum3A_1570 = arith.constant true
    %reduce_sum3A_1571 = vector.broadcast %reduce_sum3A_1570 : i1 to vector<16xi1>
    %reduce_sum3A_1572 = tpu.scan <sum>, %select_n3A_1569 masked %reduce_sum3A_1571 : vector<16xf32>, vector<16xi1> -> vector<16xf32>
    %reduce_sum3A_1573 = vector.extract %reduce_sum3A_1572[15] : f32 from vector<16xf32>
    %add3A_1574 = arith.addf %add3A_1536, %reduce_sum3A_1573 : f32
    %eq3A_1575 = arith.constant 0 : i32
    %eq3A_1576 = vector.broadcast %eq3A_1575 : i32 to vector<16xi32>
    %eq3A_1577 = arith.cmpi eq, %scan3A_1277#7, %eq3A_1576 : vector<16xi32>
    %jit3A_1578 = arith.constant 0 : i32
    %broadcast_in_dim3A_1579 = vector.broadcast %jit3A_1578 : i32 to vector<16xi32>
    %select_n3A_1580 = arith.select %eq3A_1577, %get3A_1551, %broadcast_in_dim3A_1579 : vector<16xi1>, vector<16xi32>
    %reduce_sum3A_1581 = arith.constant true
    %reduce_sum3A_1582 = vector.broadcast %reduce_sum3A_1581 : i1 to vector<16xi1>
    %reduce_sum3A_1583 = tpu.scan <sum>, %select_n3A_1580 masked %reduce_sum3A_1582 : vector<16xi32>, vector<16xi1> -> vector<16xi32>
    %reduce_sum3A_1584 = vector.extract %reduce_sum3A_1583[15] : i32 from vector<16xi32>
    %add3A_1585 = arith.addi %add3A_1547, %reduce_sum3A_1584 : i32
    %get3A_1586 = arith.constant 0 : index
    %get3A_1587 = tpu.vector_load %arg12[%get3A_1586] {strides = array<i32>} : memref<144xf32, #tpu.memory_space<vmem>>, vector<16xf32>,
    %ge3A_1588 = vector.broadcast %add3A_1563 : f32 to vector<16xf32>
    %ge3A_1589 = arith.cmpf oge, %get3A_1587, %ge3A_1588 : vector<16xf32>
    %sub3A_1590 = vector.broadcast %add3A_1574 : f32 to vector<16xf32>
    %sub3A_1591 = arith.subf %get3A_1587, %sub3A_1590 : vector<16xf32>
    %exp3A_1592 = math.exp %sub3A_1591 : vector<16xf32>
    %jit3A_1593 = arith.constant 0.000000e+00 : f32
    %broadcast_in_dim3A_1594 = vector.broadcast %jit3A_1593 : f32 to vector<16xf32>
    %select_n3A_1595 = arith.select %ge3A_1589, %exp3A_1592, %broadcast_in_dim3A_1594 : vector<16xi1>, vector<16xf32>
    %reduce_sum3A_1596 = arith.constant true
    %reduce_sum3A_1597 = vector.broadcast %reduce_sum3A_1596 : i1 to vector<16xi1>
    %reduce_sum3A_1598 = tpu.scan <sum>, %select_n3A_1595 masked %reduce_sum3A_1597 : vector<16xf32>, vector<16xi1> -> vector<16xf32>
    %reduce_sum3A_1599 = vector.extract %reduce_sum3A_1598[15] : f32 from vector<16xf32>
    %add3A_1600 = arith.constant 0.000000e+00 : f32
    %add3A_1601 = arith.addf %add3A_1600, %reduce_sum3A_1599 : f32
    %get3A_1602 = arith.constant 16 : index
    %get3A_1603 = tpu.vector_load %arg12[%get3A_1602] {strides = array<i32>} : memref<144xf32, #tpu.memory_space<vmem>>, vector<16xf32>,
    %ge3A_1604 = vector.broadcast %add3A_1563 : f32 to vector<16xf32>
    %ge3A_1605 = arith.cmpf oge, %get3A_1603, %ge3A_1604 : vector<16xf32>
    %sub3A_1606 = vector.broadcast %add3A_1574 : f32 to vector<16xf32>
    %sub3A_1607 = arith.subf %get3A_1603, %sub3A_1606 : vector<16xf32>
    %exp3A_1608 = math.exp %sub3A_1607 : vector<16xf32>
    %jit3A_1609 = arith.constant 0.000000e+00 : f32
    %broadcast_in_dim3A_1610 = vector.broadcast %jit3A_1609 : f32 to vector<16xf32>
    %select_n3A_1611 = arith.select %ge3A_1605, %exp3A_1608, %broadcast_in_dim3A_1610 : vector<16xi1>, vector<16xf32>
    %reduce_sum3A_1612 = arith.constant true
    %reduce_sum3A_1613 = vector.broadcast %reduce_sum3A_1612 : i1 to vector<16xi1>
    %reduce_sum3A_1614 = tpu.scan <sum>, %select_n3A_1611 masked %reduce_sum3A_1613 : vector<16xf32>, vector<16xi1> -> vector<16xf32>
    %reduce_sum3A_1615 = vector.extract %reduce_sum3A_1614[15] : f32 from vector<16xf32>
    %add3A_1616 = arith.addf %add3A_1601, %reduce_sum3A_1615 : f32
    %get3A_1617 = arith.constant 32 : index
    %get3A_1618 = tpu.vector_load %arg12[%get3A_1617] {strides = array<i32>} : memref<144xf32, #tpu.memory_space<vmem>>, vector<16xf32>,
    %ge3A_1619 = vector.broadcast %add3A_1563 : f32 to vector<16xf32>
    %ge3A_1620 = arith.cmpf oge, %get3A_1618, %ge3A_1619 : vector<16xf32>
    %sub3A_1621 = vector.broadcast %add3A_1574 : f32 to vector<16xf32>
    %sub3A_1622 = arith.subf %get3A_1618, %sub3A_1621 : vector<16xf32>
    %exp3A_1623 = math.exp %sub3A_1622 : vector<16xf32>
    %jit3A_1624 = arith.constant 0.000000e+00 : f32
    %broadcast_in_dim3A_1625 = vector.broadcast %jit3A_1624 : f32 to vector<16xf32>
    %select_n3A_1626 = arith.select %ge3A_1620, %exp3A_1623, %broadcast_in_dim3A_1625 : vector<16xi1>, vector<16xf32>
    %reduce_sum3A_1627 = arith.constant true
    %reduce_sum3A_1628 = vector.broadcast %reduce_sum3A_1627 : i1 to vector<16xi1>
    %reduce_sum3A_1629 = tpu.scan <sum>, %select_n3A_1626 masked %reduce_sum3A_1628 : vector<16xf32>, vector<16xi1> -> vector<16xf32>
    %reduce_sum3A_1630 = vector.extract %reduce_sum3A_1629[15] : f32 from vector<16xf32>
    %add3A_1631 = arith.addf %add3A_1616, %reduce_sum3A_1630 : f32
    %get3A_1632 = arith.constant 48 : index
    %get3A_1633 = tpu.vector_load %arg12[%get3A_1632] {strides = array<i32>} : memref<144xf32, #tpu.memory_space<vmem>>, vector<16xf32>,
    %ge3A_1634 = vector.broadcast %add3A_1563 : f32 to vector<16xf32>
    %ge3A_1635 = arith.cmpf oge, %get3A_1633, %ge3A_1634 : vector<16xf32>
    %sub3A_1636 = vector.broadcast %add3A_1574 : f32 to vector<16xf32>
    %sub3A_1637 = arith.subf %get3A_1633, %sub3A_1636 : vector<16xf32>
    %exp3A_1638 = math.exp %sub3A_1637 : vector<16xf32>
    %jit3A_1639 = arith.constant 0.000000e+00 : f32
    %broadcast_in_dim3A_1640 = vector.broadcast %jit3A_1639 : f32 to vector<16xf32>
    %select_n3A_1641 = arith.select %ge3A_1635, %exp3A_1638, %broadcast_in_dim3A_1640 : vector<16xi1>, vector<16xf32>
    %reduce_sum3A_1642 = arith.constant true
    %reduce_sum3A_1643 = vector.broadcast %reduce_sum3A_1642 : i1 to vector<16xi1>
    %reduce_sum3A_1644 = tpu.scan <sum>, %select_n3A_1641 masked %reduce_sum3A_1643 : vector<16xf32>, vector<16xi1> -> vector<16xf32>
    %reduce_sum3A_1645 = vector.extract %reduce_sum3A_1644[15] : f32 from vector<16xf32>
    %add3A_1646 = arith.addf %add3A_1631, %reduce_sum3A_1645 : f32
    %get3A_1647 = arith.constant 64 : index
    %get3A_1648 = tpu.vector_load %arg12[%get3A_1647] {strides = array<i32>} : memref<144xf32, #tpu.memory_space<vmem>>, vector<16xf32>,
    %ge3A_1649 = vector.broadcast %add3A_1563 : f32 to vector<16xf32>
    %ge3A_1650 = arith.cmpf oge, %get3A_1648, %ge3A_1649 : vector<16xf32>
    %sub3A_1651 = vector.broadcast %add3A_1574 : f32 to vector<16xf32>
    %sub3A_1652 = arith.subf %get3A_1648, %sub3A_1651 : vector<16xf32>
    %exp3A_1653 = math.exp %sub3A_1652 : vector<16xf32>
    %jit3A_1654 = arith.constant 0.000000e+00 : f32
    %broadcast_in_dim3A_1655 = vector.broadcast %jit3A_1654 : f32 to vector<16xf32>
    %select_n3A_1656 = arith.select %ge3A_1650, %exp3A_1653, %broadcast_in_dim3A_1655 : vector<16xi1>, vector<16xf32>
    %reduce_sum3A_1657 = arith.constant true
    %reduce_sum3A_1658 = vector.broadcast %reduce_sum3A_1657 : i1 to vector<16xi1>
    %reduce_sum3A_1659 = tpu.scan <sum>, %select_n3A_1656 masked %reduce_sum3A_1658 : vector<16xf32>, vector<16xi1> -> vector<16xf32>
    %reduce_sum3A_1660 = vector.extract %reduce_sum3A_1659[15] : f32 from vector<16xf32>
    %add3A_1661 = arith.addf %add3A_1646, %reduce_sum3A_1660 : f32
    %get3A_1662 = arith.constant 80 : index
    %get3A_1663 = tpu.vector_load %arg12[%get3A_1662] {strides = array<i32>} : memref<144xf32, #tpu.memory_space<vmem>>, vector<16xf32>,
    %ge3A_1664 = vector.broadcast %add3A_1563 : f32 to vector<16xf32>
    %ge3A_1665 = arith.cmpf oge, %get3A_1663, %ge3A_1664 : vector<16xf32>
    %sub3A_1666 = vector.broadcast %add3A_1574 : f32 to vector<16xf32>
    %sub3A_1667 = arith.subf %get3A_1663, %sub3A_1666 : vector<16xf32>
    %exp3A_1668 = math.exp %sub3A_1667 : vector<16xf32>
    %jit3A_1669 = arith.constant 0.000000e+00 : f32
    %broadcast_in_dim3A_1670 = vector.broadcast %jit3A_1669 : f32 to vector<16xf32>
    %select_n3A_1671 = arith.select %ge3A_1665, %exp3A_1668, %broadcast_in_dim3A_1670 : vector<16xi1>, vector<16xf32>
    %reduce_sum3A_1672 = arith.constant true
    %reduce_sum3A_1673 = vector.broadcast %reduce_sum3A_1672 : i1 to vector<16xi1>
    %reduce_sum3A_1674 = tpu.scan <sum>, %select_n3A_1671 masked %reduce_sum3A_1673 : vector<16xf32>, vector<16xi1> -> vector<16xf32>
    %reduce_sum3A_1675 = vector.extract %reduce_sum3A_1674[15] : f32 from vector<16xf32>
    %add3A_1676 = arith.addf %add3A_1661, %reduce_sum3A_1675 : f32
    %get3A_1677 = arith.constant 96 : index
    %get3A_1678 = tpu.vector_load %arg12[%get3A_1677] {strides = array<i32>} : memref<144xf32, #tpu.memory_space<vmem>>, vector<16xf32>,
    %ge3A_1679 = vector.broadcast %add3A_1563 : f32 to vector<16xf32>
    %ge3A_1680 = arith.cmpf oge, %get3A_1678, %ge3A_1679 : vector<16xf32>
    %sub3A_1681 = vector.broadcast %add3A_1574 : f32 to vector<16xf32>
    %sub3A_1682 = arith.subf %get3A_1678, %sub3A_1681 : vector<16xf32>
    %exp3A_1683 = math.exp %sub3A_1682 : vector<16xf32>
    %jit3A_1684 = arith.constant 0.000000e+00 : f32
    %broadcast_in_dim3A_1685 = vector.broadcast %jit3A_1684 : f32 to vector<16xf32>
    %select_n3A_1686 = arith.select %ge3A_1680, %exp3A_1683, %broadcast_in_dim3A_1685 : vector<16xi1>, vector<16xf32>
    %reduce_sum3A_1687 = arith.constant true
    %reduce_sum3A_1688 = vector.broadcast %reduce_sum3A_1687 : i1 to vector<16xi1>
    %reduce_sum3A_1689 = tpu.scan <sum>, %select_n3A_1686 masked %reduce_sum3A_1688 : vector<16xf32>, vector<16xi1> -> vector<16xf32>
    %reduce_sum3A_1690 = vector.extract %reduce_sum3A_1689[15] : f32 from vector<16xf32>
    %add3A_1691 = arith.addf %add3A_1676, %reduce_sum3A_1690 : f32
    %get3A_1692 = arith.constant 112 : index
    %get3A_1693 = tpu.vector_load %arg12[%get3A_1692] {strides = array<i32>} : memref<144xf32, #tpu.memory_space<vmem>>, vector<16xf32>,
    %ge3A_1694 = vector.broadcast %add3A_1563 : f32 to vector<16xf32>
    %ge3A_1695 = arith.cmpf oge, %get3A_1693, %ge3A_1694 : vector<16xf32>
    %sub3A_1696 = vector.broadcast %add3A_1574 : f32 to vector<16xf32>
    %sub3A_1697 = arith.subf %get3A_1693, %sub3A_1696 : vector<16xf32>
    %exp3A_1698 = math.exp %sub3A_1697 : vector<16xf32>
    %jit3A_1699 = arith.constant 0.000000e+00 : f32
    %broadcast_in_dim3A_1700 = vector.broadcast %jit3A_1699 : f32 to vector<16xf32>
    %select_n3A_1701 = arith.select %ge3A_1695, %exp3A_1698, %broadcast_in_dim3A_1700 : vector<16xi1>, vector<16xf32>
    %reduce_sum3A_1702 = arith.constant true
    %reduce_sum3A_1703 = vector.broadcast %reduce_sum3A_1702 : i1 to vector<16xi1>
    %reduce_sum3A_1704 = tpu.scan <sum>, %select_n3A_1701 masked %reduce_sum3A_1703 : vector<16xf32>, vector<16xi1> -> vector<16xf32>
    %reduce_sum3A_1705 = vector.extract %reduce_sum3A_1704[15] : f32 from vector<16xf32>
    %add3A_1706 = arith.addf %add3A_1691, %reduce_sum3A_1705 : f32
    %div3A_1707 = vector.broadcast %add3A_1706 : f32 to vector<16xf32>
    %div3A_1708 = arith.divf %select_n3A_1595, %div3A_1707 : vector<16xf32>
    tpu.vector_store_idx %arg14[%scan3A_1277#0], %div3A_1708 : memref<128xf32, #tpu.memory_space<vmem>>[vector<16xi32>], vector<16xf32>,
    %div3A_1709 = vector.broadcast %add3A_1706 : f32 to vector<16xf32>
    %div3A_1710 = arith.divf %select_n3A_1611, %div3A_1709 : vector<16xf32>
    tpu.vector_store_idx %arg14[%scan3A_1277#1], %div3A_1710 : memref<128xf32, #tpu.memory_space<vmem>>[vector<16xi32>], vector<16xf32>,
    %div3A_1711 = vector.broadcast %add3A_1706 : f32 to vector<16xf32>
    %div3A_1712 = arith.divf %select_n3A_1626, %div3A_1711 : vector<16xf32>
    tpu.vector_store_idx %arg14[%scan3A_1277#2], %div3A_1712 : memref<128xf32, #tpu.memory_space<vmem>>[vector<16xi32>], vector<16xf32>,
    %div3A_1713 = vector.broadcast %add3A_1706 : f32 to vector<16xf32>
    %div3A_1714 = arith.divf %select_n3A_1641, %div3A_1713 : vector<16xf32>
    tpu.vector_store_idx %arg14[%scan3A_1277#3], %div3A_1714 : memref<128xf32, #tpu.memory_space<vmem>>[vector<16xi32>], vector<16xf32>,
    %div3A_1715 = vector.broadcast %add3A_1706 : f32 to vector<16xf32>
    %div3A_1716 = arith.divf %select_n3A_1656, %div3A_1715 : vector<16xf32>
    tpu.vector_store_idx %arg14[%scan3A_1277#4], %div3A_1716 : memref<128xf32, #tpu.memory_space<vmem>>[vector<16xi32>], vector<16xf32>,
    %div3A_1717 = vector.broadcast %add3A_1706 : f32 to vector<16xf32>
    %div3A_1718 = arith.divf %select_n3A_1671, %div3A_1717 : vector<16xf32>
    tpu.vector_store_idx %arg14[%scan3A_1277#5], %div3A_1718 : memref<128xf32, #tpu.memory_space<vmem>>[vector<16xi32>], vector<16xf32>,
    %div3A_1719 = vector.broadcast %add3A_1706 : f32 to vector<16xf32>
    %div3A_1720 = arith.divf %select_n3A_1686, %div3A_1719 : vector<16xf32>
    tpu.vector_store_idx %arg14[%scan3A_1277#6], %div3A_1720 : memref<128xf32, #tpu.memory_space<vmem>>[vector<16xi32>], vector<16xf32>,
    %div3A_1721 = vector.broadcast %add3A_1706 : f32 to vector<16xf32>
    %div3A_1722 = arith.divf %select_n3A_1701, %div3A_1721 : vector<16xf32>
    tpu.vector_store_idx %arg14[%scan3A_1277#7], %div3A_1722 : memref<128xf32, #tpu.memory_space<vmem>>[vector<16xi32>], vector<16xf32>,
    %get3A_1723 = arith.constant 0 : index
    %get3A_1724 = tpu.vector_load %arg14[%get3A_1723] {strides = array<i32>} : memref<128xf32, #tpu.memory_space<vmem>>, vector<16xf32>,
    %broadcast_in_dim3A_1725 = arith.constant true
    %broadcast_in_dim3A_1726 = vector.broadcast %broadcast_in_dim3A_1725 : i1 to vector<16xi1>
    %masked_cumsum3A_1727 = tpu.scan <sum>, %get3A_1724 masked %broadcast_in_dim3A_1726 : vector<16xf32>, vector<16xi1> -> vector<16xf32>
    %add3A_1728 = arith.constant 0.000000e+00 : f32
    %add3A_1729 = vector.broadcast %add3A_1728 : f32 to vector<16xf32>
    %add3A_1730 = arith.addf %masked_cumsum3A_1727, %add3A_1729 : vector<16xf32>
    %swap3A_1731 = arith.constant 0 : index
    %swap3A_1732 = tpu.vector_load %arg15[%swap3A_1731] {strides = array<i32>} : memref<128xf32, #tpu.memory_space<vmem>>, vector<16xf32>,
    tpu.vector_store %arg15[%swap3A_1731], %add3A_1730 {strides = array<i32>} : memref<128xf32, #tpu.memory_space<vmem>>, vector<16xf32>,
    %eq3A_1733 = arith.constant 15 : i32
    %eq3A_1734 = vector.broadcast %eq3A_1733 : i32 to vector<16xi32>
    %eq3A_1735 = arith.cmpi eq, %iota3A, %eq3A_1734 : vector<16xi32>
    %jit3A_1736 = arith.constant 0.000000e+00 : f32
    %broadcast_in_dim3A_1737 = vector.broadcast %jit3A_1736 : f32 to vector<16xf32>
    %select_n3A_1738 = arith.select %eq3A_1735, %add3A_1730, %broadcast_in_dim3A_1737 : vector<16xi1>, vector<16xf32>
    %reduce_sum3A_1739 = arith.constant true
    %reduce_sum3A_1740 = vector.broadcast %reduce_sum3A_1739 : i1 to vector<16xi1>
    %reduce_sum3A_1741 = tpu.scan <sum>, %select_n3A_1738 masked %reduce_sum3A_1740 : vector<16xf32>, vector<16xi1> -> vector<16xf32>
    %reduce_sum3A_1742 = vector.extract %reduce_sum3A_1741[15] : f32 from vector<16xf32>
    %get3A_1743 = arith.constant 16 : index
    %get3A_1744 = tpu.vector_load %arg14[%get3A_1743] {strides = array<i32>} : memref<128xf32, #tpu.memory_space<vmem>>, vector<16xf32>,
    %broadcast_in_dim3A_1745 = arith.constant true
    %broadcast_in_dim3A_1746 = vector.broadcast %broadcast_in_dim3A_1745 : i1 to vector<16xi1>
    %masked_cumsum3A_1747 = tpu.scan <sum>, %get3A_1744 masked %broadcast_in_dim3A_1746 : vector<16xf32>, vector<16xi1> -> vector<16xf32>
    %add3A_1748 = vector.broadcast %reduce_sum3A_1742 : f32 to vector<16xf32>
    %add3A_1749 = arith.addf %masked_cumsum3A_1747, %add3A_1748 : vector<16xf32>
    %swap3A_1750 = arith.constant 16 : index
    %swap3A_1751 = tpu.vector_load %arg15[%swap3A_1750] {strides = array<i32>} : memref<128xf32, #tpu.memory_space<vmem>>, vector<16xf32>,
    tpu.vector_store %arg15[%swap3A_1750], %add3A_1749 {strides = array<i32>} : memref<128xf32, #tpu.memory_space<vmem>>, vector<16xf32>,
    %eq3A_1752 = arith.constant 15 : i32
    %eq3A_1753 = vector.broadcast %eq3A_1752 : i32 to vector<16xi32>
    %eq3A_1754 = arith.cmpi eq, %iota3A, %eq3A_1753 : vector<16xi32>
    %jit3A_1755 = arith.constant 0.000000e+00 : f32
    %broadcast_in_dim3A_1756 = vector.broadcast %jit3A_1755 : f32 to vector<16xf32>
    %select_n3A_1757 = arith.select %eq3A_1754, %add3A_1749, %broadcast_in_dim3A_1756 : vector<16xi1>, vector<16xf32>
    %reduce_sum3A_1758 = arith.constant true
    %reduce_sum3A_1759 = vector.broadcast %reduce_sum3A_1758 : i1 to vector<16xi1>
    %reduce_sum3A_1760 = tpu.scan <sum>, %select_n3A_1757 masked %reduce_sum3A_1759 : vector<16xf32>, vector<16xi1> -> vector<16xf32>
    %reduce_sum3A_1761 = vector.extract %reduce_sum3A_1760[15] : f32 from vector<16xf32>
    %get3A_1762 = arith.constant 32 : index
    %get3A_1763 = tpu.vector_load %arg14[%get3A_1762] {strides = array<i32>} : memref<128xf32, #tpu.memory_space<vmem>>, vector<16xf32>,
    %broadcast_in_dim3A_1764 = arith.constant true
    %broadcast_in_dim3A_1765 = vector.broadcast %broadcast_in_dim3A_1764 : i1 to vector<16xi1>
    %masked_cumsum3A_1766 = tpu.scan <sum>, %get3A_1763 masked %broadcast_in_dim3A_1765 : vector<16xf32>, vector<16xi1> -> vector<16xf32>
    %add3A_1767 = vector.broadcast %reduce_sum3A_1761 : f32 to vector<16xf32>
    %add3A_1768 = arith.addf %masked_cumsum3A_1766, %add3A_1767 : vector<16xf32>
    %swap3A_1769 = arith.constant 32 : index
    %swap3A_1770 = tpu.vector_load %arg15[%swap3A_1769] {strides = array<i32>} : memref<128xf32, #tpu.memory_space<vmem>>, vector<16xf32>,
    tpu.vector_store %arg15[%swap3A_1769], %add3A_1768 {strides = array<i32>} : memref<128xf32, #tpu.memory_space<vmem>>, vector<16xf32>,
    %eq3A_1771 = arith.constant 15 : i32
    %eq3A_1772 = vector.broadcast %eq3A_1771 : i32 to vector<16xi32>
    %eq3A_1773 = arith.cmpi eq, %iota3A, %eq3A_1772 : vector<16xi32>
    %jit3A_1774 = arith.constant 0.000000e+00 : f32
    %broadcast_in_dim3A_1775 = vector.broadcast %jit3A_1774 : f32 to vector<16xf32>
    %select_n3A_1776 = arith.select %eq3A_1773, %add3A_1768, %broadcast_in_dim3A_1775 : vector<16xi1>, vector<16xf32>
    %reduce_sum3A_1777 = arith.constant true
    %reduce_sum3A_1778 = vector.broadcast %reduce_sum3A_1777 : i1 to vector<16xi1>
    %reduce_sum3A_1779 = tpu.scan <sum>, %select_n3A_1776 masked %reduce_sum3A_1778 : vector<16xf32>, vector<16xi1> -> vector<16xf32>
    %reduce_sum3A_1780 = vector.extract %reduce_sum3A_1779[15] : f32 from vector<16xf32>
    %get3A_1781 = arith.constant 48 : index
    %get3A_1782 = tpu.vector_load %arg14[%get3A_1781] {strides = array<i32>} : memref<128xf32, #tpu.memory_space<vmem>>, vector<16xf32>,
    %broadcast_in_dim3A_1783 = arith.constant true
    %broadcast_in_dim3A_1784 = vector.broadcast %broadcast_in_dim3A_1783 : i1 to vector<16xi1>
    %masked_cumsum3A_1785 = tpu.scan <sum>, %get3A_1782 masked %broadcast_in_dim3A_1784 : vector<16xf32>, vector<16xi1> -> vector<16xf32>
    %add3A_1786 = vector.broadcast %reduce_sum3A_1780 : f32 to vector<16xf32>
    %add3A_1787 = arith.addf %masked_cumsum3A_1785, %add3A_1786 : vector<16xf32>
    %swap3A_1788 = arith.constant 48 : index
    %swap3A_1789 = tpu.vector_load %arg15[%swap3A_1788] {strides = array<i32>} : memref<128xf32, #tpu.memory_space<vmem>>, vector<16xf32>,
    tpu.vector_store %arg15[%swap3A_1788], %add3A_1787 {strides = array<i32>} : memref<128xf32, #tpu.memory_space<vmem>>, vector<16xf32>,
    %eq3A_1790 = arith.constant 15 : i32
    %eq3A_1791 = vector.broadcast %eq3A_1790 : i32 to vector<16xi32>
    %eq3A_1792 = arith.cmpi eq, %iota3A, %eq3A_1791 : vector<16xi32>
    %jit3A_1793 = arith.constant 0.000000e+00 : f32
    %broadcast_in_dim3A_1794 = vector.broadcast %jit3A_1793 : f32 to vector<16xf32>
    %select_n3A_1795 = arith.select %eq3A_1792, %add3A_1787, %broadcast_in_dim3A_1794 : vector<16xi1>, vector<16xf32>
    %reduce_sum3A_1796 = arith.constant true
    %reduce_sum3A_1797 = vector.broadcast %reduce_sum3A_1796 : i1 to vector<16xi1>
    %reduce_sum3A_1798 = tpu.scan <sum>, %select_n3A_1795 masked %reduce_sum3A_1797 : vector<16xf32>, vector<16xi1> -> vector<16xf32>
    %reduce_sum3A_1799 = vector.extract %reduce_sum3A_1798[15] : f32 from vector<16xf32>
    %get3A_1800 = arith.constant 64 : index
    %get3A_1801 = tpu.vector_load %arg14[%get3A_1800] {strides = array<i32>} : memref<128xf32, #tpu.memory_space<vmem>>, vector<16xf32>,
    %broadcast_in_dim3A_1802 = arith.constant true
    %broadcast_in_dim3A_1803 = vector.broadcast %broadcast_in_dim3A_1802 : i1 to vector<16xi1>
    %masked_cumsum3A_1804 = tpu.scan <sum>, %get3A_1801 masked %broadcast_in_dim3A_1803 : vector<16xf32>, vector<16xi1> -> vector<16xf32>
    %add3A_1805 = vector.broadcast %reduce_sum3A_1799 : f32 to vector<16xf32>
    %add3A_1806 = arith.addf %masked_cumsum3A_1804, %add3A_1805 : vector<16xf32>
    %swap3A_1807 = arith.constant 64 : index
    %swap3A_1808 = tpu.vector_load %arg15[%swap3A_1807] {strides = array<i32>} : memref<128xf32, #tpu.memory_space<vmem>>, vector<16xf32>,
    tpu.vector_store %arg15[%swap3A_1807], %add3A_1806 {strides = array<i32>} : memref<128xf32, #tpu.memory_space<vmem>>, vector<16xf32>,
    %eq3A_1809 = arith.constant 15 : i32
    %eq3A_1810 = vector.broadcast %eq3A_1809 : i32 to vector<16xi32>
    %eq3A_1811 = arith.cmpi eq, %iota3A, %eq3A_1810 : vector<16xi32>
    %jit3A_1812 = arith.constant 0.000000e+00 : f32
    %broadcast_in_dim3A_1813 = vector.broadcast %jit3A_1812 : f32 to vector<16xf32>
    %select_n3A_1814 = arith.select %eq3A_1811, %add3A_1806, %broadcast_in_dim3A_1813 : vector<16xi1>, vector<16xf32>
    %reduce_sum3A_1815 = arith.constant true
    %reduce_sum3A_1816 = vector.broadcast %reduce_sum3A_1815 : i1 to vector<16xi1>
    %reduce_sum3A_1817 = tpu.scan <sum>, %select_n3A_1814 masked %reduce_sum3A_1816 : vector<16xf32>, vector<16xi1> -> vector<16xf32>
    %reduce_sum3A_1818 = vector.extract %reduce_sum3A_1817[15] : f32 from vector<16xf32>
    %get3A_1819 = arith.constant 80 : index
    %get3A_1820 = tpu.vector_load %arg14[%get3A_1819] {strides = array<i32>} : memref<128xf32, #tpu.memory_space<vmem>>, vector<16xf32>,
    %broadcast_in_dim3A_1821 = arith.constant true
    %broadcast_in_dim3A_1822 = vector.broadcast %broadcast_in_dim3A_1821 : i1 to vector<16xi1>
    %masked_cumsum3A_1823 = tpu.scan <sum>, %get3A_1820 masked %broadcast_in_dim3A_1822 : vector<16xf32>, vector<16xi1> -> vector<16xf32>
    %add3A_1824 = vector.broadcast %reduce_sum3A_1818 : f32 to vector<16xf32>
    %add3A_1825 = arith.addf %masked_cumsum3A_1823, %add3A_1824 : vector<16xf32>
    %swap3A_1826 = arith.constant 80 : index
    %swap3A_1827 = tpu.vector_load %arg15[%swap3A_1826] {strides = array<i32>} : memref<128xf32, #tpu.memory_space<vmem>>, vector<16xf32>,
    tpu.vector_store %arg15[%swap3A_1826], %add3A_1825 {strides = array<i32>} : memref<128xf32, #tpu.memory_space<vmem>>, vector<16xf32>,
    %eq3A_1828 = arith.constant 15 : i32
    %eq3A_1829 = vector.broadcast %eq3A_1828 : i32 to vector<16xi32>
    %eq3A_1830 = arith.cmpi eq, %iota3A, %eq3A_1829 : vector<16xi32>
    %jit3A_1831 = arith.constant 0.000000e+00 : f32
    %broadcast_in_dim3A_1832 = vector.broadcast %jit3A_1831 : f32 to vector<16xf32>
    %select_n3A_1833 = arith.select %eq3A_1830, %add3A_1825, %broadcast_in_dim3A_1832 : vector<16xi1>, vector<16xf32>
    %reduce_sum3A_1834 = arith.constant true
    %reduce_sum3A_1835 = vector.broadcast %reduce_sum3A_1834 : i1 to vector<16xi1>
    %reduce_sum3A_1836 = tpu.scan <sum>, %select_n3A_1833 masked %reduce_sum3A_1835 : vector<16xf32>, vector<16xi1> -> vector<16xf32>
    %reduce_sum3A_1837 = vector.extract %reduce_sum3A_1836[15] : f32 from vector<16xf32>
    %get3A_1838 = arith.constant 96 : index
    %get3A_1839 = tpu.vector_load %arg14[%get3A_1838] {strides = array<i32>} : memref<128xf32, #tpu.memory_space<vmem>>, vector<16xf32>,
    %broadcast_in_dim3A_1840 = arith.constant true
    %broadcast_in_dim3A_1841 = vector.broadcast %broadcast_in_dim3A_1840 : i1 to vector<16xi1>
    %masked_cumsum3A_1842 = tpu.scan <sum>, %get3A_1839 masked %broadcast_in_dim3A_1841 : vector<16xf32>, vector<16xi1> -> vector<16xf32>
    %add3A_1843 = vector.broadcast %reduce_sum3A_1837 : f32 to vector<16xf32>
    %add3A_1844 = arith.addf %masked_cumsum3A_1842, %add3A_1843 : vector<16xf32>
    %swap3A_1845 = arith.constant 96 : index
    %swap3A_1846 = tpu.vector_load %arg15[%swap3A_1845] {strides = array<i32>} : memref<128xf32, #tpu.memory_space<vmem>>, vector<16xf32>,
    tpu.vector_store %arg15[%swap3A_1845], %add3A_1844 {strides = array<i32>} : memref<128xf32, #tpu.memory_space<vmem>>, vector<16xf32>,
    %eq3A_1847 = arith.constant 15 : i32
    %eq3A_1848 = vector.broadcast %eq3A_1847 : i32 to vector<16xi32>
    %eq3A_1849 = arith.cmpi eq, %iota3A, %eq3A_1848 : vector<16xi32>
    %jit3A_1850 = arith.constant 0.000000e+00 : f32
    %broadcast_in_dim3A_1851 = vector.broadcast %jit3A_1850 : f32 to vector<16xf32>
    %select_n3A_1852 = arith.select %eq3A_1849, %add3A_1844, %broadcast_in_dim3A_1851 : vector<16xi1>, vector<16xf32>
    %reduce_sum3A_1853 = arith.constant true
    %reduce_sum3A_1854 = vector.broadcast %reduce_sum3A_1853 : i1 to vector<16xi1>
    %reduce_sum3A_1855 = tpu.scan <sum>, %select_n3A_1852 masked %reduce_sum3A_1854 : vector<16xf32>, vector<16xi1> -> vector<16xf32>
    %reduce_sum3A_1856 = vector.extract %reduce_sum3A_1855[15] : f32 from vector<16xf32>
    %get3A_1857 = arith.constant 112 : index
    %get3A_1858 = tpu.vector_load %arg14[%get3A_1857] {strides = array<i32>} : memref<128xf32, #tpu.memory_space<vmem>>, vector<16xf32>,
    %broadcast_in_dim3A_1859 = arith.constant true
    %broadcast_in_dim3A_1860 = vector.broadcast %broadcast_in_dim3A_1859 : i1 to vector<16xi1>
    %masked_cumsum3A_1861 = tpu.scan <sum>, %get3A_1858 masked %broadcast_in_dim3A_1860 : vector<16xf32>, vector<16xi1> -> vector<16xf32>
    %add3A_1862 = vector.broadcast %reduce_sum3A_1856 : f32 to vector<16xf32>
    %add3A_1863 = arith.addf %masked_cumsum3A_1861, %add3A_1862 : vector<16xf32>
    %swap3A_1864 = arith.constant 112 : index
    %swap3A_1865 = tpu.vector_load %arg15[%swap3A_1864] {strides = array<i32>} : memref<128xf32, #tpu.memory_space<vmem>>, vector<16xf32>,
    tpu.vector_store %arg15[%swap3A_1864], %add3A_1863 {strides = array<i32>} : memref<128xf32, #tpu.memory_space<vmem>>, vector<16xf32>,
    %eq3A_1866 = arith.constant 15 : i32
    %eq3A_1867 = vector.broadcast %eq3A_1866 : i32 to vector<16xi32>
    %eq3A_1868 = arith.cmpi eq, %iota3A, %eq3A_1867 : vector<16xi32>
    %jit3A_1869 = arith.constant 0.000000e+00 : f32
    %broadcast_in_dim3A_1870 = vector.broadcast %jit3A_1869 : f32 to vector<16xf32>
    %select_n3A_1871 = arith.select %eq3A_1868, %add3A_1863, %broadcast_in_dim3A_1870 : vector<16xi1>, vector<16xf32>
    %reduce_sum3A_1872 = arith.constant true
    %reduce_sum3A_1873 = vector.broadcast %reduce_sum3A_1872 : i1 to vector<16xi1>
    %reduce_sum3A_1874 = tpu.scan <sum>, %select_n3A_1871 masked %reduce_sum3A_1873 : vector<16xf32>, vector<16xi1> -> vector<16xf32>
    %reduce_sum3A_1875 = vector.extract %reduce_sum3A_1874[15] : f32 from vector<16xf32>
    %get3A_1876 = arith.constant 0 : index
    %get3A_1877 = tpu.vector_load %arg12[%get3A_1876] {strides = array<i32>} : memref<144xf32, #tpu.memory_space<vmem>>, vector<16xf32>,
    %gather3A_1878 = tpu.vector_load_idx %arg15[%scan3A_1277#0] : memref<128xf32, #tpu.memory_space<vmem>>[vector<16xi32>], vector<16xf32>,
    %ge3A_1879 = vector.broadcast %add3A_1563 : f32 to vector<16xf32>
    %ge3A_1880 = arith.cmpf oge, %get3A_1877, %ge3A_1879 : vector<16xf32>
    %eq3A_1881 = arith.constant 0 : i32
    %eq3A_1882 = vector.broadcast %eq3A_1881 : i32 to vector<16xi32>
    %eq3A_1883 = arith.cmpi eq, %scan3A_1277#0, %eq3A_1882 : vector<16xi32>
    %le3A_1884 = arith.constant 0.899999976 : f32
    %le3A_1885 = vector.broadcast %le3A_1884 : f32 to vector<16xf32>
    %le3A_1886 = arith.cmpf ole, %gather3A_1878, %le3A_1885 : vector<16xf32>
    %or3A_1887 = arith.ori %eq3A_1883, %le3A_1886 : vector<16xi1>
    %and3A_1888 = arith.andi %ge3A_1880, %or3A_1887 : vector<16xi1>
    %jit3A_1889 = arith.constant 0.000000e+00 : f32
    %broadcast_in_dim3A_1890 = vector.broadcast %jit3A_1889 : f32 to vector<16xf32>
    %select_n3A_1891 = arith.select %and3A_1888, %select_n3A_1595, %broadcast_in_dim3A_1890 : vector<16xi1>, vector<16xf32>
    %reduce_sum3A_1892 = arith.constant true
    %reduce_sum3A_1893 = vector.broadcast %reduce_sum3A_1892 : i1 to vector<16xi1>
    %reduce_sum3A_1894 = tpu.scan <sum>, %select_n3A_1891 masked %reduce_sum3A_1893 : vector<16xf32>, vector<16xi1> -> vector<16xf32>
    %reduce_sum3A_1895 = vector.extract %reduce_sum3A_1894[15] : f32 from vector<16xf32>
    %add3A_1896 = arith.constant 0.000000e+00 : f32
    %add3A_1897 = arith.addf %add3A_1896, %reduce_sum3A_1895 : f32
    %get3A_1898 = arith.constant 16 : index
    %get3A_1899 = tpu.vector_load %arg12[%get3A_1898] {strides = array<i32>} : memref<144xf32, #tpu.memory_space<vmem>>, vector<16xf32>,
    %gather3A_1900 = tpu.vector_load_idx %arg15[%scan3A_1277#1] : memref<128xf32, #tpu.memory_space<vmem>>[vector<16xi32>], vector<16xf32>,
    %ge3A_1901 = vector.broadcast %add3A_1563 : f32 to vector<16xf32>
    %ge3A_1902 = arith.cmpf oge, %get3A_1899, %ge3A_1901 : vector<16xf32>
    %eq3A_1903 = arith.constant 0 : i32
    %eq3A_1904 = vector.broadcast %eq3A_1903 : i32 to vector<16xi32>
    %eq3A_1905 = arith.cmpi eq, %scan3A_1277#1, %eq3A_1904 : vector<16xi32>
    %le3A_1906 = arith.constant 0.899999976 : f32
    %le3A_1907 = vector.broadcast %le3A_1906 : f32 to vector<16xf32>
    %le3A_1908 = arith.cmpf ole, %gather3A_1900, %le3A_1907 : vector<16xf32>
    %or3A_1909 = arith.ori %eq3A_1905, %le3A_1908 : vector<16xi1>
    %and3A_1910 = arith.andi %ge3A_1902, %or3A_1909 : vector<16xi1>
    %jit3A_1911 = arith.constant 0.000000e+00 : f32
    %broadcast_in_dim3A_1912 = vector.broadcast %jit3A_1911 : f32 to vector<16xf32>
    %select_n3A_1913 = arith.select %and3A_1910, %select_n3A_1611, %broadcast_in_dim3A_1912 : vector<16xi1>, vector<16xf32>
    %reduce_sum3A_1914 = arith.constant true
    %reduce_sum3A_1915 = vector.broadcast %reduce_sum3A_1914 : i1 to vector<16xi1>
    %reduce_sum3A_1916 = tpu.scan <sum>, %select_n3A_1913 masked %reduce_sum3A_1915 : vector<16xf32>, vector<16xi1> -> vector<16xf32>
    %reduce_sum3A_1917 = vector.extract %reduce_sum3A_1916[15] : f32 from vector<16xf32>
    %add3A_1918 = arith.addf %add3A_1897, %reduce_sum3A_1917 : f32
    %get3A_1919 = arith.constant 32 : index
    %get3A_1920 = tpu.vector_load %arg12[%get3A_1919] {strides = array<i32>} : memref<144xf32, #tpu.memory_space<vmem>>, vector<16xf32>,
    %gather3A_1921 = tpu.vector_load_idx %arg15[%scan3A_1277#2] : memref<128xf32, #tpu.memory_space<vmem>>[vector<16xi32>], vector<16xf32>,
    %ge3A_1922 = vector.broadcast %add3A_1563 : f32 to vector<16xf32>
    %ge3A_1923 = arith.cmpf oge, %get3A_1920, %ge3A_1922 : vector<16xf32>
    %eq3A_1924 = arith.constant 0 : i32
    %eq3A_1925 = vector.broadcast %eq3A_1924 : i32 to vector<16xi32>
    %eq3A_1926 = arith.cmpi eq, %scan3A_1277#2, %eq3A_1925 : vector<16xi32>
    %le3A_1927 = arith.constant 0.899999976 : f32
    %le3A_1928 = vector.broadcast %le3A_1927 : f32 to vector<16xf32>
    %le3A_1929 = arith.cmpf ole, %gather3A_1921, %le3A_1928 : vector<16xf32>
    %or3A_1930 = arith.ori %eq3A_1926, %le3A_1929 : vector<16xi1>
    %and3A_1931 = arith.andi %ge3A_1923, %or3A_1930 : vector<16xi1>
    %jit3A_1932 = arith.constant 0.000000e+00 : f32
    %broadcast_in_dim3A_1933 = vector.broadcast %jit3A_1932 : f32 to vector<16xf32>
    %select_n3A_1934 = arith.select %and3A_1931, %select_n3A_1626, %broadcast_in_dim3A_1933 : vector<16xi1>, vector<16xf32>
    %reduce_sum3A_1935 = arith.constant true
    %reduce_sum3A_1936 = vector.broadcast %reduce_sum3A_1935 : i1 to vector<16xi1>
    %reduce_sum3A_1937 = tpu.scan <sum>, %select_n3A_1934 masked %reduce_sum3A_1936 : vector<16xf32>, vector<16xi1> -> vector<16xf32>
    %reduce_sum3A_1938 = vector.extract %reduce_sum3A_1937[15] : f32 from vector<16xf32>
    %add3A_1939 = arith.addf %add3A_1918, %reduce_sum3A_1938 : f32
    %get3A_1940 = arith.constant 48 : index
    %get3A_1941 = tpu.vector_load %arg12[%get3A_1940] {strides = array<i32>} : memref<144xf32, #tpu.memory_space<vmem>>, vector<16xf32>,
    %gather3A_1942 = tpu.vector_load_idx %arg15[%scan3A_1277#3] : memref<128xf32, #tpu.memory_space<vmem>>[vector<16xi32>], vector<16xf32>,
    %ge3A_1943 = vector.broadcast %add3A_1563 : f32 to vector<16xf32>
    %ge3A_1944 = arith.cmpf oge, %get3A_1941, %ge3A_1943 : vector<16xf32>
    %eq3A_1945 = arith.constant 0 : i32
    %eq3A_1946 = vector.broadcast %eq3A_1945 : i32 to vector<16xi32>
    %eq3A_1947 = arith.cmpi eq, %scan3A_1277#3, %eq3A_1946 : vector<16xi32>
    %le3A_1948 = arith.constant 0.899999976 : f32
    %le3A_1949 = vector.broadcast %le3A_1948 : f32 to vector<16xf32>
    %le3A_1950 = arith.cmpf ole, %gather3A_1942, %le3A_1949 : vector<16xf32>
    %or3A_1951 = arith.ori %eq3A_1947, %le3A_1950 : vector<16xi1>
    %and3A_1952 = arith.andi %ge3A_1944, %or3A_1951 : vector<16xi1>
    %jit3A_1953 = arith.constant 0.000000e+00 : f32
    %broadcast_in_dim3A_1954 = vector.broadcast %jit3A_1953 : f32 to vector<16xf32>
    %select_n3A_1955 = arith.select %and3A_1952, %select_n3A_1641, %broadcast_in_dim3A_1954 : vector<16xi1>, vector<16xf32>
    %reduce_sum3A_1956 = arith.constant true
    %reduce_sum3A_1957 = vector.broadcast %reduce_sum3A_1956 : i1 to vector<16xi1>
    %reduce_sum3A_1958 = tpu.scan <sum>, %select_n3A_1955 masked %reduce_sum3A_1957 : vector<16xf32>, vector<16xi1> -> vector<16xf32>
    %reduce_sum3A_1959 = vector.extract %reduce_sum3A_1958[15] : f32 from vector<16xf32>
    %add3A_1960 = arith.addf %add3A_1939, %reduce_sum3A_1959 : f32
    %get3A_1961 = arith.constant 64 : index
    %get3A_1962 = tpu.vector_load %arg12[%get3A_1961] {strides = array<i32>} : memref<144xf32, #tpu.memory_space<vmem>>, vector<16xf32>,
    %gather3A_1963 = tpu.vector_load_idx %arg15[%scan3A_1277#4] : memref<128xf32, #tpu.memory_space<vmem>>[vector<16xi32>], vector<16xf32>,
    %ge3A_1964 = vector.broadcast %add3A_1563 : f32 to vector<16xf32>
    %ge3A_1965 = arith.cmpf oge, %get3A_1962, %ge3A_1964 : vector<16xf32>
    %eq3A_1966 = arith.constant 0 : i32
    %eq3A_1967 = vector.broadcast %eq3A_1966 : i32 to vector<16xi32>
    %eq3A_1968 = arith.cmpi eq, %scan3A_1277#4, %eq3A_1967 : vector<16xi32>
    %le3A_1969 = arith.constant 0.899999976 : f32
    %le3A_1970 = vector.broadcast %le3A_1969 : f32 to vector<16xf32>
    %le3A_1971 = arith.cmpf ole, %gather3A_1963, %le3A_1970 : vector<16xf32>
    %or3A_1972 = arith.ori %eq3A_1968, %le3A_1971 : vector<16xi1>
    %and3A_1973 = arith.andi %ge3A_1965, %or3A_1972 : vector<16xi1>
    %jit3A_1974 = arith.constant 0.000000e+00 : f32
    %broadcast_in_dim3A_1975 = vector.broadcast %jit3A_1974 : f32 to vector<16xf32>
    %select_n3A_1976 = arith.select %and3A_1973, %select_n3A_1656, %broadcast_in_dim3A_1975 : vector<16xi1>, vector<16xf32>
    %reduce_sum3A_1977 = arith.constant true
    %reduce_sum3A_1978 = vector.broadcast %reduce_sum3A_1977 : i1 to vector<16xi1>
    %reduce_sum3A_1979 = tpu.scan <sum>, %select_n3A_1976 masked %reduce_sum3A_1978 : vector<16xf32>, vector<16xi1> -> vector<16xf32>
    %reduce_sum3A_1980 = vector.extract %reduce_sum3A_1979[15] : f32 from vector<16xf32>
    %add3A_1981 = arith.addf %add3A_1960, %reduce_sum3A_1980 : f32
    %get3A_1982 = arith.constant 80 : index
    %get3A_1983 = tpu.vector_load %arg12[%get3A_1982] {strides = array<i32>} : memref<144xf32, #tpu.memory_space<vmem>>, vector<16xf32>,
    %gather3A_1984 = tpu.vector_load_idx %arg15[%scan3A_1277#5] : memref<128xf32, #tpu.memory_space<vmem>>[vector<16xi32>], vector<16xf32>,
    %ge3A_1985 = vector.broadcast %add3A_1563 : f32 to vector<16xf32>
    %ge3A_1986 = arith.cmpf oge, %get3A_1983, %ge3A_1985 : vector<16xf32>
    %eq3A_1987 = arith.constant 0 : i32
    %eq3A_1988 = vector.broadcast %eq3A_1987 : i32 to vector<16xi32>
    %eq3A_1989 = arith.cmpi eq, %scan3A_1277#5, %eq3A_1988 : vector<16xi32>
    %le3A_1990 = arith.constant 0.899999976 : f32
    %le3A_1991 = vector.broadcast %le3A_1990 : f32 to vector<16xf32>
    %le3A_1992 = arith.cmpf ole, %gather3A_1984, %le3A_1991 : vector<16xf32>
    %or3A_1993 = arith.ori %eq3A_1989, %le3A_1992 : vector<16xi1>
    %and3A_1994 = arith.andi %ge3A_1986, %or3A_1993 : vector<16xi1>
    %jit3A_1995 = arith.constant 0.000000e+00 : f32
    %broadcast_in_dim3A_1996 = vector.broadcast %jit3A_1995 : f32 to vector<16xf32>
    %select_n3A_1997 = arith.select %and3A_1994, %select_n3A_1671, %broadcast_in_dim3A_1996 : vector<16xi1>, vector<16xf32>
    %reduce_sum3A_1998 = arith.constant true
    %reduce_sum3A_1999 = vector.broadcast %reduce_sum3A_1998 : i1 to vector<16xi1>
    %reduce_sum3A_2000 = tpu.scan <sum>, %select_n3A_1997 masked %reduce_sum3A_1999 : vector<16xf32>, vector<16xi1> -> vector<16xf32>
    %reduce_sum3A_2001 = vector.extract %reduce_sum3A_2000[15] : f32 from vector<16xf32>
    %add3A_2002 = arith.addf %add3A_1981, %reduce_sum3A_2001 : f32
    %get3A_2003 = arith.constant 96 : index
    %get3A_2004 = tpu.vector_load %arg12[%get3A_2003] {strides = array<i32>} : memref<144xf32, #tpu.memory_space<vmem>>, vector<16xf32>,
    %gather3A_2005 = tpu.vector_load_idx %arg15[%scan3A_1277#6] : memref<128xf32, #tpu.memory_space<vmem>>[vector<16xi32>], vector<16xf32>,
    %ge3A_2006 = vector.broadcast %add3A_1563 : f32 to vector<16xf32>
    %ge3A_2007 = arith.cmpf oge, %get3A_2004, %ge3A_2006 : vector<16xf32>
    %eq3A_2008 = arith.constant 0 : i32
    %eq3A_2009 = vector.broadcast %eq3A_2008 : i32 to vector<16xi32>
    %eq3A_2010 = arith.cmpi eq, %scan3A_1277#6, %eq3A_2009 : vector<16xi32>
    %le3A_2011 = arith.constant 0.899999976 : f32
    %le3A_2012 = vector.broadcast %le3A_2011 : f32 to vector<16xf32>
    %le3A_2013 = arith.cmpf ole, %gather3A_2005, %le3A_2012 : vector<16xf32>
    %or3A_2014 = arith.ori %eq3A_2010, %le3A_2013 : vector<16xi1>
    %and3A_2015 = arith.andi %ge3A_2007, %or3A_2014 : vector<16xi1>
    %jit3A_2016 = arith.constant 0.000000e+00 : f32
    %broadcast_in_dim3A_2017 = vector.broadcast %jit3A_2016 : f32 to vector<16xf32>
    %select_n3A_2018 = arith.select %and3A_2015, %select_n3A_1686, %broadcast_in_dim3A_2017 : vector<16xi1>, vector<16xf32>
    %reduce_sum3A_2019 = arith.constant true
    %reduce_sum3A_2020 = vector.broadcast %reduce_sum3A_2019 : i1 to vector<16xi1>
    %reduce_sum3A_2021 = tpu.scan <sum>, %select_n3A_2018 masked %reduce_sum3A_2020 : vector<16xf32>, vector<16xi1> -> vector<16xf32>
    %reduce_sum3A_2022 = vector.extract %reduce_sum3A_2021[15] : f32 from vector<16xf32>
    %add3A_2023 = arith.addf %add3A_2002, %reduce_sum3A_2022 : f32
    %get3A_2024 = arith.constant 112 : index
    %get3A_2025 = tpu.vector_load %arg12[%get3A_2024] {strides = array<i32>} : memref<144xf32, #tpu.memory_space<vmem>>, vector<16xf32>,
    %gather3A_2026 = tpu.vector_load_idx %arg15[%scan3A_1277#7] : memref<128xf32, #tpu.memory_space<vmem>>[vector<16xi32>], vector<16xf32>,
    %ge3A_2027 = vector.broadcast %add3A_1563 : f32 to vector<16xf32>
    %ge3A_2028 = arith.cmpf oge, %get3A_2025, %ge3A_2027 : vector<16xf32>
    %eq3A_2029 = arith.constant 0 : i32
    %eq3A_2030 = vector.broadcast %eq3A_2029 : i32 to vector<16xi32>
    %eq3A_2031 = arith.cmpi eq, %scan3A_1277#7, %eq3A_2030 : vector<16xi32>
    %le3A_2032 = arith.constant 0.899999976 : f32
    %le3A_2033 = vector.broadcast %le3A_2032 : f32 to vector<16xf32>
    %le3A_2034 = arith.cmpf ole, %gather3A_2026, %le3A_2033 : vector<16xf32>
    %or3A_2035 = arith.ori %eq3A_2031, %le3A_2034 : vector<16xi1>
    %and3A_2036 = arith.andi %ge3A_2028, %or3A_2035 : vector<16xi1>
    %jit3A_2037 = arith.constant 0.000000e+00 : f32
    %broadcast_in_dim3A_2038 = vector.broadcast %jit3A_2037 : f32 to vector<16xf32>
    %select_n3A_2039 = arith.select %and3A_2036, %select_n3A_1701, %broadcast_in_dim3A_2038 : vector<16xi1>, vector<16xf32>
    %reduce_sum3A_2040 = arith.constant true
    %reduce_sum3A_2041 = vector.broadcast %reduce_sum3A_2040 : i1 to vector<16xi1>
    %reduce_sum3A_2042 = tpu.scan <sum>, %select_n3A_2039 masked %reduce_sum3A_2041 : vector<16xf32>, vector<16xi1> -> vector<16xf32>
    %reduce_sum3A_2043 = vector.extract %reduce_sum3A_2042[15] : f32 from vector<16xf32>
    %add3A_2044 = arith.addf %add3A_2023, %reduce_sum3A_2043 : f32
    %broadcast_in_dim3A_2045 = arith.constant 0.000000e+00 : f32
    %broadcast_in_dim3A_2046 = vector.broadcast %broadcast_in_dim3A_2045 : f32 to vector<16xf32>
    %scan3A_2047 = arith.constant 0 : i32
    %scan3A_2048 = arith.constant 0 : i32
    %scan3A_2049 = arith.constant 6250 : i32
    %scan3A_2050 = arith.addi %scan3A_2048, %scan3A_2049 : i32
    %scan3A_2051 = arith.constant 1 : i32
    %scan3A_2052 = scf.for %scan3A_2113 = %scan3A_2048 to %scan3A_2050 step %scan3A_2051 iter_args(%scan3A_2114 = %scan3A_2047) -> (i32)  : i32 {
      %mul3A_2115 = arith.constant 16 : i32
      %mul3A_2116 = arith.muli %scan3A_2113, %mul3A_2115 : i32
      %swap3A_2117 = arith.index_cast %mul3A_2116 : i32 to index
      %swap3A_2118 = tpu.vector_load %arg7[%swap3A_2117] {strides = array<i32>} : memref<100000xf32, #tpu.memory_space<vmem>>, vector<16xf32>,
      tpu.vector_store %arg7[%swap3A_2117], %broadcast_in_dim3A_2046 {strides = array<i32>} : memref<100000xf32, #tpu.memory_space<vmem>>, vector<16xf32>,
      %scan3A_2119 = arith.constant 0 : i32
      scf.yield %scan3A_2119 : i32
    }
    %scan3A_2053 = arith.constant 6250 : i32
    %div3A_2054 = vector.broadcast %add3A_2044 : f32 to vector<16xf32>
    %div3A_2055 = arith.divf %select_n3A_1891, %div3A_2054 : vector<16xf32>
    %get3A_2056 = arith.constant 0 : index
    %get3A_2057 = tpu.vector_load %arg13[%get3A_2056] {strides = array<i32>} : memref<128xi32, #tpu.memory_space<vmem>>, vector<16xi32>,
    %gt3A_2058 = arith.constant 0.000000e+00 : f32
    %gt3A_2059 = vector.broadcast %gt3A_2058 : f32 to vector<16xf32>
    %gt3A_2060 = arith.cmpf ogt, %div3A_2055, %gt3A_2059 : vector<16xf32>
    tpu.vector_store_idx %arg7[%get3A_2057], %div3A_2055 masked %gt3A_2060 : memref<100000xf32, #tpu.memory_space<vmem>>[vector<16xi32>], vector<16xf32>, vector<16xi1>
    %div3A_2061 = vector.broadcast %add3A_2044 : f32 to vector<16xf32>
    %div3A_2062 = arith.divf %select_n3A_1913, %div3A_2061 : vector<16xf32>
    %get3A_2063 = arith.constant 16 : index
    %get3A_2064 = tpu.vector_load %arg13[%get3A_2063] {strides = array<i32>} : memref<128xi32, #tpu.memory_space<vmem>>, vector<16xi32>,
    %gt3A_2065 = arith.constant 0.000000e+00 : f32
    %gt3A_2066 = vector.broadcast %gt3A_2065 : f32 to vector<16xf32>
    %gt3A_2067 = arith.cmpf ogt, %div3A_2062, %gt3A_2066 : vector<16xf32>
    tpu.vector_store_idx %arg7[%get3A_2064], %div3A_2062 masked %gt3A_2067 : memref<100000xf32, #tpu.memory_space<vmem>>[vector<16xi32>], vector<16xf32>, vector<16xi1>
    %div3A_2068 = vector.broadcast %add3A_2044 : f32 to vector<16xf32>
    %div3A_2069 = arith.divf %select_n3A_1934, %div3A_2068 : vector<16xf32>
    %get3A_2070 = arith.constant 32 : index
    %get3A_2071 = tpu.vector_load %arg13[%get3A_2070] {strides = array<i32>} : memref<128xi32, #tpu.memory_space<vmem>>, vector<16xi32>,
    %gt3A_2072 = arith.constant 0.000000e+00 : f32
    %gt3A_2073 = vector.broadcast %gt3A_2072 : f32 to vector<16xf32>
    %gt3A_2074 = arith.cmpf ogt, %div3A_2069, %gt3A_2073 : vector<16xf32>
    tpu.vector_store_idx %arg7[%get3A_2071], %div3A_2069 masked %gt3A_2074 : memref<100000xf32, #tpu.memory_space<vmem>>[vector<16xi32>], vector<16xf32>, vector<16xi1>
    %div3A_2075 = vector.broadcast %add3A_2044 : f32 to vector<16xf32>
    %div3A_2076 = arith.divf %select_n3A_1955, %div3A_2075 : vector<16xf32>
    %get3A_2077 = arith.constant 48 : index
    %get3A_2078 = tpu.vector_load %arg13[%get3A_2077] {strides = array<i32>} : memref<128xi32, #tpu.memory_space<vmem>>, vector<16xi32>,
    %gt3A_2079 = arith.constant 0.000000e+00 : f32
    %gt3A_2080 = vector.broadcast %gt3A_2079 : f32 to vector<16xf32>
    %gt3A_2081 = arith.cmpf ogt, %div3A_2076, %gt3A_2080 : vector<16xf32>
    tpu.vector_store_idx %arg7[%get3A_2078], %div3A_2076 masked %gt3A_2081 : memref<100000xf32, #tpu.memory_space<vmem>>[vector<16xi32>], vector<16xf32>, vector<16xi1>
    %div3A_2082 = vector.broadcast %add3A_2044 : f32 to vector<16xf32>
    %div3A_2083 = arith.divf %select_n3A_1976, %div3A_2082 : vector<16xf32>
    %get3A_2084 = arith.constant 64 : index
    %get3A_2085 = tpu.vector_load %arg13[%get3A_2084] {strides = array<i32>} : memref<128xi32, #tpu.memory_space<vmem>>, vector<16xi32>,
    %gt3A_2086 = arith.constant 0.000000e+00 : f32
    %gt3A_2087 = vector.broadcast %gt3A_2086 : f32 to vector<16xf32>
    %gt3A_2088 = arith.cmpf ogt, %div3A_2083, %gt3A_2087 : vector<16xf32>
    tpu.vector_store_idx %arg7[%get3A_2085], %div3A_2083 masked %gt3A_2088 : memref<100000xf32, #tpu.memory_space<vmem>>[vector<16xi32>], vector<16xf32>, vector<16xi1>
    %div3A_2089 = vector.broadcast %add3A_2044 : f32 to vector<16xf32>
    %div3A_2090 = arith.divf %select_n3A_1997, %div3A_2089 : vector<16xf32>
    %get3A_2091 = arith.constant 80 : index
    %get3A_2092 = tpu.vector_load %arg13[%get3A_2091] {strides = array<i32>} : memref<128xi32, #tpu.memory_space<vmem>>, vector<16xi32>,
    %gt3A_2093 = arith.constant 0.000000e+00 : f32
    %gt3A_2094 = vector.broadcast %gt3A_2093 : f32 to vector<16xf32>
    %gt3A_2095 = arith.cmpf ogt, %div3A_2090, %gt3A_2094 : vector<16xf32>
    tpu.vector_store_idx %arg7[%get3A_2092], %div3A_2090 masked %gt3A_2095 : memref<100000xf32, #tpu.memory_space<vmem>>[vector<16xi32>], vector<16xf32>, vector<16xi1>
    %div3A_2096 = vector.broadcast %add3A_2044 : f32 to vector<16xf32>
    %div3A_2097 = arith.divf %select_n3A_2018, %div3A_2096 : vector<16xf32>
    %get3A_2098 = arith.constant 96 : index
    %get3A_2099 = tpu.vector_load %arg13[%get3A_2098] {strides = array<i32>} : memref<128xi32, #tpu.memory_space<vmem>>, vector<16xi32>,
    %gt3A_2100 = arith.constant 0.000000e+00 : f32
    %gt3A_2101 = vector.broadcast %gt3A_2100 : f32 to vector<16xf32>
    %gt3A_2102 = arith.cmpf ogt, %div3A_2097, %gt3A_2101 : vector<16xf32>
    tpu.vector_store_idx %arg7[%get3A_2099], %div3A_2097 masked %gt3A_2102 : memref<100000xf32, #tpu.memory_space<vmem>>[vector<16xi32>], vector<16xf32>, vector<16xi1>
    %div3A_2103 = vector.broadcast %add3A_2044 : f32 to vector<16xf32>
    %div3A_2104 = arith.divf %select_n3A_2039, %div3A_2103 : vector<16xf32>
    %get3A_2105 = arith.constant 112 : index
    %get3A_2106 = tpu.vector_load %arg13[%get3A_2105] {strides = array<i32>} : memref<128xi32, #tpu.memory_space<vmem>>, vector<16xi32>,
    %gt3A_2107 = arith.constant 0.000000e+00 : f32
    %gt3A_2108 = vector.broadcast %gt3A_2107 : f32 to vector<16xf32>
    %gt3A_2109 = arith.cmpf ogt, %div3A_2104, %gt3A_2108 : vector<16xf32>
    tpu.vector_store_idx %arg7[%get3A_2106], %div3A_2104 masked %gt3A_2109 : memref<100000xf32, #tpu.memory_space<vmem>>[vector<16xi32>], vector<16xf32>, vector<16xi1>
    "tpu.region"() ({
      %run_scoped3A = tpu.sem_alloc : memref<!tpu.dma_semaphore, #tpu.memory_space<semaphore_mem>>
      %dma_start3A = arith.constant 0 : i32
      %dma_start3A_2113 = tpu.memref_slice %arg5[%add3A_1050, %dma_start3A] : memref<64x100000xf32, #tpu.memory_space<hbm>> -> memref<1x100000xf32, #tpu.memory_space<hbm>>
      %dma_start3A_2114 = tpu.memref_squeeze %dma_start3A_2113 : memref<1x100000xf32, #tpu.memory_space<hbm>> -> memref<100000xf32, #tpu.memory_space<hbm>>
      %dma_start3A_2115 = arith.constant 0 : i32
      %dma_start3A_2116 = tpu.memref_slice %arg5[%add3A_1050, %dma_start3A_2115] : memref<64x100000xf32, #tpu.memory_space<hbm>> -> memref<1x100000xf32, #tpu.memory_space<hbm>>
      %dma_start3A_2117 = tpu.memref_squeeze %dma_start3A_2116 : memref<1x100000xf32, #tpu.memory_space<hbm>> -> memref<100000xf32, #tpu.memory_space<hbm>>
      tpu.enqueue_dma source(%arg7 : memref<100000xf32, #tpu.memory_space<vmem>>) target(%dma_start3A_2117 : memref<100000xf32, #tpu.memory_space<hbm>>) target_semaphore(%run_scoped3A : memref<!tpu.dma_semaphore, #tpu.memory_space<semaphore_mem>>)
      %dma_wait3A = arith.constant 0 : i32
      %dma_wait3A_2118 = tpu.memref_slice %arg5[%add3A_1050, %dma_wait3A] : memref<64x100000xf32, #tpu.memory_space<hbm>> -> memref<1x100000xf32, #tpu.memory_space<hbm>>
      %dma_wait3A_2119 = tpu.memref_squeeze %dma_wait3A_2118 : memref<1x100000xf32, #tpu.memory_space<hbm>> -> memref<100000xf32, #tpu.memory_space<hbm>>
      %dma_wait3A_2120 = arith.constant 0 : i32
      %dma_wait3A_2121 = tpu.memref_slice %arg5[%add3A_1050, %dma_wait3A_2120] : memref<64x100000xf32, #tpu.memory_space<hbm>> -> memref<1x100000xf32, #tpu.memory_space<hbm>>
      %dma_wait3A_2122 = tpu.memref_squeeze %dma_wait3A_2121 : memref<1x100000xf32, #tpu.memory_space<hbm>> -> memref<100000xf32, #tpu.memory_space<hbm>>
      tpu.wait_dma2 semaphore(%run_scoped3A : memref<!tpu.dma_semaphore, #tpu.memory_space<semaphore_mem>>) src(%arg7 : memref<100000xf32, #tpu.memory_space<vmem>>) dst(%dma_wait3A_2122 : memref<100000xf32, #tpu.memory_space<hbm>>)
      tpu.yield
    }) : () -> ()
    %broadcast_in_dim3A_2110 = vector.broadcast %add3A_1585 : i32 to vector<16xi32>
    %swap3A_2111 = arith.constant 0 : index
    %swap3A_2112 = tpu.vector_load %arg17[%swap3A_2111] {strides = array<i32>} : memref<16xi32, #tpu.memory_space<vmem>>, vector<16xi32>,
    tpu.vector_store %arg17[%swap3A_2111], %broadcast_in_dim3A_2110 {strides = array<i32>} : memref<16xi32, #tpu.memory_space<vmem>>, vector<16xi32>,
    "tpu.region"() ({
      %run_scoped3A = tpu.sem_alloc : memref<!tpu.dma_semaphore, #tpu.memory_space<semaphore_mem>>
      %dma_start3A = arith.constant 0 : i32
      %dma_start3A_2113 = tpu.memref_slice %arg6[%add3A_1050, %dma_start3A] : memref<64x16xi32, #tpu.memory_space<hbm>> -> memref<1x16xi32, #tpu.memory_space<hbm>>
      %dma_start3A_2114 = tpu.memref_squeeze %dma_start3A_2113 : memref<1x16xi32, #tpu.memory_space<hbm>> -> memref<16xi32, #tpu.memory_space<hbm>>
      %dma_start3A_2115 = arith.constant 0 : i32
      %dma_start3A_2116 = tpu.memref_slice %arg6[%add3A_1050, %dma_start3A_2115] : memref<64x16xi32, #tpu.memory_space<hbm>> -> memref<1x16xi32, #tpu.memory_space<hbm>>
      %dma_start3A_2117 = tpu.memref_squeeze %dma_start3A_2116 : memref<1x16xi32, #tpu.memory_space<hbm>> -> memref<16xi32, #tpu.memory_space<hbm>>
      tpu.enqueue_dma source(%arg17 : memref<16xi32, #tpu.memory_space<vmem>>) target(%dma_start3A_2117 : memref<16xi32, #tpu.memory_space<hbm>>) target_semaphore(%run_scoped3A : memref<!tpu.dma_semaphore, #tpu.memory_space<semaphore_mem>>)
      %dma_wait3A = arith.constant 0 : i32
      %dma_wait3A_2118 = tpu.memref_slice %arg6[%add3A_1050, %dma_wait3A] : memref<64x16xi32, #tpu.memory_space<hbm>> -> memref<1x16xi32, #tpu.memory_space<hbm>>
      %dma_wait3A_2119 = tpu.memref_squeeze %dma_wait3A_2118 : memref<1x16xi32, #tpu.memory_space<hbm>> -> memref<16xi32, #tpu.memory_space<hbm>>
      %dma_wait3A_2120 = arith.constant 0 : i32
      %dma_wait3A_2121 = tpu.memref_slice %arg6[%add3A_1050, %dma_wait3A_2120] : memref<64x16xi32, #tpu.memory_space<hbm>> -> memref<1x16xi32, #tpu.memory_space<hbm>>
      %dma_wait3A_2122 = tpu.memref_squeeze %dma_wait3A_2121 : memref<1x16xi32, #tpu.memory_space<hbm>> -> memref<16xi32, #tpu.memory_space<hbm>>
      tpu.wait_dma2 semaphore(%run_scoped3A : memref<!tpu.dma_semaphore, #tpu.memory_space<semaphore_mem>>) src(%arg17 : memref<16xi32, #tpu.memory_space<vmem>>) dst(%dma_wait3A_2122 : memref<16xi32, #tpu.memory_space<hbm>>)
      tpu.yield
    }) : () -> ()
    return
  }
}

</mosaic_0001>

<sc_bundles>
// kernel: kernel.3.cloned.1.call-start
scs
__scs_entry_jumppad:
0x0: {  	(pc) =	sbr.rel $0x88, $3  }
0x1: {  	(tag) =	ssettag $0x0;
	lr =	simm.s32 $0x1  }
0x2: {  	[smem:$0x3F9E] =	sst lr;
	_ =	strace $0xD0000000  }
0x3: {  	_ = 	snop  }
0x4: {  	_ = 	snop  }
0x5: {  	_ = 	snop  }
0x6: {  	_ = 	snop  }
0x7: {  	_ = 	snop  }
__scs_overlays_trampoline_lowered:
0x8: {  	[smem:$0x3FAD] =	sst s0  }
0x9: {  	[smem:$0x3FAE] =	sst s1  }
0xa: {  	[smem:$0x3FAF] =	sst s2  }
0xb: {  	[smem:$0x3FB0] =	sst s3  }
0xc: {  	[smem:$0x3FB1] =	sst s4  }
0xd: {  	[smem:$0x3FB2] =	sst s5  }
0xe: {  	[smem:$0x3FB3] =	sst s6  }
0xf: {  	[smem:$0x3FB4] =	sst s7  }
0x10: {  	[smem:$0x3FB5] =	sst s8  }
0x11: {  	[smem:$0x3FB6] =	sst s9;
	s0 =	simm.s32 @!p0 $0x0  }
0x12: {  	s1 =	sld [smem:$0x3F9C];
	s0 =	simm.s32 @p0 $0x1  }
0x13: {  	[smem:$0x3FB7] =	sst s0;
	s0 =	simm.s32 @!p1 $0x0  }
0x14: {  	s2 =	sld [smem:$0x3F9B];
	s0 =	simm.s32 @p1 $0x1  }
0x15: {  	[smem:$0x3FB8] =	sst s0;
	s0 =	simm.s32 @!p2 $0x0  }
0x16: {  	s3 =	sld [smem:$0x3FDB];
	s0 =	simm.s32 @p2 $0x1  }
0x17: {  	s4 =	simm.s32 $0x1BF5;
	[smem:$0x3FBA] =	sst s0  }
0x18: {  	s0 =	sld [smem:$0x3F9D];
	_ =	swait.ge [sflag:s4], $0x0  }
0x19: {  	s7 =	sld [smem:$0x3F9E]  }
0x1a: {  	s8 =	sadd.s32 $0xFFFFE003, lr  }
0x1b: {  	s9 =	sadd.s32 $0xFFFFFEF7, lr;
	s5 =	simm.s32 $0xFFFFFFFF;
	p2 =	slt.u32 s8, $0xFFFFF086  }
0x1c: {  	p1 =	slt.u32 s9, $0xF7A;
	s5 =	simm.s32 @!p2 $0x0  }
0x1d: {  	s5 =	simm.s32 @p1 $0x1;
	p0 =	seq.s32 s7, s2  }
0x1e: {  	s7 =	smul.u32 @!p0 $0xF7A, s2;
	p2 =	seq.s32 @!p0 s5, $0x0  }
0x1f: {  	s9 =	smul.u32 $0xF7A, s1;
	s8 =	simm.s32 @!p0 $0x1BF5;
	p2 =	por !p2, p0  }
0x20: {  	[sflag:s8] =	ssyncset.s32 @!p0 $0xFFFFF086;
	s6 =	sadd.s32 @!p0 s3, s7;
	s7 =	simm.s32 @!p0 $0x108  }
0x21: {  	s3 =	sadd.s32 s3, s9;
	s6 =	sadd.s32 @!p0 $0x88, s6;
	s7 =	simm.s32 @p2 $0x1082  }
0x22: {  	[simem:s7], [sflag:s8] =	dma.local @!p0 [hbm:s6], $0xF7A  }
0x23: {  	s9 =	sor.u32 $0xD0000000, s2;
	s6 =	simm.s32 $0x108;
	_ =	swait.ge @!p0 [sflag:s8], $0x0  }
0x24: {  	s3 =	sadd.s32 $0x88, s3;
	s6 =	simm.s32 @!p1 $0x1082;
	[sflag:s4] =	ssyncset.s32 $0xFFFFF086  }
0x25: {  	[simem:s6], [sflag:s4] =	dma.local [hbm:s3], $0xF7A  }
0x26: {  	[smem:$0x3F9E] =	sst s1;
	(tag) =	ssettag s2;
	_ =	strace s9  }
0x27: {  	s1 =	sld [smem:$0x3FAE]  }
0x28: {  	s2 =	sld [smem:$0x3FAF]  }
0x29: {  	s4 =	sld [smem:$0x3FB1]  }
0x2a: {  	p0 =	seq.s32 s5, $0x0;
	s5 =	sld [smem:$0x3FB2]  }
0x2b: {  	s6 =	sld [smem:$0x3FB3]  }
0x2c: {  	s7 =	sld [smem:$0x3FB4]  }
0x2d: {  	s3 =	simm.s32 $0x108;
	s8 =	sld [smem:$0x3FB5]  }
0x2e: {  	s3 =	simm.s32 @!p0 $0x1082;
	s9 =	sld [smem:$0x3FB6]  }
0x2f: {  	lr =	sadd.s32 s0, s3;
	s0 =	sld [smem:$0x3FAD]  }
0x30: {  	s3 =	sld [smem:$0x3FB0]  }
0x31: {  	[smem:$0x3FB9] =	sst s10  }
0x32: {  	s10 =	sld [smem:$0x3FB7];
	_ =	sdelay $0x3  }
0x33: {  	p0 =	seq.s32 s10, $0x1;
	s10 =	sld [smem:$0x3FB9];
	_ =	sdelay $0x3  }
0x34: {  	[smem:$0x3FB9] =	sst s10  }
0x35: {  	s10 =	sld [smem:$0x3FB8];
	_ =	sdelay $0x3  }
0x36: {  	p1 =	seq.s32 s10, $0x1;
	s10 =	sld [smem:$0x3FB9];
	_ =	sdelay $0x3  }
0x37: {  	[smem:$0x3FB9] =	sst s10  }
0x38: {  	s10 =	sld [smem:$0x3FBA]  }
0x39: {  	_ = 	snop;
	(pc) =	sbr.ind lr, $3  }
0x3a: {  	_ = 	snop  }
0x3b: {  	_ = 	snop  }
0x3c: {  	p2 =	seq.s32 s10, $0x1;
	s10 =	sld [smem:$0x3FB9]  }
0x3d: {  	_ =	shalt  }
0x3e: {  	_ =	shalt  }
0x3f: {  	_ =	shalt  }
0x40: {  	_ =	shalt  }
0x41: {  	_ =	shalt  }
0x42: {  	_ =	shalt  }
0x43: {  	_ =	shalt  }
0x44: {  	_ =	shalt  }
0x45: {  	_ =	shalt  }
0x46: {  	_ =	shalt  }
0x47: {  	_ =	shalt  }
0x48: {  	_ =	shalt  }
0x49: {  	_ =	shalt  }
0x4a: {  	_ =	shalt  }
0x4b: {  	_ =	shalt  }
0x4c: {  	_ =	shalt  }
0x4d: {  	_ =	shalt  }
0x4e: {  	_ =	shalt  }
0x4f: {  	_ =	shalt  }
0x50: {  	_ =	shalt  }
0x51: {  	_ =	shalt  }
0x52: {  	_ =	shalt  }
0x53: {  	_ =	shalt  }
0x54: {  	_ =	shalt  }
0x55: {  	_ =	shalt  }
0x56: {  	_ =	shalt  }
0x57: {  	_ =	shalt  }
0x58: {  	_ =	shalt  }
0x59: {  	_ =	shalt  }
0x5a: {  	_ =	shalt  }
0x5b: {  	_ =	shalt  }
0x5c: {  	_ =	shalt  }
0x5d: {  	_ =	shalt  }
0x5e: {  	_ =	shalt  }
0x5f: {  	_ =	shalt  }
0x60: {  	_ =	shalt  }
0x61: {  	_ =	shalt  }
0x62: {  	_ =	shalt  }
0x63: {  	_ =	shalt  }
0x64: {  	_ =	shalt  }
0x65: {  	_ =	shalt  }
0x66: {  	_ =	shalt  }
0x67: {  	_ =	shalt  }
0x68: {  	_ =	shalt  }
0x69: {  	_ =	shalt  }
0x6a: {  	_ =	shalt  }
0x6b: {  	_ =	shalt  }
0x6c: {  	_ =	shalt  }
0x6d: {  	_ =	shalt  }
0x6e: {  	_ =	shalt  }
0x6f: {  	_ =	shalt  }
0x70: {  	_ =	shalt  }
0x71: {  	_ =	shalt  }
0x72: {  	_ =	shalt  }
0x73: {  	_ =	shalt  }
0x74: {  	_ =	shalt  }
0x75: {  	_ =	shalt  }
0x76: {  	_ =	shalt  }
0x77: {  	_ =	shalt  }
0x78: {  	_ =	shalt  }
0x79: {  	_ =	shalt  }
0x7a: {  	_ =	shalt  }
0x7b: {  	_ =	shalt  }
0x7c: {  	_ =	shalt  }
0x7d: {  	_ =	shalt  }
0x7e: {  	_ =	shalt  }
0x7f: {  	_ =	shalt  }
0x80: {  	_ =	shalt  }
0x81: {  	_ =	shalt  }
0x82: {  	_ =	shalt  }
0x83: {  	_ =	shalt  }
0x84: {  	_ =	shalt  }
0x85: {  	_ =	shalt  }
0x86: {  	_ =	shalt  }
0x87: {  	_ =	shalt  }
.Lfunc_end0:
.L_simem_size_0:
called_computation_lowered:
.L_overlay_start_0:
0x88: {  	s2 =	sld [smem:$0x3FD9]  }
0x89: {  	s3 =	sld [smem:$0x3FFE];
	_ =	sdelay $0x1  }
0x8a: {  	s1 =	srdreg.scid  }
0x8b: {  	s0 =	sand.u32 $0x1, s1  }
0x8c: {  	s14 =	sshll.u32 s0, $0xA;
	s2 =	sadd.s32 s3, s2  }
0x8d: {  	s2 =	sadd.s32 s2, s14  }
0x8e: {  	[smem:$0x3FC5] =	sst s2  }
0x8f: {  	_ = 	snop  }
0x90: {  	s2 =	sld [smem:$0x3FD0];
	_ =	sdelay $0x1  }
0x91: {  	s15 =	sld [smem:$0x3FC9]  }
0x92: {  	s5 =	simm.s32 $0xA;
	s6 =	simm.s32 $0x10;
	s4 =	sld [smem:$0x3FC8]  }
0x93: {  	[smem:s6], [sflag:s5] =	dma.local [hbm:s2], $0x1  }
0x94: {  	_ =	swait.eq [sflag:s5], $0x1  }
0x95: {  	[sflag:s5] =	ssyncset.done $0x0  }
0x96: {  	s16 =	sld [smem:$0x10];
	[sflag:s5] =	ssyncadd.s32 $0xFFFFFFFF  }
0x97: {  	s17 =	sld [smem:$0x11];
	(tm) =	ssettm $0x1  }
0x98: {  	s18 =	sld [smem:$0x3FFB];
	_ =	sdelay $0x3  }
0x99: {  	_ =	strace s18  }
0x9a: {  	s6 =	sld [smem:$0x3FFC];
	_ =	sdelay $0x3  }
0x9b: {  	_ =	strace s6  }
0x9c: {  	s6 =	sld [smem:$0x3FFD];
	_ =	sdelay $0x3  }
0x9d: {  	_ =	strace s6  }
0x9e: {  	_ =	strace $0x8FFFFFFF  }
0x9f: {  	s19 =	sld [smem:$0x3FDB];
	_ =	sdelay $0x1  }
0xa0: {  	s7 =	simm.s32 $_scs_section_size  }
0xa1: {  	s8 =	simm.s32 $_size__tile_overlayer_lowered;
	s9 =	simm.s32 $_tile_overlayer_lowered  }
0xa2: {  	s22 =	simm.s32 $0x1BFF;
	s21 =	sshll.u32 s9, $0x1;
	s6 =	sadd.s32 s7, s19  }
0xa3: {  	s10 =	simm.s32 $0x0;
	s20 =	sshll.u32 s8, $0x1;
	s8 =	sadd.s32 s21, s6  }
0xa4: {  	[timem:s10], [sflag:s22] =	dma.local [hbm:s8], s20  }
0xa5: {  	_ =	swait.ge [sflag:s22], s20  }
0xa6: {  	s7 =	ssub.s32 $0x0, s20;
	[sflag:s22] =	ssyncset.done $0x0  }
0xa7: {  	[sflag:s22] =	ssyncadd.s32 s7;
	_ =	sdelay $0x1  }
0xa8: {  	s23 =	simm.s32 $0x1B8B  }
0xa9: {  	_ =	swait.ge [sflag:s23], $0x1  }
0xaa: {  	[sflag:s23] =	ssyncset.done $0x0  }
0xab: {  	s25 =	simm.s32 $0x1B8E;
	s24 =	sld [smem:$0x3FFE];
	[sflag:s23] =	ssyncadd.s32 $0xFFFFFFFF  }
0xac: {  	s26 =	simm.s32 $execute0_lowered;
	[smem:$0x3FD2] =	sst s25  }
0xad: {  	s8 =	sshll.u32 s26, $0x1;
	_ =	strace $0x80000046;
	[dreg:$0x1] =	wrdreg $0xFFFFFFFF  }
0xae: {  	s28 =	simm.s32 $_size_execute0_lowered;
	s6 =	sadd.s32 s6, s8;
	[dreg:$0x0] =	wrdreg $0x0  }
0xaf: {  	s8 =	sshll.u32 s28, $0x1;
	[dreg:$0x2] =	wrdreg s6  }
0xb0: {  	[dreg:$0x3] =	wrdreg s8  }
0xb1: {  	[dreg:$0x4] =	wrdreg $0xC0  }
0xb2: {  	_ =	task [dreg:s10], $0x5FFFF  }
0xb3: {  	[dreg:$0x1] =	wrdreg $0xFFFFFFFF  }
0xb4: {  	[dreg:$0x0] =	wrdreg $0x60  }
0xb5: {  	[dreg:$0x2] =	wrdreg s15  }
0xb6: {  	[dreg:$0x3] =	wrdreg s4  }
0xb7: {  	[dreg:$0x4] =	wrdreg s17  }
0xb8: {  	[dreg:$0x5] =	wrdreg s16  }
0xb9: {  	[dreg:$0x6] =	wrdreg s24  }
0xba: {  	[dreg:$0x7] =	wrdreg $0x9  }
0xbb: {  	_ =	task.clear_ibuf [dreg:s10], $0x8FFFF;
	_ =	strace $0x90000046  }
0xbc: {  	s29 =	simm.s32 $0x9;
	_ =	strace $0x80000048  }
0xbd: {  	_ =	swait.ge [sflag:s29], $0x1  }
0xbe: {  	[sflag:s29] =	ssyncadd.s32 $0xFFFFFFFF  }
0xbf: {  	_ =	strace $0x90000048  }
0xc0: {  	_ =	sfence  }
0xc1: {  	s30 =	sld [smem:$0x0];
	_ =	sdelay $0x2  }
0xc2: {  	s31 =	sshll.u32 s1, $0xD;
	s1 =	sshrl.u32 s1, $0x2  }
0xc3: {  	s3 =	sand.u32 $0x4000, s31;
	s1 =	sadd.s32 s1, s30  }
0xc4: {  	s0 =	sor.u32 s3, s0;
	s1 =	sshll.u32 s1, $0x11  }
0xc5: {  	s0 =	sor.u32 s1, s0  }
0xc6: {  	s0 =	sadd.s32 $0x8F2B, s0  }
0xc7: {  	[sflag:s0] =	ssyncadd.remote.s32 $0x1  }
0xc8: {  	_ =	sfence.sel $0xFFFF  }
0xc9: {  	[dreg:$0x0] =	wrdreg $0xFFFFFFFF;
	(pc) =	sbr.abs _section_cstart, $3  }
0xca: {  	[dreg:$0x1] =	wrdreg $0xFFFFFFFF  }
0xcb: {  	_ =	task.clear_ibuf [dreg:s10], $0x2FFFF;
	_ =	strace $0x9FFFFFFF  }
0xcc: {  	(tm) =	ssettm $0x7FFFFFFF  }
0xcd: {  	_ =	shalt  }
tec
execute0_lowered:
.L_overlay_start_1:
0x0: {  	(tag) =	ssettag $0x1  }
0x1: {  	s0 =	rddreg [dreg:$0x0]  }
0x2: {  	s1 =	rddreg [dreg:$0x1]  }
0x3: {  	s2 =	rddreg [dreg:$0x3]  }
0x4: {  	s4 =	rddreg [dreg:$0x4];
	s3 =	simm.s32 $0x0  }
0x5: {  	s5 =	srdreg.scid;
	s8 =	stileid.u32;
	s15 =	simm.s32 $0x80  }
0x6: {  	s16 =	simm.s32 $0x400;
	s18 =	simm.s32 $0x19700;
	s19 =	simm.s32 $0x19880  }
0x7: {  	s20 =	simm.s32 $0x19B80;
	s21 =	simm.s32 $0x19C00;
	s22 =	simm.s32 $0x19D00  }
0x8: {  	s23 =	simm.s32 $0x0;
	[smem:$0x7FF] =	sst s3;
	s5 =	sand.u32 $0x1, s5  }
0x9: {  	v0 =	vimm.f32 $1.100000020e+00;
	s7 =	sshll.u32 s8, $0x9;
	s8 =	sshrl.u32 s8, $0x1;
	_ =	strace $0x80000047  }
0xa: {  	s11 =	sadd.s32 $0x400, s4;
	s6 =	ssub.s32 $0x2, s5;
	s5 =	sshll.u32 s5, $0x8;
	(erf) = vrcp.f32 v0;
	v0 =	vimm.f32 $6.999999880e-01  }
0xb: {  	s7 =	sand.u32 $0x200, s7;
	s9 =	smul.u32 $0xC3800, s8;
	s10 =	sshll.u32 s8, $0xE;
	(erf) = vrcp.f32 v0  }
0xc: {  	s8 =	sshll.u32 s8, $0xA;
	s24 =	sshrl.u32 s6, $0x1;
	s7 =	sor.u32 s5, s7  }
0xd: {  	s12 =	ssub.s32 s6, s24;
	s25 =	sor.u32 s9, s7;
	s5 =	sor.u32 s10, s7  }
0xe: {  	s13 =	sor.u32 s8, s7;
	s14 =	sor.u32 $0x80, s7;
	s26 =	sshrl.u32 s25, $0x3  }
0xf: {  	s5 =	sshrl.u32 s5, $0x3;
	s13 =	sshrl.u32 s13, $0x3;
	s9 =	sor.u32 s9, s14  }
0x10: {  	s29 =	sor.u32 s10, s14;
	s30 =	sor.u32 s8, s14;
	s12 =	smax.u32 s12, $0x1  }
0x11: {  	v1 =	vlaneseq.u32;
	vm0 =	vmmov $0x7fff;
	s4 =	sadd.s32 s0, s26;
	s5 =	sadd.s32 s1, s5;
	s6 =	sadd.s32 s2, s26  }
0x12: {  	v11 =	vimm.f32 $0.0e+00;
	v2 =	vor.u32 $0x10, v1;
	v3 =	vor.u32 $0x20, v1;
	s7 =	sadd.s32 s11, s13;
	s28 =	sshrl.u32 s9, $0x3;
	s31 =	sshrl.u32 s29, $0x3  }
0x13: {  	v4 =	vor.u32 $0x30, v1;
	v6 =	vor.u32 $0x40, v1;
	v7 =	vor.u32 $0x50, v1;
	s14 =	sshrl.u32 s30, $0x3;
	s8 =	sadd.s32 s0, s28;
	s9 =	sadd.s32 s1, s31;
	v5 =	vpop (erf)  }
0x14: {  	v8 =	vor.u32 $0x60, v1;
	v10 =	vor.u32 $0x70, v1;
	v0 =	vimm.s32 $0x0;
	s10 =	sadd.s32 s2, s28;
	s11 =	sadd.s32 s11, s14;
	s14 =	simm.s32 $0x1;
	v9 =	vpop (erf)  }
.LBB2_1:
0x15: {  	s0 =	rddreg [dreg:$0x2];
	s1 =	simm.s32 $0x19C80  }
0x16: {  	[tilespmem:s1], [sflag:$0x1] =	stream.linear.gather [hbm4b:s0+s3], $0x80, $0x38;
	[tilespmem:$0x19D80] =	vst v63  }
0x17: {  	_ =	swait.ge [sflag:s14], $0x80  }
0x18: {  	[sflag:s14] =	ssyncset.done $0x0  }
0x19: {  	[sflag:s14] =	ssyncadd.s32 $0xFFFFFF80  }
0x1a: {  	v12 =	vld [tilespmem:$0x19C80];
	[tilespmem:s3], [sflag:$0x1] =	stream.strided.gather [hbm4b:s4+s15], $0x18700, s16, s15, $0x38  }
0x1b: {  	_ =	swait.ge [sflag:s14], $0x18700  }
0x1c: {  	[sflag:s14] =	ssyncset.done $0x0  }
0x1d: {  	s31 =	simm.s32 $0x18700;
	[sflag:s14] =	ssyncadd.s32 $0xFFFE7900  }
0x1e: {  	[tilespmem:s31], [sflag:$0x1] =	stream.strided.gather [hbm4b:s5+s15], $0x800, s16, s15, $0x38;
	[tilespmem:$0x19D80] =	vst v63  }
0x1f: {  	_ =	swait.ge [sflag:s14], $0x800  }
0x20: {  	[sflag:s14] =	ssyncset.done $0x0  }
0x21: {  	s0 =	simm.s32 $0x0;
	[sflag:s14] =	ssyncadd.s32 $0xFFFFF800  }
0x22: {  	v13 =	vld [tilespmem:s0+$0x18700];
	_ =	sdelay $0x7  }
0x23: {  	v13 =	vld.idx.msk [tilespmem:v13+s3+$0x0], $0xffff  }
0x24: {  	s2 =	simm.s32 $0x10;
	s1 =	simm.s32 $0x80  }
.LBB2_2:
0x25: {  	p0 =	sne.s32 s1, $0x1FC0;
	v14 =	vld [tilespmem:s2+$0x18700];
	_ =	sdelay $0x2  }
0x26: {  	vm1 =	vlt.f32 v13, $0.0e+00  }
0x27: {  	v15 =	vsel vm1, $0x3F8CCCCD, v5  }
0x28: {  	v13 =	vmul.f32 v15, v13  }
.Ltmp0:
0x29: {  	(pc) =	sbr.rel @p0 .LBB2_2-.Ltmp0, $3  }
0x2a: {  	s28 =	simm.s32 $0x0;
	[tilespmem:s0+$0x18F00] =	vst v13;
	s0 =	smov.u32 s2  }
0x2b: {  	v13 =	vld.idx.msk [tilespmem:v14+s28+$0x0], $0xffff;
	_ =	sdelay $0x1  }
0x2c: {  	s2 =	sshra.s32 s1, $0x2;
	s1 =	sadd.s32 $0x40, s1  }
0x2d: {  	v14 =	vld [tilespmem:s2+$0x18700];
	_ =	sdelay $0x2  }
0x2e: {  	vm1 =	vlt.f32 v13, $0.0e+00  }
0x2f: {  	v15 =	vsel vm1, $0x3F8CCCCD, v5  }
0x30: {  	v13 =	vmul.f32 v15, v13;
	_ =	sdelay $0x1  }
0x31: {  	[tilespmem:s0+$0x18F00] =	vst v13  }
0x32: {  	v13 =	vld.idx.msk [tilespmem:v14+s28+$0x0], $0xffff;
	_ =	sdelay $0x4  }
0x33: {  	vm1 =	vlt.f32 v13, $0.0e+00  }
0x34: {  	v14 =	vsel vm1, $0x3F8CCCCD, v5  }
0x35: {  	v13 =	vmul.f32 v14, v13;
	_ =	sdelay $0x1  }
0x36: {  	s0 =	simm.s32 $0x0;
	[tilespmem:s2+$0x18F00] =	vst v13  }
.LBB2_4:
0x37: {  	s1 =	sshra.s32 s0, $0x2  }
0x38: {  	v13 =	vld [tilespmem:s1+$0x18700];
	_ =	sdelay $0x2  }
0x39: {  	p0 =	sne.s32 s0, $0x1FC0;
	v14 =	vld [tilespmem:s1+$0x18F00]  }
.Ltmp1:
0x3a: {  	_ = 	snop;
	(pc) =	sbr.rel @p0 .LBB2_4-.Ltmp1, $2  }
0x3b: {  	_ =	sdelay $0x2  }
0x3c: {  	s0 =	sadd.s32 $0x40, s0;
	[tilespmem:v13+s28+$0x0] =	vst.idx.msk $0xffff, v14  }
.Ltmp2:
0x3d: {  	(pc) =	sbr.rel .LBB2_6-.Ltmp2, $2  }
0x3e: {  	_ =	sdelay $0x2  }
0x3f: {  	s26 =	simm.f32 $-3.000000010e+38;
	s24 =	simm.s32 $0x0  }
.LBB2_8:
0x40: {  	v15 =	vmov s26  }
.LBB2_18:
0x41: {  	vm1 =	vge.f32 v13, v15  }
0x42: {  	v14 =	vsel vm1, $0x1, v0  }
0x43: {  	(xrf0) =	vadd.scan.msk.s32 $0xffff, v14;
	_ =	sdelay $0x5  }
0x44: {  	v14, _, _ =	vpop (xrf0)  }
0x45: {  	(v2sf) =	vpush v14, $0xF;
	_ =	sdelay $0x5  }
0x46: {  	v15 =	vmov s28  }
0x47: {  	v15 =	vadd.s32 $0xFFFFFFFF, v15  }
0x48: {  	v15 =	vbroadcast v15, $0x0;
	_ =	sdelay $0x1  }
0x49: {  	v14 =	vadd.s32 v14, v15;
	_ =	sdelay $0x4  }
0x4a: {  	[tilespmem:v14+s18+$0x0] =	vst.idx.msk vm1, v13;
	v13 =	vor.u32 s25, v1;
	s0 =	spop (v2sf)  }
0x4b: {  	[tilespmem:v14+s19+$0x0] =	vst.idx.msk vm1, v13;
	s28 =	sadd.s32 s28, s0  }
.LBB2_19:
0x4c: {  	s24 =	sadd.s32 $0x1, s24  }
0x4d: {  	p0 =	sne.s32 s24, $0x186A  }
.Ltmp3:
0x4e: {  	_ = 	snop;
	(pc) =	sbr.rel @!p0 .LBB2_20-.Ltmp3, $1  }
0x4f: {  	_ =	sdelay $0x3  }
.LBB2_6:
0x50: {  	s25 =	sshll.u32 s24, $0x4  }
0x51: {  	v13 =	vld [tilespmem:s25+$0x0];
	_ =	sdelay $0x4  }
0x52: {  	vm1 =	vge.f32 v13, s26  }
0x53: {  	v14 =	vsel vm1, $0x1, v0  }
0x54: {  	v14 =	vor.u32 $0x80000000, v14  }
0x55: {  	(xrf0) =	vmax.scan.msk.u32 $0xffff, v14;
	_ =	sdelay $0x5  }
0x56: {  	v14, _, _ =	vpop (xrf0)  }
0x57: {  	(v2sf) =	vpush v14, $0xF;
	_ =	sdelay $0xe  }
0x58: {  	s0 =	spop (v2sf)  }
0x59: {  	p0 =	slt.u32 s0, $0x80000001  }
.Ltmp4:
0x5a: {  	_ = 	snop;
	(pc) =	sbr.rel @p0 .LBB2_19-.Ltmp4, $1  }
0x5b: {  	_ =	sdelay $0x3  }
0x5c: {  	p0 =	slt.s32 s28, $0xF0  }
.Ltmp5:
0x5d: {  	_ = 	snop;
	(pc) =	sbr.rel @p0 .LBB2_8-.Ltmp5, $1  }
0x5e: {  	_ =	sdelay $0x3  }
0x5f: {  	s0 =	simm.s32 $0x19700  }
0x60: {  	v15 =	vld [tilespmem:s0+$0x0];
	_ =	sdelay $0x1  }
0x61: {  	s17 =	simm.s32 $0x0  }
0x62: {  	v14 =	vmov s28;
	v16 =	vor.u32 s17, v1  }
0x63: {  	vm1 =	vlt.s32 v16, v14  }
0x64: {  	v16 =	vnsel vm1, $0xFF61B1E6, v15  }
0x65: {  	(xrf0) =	vmax.scan.msk.f32 $0xffff, v16  }
0x66: {  	v15 =	vnsel vm1, $0x7F61B1E6, v15  }
0x67: {  	(xrf0) =	vmin.scan.msk.f32 $0xffff, v15;
	_ =	sdelay $0x2  }
0x68: {  	s26 =	simm.s32 $0x19710  }
0x69: {  	v16 =	vld [tilespmem:s26+$0x0];
	v15, _, _ =	vpop (xrf0)  }
0x6a: {  	s30 =	simm.s32 $0x19720;
	(v2sf) =	vpush v15, $0xF  }
0x6b: {  	s1 =	simm.s32 $0x10;
	v17, _, _ =	vpop (xrf0);
	v15 =	vld [tilespmem:s30+$0x0]  }
0x6c: {  	(v2sf) =	vpush v17, $0xF;
	v17 =	vor.u32 s1, v1  }
0x6d: {  	s31 =	simm.s32 $0x20;
	vm1 =	vlt.s32 v17, v14  }
0x6e: {  	v18 =	vor.u32 s31, v1;
	v17 =	vnsel vm1, $0xFF61B1E6, v16  }
0x6f: {  	v16 =	vnsel vm1, $0x7F61B1E6, v16;
	vm1 =	vlt.s32 v18, v14;
	(xrf0) =	vmax.scan.msk.f32 $0xffff, v17  }
0x70: {  	(xrf0) =	vmin.scan.msk.f32 $0xffff, v16;
	v16 =	vnsel vm1, $0xFF61B1E6, v15  }
0x71: {  	s1 =	simm.s32 $0x19730;
	v15 =	vnsel vm1, $0x7F61B1E6, v15;
	(xrf0) =	vmax.scan.msk.f32 $0xffff, v16  }
0x72: {  	v16 =	vld [tilespmem:s1+$0x0];
	(xrf0) =	vmin.scan.msk.f32 $0xffff, v15  }
0x73: {  	s13 =	simm.s32 $0x30  }
0x74: {  	v18 =	vor.u32 s13, v1  }
0x75: {  	v15, _, _ =	vpop (xrf0)  }
0x76: {  	vm1 =	vlt.s32 v18, v14;
	v19, _, _ =	vpop (xrf0);
	(v2sf) =	vpush v15, $0xF  }
0x77: {  	v15 =	vnsel vm1, $0xFF61B1E6, v16;
	(v2sf) =	vpush v19, $0xF;
	v18, _, _ =	vpop (xrf0)  }
0x78: {  	(xrf0) =	vmax.scan.msk.f32 $0xffff, v15;
	v15 =	vnsel vm1, $0x7F61B1E6, v16;
	(v2sf) =	vpush v18, $0xF;
	v16, _, _ =	vpop (xrf0)  }
0x79: {  	s31 =	spop (v2sf);
	(v2sf) =	vpush v16, $0xF;
	_ =	sdelay $0x1  }
0x7a: {  	s2 =	simm.s32 $0x19740  }
0x7b: {  	v17 =	vld [tilespmem:s2+$0x0];
	_ =	sdelay $0x1  }
0x7c: {  	s17 =	simm.s32 $0x40;
	(xrf0) =	vmin.scan.msk.f32 $0xffff, v15  }
0x7d: {  	v19 =	vor.u32 s17, v1  }
0x7e: {  	s28 =	simm.s32 $0x50;
	s29 =	simm.s32 $0x19750;
	s30 =	simm.f32 $-3.000000010e+38;
	vm1 =	vlt.s32 v19, v14  }
0x7f: {  	s26 =	simm.f32 $3.000000010e+38;
	v15 =	vnsel vm1, $0x7F61B1E6, v17;
	v16 =	vnsel vm1, $0xFF61B1E6, v17;
	s0 =	smax.f32 s30, s31;
	s1 =	spop (v2sf)  }
.LBB2_10:
0x80: {  	p0 =	sne.s32 s28, $0x110  }
0x81: {  	v17 =	vld [tilespmem:s29+$0x0];
	(xrf0) =	vmax.scan.msk.f32 $0xffff, v16;
	v16, _, _ =	vpop (xrf0);
	s26 =	smin.f32 s26, s1;
	s1 =	smov.u32 s28;
	s28 =	sadd.s32 $0x10, s28  }
.Ltmp6:
0x82: {  	(xrf0) =	vmin.scan.msk.f32 $0xffff, v15;
	v15, _, _ =	vpop (xrf0);
	(v2sf) =	vpush v16, $0xF;
	(pc) =	sbr.rel @p0 .LBB2_10-.Ltmp6, $4  }
0x83: {  	(v2sf) =	vpush v15, $0xF  }
0x84: {  	v15 =	vor.u32 s1, v1  }
0x85: {  	vm1 =	vlt.s32 v15, v14;
	s1 =	spop (v2sf)  }
0x86: {  	s29 =	sadd.s32 $0x10, s29;
	v15 =	vnsel vm1, $0x7F61B1E6, v17;
	v16 =	vnsel vm1, $0xFF61B1E6, v17;
	s0 =	smax.f32 s0, s1;
	s1 =	spop (v2sf)  }
0x87: {  	(xrf0) =	vmax.scan.msk.f32 $0xffff, v16  }
0x88: {  	(xrf0) =	vmin.scan.msk.f32 $0xffff, v15;
	_ =	sdelay $0x2  }
0x89: {  	v15, _, _ =	vpop (xrf0)  }
0x8a: {  	v62, _, _ =	vpop (xrf0);
	(v2sf) =	vpush v15, $0xF  }
0x8b: {  	(v2sf) =	vpush v62, $0xF;
	v15, _, _ =	vpop (xrf0)  }
0x8c: {  	v63, _, _ =	vpop (xrf0);
	(v2sf) =	vpush v15, $0xF  }
0x8d: {  	(v2sf) =	vpush v63, $0xF;
	_ =	sdelay $0x7  }
0x8e: {  	s2 =	spop (v2sf)  }
0x8f: {  	s1 =	smin.f32 s26, s1;
	s31 =	spop (v2sf)  }
0x90: {  	s0 =	smax.f32 s0, s2;
	s13 =	spop (v2sf)  }
0x91: {  	s1 =	smin.f32 s1, s31;
	s17 =	spop (v2sf)  }
0x92: {  	s0 =	smax.f32 s0, s13;
	s31 =	spop (v2sf)  }
0x93: {  	s1 =	smin.f32 s1, s17;
	s13 =	spop (v2sf)  }
0x94: {  	s0 =	smax.f32 s0, s31;
	s17 =	spop (v2sf)  }
0x95: {  	s1 =	smin.f32 s1, s13;
	s31 =	spop (v2sf)  }
0x96: {  	s0 =	smax.f32 s0, s17;
	s26 =	smin.f32 s1, s31  }
0x97: {  	s1 =	ssub.f32 s0, s26;
	_ =	sdelay $0x1  }
0x98: {  	s1 =	smax.f32 s1, $1.000000000e-30  }
0x99: {  	s28 =	simm.s32 $0x0;
	s30 =	simm.s32 $0x0;
	s29 =	sadd.f32 s1, s0  }
.LBB2_12:
0x9a: {  	_ = 	snop  }
0x9b: {  	s0 =	ssub.f32 s29, s26  }
0x9c: {  	s1 =	simm.s32 $0x19700  }
0x9d: {  	v16 =	vld [tilespmem:s1+$0x0];
	s0 =	smul.f32 $5.000000000e-01, s0  }
0x9e: {  	s17 =	simm.s32 $0x19710  }
0x9f: {  	v17 =	vld [tilespmem:s17+$0x0];
	s31 =	sadd.f32 s0, s26;
	_ =	sdelay $0x1  }
0xa0: {  	s2 =	simm.s32 $0x19720;
	v19 =	vor.u32 s28, v1;
	v15 =	vmov s31  }
0xa1: {  	v18 =	vld [tilespmem:s2+$0x0];
	vm1 =	vlt.s32 v19, v14;
	vm2 =	vge.f32 v16, v15  }
0xa2: {  	vm1 =	vmand vm1, vm2  }
0xa3: {  	s13 =	simm.s32 $0x10;
	vm4 =	vge.f32 v17, v15;
	v17 =	vsel vm1, $0x1, v0  }
0xa4: {  	v59 =	vor.u32 s13, v1;
	s17 =	simm.s32 $0x20;
	(xrf0) =	vadd.scan.msk.s32 $0xffff, v17  }
0xa5: {  	vm3 =	vlt.s32 v59, v14;
	v16 =	vor.u32 s17, v1  }
0xa6: {  	vm2 =	vmand vm3, vm4;
	vm3 =	vge.f32 v18, v15;
	vm1 =	vlt.s32 v16, v14  }
0xa7: {  	v16 =	vsel vm2, $0x1, v0;
	vm1 =	vmand vm1, vm3  }
0xa8: {  	s1 =	simm.s32 $0x19730;
	(xrf0) =	vadd.scan.msk.s32 $0xffff, v16;
	v17 =	vsel vm1, $0x1, v0  }
0xa9: {  	v16 =	vld [tilespmem:s1+$0x0];
	(xrf0) =	vadd.scan.msk.s32 $0xffff, v17  }
0xaa: {  	v61, _, _ =	vpop (xrf0)  }
0xab: {  	(v2sf) =	vpush v61, $0xF;
	_ =	sdelay $0x2  }
0xac: {  	vm2 =	vge.f32 v16, v15;
	v16, _, _ =	vpop (xrf0)  }
0xad: {  	(v2sf) =	vpush v16, $0xF;
	v62, _, _ =	vpop (xrf0)  }
0xae: {  	(v2sf) =	vpush v62, $0xF  }
0xaf: {  	s13 =	simm.s32 $0x30  }
0xb0: {  	s2 =	simm.s32 $0x19740;
	v60 =	vor.u32 s13, v1  }
0xb1: {  	vm1 =	vlt.s32 v60, v14;
	v17 =	vld [tilespmem:s2+$0x0]  }
0xb2: {  	vm1 =	vmand vm1, vm2  }
0xb3: {  	v16 =	vsel vm1, $0x1, v0  }
0xb4: {  	s17 =	simm.s32 $0x40;
	(xrf0) =	vadd.scan.msk.s32 $0xffff, v16  }
0xb5: {  	v63 =	vor.u32 s17, v1  }
0xb6: {  	s0 =	simm.s32 $0x0;
	s1 =	simm.s32 $0x19750;
	s2 =	simm.s32 $0x50;
	vm2 =	vge.f32 v17, v15;
	vm1 =	vlt.s32 v63, v14  }
.LBB2_13:
0xb7: {  	p0 =	sne.s32 s2, $0x110  }
0xb8: {  	v16 =	vld [tilespmem:s1+$0x0];
	vm1 =	vmand vm1, vm2;
	s13 =	spop (v2sf);
	s17 =	smov.u32 s2;
	s2 =	sadd.s32 $0x10, s2  }
.Ltmp7:
0xb9: {  	v18 =	vsel vm1, $0x1, v0;
	s0 =	sadd.s32 s0, s13;
	(pc) =	sbr.rel @p0 .LBB2_13-.Ltmp7, $4  }
0xba: {  	(xrf0) =	vadd.scan.msk.s32 $0xffff, v18;
	v17, _, _ =	vpop (xrf0)  }
0xbb: {  	(v2sf) =	vpush v17, $0xF  }
0xbc: {  	v17 =	vor.u32 s17, v1  }
0xbd: {  	s1 =	sadd.s32 $0x10, s1;
	vm1 =	vlt.s32 v17, v14;
	vm2 =	vge.f32 v16, v15  }
0xbe: {  	vm1 =	vmand vm1, vm2  }
0xbf: {  	v15 =	vsel vm1, $0x1, v0  }
0xc0: {  	(xrf0) =	vadd.scan.msk.s32 $0xffff, v15;
	_ =	sdelay $0x4  }
0xc1: {  	v15, _, _ =	vpop (xrf0)  }
0xc2: {  	(v2sf) =	vpush v15, $0xF;
	v15, _, _ =	vpop (xrf0)  }
0xc3: {  	(v2sf) =	vpush v15, $0xF;
	_ =	sdelay $0xa  }
0xc4: {  	s1 =	spop (v2sf)  }
0xc5: {  	s0 =	sadd.s32 s0, s1;
	s17 =	spop (v2sf)  }
0xc6: {  	s0 =	sadd.s32 s0, s17;
	s2 =	spop (v2sf)  }
0xc7: {  	s0 =	sadd.s32 s0, s2;
	s13 =	spop (v2sf)  }
0xc8: {  	s0 =	sadd.s32 s0, s13;
	s17 =	spop (v2sf)  }
0xc9: {  	s0 =	sadd.s32 s0, s17  }
0xca: {  	s30 =	sadd.s32 $0x1, s30;
	p0 =	sgt.s32 s0, $0x3F  }
0xcb: {  	s26 =	smov.u32 @p0 s31;
	s31 =	smov.u32 @p0 s29;
	p0 =	seq.s32 s30, $0x28  }
.Ltmp8:
0xcc: {  	_ = 	snop;
	(pc) =	sbr.rel @!p0 .LBB2_12-.Ltmp8, $2  }
0xcd: {  	_ =	sdelay $0x2  }
0xce: {  	s29 =	smov.u32 s31  }
0xcf: {  	s0 =	simm.s32 $0x19700  }
0xd0: {  	v16 =	vld [tilespmem:s0+$0x0];
	_ =	sdelay $0x2  }
0xd1: {  	s29 =	simm.s32 $0x0  }
0xd2: {  	v15 =	vmov s26;
	v17 =	vor.u32 s29, v1  }
0xd3: {  	vm1 =	vlt.s32 v17, v14;
	vm2 =	vge.f32 v16, v15  }
0xd4: {  	vm1 =	vmand vm1, vm2  }
0xd5: {  	v17 =	vsel vm1, $0x1, v0  }
0xd6: {  	(xrf0) =	vadd.scan.msk.s32 $0xffff, v17;
	_ =	sdelay $0x2  }
0xd7: {  	v17 =	vmov s29  }
0xd8: {  	v17 =	vadd.s32 $0xFFFFFFFF, v17  }
0xd9: {  	v17 =	vbroadcast v17, $0x0  }
0xda: {  	v18, _, _ =	vpop (xrf0)  }
0xdb: {  	s28 =	simm.s32 $0x19880;
	v17 =	vadd.s32 v18, v17;
	(v2sf) =	vpush v18, $0xF  }
0xdc: {  	v19 =	vld [tilespmem:s28+$0x0];
	_ =	sdelay $0x3  }
0xdd: {  	[tilespmem:v17+s18+$0x0] =	vst.idx.msk vm1, v16  }
0xde: {  	s0 =	simm.s32 $0x19710;
	[tilespmem:v17+s19+$0x0] =	vst.idx.msk vm1, v19  }
0xdf: {  	s30 =	simm.s32 $0x10;
	s31 =	simm.s32 $0x20;
	v16 =	vld [tilespmem:s0+$0x0]  }
.LBB2_16:
0xe0: {  	p0 =	sne.s32 s31, $0x110;
	_ =	sdelay $0x2  }
0xe1: {  	v17 =	vor.u32 s30, v1;
	s30 =	smov.u32 s31  }
0xe2: {  	vm1 =	vlt.s32 v17, v14;
	vm2 =	vge.f32 v16, v15  }
0xe3: {  	vm1 =	vmand vm1, vm2  }
0xe4: {  	v17 =	vsel vm1, $0x1, v0  }
0xe5: {  	(xrf0) =	vadd.scan.msk.s32 $0xffff, v17;
	s1 =	spop (v2sf)  }
0xe6: {  	s29 =	sadd.s32 s29, s1  }
0xe7: {  	v17 =	vmov s29  }
0xe8: {  	v17 =	vadd.s32 $0xFFFFFFFF, v17  }
0xe9: {  	v17 =	vbroadcast v17, $0x0;
	_ =	sdelay $0x1  }
0xea: {  	v18, _, _ =	vpop (xrf0)  }
0xeb: {  	s28 =	sadd.s32 $0x10, s28;
	v17 =	vadd.s32 v18, v17;
	(v2sf) =	vpush v18, $0xF  }
0xec: {  	v18 =	vld [tilespmem:s28+$0x0];
	_ =	sdelay $0x1  }
.Ltmp9:
0xed: {  	(pc) =	sbr.rel @p0 .LBB2_16-.Ltmp9, $4  }
0xee: {  	_ = 	snop  }
0xef: {  	[tilespmem:v17+s18+$0x0] =	vst.idx.msk vm1, v16  }
0xf0: {  	s0 =	sadd.s32 $0x10, s0;
	[tilespmem:v17+s19+$0x0] =	vst.idx.msk vm1, v18  }
0xf1: {  	s31 =	sadd.s32 $0x10, s31;
	v16 =	vld [tilespmem:s0+$0x0]  }
0xf2: {  	_ =	sdelay $0x2  }
0xf3: {  	v17 =	vor.u32 s30, v1  }
0xf4: {  	vm1 =	vlt.s32 v17, v14;
	vm2 =	vge.f32 v16, v15  }
0xf5: {  	vm1 =	vmand vm1, vm2  }
0xf6: {  	v14 =	vsel vm1, $0x1, v0  }
0xf7: {  	(xrf0) =	vadd.scan.msk.s32 $0xffff, v14;
	_ =	sdelay $0x5  }
0xf8: {  	v14, _, _ =	vpop (xrf0)  }
0xf9: {  	(v2sf) =	vpush v14, $0xF;
	_ =	sdelay $0x5  }
0xfa: {  	s0 =	spop (v2sf)  }
0xfb: {  	s0 =	sadd.s32 s29, s0  }
0xfc: {  	v17 =	vmov s0  }
0xfd: {  	v17 =	vadd.s32 $0xFFFFFFFF, v17  }
0xfe: {  	v17 =	vbroadcast v17, $0x0;
	_ =	sdelay $0x1  }
0xff: {  	s1 =	sadd.s32 $0x10, s28;
	v14 =	vadd.s32 v14, v17  }
0x100: {  	v17 =	vld [tilespmem:s1+$0x0]  }
.Ltmp10:
0x101: {  	_ = 	snop;
	(pc) =	sbr.rel .LBB2_18-.Ltmp10, $4  }
0x102: {  	s31 =	spop (v2sf)  }
0x103: {  	s28 =	sadd.s32 s0, s31  }
0x104: {  	[tilespmem:v14+s18+$0x0] =	vst.idx.msk vm1, v16;
	p0 =	slt.s32 s28, $0xFF  }
0x105: {  	[tilespmem:v14+s19+$0x0] =	vst.idx.msk vm1, v17;
	s28 =	simm.s32 @!p0 $0xFF  }
.LBB2_20:
0x106: {  	(v2sf) =	vpush v12, $0x0;
	_ =	sdelay $0x9  }
0x107: {  	p0 =	slt.s32 s28, $0x81  }
.Ltmp11:
0x108: {  	_ = 	snop;
	(pc) =	sbr.rel @p0 .LBB2_30-.Ltmp11, $2  }
0x109: {  	_ =	sdelay $0x2  }
0x10a: {  	s24 =	spop (v2sf)  }
0x10b: {  	s0 =	simm.s32 $0x19700  }
0x10c: {  	v13 =	vld [tilespmem:s0+$0x0];
	_ =	sdelay $0x1  }
0x10d: {  	s31 =	simm.s32 $0x0  }
0x10e: {  	v12 =	vmov s28;
	v14 =	vor.u32 s31, v1  }
0x10f: {  	vm1 =	vlt.s32 v14, v12  }
0x110: {  	v14 =	vnsel vm1, $0xFF61B1E6, v13  }
0x111: {  	(xrf0) =	vmax.scan.msk.f32 $0xffff, v14  }
0x112: {  	v13 =	vnsel vm1, $0x7F61B1E6, v13  }
0x113: {  	(xrf0) =	vmin.scan.msk.f32 $0xffff, v13;
	_ =	sdelay $0x2  }
0x114: {  	s1 =	simm.s32 $0x19710  }
0x115: {  	v14 =	vld [tilespmem:s1+$0x0];
	v13, _, _ =	vpop (xrf0)  }
0x116: {  	s2 =	simm.s32 $0x19720;
	(v2sf) =	vpush v13, $0xF  }
0x117: {  	s1 =	simm.s32 $0x10;
	v15, _, _ =	vpop (xrf0);
	v13 =	vld [tilespmem:s2+$0x0]  }
0x118: {  	(v2sf) =	vpush v15, $0xF;
	v15 =	vor.u32 s1, v1  }
0x119: {  	s13 =	simm.s32 $0x20;
	vm1 =	vlt.s32 v15, v12  }
0x11a: {  	v16 =	vor.u32 s13, v1;
	v15 =	vnsel vm1, $0xFF61B1E6, v14  }
0x11b: {  	v14 =	vnsel vm1, $0x7F61B1E6, v14;
	vm1 =	vlt.s32 v16, v12;
	(xrf0) =	vmax.scan.msk.f32 $0xffff, v15  }
0x11c: {  	(xrf0) =	vmin.scan.msk.f32 $0xffff, v14;
	v14 =	vnsel vm1, $0xFF61B1E6, v13  }
0x11d: {  	s17 =	simm.s32 $0x19730;
	v13 =	vnsel vm1, $0x7F61B1E6, v13;
	(xrf0) =	vmax.scan.msk.f32 $0xffff, v14  }
0x11e: {  	v14 =	vld [tilespmem:s17+$0x0];
	(xrf0) =	vmin.scan.msk.f32 $0xffff, v13;
	_ =	sdelay $0x1  }
0x11f: {  	s26 =	simm.s32 $0x30  }
0x120: {  	v61 =	vor.u32 s26, v1;
	v13, _, _ =	vpop (xrf0)  }
0x121: {  	vm1 =	vlt.s32 v61, v12;
	v17, _, _ =	vpop (xrf0);
	(v2sf) =	vpush v13, $0xF  }
0x122: {  	v13 =	vnsel vm1, $0xFF61B1E6, v14;
	(v2sf) =	vpush v17, $0xF;
	v62, _, _ =	vpop (xrf0)  }
0x123: {  	(xrf0) =	vmax.scan.msk.f32 $0xffff, v13;
	v13 =	vnsel vm1, $0x7F61B1E6, v14;
	(v2sf) =	vpush v62, $0xF;
	v14, _, _ =	vpop (xrf0)  }
0x124: {  	s31 =	spop (v2sf);
	(v2sf) =	vpush v14, $0xF;
	_ =	sdelay $0x1  }
0x125: {  	s25 =	simm.s32 $0x19740  }
0x126: {  	v15 =	vld [tilespmem:s25+$0x0];
	_ =	sdelay $0x1  }
0x127: {  	s29 =	simm.s32 $0x40;
	(xrf0) =	vmin.scan.msk.f32 $0xffff, v13  }
0x128: {  	v63 =	vor.u32 s29, v1  }
0x129: {  	s30 =	simm.f32 $-3.000000010e+38;
	s28 =	simm.s32 $0x19750;
	s26 =	simm.s32 $0x50;
	vm1 =	vlt.s32 v63, v12  }
0x12a: {  	s25 =	simm.f32 $3.000000010e+38;
	v13 =	vnsel vm1, $0x7F61B1E6, v15;
	v14 =	vnsel vm1, $0xFF61B1E6, v15;
	s0 =	smax.f32 s30, s31;
	s1 =	spop (v2sf)  }
.LBB2_22:
0x12b: {  	p0 =	sne.s32 s26, $0x110  }
0x12c: {  	v15 =	vld [tilespmem:s28+$0x0];
	(xrf0) =	vmax.scan.msk.f32 $0xffff, v14;
	v14, _, _ =	vpop (xrf0);
	s25 =	smin.f32 s25, s1;
	s1 =	smov.u32 s26;
	s26 =	sadd.s32 $0x10, s26  }
.Ltmp12:
0x12d: {  	(xrf0) =	vmin.scan.msk.f32 $0xffff, v13;
	v13, _, _ =	vpop (xrf0);
	(v2sf) =	vpush v14, $0xF;
	(pc) =	sbr.rel @p0 .LBB2_22-.Ltmp12, $4  }
0x12e: {  	(v2sf) =	vpush v13, $0xF  }
0x12f: {  	v13 =	vor.u32 s1, v1  }
0x130: {  	vm1 =	vlt.s32 v13, v12;
	s1 =	spop (v2sf)  }
0x131: {  	s28 =	sadd.s32 $0x10, s28;
	v13 =	vnsel vm1, $0x7F61B1E6, v15;
	v14 =	vnsel vm1, $0xFF61B1E6, v15;
	s0 =	smax.f32 s0, s1;
	s1 =	spop (v2sf)  }
0x132: {  	(xrf0) =	vmax.scan.msk.f32 $0xffff, v14  }
0x133: {  	(xrf0) =	vmin.scan.msk.f32 $0xffff, v13;
	_ =	sdelay $0x2  }
0x134: {  	v13, _, _ =	vpop (xrf0)  }
0x135: {  	v14, _, _ =	vpop (xrf0);
	(v2sf) =	vpush v13, $0xF  }
0x136: {  	(v2sf) =	vpush v14, $0xF;
	v13, _, _ =	vpop (xrf0)  }
0x137: {  	v14, _, _ =	vpop (xrf0);
	(v2sf) =	vpush v13, $0xF  }
0x138: {  	(v2sf) =	vpush v14, $0xF;
	_ =	sdelay $0x7  }
0x139: {  	s2 =	spop (v2sf)  }
0x13a: {  	s1 =	smin.f32 s25, s1;
	s13 =	spop (v2sf)  }
0x13b: {  	s0 =	smax.f32 s0, s2;
	s31 =	spop (v2sf)  }
0x13c: {  	s1 =	smin.f32 s1, s13;
	s17 =	spop (v2sf)  }
0x13d: {  	s0 =	smax.f32 s0, s31;
	s25 =	spop (v2sf)  }
0x13e: {  	s1 =	smin.f32 s1, s17;
	s26 =	spop (v2sf)  }
0x13f: {  	s0 =	smax.f32 s0, s25;
	s30 =	spop (v2sf)  }
0x140: {  	s1 =	smin.f32 s1, s26;
	s31 =	spop (v2sf)  }
0x141: {  	s0 =	smax.f32 s0, s30;
	s25 =	smin.f32 s1, s31  }
0x142: {  	s1 =	ssub.f32 s0, s25;
	_ =	sdelay $0x1  }
0x143: {  	s1 =	smax.f32 s1, $1.000000000e-30  }
0x144: {  	s29 =	simm.s32 $0x0;
	s26 =	simm.s32 $0x0;
	s28 =	sadd.f32 s1, s0  }
.LBB2_24:
0x145: {  	_ = 	snop  }
0x146: {  	s0 =	ssub.f32 s28, s25  }
0x147: {  	s1 =	simm.s32 $0x19700  }
0x148: {  	v14 =	vld [tilespmem:s1+$0x0];
	s0 =	smul.f32 $5.000000000e-01, s0  }
0x149: {  	s13 =	simm.s32 $0x19710  }
0x14a: {  	v15 =	vld [tilespmem:s13+$0x0];
	s30 =	sadd.f32 s0, s25;
	_ =	sdelay $0x1  }
0x14b: {  	s17 =	simm.s32 $0x19720;
	v17 =	vor.u32 s26, v1;
	v13 =	vmov s30  }
0x14c: {  	v16 =	vld [tilespmem:s17+$0x0];
	vm1 =	vlt.s32 v17, v12;
	vm2 =	vge.f32 v14, v13  }
0x14d: {  	vm1 =	vmand vm1, vm2  }
0x14e: {  	s31 =	simm.s32 $0x10;
	vm4 =	vge.f32 v15, v13;
	v15 =	vsel vm1, $0x1, v0  }
0x14f: {  	v59 =	vor.u32 s31, v1;
	s1 =	simm.s32 $0x20;
	(xrf0) =	vadd.scan.msk.s32 $0xffff, v15  }
0x150: {  	vm3 =	vlt.s32 v59, v12;
	v14 =	vor.u32 s1, v1  }
0x151: {  	vm2 =	vmand vm3, vm4;
	vm3 =	vge.f32 v16, v13;
	vm1 =	vlt.s32 v14, v12  }
0x152: {  	v14 =	vsel vm2, $0x1, v0;
	vm1 =	vmand vm1, vm3  }
0x153: {  	s2 =	simm.s32 $0x19730;
	(xrf0) =	vadd.scan.msk.s32 $0xffff, v14;
	v15 =	vsel vm1, $0x1, v0  }
0x154: {  	v14 =	vld [tilespmem:s2+$0x0];
	(xrf0) =	vadd.scan.msk.s32 $0xffff, v15  }
0x155: {  	v61, _, _ =	vpop (xrf0)  }
0x156: {  	(v2sf) =	vpush v61, $0xF;
	_ =	sdelay $0x2  }
0x157: {  	vm2 =	vge.f32 v14, v13;
	v14, _, _ =	vpop (xrf0)  }
0x158: {  	(v2sf) =	vpush v14, $0xF;
	v62, _, _ =	vpop (xrf0)  }
0x159: {  	(v2sf) =	vpush v62, $0xF  }
0x15a: {  	s17 =	simm.s32 $0x30  }
0x15b: {  	s13 =	simm.s32 $0x19740;
	v60 =	vor.u32 s17, v1  }
0x15c: {  	vm1 =	vlt.s32 v60, v12;
	v15 =	vld [tilespmem:s13+$0x0]  }
0x15d: {  	vm1 =	vmand vm1, vm2  }
0x15e: {  	v14 =	vsel vm1, $0x1, v0  }
0x15f: {  	s31 =	simm.s32 $0x40;
	(xrf0) =	vadd.scan.msk.s32 $0xffff, v14  }
0x160: {  	v63 =	vor.u32 s31, v1  }
0x161: {  	s0 =	simm.s32 $0x0;
	s1 =	simm.s32 $0x19750;
	s2 =	simm.s32 $0x50;
	vm2 =	vge.f32 v15, v13;
	vm1 =	vlt.s32 v63, v12  }
.LBB2_25:
0x162: {  	p0 =	sne.s32 s2, $0x110  }
0x163: {  	v14 =	vld [tilespmem:s1+$0x0];
	vm1 =	vmand vm1, vm2;
	s13 =	spop (v2sf);
	s17 =	smov.u32 s2;
	s2 =	sadd.s32 $0x10, s2  }
.Ltmp13:
0x164: {  	v16 =	vsel vm1, $0x1, v0;
	s0 =	sadd.s32 s0, s13;
	(pc) =	sbr.rel @p0 .LBB2_25-.Ltmp13, $4  }
0x165: {  	(xrf0) =	vadd.scan.msk.s32 $0xffff, v16;
	v15, _, _ =	vpop (xrf0)  }
0x166: {  	(v2sf) =	vpush v15, $0xF  }
0x167: {  	v15 =	vor.u32 s17, v1  }
0x168: {  	s1 =	sadd.s32 $0x10, s1;
	vm1 =	vlt.s32 v15, v12;
	vm2 =	vge.f32 v14, v13  }
0x169: {  	vm1 =	vmand vm1, vm2  }
0x16a: {  	v13 =	vsel vm1, $0x1, v0  }
0x16b: {  	(xrf0) =	vadd.scan.msk.s32 $0xffff, v13;
	_ =	sdelay $0x4  }
0x16c: {  	v13, _, _ =	vpop (xrf0)  }
0x16d: {  	(v2sf) =	vpush v13, $0xF;
	v13, _, _ =	vpop (xrf0)  }
0x16e: {  	(v2sf) =	vpush v13, $0xF;
	_ =	sdelay $0xa  }
0x16f: {  	s1 =	spop (v2sf)  }
0x170: {  	s0 =	sadd.s32 s0, s1;
	s2 =	spop (v2sf)  }
0x171: {  	s0 =	sadd.s32 s0, s2;
	s13 =	spop (v2sf)  }
0x172: {  	s0 =	sadd.s32 s0, s13;
	s17 =	spop (v2sf)  }
0x173: {  	s0 =	sadd.s32 s0, s17;
	s31 =	spop (v2sf)  }
0x174: {  	s0 =	sadd.s32 s0, s31  }
0x175: {  	s29 =	sadd.s32 $0x1, s29;
	p0 =	sgt.s32 s0, $0x3F  }
0x176: {  	s25 =	smov.u32 @p0 s30;
	s30 =	smov.u32 @p0 s28;
	p0 =	seq.s32 s29, $0x28  }
.Ltmp14:
0x177: {  	_ = 	snop;
	(pc) =	sbr.rel @!p0 .LBB2_24-.Ltmp14, $2  }
0x178: {  	_ =	sdelay $0x2  }
0x179: {  	s28 =	smov.u32 s30  }
0x17a: {  	s0 =	simm.s32 $0x19700  }
0x17b: {  	v14 =	vld [tilespmem:s0+$0x0];
	_ =	sdelay $0x2  }
0x17c: {  	s26 =	simm.s32 $0x0  }
0x17d: {  	v13 =	vmov s25;
	v15 =	vor.u32 s26, v1  }
0x17e: {  	vm1 =	vlt.s32 v15, v12;
	vm2 =	vge.f32 v14, v13  }
0x17f: {  	vm1 =	vmand vm1, vm2  }
0x180: {  	v15 =	vsel vm1, $0x1, v0  }
0x181: {  	(xrf0) =	vadd.scan.msk.s32 $0xffff, v15;
	_ =	sdelay $0x2  }
0x182: {  	v15 =	vmov s26  }
0x183: {  	v15 =	vadd.s32 $0xFFFFFFFF, v15  }
0x184: {  	v15 =	vbroadcast v15, $0x0  }
0x185: {  	v16, _, _ =	vpop (xrf0)  }
0x186: {  	s25 =	simm.s32 $0x19880;
	v15 =	vadd.s32 v16, v15;
	(v2sf) =	vpush v16, $0xF  }
0x187: {  	v17 =	vld [tilespmem:s25+$0x0];
	_ =	sdelay $0x3  }
0x188: {  	[tilespmem:v15+s18+$0x0] =	vst.idx.msk vm1, v14  }
0x189: {  	s0 =	simm.s32 $0x19710;
	[tilespmem:v15+s19+$0x0] =	vst.idx.msk vm1, v17  }
0x18a: {  	s28 =	simm.s32 $0x10;
	s29 =	simm.s32 $0x20;
	v14 =	vld [tilespmem:s0+$0x0]  }
.LBB2_28:
0x18b: {  	p0 =	sne.s32 s29, $0x110;
	_ =	sdelay $0x2  }
0x18c: {  	v15 =	vor.u32 s28, v1;
	s28 =	smov.u32 s29  }
0x18d: {  	vm1 =	vlt.s32 v15, v12;
	vm2 =	vge.f32 v14, v13  }
0x18e: {  	vm1 =	vmand vm1, vm2  }
0x18f: {  	v15 =	vsel vm1, $0x1, v0  }
0x190: {  	(xrf0) =	vadd.scan.msk.s32 $0xffff, v15;
	s1 =	spop (v2sf)  }
0x191: {  	s26 =	sadd.s32 s26, s1  }
0x192: {  	v15 =	vmov s26  }
0x193: {  	v15 =	vadd.s32 $0xFFFFFFFF, v15  }
0x194: {  	v15 =	vbroadcast v15, $0x0;
	_ =	sdelay $0x1  }
0x195: {  	v16, _, _ =	vpop (xrf0)  }
0x196: {  	s25 =	sadd.s32 $0x10, s25;
	v15 =	vadd.s32 v16, v15;
	(v2sf) =	vpush v16, $0xF  }
0x197: {  	v16 =	vld [tilespmem:s25+$0x0];
	_ =	sdelay $0x1  }
.Ltmp15:
0x198: {  	(pc) =	sbr.rel @p0 .LBB2_28-.Ltmp15, $4  }
0x199: {  	_ = 	snop  }
0x19a: {  	[tilespmem:v15+s18+$0x0] =	vst.idx.msk vm1, v14  }
0x19b: {  	s0 =	sadd.s32 $0x10, s0;
	[tilespmem:v15+s19+$0x0] =	vst.idx.msk vm1, v16  }
0x19c: {  	s29 =	sadd.s32 $0x10, s29;
	v14 =	vld [tilespmem:s0+$0x0]  }
0x19d: {  	_ =	sdelay $0x2  }
0x19e: {  	v15 =	vor.u32 s28, v1  }
0x19f: {  	vm1 =	vlt.s32 v15, v12;
	vm2 =	vge.f32 v14, v13  }
0x1a0: {  	vm1 =	vmand vm1, vm2  }
0x1a1: {  	v61 =	vsel vm1, $0x1, v0  }
0x1a2: {  	(xrf0) =	vadd.scan.msk.s32 $0xffff, v61;
	_ =	sdelay $0x5  }
0x1a3: {  	v12, _, _ =	vpop (xrf0)  }
0x1a4: {  	(v2sf) =	vpush v12, $0xF;
	_ =	sdelay $0x5  }
0x1a5: {  	s0 =	spop (v2sf)  }
0x1a6: {  	s0 =	sadd.s32 s26, s0  }
0x1a7: {  	v62 =	vmov s0  }
0x1a8: {  	v13 =	vadd.s32 $0xFFFFFFFF, v62  }
0x1a9: {  	v13 =	vbroadcast v13, $0x0;
	_ =	sdelay $0x1  }
0x1aa: {  	s1 =	sadd.s32 $0x10, s25;
	v12 =	vadd.s32 v12, v13  }
0x1ab: {  	v63 =	vld [tilespmem:s1+$0x0];
	_ =	sdelay $0x1  }
0x1ac: {  	s31 =	spop (v2sf)  }
0x1ad: {  	s28 =	sadd.s32 s0, s31  }
0x1ae: {  	[tilespmem:v12+s18+$0x0] =	vst.idx.msk vm1, v14;
	p0 =	slt.s32 s28, $0xFF  }
0x1af: {  	[tilespmem:v12+s19+$0x0] =	vst.idx.msk vm1, v63;
	s28 =	simm.s32 @!p0 $0xFF  }
.LBB2_30:
0x1b0: {  	v12 =	vld [tilespmem:$0x19700];
	_ =	sdelay $0x1  }
0x1b1: {  	v13 =	vld [tilespmem:$0x19710]  }
0x1b2: {  	p0 =	slt.s32 s28, $0x80;
	v14 =	vld [tilespmem:$0x19880]  }
0x1b3: {  	v15 =	vld [tilespmem:$0x19720];
	s28 =	simm.s32 @!p0 $0x80  }
0x1b4: {  	v17 =	vld [tilespmem:$0x19890];
	v16 =	vmov s28;
	v12 =	vmul.f32 v12, v9  }
0x1b5: {  	v18 =	vld [tilespmem:$0x19730];
	vm1 =	vgt.s32 v16, v1  }
0x1b6: {  	v19 =	vld [tilespmem:$0x198A0];
	v13 =	vmul.f32 v13, v9;
	v12 =	vnsel vm1, $0xFF61B1E6, v12  }
0x1b7: {  	[tilespmem:$0x19A00] =	vst v12;
	v12 =	vnsel vm1, $0x0, v14;
	vm1 =	vgt.s32 v16, v2;
	v14 =	vld [tilespmem:$0x19740]  }
0x1b8: {  	[tilespmem:$0x19B00] =	vst v12;
	v12 =	vnsel vm1, $0xFF61B1E6, v13;
	v13 =	vmul.f32 v15, v9;
	v15 =	vld [tilespmem:$0x198B0]  }
0x1b9: {  	[tilespmem:$0x19A10] =	vst v12;
	v12 =	vnsel vm1, $0x0, v17;
	vm1 =	vgt.s32 v16, v3;
	v17 =	vld [tilespmem:$0x19750]  }
0x1ba: {  	[tilespmem:$0x19B10] =	vst v12;
	v12 =	vnsel vm1, $0xFF61B1E6, v13;
	v13 =	vmul.f32 v18, v9;
	v18 =	vld [tilespmem:$0x198C0]  }
0x1bb: {  	[tilespmem:$0x19A20] =	vst v12;
	v12 =	vnsel vm1, $0x0, v19;
	vm1 =	vgt.s32 v16, v4;
	v19 =	vld [tilespmem:$0x19760]  }
0x1bc: {  	[tilespmem:$0x19B20] =	vst v12;
	v12 =	vnsel vm1, $0xFF61B1E6, v13;
	v13 =	vmul.f32 v14, v9;
	v14 =	vld [tilespmem:$0x198D0]  }
0x1bd: {  	[tilespmem:$0x19A30] =	vst v12;
	v12 =	vnsel vm1, $0x0, v15;
	vm1 =	vgt.s32 v16, v6;
	v15 =	vld [tilespmem:$0x19770]  }
0x1be: {  	[tilespmem:$0x19B30] =	vst v12;
	v12 =	vnsel vm1, $0xFF61B1E6, v13;
	v13 =	vmul.f32 v17, v9;
	v17 =	vld [tilespmem:$0x198E0]  }
0x1bf: {  	[tilespmem:$0x19A40] =	vst v12;
	v12 =	vnsel vm1, $0x0, v18;
	vm1 =	vgt.s32 v16, v7  }
0x1c0: {  	v18 =	vld [tilespmem:$0x198F0];
	[tilespmem:$0x19B40] =	vst v12;
	v12 =	vnsel vm1, $0xFF61B1E6, v13;
	v13 =	vmul.f32 v19, v9  }
0x1c1: {  	[tilespmem:$0x19A50] =	vst v12;
	v12 =	vnsel vm1, $0x0, v14;
	vm1 =	vgt.s32 v16, v8  }
0x1c2: {  	[tilespmem:$0x19B50] =	vst v12;
	v12 =	vnsel vm1, $0xFF61B1E6, v13;
	v13 =	vmul.f32 v15, v9  }
0x1c3: {  	v20 =	vld [tilespmem:$0x19A00];
	[tilespmem:$0x19A60] =	vst v12;
	v12 =	vnsel vm1, $0x0, v17;
	vm1 =	vgt.s32 v16, v10  }
0x1c4: {  	v19 =	vld [tilespmem:$0x19A10];
	[tilespmem:$0x19B60] =	vst v12;
	v12 =	vnsel vm1, $0xFF61B1E6, v13  }
0x1c5: {  	v15 =	vld [tilespmem:$0x19A50];
	v13 =	vnsel vm1, $0x0, v18;
	[tilespmem:$0x19A70] =	vst v12  }
0x1c6: {  	s0 =	simm.s32 $0x19A00;
	v17 =	vld [tilespmem:$0x19A30];
	[tilespmem:$0x19B70] =	vst v13  }
0x1c7: {  	v22 =	vld.msk [tilespmem:s0+$0x0 ss:$0x0], $0xffff  }
0x1c8: {  	s31 =	simm.s32 $0x0;
	v21 =	vimm.s32 $0x0;
	v25 =	vimm.s32 $0x0;
	v12 =	vld [tilespmem:$0x19A70]  }
0x1c9: {  	v29 =	vimm.s32 $0x0;
	v26 =	vimm.s32 $0x0;
	v23 =	vmov s31;
	v14 =	vld [tilespmem:$0x19A60]  }
0x1ca: {  	v27 =	vimm.s32 $0x0;
	vm3 =	vlt.u32 v23, v10;
	vm9 =	vlt.u32 v23, v2;
	v18 =	vld [tilespmem:$0x19A20]  }
0x1cb: {  	vm10 =	vlt.u32 v23, v3;
	vm11 =	vlt.u32 v23, v4;
	vm12 =	vlt.u32 v23, v6  }
0x1cc: {  	vm13 =	vlt.u32 v23, v7;
	vm14 =	vlt.u32 v23, v8;
	vm1 =	veq.f32 v22, v20  }
0x1cd: {  	v16 =	vld [tilespmem:$0x19A40];
	vm2 =	veq.f32 v22, v12;
	vm4 =	veq.f32 v22, v19;
	vm5 =	vgt.f32 v22, v12  }
0x1ce: {  	vm6 =	veq.f32 v22, v17;
	vm7 =	veq.f32 v22, v15;
	vm8 =	veq.f32 v22, v14  }
0x1cf: {  	vm2 =	vmand vm3, vm2;
	vm3 =	veq.f32 v22, v18;
	vm6 =	vmand vm11, vm6  }
0x1d0: {  	vm7 =	vmand vm13, vm7;
	vm8 =	vmand vm14, vm8;
	vm11 =	vgt.f32 v22, v17  }
0x1d1: {  	vm13 =	vgt.f32 v22, v15;
	vm14 =	vgt.f32 v22, v14;
	vm2 =	vmor vm5, vm2  }
0x1d2: {  	vm5 =	veq.f32 v22, v16;
	vm3 =	vmand vm10, vm3;
	vm10 =	vgt.f32 v22, v18  }
0x1d3: {  	vm7 =	vmor vm13, vm7;
	v24 =	vsel vm2, $0x1, v0;
	vm2 =	vlt.u32 v23, v1  }
0x1d4: {  	v23 =	vimm.s32 $0x0;
	v28 =	vadd.s32 v24, v21;
	vm1 =	vmand vm2, vm1  }
0x1d5: {  	vm2 =	vmand vm9, vm4;
	vm9 =	vmand vm12, vm5;
	vm4 =	vgt.f32 v22, v20  }
0x1d6: {  	vm5 =	vgt.f32 v22, v19;
	vm12 =	vgt.f32 v22, v16;
	v24 =	vimm.s32 $0x0  }
0x1d7: {  	s26 =	simm.s32 $0x19A01;
	vm1 =	vmor vm4, vm1;
	vm4 =	vmor vm5, vm2;
	vm5 =	vmor vm10, vm3  }
0x1d8: {  	s25 =	simm.s32 $0x1;
	s28 =	simm.s32 $0x2;
	v22 =	vld.msk [tilespmem:s26+$0x0 ss:$0x0], $0xffff;
	vm3 =	vmor vm11, vm6;
	vm6 =	vmor vm12, vm9;
	vm2 =	vmor vm14, vm8  }
.LBB2_31:
0x1d9: {  	p0 =	sne.s32 s28, $0x7F;
	v30 =	vsel vm1, $0x1, v0;
	v31 =	vsel vm4, $0x1, v0;
	v32 =	vsel vm5, $0x1, v0  }
0x1da: {  	v33 =	vsel vm3, $0x1, v0;
	v34 =	vsel vm6, $0x1, v0;
	v35 =	vsel vm7, $0x1, v0  }
0x1db: {  	v21 =	vadd.s32 v30, v21;
	v25 =	vadd.s32 v31, v25;
	v30 =	vsel vm2, $0x1, v0  }
0x1dc: {  	v23 =	vadd.s32 v32, v23;
	v24 =	vadd.s32 v33, v24;
	v29 =	vadd.s32 v34, v29  }
0x1dd: {  	v31 =	vmov s25;
	v26 =	vadd.s32 v35, v26;
	s25 =	smov.u32 s28;
	v27 =	vadd.s32 v30, v27  }
0x1de: {  	vm3 =	vlt.u32 v31, v10;
	vm1 =	veq.f32 v22, v20;
	vm2 =	veq.f32 v22, v12  }
0x1df: {  	vm4 =	veq.f32 v22, v19;
	vm5 =	vgt.f32 v22, v12;
	vm2 =	vmand vm3, vm2  }
0x1e0: {  	vm6 =	veq.f32 v22, v17;
	vm3 =	veq.f32 v22, v18;
	vm2 =	vmor vm5, vm2  }
0x1e1: {  	vm7 =	veq.f32 v22, v15;
	vm5 =	veq.f32 v22, v16;
	v30 =	vsel vm2, $0x1, v0  }
0x1e2: {  	vm8 =	veq.f32 v22, v14;
	vm2 =	vlt.u32 v31, v1;
	v28 =	vadd.s32 v30, v28  }
0x1e3: {  	vm9 =	vlt.u32 v31, v2;
	vm10 =	vlt.u32 v31, v3;
	vm11 =	vlt.u32 v31, v4  }
0x1e4: {  	vm12 =	vlt.u32 v31, v6;
	vm13 =	vlt.u32 v31, v7;
	vm14 =	vlt.u32 v31, v8  }
0x1e5: {  	vm3 =	vmand vm10, vm3;
	vm1 =	vmand vm2, vm1;
	vm2 =	vmand vm9, vm4  }
0x1e6: {  	vm6 =	vmand vm11, vm6;
	vm7 =	vmand vm13, vm7;
	vm9 =	vmand vm12, vm5  }
.Ltmp16:
0x1e7: {  	vm8 =	vmand vm14, vm8;
	vm4 =	vgt.f32 v22, v20;
	vm5 =	vgt.f32 v22, v19;
	(pc) =	sbr.rel @p0 .LBB2_31-.Ltmp16, $4  }
0x1e8: {  	vm11 =	vgt.f32 v22, v17;
	vm10 =	vgt.f32 v22, v18;
	vm12 =	vgt.f32 v22, v16  }
0x1e9: {  	vm13 =	vgt.f32 v22, v15;
	vm14 =	vgt.f32 v22, v14;
	vm1 =	vmor vm4, vm1  }
0x1ea: {  	s26 =	sadd.s32 $0x1, s26;
	vm4 =	vmor vm5, vm2;
	vm5 =	vmor vm10, vm3;
	vm3 =	vmor vm11, vm6  }
0x1eb: {  	s28 =	sadd.s32 $0x1, s28;
	vm7 =	vmor vm13, vm7;
	vm6 =	vmor vm12, vm9;
	vm2 =	vmor vm14, vm8;
	v22 =	vld.msk [tilespmem:s26+$0x0 ss:$0x0], $0xffff  }
0x1ec: {  	v30 =	vsel vm1, $0x1, v0;
	v31 =	vsel vm4, $0x1, v0;
	v32 =	vsel vm5, $0x1, v0  }
0x1ed: {  	v33 =	vsel vm3, $0x1, v0;
	v34 =	vsel vm6, $0x1, v0;
	v35 =	vsel vm7, $0x1, v0  }
0x1ee: {  	v21 =	vadd.s32 v30, v21;
	v25 =	vadd.s32 v31, v25;
	v30 =	vsel vm2, $0x1, v0  }
0x1ef: {  	v23 =	vadd.s32 v32, v23;
	v24 =	vadd.s32 v33, v24;
	v29 =	vadd.s32 v34, v29  }
0x1f0: {  	v31 =	vmov s25;
	v26 =	vadd.s32 v35, v26;
	v27 =	vadd.s32 v30, v27  }
0x1f1: {  	vm3 =	vlt.u32 v31, v10;
	vm9 =	vlt.u32 v31, v2;
	vm10 =	vlt.u32 v31, v3  }
0x1f2: {  	vm11 =	vlt.u32 v31, v4;
	vm12 =	vlt.u32 v31, v6;
	vm13 =	vlt.u32 v31, v7  }
0x1f3: {  	vm14 =	vlt.u32 v31, v8;
	vm1 =	veq.f32 v22, v20;
	vm2 =	veq.f32 v22, v12  }
0x1f4: {  	vm4 =	veq.f32 v22, v19;
	vm5 =	vgt.f32 v22, v12;
	vm6 =	veq.f32 v22, v17  }
0x1f5: {  	vm7 =	veq.f32 v22, v15;
	vm8 =	veq.f32 v22, v14;
	vm2 =	vmand vm3, vm2  }
0x1f6: {  	vm3 =	veq.f32 v22, v18;
	vm8 =	vmand vm14, vm8;
	vm2 =	vmor vm5, vm2  }
0x1f7: {  	vm5 =	veq.f32 v22, v16;
	vm3 =	vmand vm10, vm3;
	vm10 =	vgt.f32 v22, v18  }
0x1f8: {  	v30 =	vsel vm2, $0x1, v0;
	vm2 =	vlt.u32 v31, v1;
	vm5 =	vmand vm12, vm5  }
0x1f9: {  	vm12 =	vgt.f32 v22, v16;
	vm3 =	vmor vm10, vm3;
	vm1 =	vmand vm2, vm1  }
0x1fa: {  	vm2 =	vmand vm9, vm4;
	vm4 =	vmand vm11, vm6;
	vm6 =	vmand vm13, vm7  }
0x1fb: {  	vm7 =	vgt.f32 v22, v20;
	vm9 =	vgt.f32 v22, v19;
	vm11 =	vgt.f32 v22, v17  }
0x1fc: {  	vm13 =	vgt.f32 v22, v14;
	vm10 =	vmor vm12, vm5;
	vm1 =	vmor vm7, vm1  }
0x1fd: {  	v31 =	vsel vm3, $0x1, v0;
	vm7 =	vgt.f32 v22, v15;
	v22 =	vsel vm1, $0x1, v0  }
0x1fe: {  	s24 =	sadd.s32 $0xFFFFFFFF, s24;
	vm2 =	vmor vm9, vm2;
	vm9 =	vmor vm11, vm4;
	v21 =	vadd.s32 v22, v21  }
0x1ff: {  	vm5 =	vmor vm13, vm8;
	v22 =	vsel vm2, $0x1, v0;
	vm1 =	veq.s32 v21, s24  }
0x200: {  	v22 =	vadd.s32 v22, v25;
	vm8 =	veq.s32 v21, $0x0;
	v25 =	vnsel vm1, $0x0, v20  }
0x201: {  	v23 =	vadd.s32 v31, v23;
	vm1 =	veq.s32 v22, s24;
	(xrf2) =	vadd.scan.msk.f32 $0xffff, v25;
	v25 =	vnsel vm8, $0x0, v20  }
0x202: {  	vm4 =	vmor vm7, vm6;
	(xrf2) =	vadd.scan.msk.f32 $0xffff, v25;
	v25 =	vnsel vm1, $0x0, v19;
	vm1 =	veq.s32 v22, $0x0  }
0x203: {  	v31 =	vsel vm9, $0x1, v0;
	vm2 =	veq.s32 v23, s24;
	(xrf2) =	vadd.scan.msk.f32 $0xffff, v25;
	v25 =	vnsel vm1, $0x0, v19  }
0x204: {  	v24 =	vadd.s32 v31, v24;
	(xrf2) =	vadd.scan.msk.f32 $0xffff, v25;
	v25 =	vnsel vm2, $0x0, v18;
	vm2 =	veq.s32 v23, $0x0  }
0x205: {  	v31 =	vsel vm10, $0x1, v0;
	vm3 =	veq.s32 v24, s24;
	(xrf2) =	vadd.scan.msk.f32 $0xffff, v25;
	v61 =	vnsel vm2, $0x0, v18  }
0x206: {  	v25 =	vadd.s32 v31, v29;
	v29 =	vnsel vm3, $0x0, v17;
	vm3 =	veq.s32 v24, $0x0;
	(xrf2) =	vadd.scan.msk.f32 $0xffff, v61  }
0x207: {  	v31 =	vsel vm4, $0x1, v0;
	vm4 =	veq.s32 v25, s24;
	(xrf2) =	vadd.scan.msk.f32 $0xffff, v29;
	v29 =	vnsel vm3, $0x0, v17  }
0x208: {  	v26 =	vadd.s32 v31, v26;
	(xrf2) =	vadd.scan.msk.f32 $0xffff, v29;
	v29 =	vnsel vm4, $0x0, v16;
	vm4 =	veq.s32 v25, $0x0  }
0x209: {  	v31 =	vsel vm5, $0x1, v0;
	vm5 =	veq.s32 v26, s24;
	(xrf2) =	vadd.scan.msk.f32 $0xffff, v29;
	v29 =	vnsel vm4, $0x0, v16  }
0x20a: {  	v27 =	vadd.s32 v31, v27;
	(xrf2) =	vadd.scan.msk.f32 $0xffff, v29;
	v29 =	vnsel vm5, $0x0, v15;
	vm5 =	veq.s32 v26, $0x0  }
0x20b: {  	v28 =	vadd.s32 v30, v28;
	vm6 =	veq.s32 v27, s24;
	v30, _, _ =	vpop (xrf2);
	(xrf2) =	vadd.scan.msk.f32 $0xffff, v29;
	v29 =	vnsel vm5, $0x0, v15  }
0x20c: {  	(v2sf) =	vpush v30, $0xF;
	v30, _, _ =	vpop (xrf2);
	(xrf2) =	vadd.scan.msk.f32 $0xffff, v29;
	v29 =	vnsel vm6, $0x0, v14;
	vm6 =	veq.s32 v27, $0x0  }
0x20d: {  	vm7 =	veq.s32 v28, s24;
	(v2sf) =	vpush v30, $0xF;
	v30, _, _ =	vpop (xrf2);
	(xrf2) =	vadd.scan.msk.f32 $0xffff, v29;
	v29 =	vnsel vm6, $0x0, v14  }
0x20e: {  	(v2sf) =	vpush v30, $0xF;
	v30, _, _ =	vpop (xrf2);
	(xrf2) =	vadd.scan.msk.f32 $0xffff, v29;
	v29 =	vnsel vm7, $0x0, v12;
	vm7 =	veq.s32 v28, $0x0  }
0x20f: {  	(v2sf) =	vpush v30, $0xF;
	v30, _, _ =	vpop (xrf2);
	(xrf2) =	vadd.scan.msk.f32 $0xffff, v29;
	v29 =	vnsel vm7, $0x0, v12;
	_ =	sdelay $0x1  }
0x210: {  	(v2sf) =	vpush v30, $0xF;
	v30, _, _ =	vpop (xrf2);
	(xrf2) =	vadd.scan.msk.f32 $0xffff, v29  }
0x211: {  	(v2sf) =	vpush v30, $0xF;
	v29, _, _ =	vpop (xrf2)  }
0x212: {  	v30, _, _ =	vpop (xrf2);
	(v2sf) =	vpush v29, $0xF  }
0x213: {  	v29, _, _ =	vpop (xrf2);
	(v2sf) =	vpush v30, $0xF  }
0x214: {  	v30, _, _ =	vpop (xrf2);
	(v2sf) =	vpush v29, $0xF  }
0x215: {  	v29, _, _ =	vpop (xrf2);
	(v2sf) =	vpush v30, $0xF  }
0x216: {  	(v2sf) =	vpush v29, $0xF;
	v29, _, _ =	vpop (xrf2)  }
0x217: {  	(v2sf) =	vpush v29, $0xF;
	v29, _, _ =	vpop (xrf2)  }
0x218: {  	(v2sf) =	vpush v29, $0xF;
	v29, _, _ =	vpop (xrf2)  }
0x219: {  	(v2sf) =	vpush v29, $0xF;
	v29, _, _ =	vpop (xrf2)  }
0x21a: {  	(v2sf) =	vpush v29, $0xF;
	v29, _, _ =	vpop (xrf2)  }
0x21b: {  	s0 =	spop (v2sf);
	(v2sf) =	vpush v29, $0xF  }
0x21c: {  	s1 =	spop (v2sf)  }
0x21d: {  	s2 =	spop (v2sf);
	s1 =	sadd.f32 $0.0e+00, s1  }
0x21e: {  	s13 =	spop (v2sf)  }
0x21f: {  	s17 =	spop (v2sf);
	s1 =	sadd.f32 s13, s1  }
0x220: {  	s29 =	spop (v2sf)  }
0x221: {  	s1 =	sadd.f32 s29, s1;
	s25 =	spop (v2sf)  }
0x222: {  	s30 =	spop (v2sf)  }
0x223: {  	s1 =	sadd.f32 s30, s1;
	s13 =	spop (v2sf)  }
0x224: {  	s26 =	spop (v2sf)  }
0x225: {  	s1 =	sadd.f32 s26, s1;
	s26 =	spop (v2sf)  }
0x226: {  	s28 =	spop (v2sf)  }
0x227: {  	s1 =	sadd.f32 s28, s1;
	s28 =	spop (v2sf)  }
0x228: {  	s29 =	spop (v2sf)  }
0x229: {  	s1 =	sadd.f32 s29, s1;
	s31 =	spop (v2sf)  }
0x22a: {  	s0 =	sadd.f32 $0.0e+00, s0;
	s30 =	spop (v2sf)  }
0x22b: {  	s1 =	sadd.f32 s30, s1;
	_ =	sdelay $0x1  }
0x22c: {  	s0 =	sadd.f32 s2, s0;
	v30 =	vmov s1  }
0x22d: {  	v29 =	vsub.f32 v20, v30  }
0x22e: {  	s0 =	sadd.f32 s17, s0  }
0x22f: {  	v31 =	vsub.f32 v19, v30;
	v29 =	vmul.f32 $1.442695020e+00, v29  }
0x230: {  	s0 =	sadd.f32 s25, s0  }
0x231: {  	(erf) = vpow2.f32 v29;
	v29 =	vmul.f32 $1.442695020e+00, v31  }
0x232: {  	s0 =	sadd.f32 s13, s0;
	v31 =	vsub.f32 v18, v30  }
0x233: {  	(erf) = vpow2.f32 v29  }
0x234: {  	s0 =	sadd.f32 s26, s0;
	v29 =	vmul.f32 $1.442695020e+00, v31;
	v31 =	vsub.f32 v17, v30;
	_ =	sdelay $0x1  }
0x235: {  	s0 =	sadd.f32 s28, s0;
	(erf) = vpow2.f32 v29;
	v29 =	vmul.f32 $1.442695020e+00, v31;
	v31 =	vsub.f32 v16, v30;
	_ =	sdelay $0x1  }
0x236: {  	s25 =	sadd.f32 s31, s0;
	(erf) = vpow2.f32 v29;
	v29 =	vmul.f32 $1.442695020e+00, v31;
	v31 =	vsub.f32 v15, v30  }
0x237: {  	v62 =	vsub.f32 v14, v30  }
0x238: {  	vm9 =	vge.f32 v20, s25;
	v31 =	vmul.f32 $1.442695020e+00, v31;
	v20 =	vpop (erf);
	(erf) = vpow2.f32 v29  }
0x239: {  	v32 =	vmul.f32 $1.442695020e+00, v62;
	v30 =	vsub.f32 v12, v30  }
0x23a: {  	v29 =	vnsel vm9, $0x0, v20;
	vm9 =	vge.f32 v19, s25;
	v19 =	vpop (erf);
	(erf) = vpow2.f32 v31  }
0x23b: {  	v30 =	vmul.f32 $1.442695020e+00, v30;
	(xrf2) =	vadd.scan.msk.f32 $0xffff, v29;
	(erf) = vpow2.f32 v32  }
0x23c: {  	v20 =	vnsel vm9, $0x0, v19  }
0x23d: {  	vm9 =	vge.f32 v18, s25;
	(xrf2) =	vadd.scan.msk.f32 $0xffff, v20;
	v18 =	vpop (erf);
	(erf) = vpow2.f32 v30  }
0x23e: {  	v19 =	vnsel vm9, $0x0, v18  }
0x23f: {  	vm9 =	vge.f32 v17, s25;
	v18 =	vpop (erf);
	(xrf2) =	vadd.scan.msk.f32 $0xffff, v19  }
0x240: {  	v18 =	vnsel vm9, $0x0, v18  }
0x241: {  	vm9 =	vge.f32 v16, s25;
	(xrf2) =	vadd.scan.msk.f32 $0xffff, v18;
	v17 =	vpop (erf)  }
0x242: {  	v17 =	vnsel vm9, $0x0, v17  }
0x243: {  	vm9 =	vge.f32 v15, s25;
	v16 =	vpop (erf);
	(xrf2) =	vadd.scan.msk.f32 $0xffff, v17  }
0x244: {  	v15 =	vpop (erf);
	v16 =	vnsel vm9, $0x0, v16  }
0x245: {  	v30, _, _ =	vpop (xrf2);
	vm9 =	vge.f32 v14, s25;
	(xrf2) =	vadd.scan.msk.f32 $0xffff, v16  }
0x246: {  	(v2sf) =	vpush v30, $0xF;
	v15 =	vnsel vm9, $0x0, v15;
	vm9 =	vge.f32 v12, s25;
	v12 =	vpop (erf)  }
0x247: {  	v14, _, _ =	vpop (xrf2);
	(xrf2) =	vadd.scan.msk.f32 $0xffff, v15  }
0x248: {  	(v2sf) =	vpush v14, $0xF;
	v14 =	vnsel vm9, $0x0, v12  }
0x249: {  	v12, _, _ =	vpop (xrf2);
	(xrf2) =	vadd.scan.msk.f32 $0xffff, v14  }
0x24a: {  	(v2sf) =	vpush v12, $0xF  }
0x24b: {  	v12, _, _ =	vpop (xrf2)  }
0x24c: {  	(v2sf) =	vpush v12, $0xF  }
0x24d: {  	v12, _, _ =	vpop (xrf2)  }
0x24e: {  	(v2sf) =	vpush v12, $0xF  }
0x24f: {  	v12, _, _ =	vpop (xrf2)  }
0x250: {  	(v2sf) =	vpush v12, $0xF  }
0x251: {  	v12, _, _ =	vpop (xrf2)  }
0x252: {  	(v2sf) =	vpush v12, $0xF  }
0x253: {  	v12, _, _ =	vpop (xrf2)  }
0x254: {  	(v2sf) =	vpush v12, $0xF  }
0x255: {  	s2 =	spop (v2sf)  }
0x256: {  	s0 =	sadd.f32 $0.0e+00, s2  }
0x257: {  	s13 =	spop (v2sf)  }
0x258: {  	s0 =	sadd.f32 s0, s13  }
0x259: {  	s17 =	spop (v2sf)  }
0x25a: {  	s0 =	sadd.f32 s0, s17  }
0x25b: {  	s26 =	spop (v2sf)  }
0x25c: {  	s0 =	sadd.f32 s0, s26  }
0x25d: {  	s28 =	spop (v2sf)  }
0x25e: {  	s0 =	sadd.f32 s0, s28  }
0x25f: {  	s29 =	spop (v2sf)  }
0x260: {  	s0 =	sadd.f32 s0, s29  }
0x261: {  	s30 =	spop (v2sf)  }
0x262: {  	s0 =	sadd.f32 s0, s30  }
0x263: {  	s31 =	spop (v2sf)  }
0x264: {  	s0 =	sadd.f32 s0, s31;
	_ =	sdelay $0x1  }
0x265: {  	v12 =	vmov s0  }
0x266: {  	(erf) = vrcp.f32 v12;
	_ =	sdelay $0x5  }
0x267: {  	v36 =	vld [tilespmem:$0x19B00]  }
0x268: {  	v35 =	vld [tilespmem:$0x19B10]  }
0x269: {  	v34 =	vld [tilespmem:$0x19B20]  }
0x26a: {  	v33 =	vld [tilespmem:$0x19B30];
	v12 =	vpop (erf)  }
0x26b: {  	v31 =	vld [tilespmem:$0x19B50];
	v37 =	vmul.f32 v12, v29  }
0x26c: {  	v32 =	vld [tilespmem:$0x19B40];
	v38 =	vmul.f32 v12, v20  }
0x26d: {  	v30 =	vld [tilespmem:$0x19B60];
	v63 =	vmul.f32 v12, v19;
	[tilespmem:v21+s20+$0x0] =	vst.idx.msk $0xffff, v37  }
0x26e: {  	v40 =	vmul.f32 v12, v18;
	[tilespmem:v22+s20+$0x0] =	vst.idx.msk $0xffff, v38  }
0x26f: {  	v41 =	vmul.f32 v12, v17;
	[tilespmem:v23+s20+$0x0] =	vst.idx.msk $0xffff, v63  }
0x270: {  	v42 =	vmul.f32 v12, v16;
	[tilespmem:v24+s20+$0x0] =	vst.idx.msk $0xffff, v40  }
0x271: {  	v43 =	vmul.f32 v12, v15;
	[tilespmem:v25+s20+$0x0] =	vst.idx.msk $0xffff, v41  }
0x272: {  	v12 =	vmul.f32 v12, v14;
	[tilespmem:v26+s20+$0x0] =	vst.idx.msk $0xffff, v42  }
0x273: {  	[tilespmem:v27+s20+$0x0] =	vst.idx.msk $0xffff, v43  }
0x274: {  	[tilespmem:v28+s20+$0x0] =	vst.idx.msk $0xffff, v12  }
0x275: {  	v12 =	vld [tilespmem:$0x19B80];
	_ =	sdelay $0x4  }
0x276: {  	(xrf2) =	vadd.scan.msk.f32 $0xffff, v12;
	_ =	sdelay $0x9  }
0x277: {  	v12, _, _ =	vpop (xrf2)  }
0x278: {  	v37 =	vld [tilespmem:$0x19B90];
	v12 =	vadd.f32 $0.0e+00, v12;
	_ =	sdelay $0x1  }
0x279: {  	v44 =	vsel vm0, $0x0, v12  }
0x27a: {  	(xrf2) =	vadd.scan.msk.f32 $0xffff, v44;
	_ =	sdelay $0x1  }
0x27b: {  	(xrf2) =	vadd.scan.msk.f32 $0xffff, v37;
	_ =	sdelay $0x7  }
0x27c: {  	v45, _, _ =	vpop (xrf2)  }
0x27d: {  	v37 =	vbroadcast v45, $0xF  }
0x27e: {  	v46, _, _ =	vpop (xrf2)  }
0x27f: {  	v47 =	vld [tilespmem:$0x19BA0];
	v37 =	vadd.f32 v37, v46;
	_ =	sdelay $0x1  }
0x280: {  	v39 =	vsel vm0, $0x0, v37  }
0x281: {  	(xrf2) =	vadd.scan.msk.f32 $0xffff, v39;
	_ =	sdelay $0x1  }
0x282: {  	(xrf2) =	vadd.scan.msk.f32 $0xffff, v47;
	_ =	sdelay $0x7  }
0x283: {  	v48, _, _ =	vpop (xrf2)  }
0x284: {  	v38 =	vbroadcast v48, $0xF  }
0x285: {  	v49, _, _ =	vpop (xrf2)  }
0x286: {  	v50 =	vld [tilespmem:$0x19BB0];
	v38 =	vadd.f32 v38, v49;
	_ =	sdelay $0x1  }
0x287: {  	v40 =	vsel vm0, $0x0, v38  }
0x288: {  	(xrf2) =	vadd.scan.msk.f32 $0xffff, v40;
	_ =	sdelay $0x1  }
0x289: {  	(xrf2) =	vadd.scan.msk.f32 $0xffff, v50;
	_ =	sdelay $0x7  }
0x28a: {  	v51, _, _ =	vpop (xrf2)  }
0x28b: {  	v39 =	vbroadcast v51, $0xF  }
0x28c: {  	v52, _, _ =	vpop (xrf2)  }
0x28d: {  	v53 =	vld [tilespmem:$0x19BC0];
	v39 =	vadd.f32 v39, v52;
	_ =	sdelay $0x1  }
0x28e: {  	v41 =	vsel vm0, $0x0, v39  }
0x28f: {  	(xrf2) =	vadd.scan.msk.f32 $0xffff, v41;
	_ =	sdelay $0x1  }
0x290: {  	(xrf2) =	vadd.scan.msk.f32 $0xffff, v53;
	_ =	sdelay $0x7  }
0x291: {  	v54, _, _ =	vpop (xrf2)  }
0x292: {  	v40 =	vbroadcast v54, $0xF  }
0x293: {  	v55, _, _ =	vpop (xrf2)  }
0x294: {  	v56 =	vld [tilespmem:$0x19BD0];
	v40 =	vadd.f32 v40, v55;
	_ =	sdelay $0x1  }
0x295: {  	v42 =	vsel vm0, $0x0, v40  }
0x296: {  	(xrf2) =	vadd.scan.msk.f32 $0xffff, v42;
	_ =	sdelay $0x1  }
0x297: {  	(xrf2) =	vadd.scan.msk.f32 $0xffff, v56;
	_ =	sdelay $0x7  }
0x298: {  	v57, _, _ =	vpop (xrf2)  }
0x299: {  	v41 =	vbroadcast v57, $0xF  }
0x29a: {  	v58, _, _ =	vpop (xrf2)  }
0x29b: {  	v59 =	vld [tilespmem:$0x19BE0];
	v41 =	vadd.f32 v41, v58;
	_ =	sdelay $0x1  }
0x29c: {  	v43 =	vsel vm0, $0x0, v41  }
0x29d: {  	(xrf2) =	vadd.scan.msk.f32 $0xffff, v43;
	_ =	sdelay $0x1  }
0x29e: {  	(xrf2) =	vadd.scan.msk.f32 $0xffff, v59;
	_ =	sdelay $0x7  }
0x29f: {  	v60, _, _ =	vpop (xrf2)  }
0x2a0: {  	v42 =	vbroadcast v60, $0xF  }
0x2a1: {  	v61, _, _ =	vpop (xrf2)  }
0x2a2: {  	v62 =	vld [tilespmem:$0x19BF0];
	v42 =	vadd.f32 v42, v61;
	_ =	sdelay $0x1  }
0x2a3: {  	v44 =	vsel vm0, $0x0, v42  }
0x2a4: {  	(xrf2) =	vadd.scan.msk.f32 $0xffff, v44;
	_ =	sdelay $0x1  }
0x2a5: {  	(xrf2) =	vadd.scan.msk.f32 $0xffff, v62;
	_ =	sdelay $0x5  }
0x2a6: {  	[tilespmem:$0x19C00] =	vst v12  }
0x2a7: {  	[tilespmem:$0x19C10] =	vst v37  }
0x2a8: {  	v46 =	vld [tilespmem:$0x19A00];
	[tilespmem:$0x19C20] =	vst v38;
	v12, _, _ =	vpop (xrf2)  }
0x2a9: {  	v37 =	vld [tilespmem:$0x19A50];
	[tilespmem:$0x19C30] =	vst v39;
	v12 =	vbroadcast v12, $0xF  }
0x2aa: {  	v38 =	vld [tilespmem:$0x19A40];
	[tilespmem:$0x19C40] =	vst v40;
	v63, _, _ =	vpop (xrf2)  }
0x2ab: {  	v40 =	vld [tilespmem:$0x19A30];
	[tilespmem:$0x19C50] =	vst v41;
	v12 =	vadd.f32 v12, v63  }
0x2ac: {  	[tilespmem:$0x19C60] =	vst v42;
	v42 =	vld [tilespmem:$0x19A20]  }
0x2ad: {  	v44 =	vld [tilespmem:$0x19A10];
	[tilespmem:$0x19C70] =	vst v12  }
0x2ae: {  	v47 =	vld.idx.msk [tilespmem:v21+s21+$0x0], $0xffff  }
0x2af: {  	v45 =	vld.idx.msk [tilespmem:v22+s21+$0x0], $0xffff  }
0x2b0: {  	v43 =	vld.idx.msk [tilespmem:v23+s21+$0x0], $0xffff  }
0x2b1: {  	v41 =	vld.idx.msk [tilespmem:v24+s21+$0x0], $0xffff  }
0x2b2: {  	v39 =	vld.idx.msk [tilespmem:v25+s21+$0x0], $0xffff  }
0x2b3: {  	v26 =	vld.idx.msk [tilespmem:v26+s21+$0x0], $0xffff  }
0x2b4: {  	v23 =	vld [tilespmem:$0x19A60]  }
0x2b5: {  	v25 =	vld.idx.msk [tilespmem:v27+s21+$0x0], $0xffff  }
0x2b6: {  	v21 =	vld [tilespmem:$0x19A70]  }
0x2b7: {  	s0 =	simm.s32 $0x40;
	v12 =	vmov s24;
	s24 =	simm.s32 $0x0;
	v22 =	vmov s25;
	v24 =	vld.idx.msk [tilespmem:v28+s21+$0x0], $0xffff  }
.LBB2_33:
0x2b8: {  	p0 =	sne.s32 s0, $0x61A40;
	[tilespmem:s24+$0x0] =	vst v11;
	s1 =	smov.u32 s0;
	s0 =	sadd.s32 $0x40, s0  }
.Ltmp17:
0x2b9: {  	(pc) =	sbr.rel @p0 .LBB2_33-.Ltmp17, $2  }
0x2ba: {  	_ =	sdelay $0x2  }
0x2bb: {  	s24 =	sshra.s32 s1, $0x2  }
0x2bc: {  	v27 =	vnsel vm8, $0x0, v36  }
0x2bd: {  	(xrf0) =	vadd.scan.msk.s32 $0xffff, v27  }
0x2be: {  	v59 =	vnsel vm1, $0x0, v35  }
0x2bf: {  	(xrf0) =	vadd.scan.msk.s32 $0xffff, v59  }
0x2c0: {  	v60 =	vnsel vm2, $0x0, v34  }
0x2c1: {  	v61 =	vnsel vm3, $0x0, v33;
	(xrf0) =	vadd.scan.msk.s32 $0xffff, v60  }
0x2c2: {  	v28 =	vnsel vm4, $0x0, v32;
	vm9 =	vle.f32 v47, $8.999999760e-01;
	(xrf0) =	vadd.scan.msk.s32 $0xffff, v61  }
0x2c3: {  	vm10 =	vge.f32 v46, v22;
	vm12 =	vmor vm8, vm9;
	v62, _, _ =	vpop (xrf0);
	(xrf0) =	vadd.scan.msk.s32 $0xffff, v28  }
0x2c4: {  	v32 =	vnsel vm5, $0x0, v31;
	vm8 =	vmand vm10, vm12  }
0x2c5: {  	v34 =	vnsel vm6, $0x0, v30;
	vm13 =	vle.f32 v45, $8.999999760e-01;
	v36 =	vnsel vm8, $0x0, v29;
	v63, _, _ =	vpop (xrf0);
	(xrf0) =	vadd.scan.msk.s32 $0xffff, v32  }
0x2c6: {  	vm14 =	vge.f32 v44, v22;
	v13 =	vnsel vm7, $0x0, v13;
	(xrf2) =	vadd.scan.msk.f32 $0xffff, v36;
	(v2sf) =	vpush v62, $0xF  }
0x2c7: {  	vm15 =	vle.f32 v43, $8.999999760e-01;
	vm1 =	vmor vm1, vm13;
	(v2sf) =	vpush v63, $0xF;
	v33, _, _ =	vpop (xrf0);
	(xrf0) =	vadd.scan.msk.s32 $0xffff, v34  }
0x2c8: {  	vm2 =	vmor vm2, vm15;
	vm1 =	vmand vm14, vm1;
	(v2sf) =	vpush v33, $0xF;
	v35, _, _ =	vpop (xrf0)  }
0x2c9: {  	(v2sf) =	vpush v35, $0xF;
	v45, _, _ =	vpop (xrf0);
	(xrf0) =	vadd.scan.msk.s32 $0xffff, v13;
	v13 =	vnsel vm1, $0x0, v20;
	vm1 =	vge.f32 v42, v22  }
0x2ca: {  	(v2sf) =	vpush v45, $0xF;
	(xrf2) =	vadd.scan.msk.f32 $0xffff, v13;
	vm1 =	vmand vm1, vm2;
	vm2 =	vle.f32 v41, $8.999999760e-01  }
0x2cb: {  	v46, _, _ =	vpop (xrf0);
	v19 =	vnsel vm1, $0x0, v19;
	vm1 =	vge.f32 v40, v22;
	vm2 =	vmor vm3, vm2  }
0x2cc: {  	(v2sf) =	vpush v46, $0xF;
	(xrf2) =	vadd.scan.msk.f32 $0xffff, v19;
	vm1 =	vmand vm1, vm2;
	vm2 =	vle.f32 v39, $8.999999760e-01  }
0x2cd: {  	v47, _, _ =	vpop (xrf0);
	v18 =	vnsel vm1, $0x0, v18;
	vm1 =	vge.f32 v38, v22;
	vm2 =	vmor vm4, vm2  }
0x2ce: {  	(v2sf) =	vpush v47, $0xF;
	(xrf2) =	vadd.scan.msk.f32 $0xffff, v18;
	vm1 =	vmand vm1, vm2;
	vm2 =	vle.f32 v26, $8.999999760e-01  }
0x2cf: {  	v48, _, _ =	vpop (xrf0);
	v17 =	vnsel vm1, $0x0, v17;
	vm1 =	vge.f32 v37, v22;
	vm2 =	vmor vm5, vm2  }
0x2d0: {  	(v2sf) =	vpush v48, $0xF;
	(xrf2) =	vadd.scan.msk.f32 $0xffff, v17;
	vm1 =	vmand vm1, vm2;
	vm2 =	vle.f32 v25, $8.999999760e-01  }
0x2d1: {  	v49, _, _ =	vpop (xrf2);
	v16 =	vnsel vm1, $0x0, v16;
	vm1 =	vge.f32 v23, v22;
	vm2 =	vmor vm6, vm2  }
0x2d2: {  	(v2sf) =	vpush v49, $0xF;
	(xrf2) =	vadd.scan.msk.f32 $0xffff, v16;
	vm1 =	vmand vm1, vm2;
	vm2 =	vle.f32 v24, $8.999999760e-01  }
0x2d3: {  	v15 =	vnsel vm1, $0x0, v15;
	vm1 =	vge.f32 v21, v22;
	vm2 =	vmor vm7, vm2  }
0x2d4: {  	v50, _, _ =	vpop (xrf2);
	(xrf2) =	vadd.scan.msk.f32 $0xffff, v15;
	vm1 =	vmand vm1, vm2  }
0x2d5: {  	(v2sf) =	vpush v50, $0xF;
	v14 =	vnsel vm1, $0x0, v14  }
0x2d6: {  	v51, _, _ =	vpop (xrf2);
	(xrf2) =	vadd.scan.msk.f32 $0xffff, v14  }
0x2d7: {  	(v2sf) =	vpush v51, $0xF  }
0x2d8: {  	v52, _, _ =	vpop (xrf2)  }
0x2d9: {  	(v2sf) =	vpush v52, $0xF  }
0x2da: {  	s25 =	spop (v2sf);
	v53, _, _ =	vpop (xrf2)  }
0x2db: {  	s26 =	spop (v2sf);
	(v2sf) =	vpush v53, $0xF  }
0x2dc: {  	s28 =	spop (v2sf);
	v54, _, _ =	vpop (xrf2)  }
0x2dd: {  	s29 =	spop (v2sf);
	(v2sf) =	vpush v54, $0xF  }
0x2de: {  	s0 =	spop (v2sf);
	v55, _, _ =	vpop (xrf2)  }
0x2df: {  	s30 =	spop (v2sf);
	(v2sf) =	vpush v55, $0xF  }
0x2e0: {  	s31 =	spop (v2sf);
	v56, _, _ =	vpop (xrf2)  }
0x2e1: {  	s1 =	spop (v2sf);
	(v2sf) =	vpush v56, $0xF  }
0x2e2: {  	s2 =	spop (v2sf)  }
0x2e3: {  	s2 =	sadd.f32 $0.0e+00, s2  }
0x2e4: {  	s13 =	spop (v2sf)  }
0x2e5: {  	s2 =	sadd.f32 s13, s2  }
0x2e6: {  	s17 =	spop (v2sf)  }
0x2e7: {  	s2 =	sadd.f32 s17, s2  }
0x2e8: {  	s17 =	spop (v2sf)  }
0x2e9: {  	s2 =	sadd.f32 s17, s2  }
0x2ea: {  	s17 =	spop (v2sf)  }
0x2eb: {  	s2 =	sadd.f32 s17, s2  }
0x2ec: {  	s17 =	spop (v2sf)  }
0x2ed: {  	s2 =	sadd.f32 s17, s2  }
0x2ee: {  	s17 =	spop (v2sf)  }
0x2ef: {  	s2 =	sadd.f32 s17, s2  }
0x2f0: {  	s17 =	spop (v2sf)  }
0x2f1: {  	s2 =	sadd.f32 s17, s2;
	_ =	sdelay $0x1  }
0x2f2: {  	v57 =	vmov s2  }
0x2f3: {  	(erf) = vrcp.f32 v57;
	_ =	sdelay $0x8  }
0x2f4: {  	[tilespmem:s24+$0x0] =	vst v11;
	v20 =	vpop (erf)  }
0x2f5: {  	v59 =	vld [tilespmem:$0x19B00];
	v58 =	vmul.f32 v20, v36;
	_ =	sdelay $0x1  }
0x2f6: {  	vm1 =	vgt.f32 v58, $0.0e+00;
	_ =	sdelay $0x4  }
0x2f7: {  	s24 =	simm.s32 $0x0  }
0x2f8: {  	[tilespmem:v59+s24+$0x0] =	vst.idx.msk vm1, v58  }
0x2f9: {  	v13 =	vmul.f32 v20, v13;
	v21 =	vld [tilespmem:$0x19B10];
	_ =	sdelay $0x1  }
0x2fa: {  	vm1 =	vgt.f32 v13, $0.0e+00;
	_ =	sdelay $0x5  }
0x2fb: {  	[tilespmem:v21+s24+$0x0] =	vst.idx.msk vm1, v13  }
0x2fc: {  	v13 =	vmul.f32 v20, v19;
	v60 =	vld [tilespmem:$0x19B20];
	_ =	sdelay $0x1  }
0x2fd: {  	vm1 =	vgt.f32 v13, $0.0e+00;
	_ =	sdelay $0x5  }
0x2fe: {  	[tilespmem:v60+s24+$0x0] =	vst.idx.msk vm1, v13  }
0x2ff: {  	v13 =	vmul.f32 v20, v18;
	v61 =	vld [tilespmem:$0x19B30];
	_ =	sdelay $0x1  }
0x300: {  	vm1 =	vgt.f32 v13, $0.0e+00;
	_ =	sdelay $0x5  }
0x301: {  	[tilespmem:v61+s24+$0x0] =	vst.idx.msk vm1, v13  }
0x302: {  	v13 =	vmul.f32 v20, v17;
	v62 =	vld [tilespmem:$0x19B40];
	_ =	sdelay $0x1  }
0x303: {  	vm1 =	vgt.f32 v13, $0.0e+00;
	_ =	sdelay $0x5  }
0x304: {  	[tilespmem:v62+s24+$0x0] =	vst.idx.msk vm1, v13  }
0x305: {  	v13 =	vmul.f32 v20, v16;
	v63 =	vld [tilespmem:$0x19B50];
	_ =	sdelay $0x1  }
0x306: {  	vm1 =	vgt.f32 v13, $0.0e+00;
	_ =	sdelay $0x5  }
0x307: {  	[tilespmem:v63+s24+$0x0] =	vst.idx.msk vm1, v13  }
0x308: {  	v13 =	vmul.f32 v20, v15;
	v15 =	vld [tilespmem:$0x19B60];
	_ =	sdelay $0x1  }
0x309: {  	vm1 =	vgt.f32 v13, $0.0e+00;
	_ =	sdelay $0x5  }
0x30a: {  	[tilespmem:v15+s24+$0x0] =	vst.idx.msk vm1, v13  }
0x30b: {  	v13 =	vmul.f32 v20, v14;
	v14 =	vld [tilespmem:$0x19B70];
	_ =	sdelay $0x1  }
0x30c: {  	vm1 =	vgt.f32 v13, $0.0e+00;
	_ =	sdelay $0x1  }
0x30d: {  	s1 =	sadd.s32 s1, s25  }
0x30e: {  	s1 =	sadd.s32 s26, s1  }
0x30f: {  	s1 =	sadd.s32 s28, s1  }
0x310: {  	s1 =	sadd.s32 s29, s1  }
0x311: {  	s0 =	sadd.s32 s0, s1;
	[tilespmem:v14+s24+$0x0] =	vst.idx.msk vm1, v13  }
0x312: {  	[hbm4b:s6+s15] =	stream.strided.scatter [tilespmem:s24], [sflag:$0x1], $0x18700, s16, s15, $0x38;
	[tilespmem:$0x19D80] =	vst v63  }
0x313: {  	s0 =	sadd.s32 s30, s0;
	_ =	swait.ge [sflag:s14], $0x18700  }
0x314: {  	s0 =	sadd.s32 s31, s0;
	[sflag:s14] =	ssyncset.done $0x0  }
0x315: {  	v13 =	vmov s0;
	[sflag:s14] =	ssyncadd.s32 $0xFFFE7900  }
0x316: {  	[tilespmem:$0x19D00] =	vst v13  }
0x317: {  	[hbm4b:s7+s24] =	stream.linear.scatter [tilespmem:s22], [sflag:$0x1], $0x80, $0x38;
	[tilespmem:$0x19D80] =	vst v63  }
0x318: {  	_ =	swait.ge [sflag:s14], $0x80  }
0x319: {  	[sflag:s14] =	ssyncset.done $0x0  }
0x31a: {  	[sflag:s14] =	ssyncadd.s32 $0xFFFFFF80  }
0x31b: {  	[tilespmem:s24], [sflag:$0x1] =	stream.strided.gather [hbm4b:s8+s15], $0x18700, s16, s15, $0x38;
	[tilespmem:$0x19D80] =	vst v63  }
0x31c: {  	_ =	swait.ge [sflag:s14], $0x18700  }
0x31d: {  	[sflag:s14] =	ssyncset.done $0x0  }
0x31e: {  	s31 =	simm.s32 $0x18700;
	[sflag:s14] =	ssyncadd.s32 $0xFFFE7900  }
0x31f: {  	[tilespmem:s31], [sflag:$0x1] =	stream.strided.gather [hbm4b:s9+s15], $0x800, s16, s15, $0x38;
	[tilespmem:$0x19D80] =	vst v63  }
0x320: {  	_ =	swait.ge [sflag:s14], $0x800  }
0x321: {  	[sflag:s14] =	ssyncset.done $0x0  }
0x322: {  	s0 =	simm.s32 $0x0;
	[sflag:s14] =	ssyncadd.s32 $0xFFFFF800  }
0x323: {  	v13 =	vld [tilespmem:s0+$0x18700];
	_ =	sdelay $0x7  }
0x324: {  	v13 =	vld.idx.msk [tilespmem:v13+s24+$0x0], $0xffff  }
0x325: {  	s1 =	simm.s32 $0x80;
	s2 =	simm.s32 $0x10  }
.LBB2_35:
0x326: {  	p0 =	sne.s32 s1, $0x1FC0;
	v14 =	vld [tilespmem:s2+$0x18700];
	_ =	sdelay $0x2  }
0x327: {  	vm1 =	vlt.f32 v13, $0.0e+00  }
0x328: {  	v15 =	vsel vm1, $0x3F8CCCCD, v5  }
0x329: {  	v13 =	vmul.f32 v15, v13  }
.Ltmp18:
0x32a: {  	(pc) =	sbr.rel @p0 .LBB2_35-.Ltmp18, $3  }
0x32b: {  	[tilespmem:s0+$0x18F00] =	vst v13;
	s0 =	smov.u32 s2  }
0x32c: {  	v13 =	vld.idx.msk [tilespmem:v14+s24+$0x0], $0xffff;
	_ =	sdelay $0x1  }
0x32d: {  	s2 =	sshra.s32 s1, $0x2;
	s1 =	sadd.s32 $0x40, s1  }
0x32e: {  	v14 =	vld [tilespmem:s2+$0x18700];
	_ =	sdelay $0x2  }
0x32f: {  	vm1 =	vlt.f32 v13, $0.0e+00  }
0x330: {  	v15 =	vsel vm1, $0x3F8CCCCD, v5  }
0x331: {  	v13 =	vmul.f32 v15, v13;
	_ =	sdelay $0x1  }
0x332: {  	[tilespmem:s0+$0x18F00] =	vst v13  }
0x333: {  	v13 =	vld.idx.msk [tilespmem:v14+s24+$0x0], $0xffff;
	_ =	sdelay $0x4  }
0x334: {  	vm1 =	vlt.f32 v13, $0.0e+00  }
0x335: {  	v14 =	vsel vm1, $0x3F8CCCCD, v5  }
0x336: {  	v13 =	vmul.f32 v14, v13;
	_ =	sdelay $0x1  }
0x337: {  	[tilespmem:s2+$0x18F00] =	vst v13  }
.LBB2_37:
0x338: {  	s0 =	sshra.s32 s24, $0x2  }
0x339: {  	v13 =	vld [tilespmem:s0+$0x18700];
	_ =	sdelay $0x2  }
0x33a: {  	p0 =	sne.s32 s24, $0x1FC0;
	v14 =	vld [tilespmem:s0+$0x18F00]  }
.Ltmp19:
0x33b: {  	_ = 	snop;
	(pc) =	sbr.rel @p0 .LBB2_37-.Ltmp19, $3  }
0x33c: {  	_ =	sdelay $0x1  }
0x33d: {  	s28 =	simm.s32 $0x0  }
0x33e: {  	s24 =	sadd.s32 $0x40, s24;
	[tilespmem:v13+s28+$0x0] =	vst.idx.msk $0xffff, v14  }
.Ltmp20:
0x33f: {  	(pc) =	sbr.rel .LBB2_39-.Ltmp20, $2  }
0x340: {  	_ =	sdelay $0x2  }
0x341: {  	s26 =	simm.f32 $-3.000000010e+38;
	s24 =	simm.s32 $0x0  }
.LBB2_41:
0x342: {  	v15 =	vmov s26  }
.LBB2_51:
0x343: {  	vm1 =	vge.f32 v13, v15  }
0x344: {  	v14 =	vsel vm1, $0x1, v0  }
0x345: {  	(xrf0) =	vadd.scan.msk.s32 $0xffff, v14;
	_ =	sdelay $0x5  }
0x346: {  	v14, _, _ =	vpop (xrf0)  }
0x347: {  	(v2sf) =	vpush v14, $0xF;
	_ =	sdelay $0x5  }
0x348: {  	v15 =	vmov s28  }
0x349: {  	v15 =	vadd.s32 $0xFFFFFFFF, v15  }
0x34a: {  	v15 =	vbroadcast v15, $0x0;
	_ =	sdelay $0x1  }
0x34b: {  	v14 =	vadd.s32 v14, v15;
	_ =	sdelay $0x4  }
0x34c: {  	[tilespmem:v14+s18+$0x0] =	vst.idx.msk vm1, v13;
	v13 =	vor.u32 s25, v1;
	s0 =	spop (v2sf)  }
0x34d: {  	[tilespmem:v14+s19+$0x0] =	vst.idx.msk vm1, v13;
	s28 =	sadd.s32 s28, s0  }
.LBB2_52:
0x34e: {  	s24 =	sadd.s32 $0x1, s24  }
0x34f: {  	p0 =	sne.s32 s24, $0x186A  }
.Ltmp21:
0x350: {  	_ = 	snop;
	(pc) =	sbr.rel @!p0 .LBB2_53-.Ltmp21, $1  }
0x351: {  	_ =	sdelay $0x3  }
.LBB2_39:
0x352: {  	s25 =	sshll.u32 s24, $0x4  }
0x353: {  	v13 =	vld [tilespmem:s25+$0x0];
	_ =	sdelay $0x4  }
0x354: {  	vm1 =	vge.f32 v13, s26  }
0x355: {  	v14 =	vsel vm1, $0x1, v0  }
0x356: {  	v14 =	vor.u32 $0x80000000, v14  }
0x357: {  	(xrf0) =	vmax.scan.msk.u32 $0xffff, v14;
	_ =	sdelay $0x5  }
0x358: {  	v14, _, _ =	vpop (xrf0)  }
0x359: {  	(v2sf) =	vpush v14, $0xF;
	_ =	sdelay $0xe  }
0x35a: {  	s0 =	spop (v2sf)  }
0x35b: {  	p0 =	slt.u32 s0, $0x80000001  }
.Ltmp22:
0x35c: {  	_ = 	snop;
	(pc) =	sbr.rel @p0 .LBB2_52-.Ltmp22, $1  }
0x35d: {  	_ =	sdelay $0x3  }
0x35e: {  	p0 =	slt.s32 s28, $0xF0  }
.Ltmp23:
0x35f: {  	_ = 	snop;
	(pc) =	sbr.rel @p0 .LBB2_41-.Ltmp23, $1  }
0x360: {  	_ =	sdelay $0x3  }
0x361: {  	s0 =	simm.s32 $0x19700  }
0x362: {  	v15 =	vld [tilespmem:s0+$0x0];
	_ =	sdelay $0x1  }
0x363: {  	s17 =	simm.s32 $0x0  }
0x364: {  	v14 =	vmov s28;
	v16 =	vor.u32 s17, v1  }
0x365: {  	vm1 =	vlt.s32 v16, v14  }
0x366: {  	v16 =	vnsel vm1, $0xFF61B1E6, v15  }
0x367: {  	(xrf0) =	vmax.scan.msk.f32 $0xffff, v16  }
0x368: {  	v15 =	vnsel vm1, $0x7F61B1E6, v15  }
0x369: {  	(xrf0) =	vmin.scan.msk.f32 $0xffff, v15;
	_ =	sdelay $0x2  }
0x36a: {  	s26 =	simm.s32 $0x19710  }
0x36b: {  	v16 =	vld [tilespmem:s26+$0x0];
	v15, _, _ =	vpop (xrf0)  }
0x36c: {  	s30 =	simm.s32 $0x19720;
	(v2sf) =	vpush v15, $0xF  }
0x36d: {  	s1 =	simm.s32 $0x10;
	v17, _, _ =	vpop (xrf0);
	v15 =	vld [tilespmem:s30+$0x0]  }
0x36e: {  	(v2sf) =	vpush v17, $0xF;
	v17 =	vor.u32 s1, v1  }
0x36f: {  	s31 =	simm.s32 $0x20;
	vm1 =	vlt.s32 v17, v14  }
0x370: {  	v18 =	vor.u32 s31, v1;
	v17 =	vnsel vm1, $0xFF61B1E6, v16  }
0x371: {  	v16 =	vnsel vm1, $0x7F61B1E6, v16;
	vm1 =	vlt.s32 v18, v14;
	(xrf0) =	vmax.scan.msk.f32 $0xffff, v17  }
0x372: {  	(xrf0) =	vmin.scan.msk.f32 $0xffff, v16;
	v16 =	vnsel vm1, $0xFF61B1E6, v15  }
0x373: {  	s1 =	simm.s32 $0x19730;
	v15 =	vnsel vm1, $0x7F61B1E6, v15;
	(xrf0) =	vmax.scan.msk.f32 $0xffff, v16  }
0x374: {  	v16 =	vld [tilespmem:s1+$0x0];
	(xrf0) =	vmin.scan.msk.f32 $0xffff, v15  }
0x375: {  	s13 =	simm.s32 $0x30  }
0x376: {  	v18 =	vor.u32 s13, v1  }
0x377: {  	v15, _, _ =	vpop (xrf0)  }
0x378: {  	vm1 =	vlt.s32 v18, v14;
	v19, _, _ =	vpop (xrf0);
	(v2sf) =	vpush v15, $0xF  }
0x379: {  	v15 =	vnsel vm1, $0xFF61B1E6, v16;
	(v2sf) =	vpush v19, $0xF;
	v18, _, _ =	vpop (xrf0)  }
0x37a: {  	(xrf0) =	vmax.scan.msk.f32 $0xffff, v15;
	v15 =	vnsel vm1, $0x7F61B1E6, v16;
	(v2sf) =	vpush v18, $0xF;
	v16, _, _ =	vpop (xrf0)  }
0x37b: {  	s31 =	spop (v2sf);
	(v2sf) =	vpush v16, $0xF;
	_ =	sdelay $0x1  }
0x37c: {  	s2 =	simm.s32 $0x19740  }
0x37d: {  	v17 =	vld [tilespmem:s2+$0x0];
	_ =	sdelay $0x1  }
0x37e: {  	s17 =	simm.s32 $0x40;
	(xrf0) =	vmin.scan.msk.f32 $0xffff, v15  }
0x37f: {  	v19 =	vor.u32 s17, v1  }
0x380: {  	s28 =	simm.s32 $0x50;
	s29 =	simm.s32 $0x19750;
	s30 =	simm.f32 $-3.000000010e+38;
	vm1 =	vlt.s32 v19, v14  }
0x381: {  	s26 =	simm.f32 $3.000000010e+38;
	v15 =	vnsel vm1, $0x7F61B1E6, v17;
	v16 =	vnsel vm1, $0xFF61B1E6, v17;
	s0 =	smax.f32 s30, s31;
	s1 =	spop (v2sf)  }
.LBB2_43:
0x382: {  	p0 =	sne.s32 s28, $0x110  }
0x383: {  	v17 =	vld [tilespmem:s29+$0x0];
	(xrf0) =	vmax.scan.msk.f32 $0xffff, v16;
	v16, _, _ =	vpop (xrf0);
	s26 =	smin.f32 s26, s1;
	s1 =	smov.u32 s28;
	s28 =	sadd.s32 $0x10, s28  }
.Ltmp24:
0x384: {  	(xrf0) =	vmin.scan.msk.f32 $0xffff, v15;
	v15, _, _ =	vpop (xrf0);
	(v2sf) =	vpush v16, $0xF;
	(pc) =	sbr.rel @p0 .LBB2_43-.Ltmp24, $4  }
0x385: {  	(v2sf) =	vpush v15, $0xF  }
0x386: {  	v15 =	vor.u32 s1, v1  }
0x387: {  	vm1 =	vlt.s32 v15, v14;
	s1 =	spop (v2sf)  }
0x388: {  	s29 =	sadd.s32 $0x10, s29;
	v15 =	vnsel vm1, $0x7F61B1E6, v17;
	v16 =	vnsel vm1, $0xFF61B1E6, v17;
	s0 =	smax.f32 s0, s1;
	s1 =	spop (v2sf)  }
0x389: {  	(xrf0) =	vmax.scan.msk.f32 $0xffff, v16  }
0x38a: {  	(xrf0) =	vmin.scan.msk.f32 $0xffff, v15;
	_ =	sdelay $0x2  }
0x38b: {  	v15, _, _ =	vpop (xrf0)  }
0x38c: {  	v62, _, _ =	vpop (xrf0);
	(v2sf) =	vpush v15, $0xF  }
0x38d: {  	(v2sf) =	vpush v62, $0xF;
	v15, _, _ =	vpop (xrf0)  }
0x38e: {  	v63, _, _ =	vpop (xrf0);
	(v2sf) =	vpush v15, $0xF  }
0x38f: {  	(v2sf) =	vpush v63, $0xF;
	_ =	sdelay $0x7  }
0x390: {  	s2 =	spop (v2sf)  }
0x391: {  	s1 =	smin.f32 s26, s1;
	s13 =	spop (v2sf)  }
0x392: {  	s0 =	smax.f32 s0, s2;
	s17 =	spop (v2sf)  }
0x393: {  	s1 =	smin.f32 s1, s13;
	s26 =	spop (v2sf)  }
0x394: {  	s0 =	smax.f32 s0, s17;
	s31 =	spop (v2sf)  }
0x395: {  	s1 =	smin.f32 s1, s26;
	s17 =	spop (v2sf)  }
0x396: {  	s0 =	smax.f32 s0, s31;
	s26 =	spop (v2sf)  }
0x397: {  	s1 =	smin.f32 s1, s17;
	s31 =	spop (v2sf)  }
0x398: {  	s0 =	smax.f32 s0, s26;
	s26 =	smin.f32 s1, s31  }
0x399: {  	s1 =	ssub.f32 s0, s26;
	_ =	sdelay $0x1  }
0x39a: {  	s1 =	smax.f32 s1, $1.000000000e-30  }
0x39b: {  	s28 =	simm.s32 $0x0;
	s30 =	simm.s32 $0x0;
	s29 =	sadd.f32 s1, s0  }
.LBB2_45:
0x39c: {  	_ = 	snop  }
0x39d: {  	s0 =	ssub.f32 s29, s26  }
0x39e: {  	s1 =	simm.s32 $0x19700  }
0x39f: {  	v16 =	vld [tilespmem:s1+$0x0];
	s0 =	smul.f32 $5.000000000e-01, s0  }
0x3a0: {  	s17 =	simm.s32 $0x19710  }
0x3a1: {  	v17 =	vld [tilespmem:s17+$0x0];
	s31 =	sadd.f32 s0, s26;
	_ =	sdelay $0x1  }
0x3a2: {  	s2 =	simm.s32 $0x19720;
	v19 =	vor.u32 s28, v1;
	v15 =	vmov s31  }
0x3a3: {  	v18 =	vld [tilespmem:s2+$0x0];
	vm1 =	vlt.s32 v19, v14;
	vm2 =	vge.f32 v16, v15  }
0x3a4: {  	vm1 =	vmand vm1, vm2  }
0x3a5: {  	s13 =	simm.s32 $0x10;
	vm4 =	vge.f32 v17, v15;
	v17 =	vsel vm1, $0x1, v0  }
0x3a6: {  	v59 =	vor.u32 s13, v1;
	s17 =	simm.s32 $0x20;
	(xrf0) =	vadd.scan.msk.s32 $0xffff, v17  }
0x3a7: {  	vm3 =	vlt.s32 v59, v14;
	v16 =	vor.u32 s17, v1  }
0x3a8: {  	vm2 =	vmand vm3, vm4;
	vm3 =	vge.f32 v18, v15;
	vm1 =	vlt.s32 v16, v14  }
0x3a9: {  	v16 =	vsel vm2, $0x1, v0;
	vm1 =	vmand vm1, vm3  }
0x3aa: {  	s1 =	simm.s32 $0x19730;
	(xrf0) =	vadd.scan.msk.s32 $0xffff, v16;
	v17 =	vsel vm1, $0x1, v0  }
0x3ab: {  	v16 =	vld [tilespmem:s1+$0x0];
	(xrf0) =	vadd.scan.msk.s32 $0xffff, v17  }
0x3ac: {  	v61, _, _ =	vpop (xrf0)  }
0x3ad: {  	(v2sf) =	vpush v61, $0xF;
	_ =	sdelay $0x2  }
0x3ae: {  	vm2 =	vge.f32 v16, v15;
	v16, _, _ =	vpop (xrf0)  }
0x3af: {  	(v2sf) =	vpush v16, $0xF;
	v62, _, _ =	vpop (xrf0)  }
0x3b0: {  	(v2sf) =	vpush v62, $0xF  }
0x3b1: {  	s13 =	simm.s32 $0x30  }
0x3b2: {  	s2 =	simm.s32 $0x19740;
	v60 =	vor.u32 s13, v1  }
0x3b3: {  	vm1 =	vlt.s32 v60, v14;
	v17 =	vld [tilespmem:s2+$0x0]  }
0x3b4: {  	vm1 =	vmand vm1, vm2  }
0x3b5: {  	v16 =	vsel vm1, $0x1, v0  }
0x3b6: {  	s17 =	simm.s32 $0x40;
	(xrf0) =	vadd.scan.msk.s32 $0xffff, v16  }
0x3b7: {  	v63 =	vor.u32 s17, v1  }
0x3b8: {  	s0 =	simm.s32 $0x0;
	s1 =	simm.s32 $0x19750;
	s2 =	simm.s32 $0x50;
	vm2 =	vge.f32 v17, v15;
	vm1 =	vlt.s32 v63, v14  }
.LBB2_46:
0x3b9: {  	p0 =	sne.s32 s2, $0x110  }
0x3ba: {  	v16 =	vld [tilespmem:s1+$0x0];
	vm1 =	vmand vm1, vm2;
	s13 =	spop (v2sf);
	s17 =	smov.u32 s2;
	s2 =	sadd.s32 $0x10, s2  }
.Ltmp25:
0x3bb: {  	v18 =	vsel vm1, $0x1, v0;
	s0 =	sadd.s32 s0, s13;
	(pc) =	sbr.rel @p0 .LBB2_46-.Ltmp25, $4  }
0x3bc: {  	(xrf0) =	vadd.scan.msk.s32 $0xffff, v18;
	v17, _, _ =	vpop (xrf0)  }
0x3bd: {  	(v2sf) =	vpush v17, $0xF  }
0x3be: {  	v17 =	vor.u32 s17, v1  }
0x3bf: {  	s1 =	sadd.s32 $0x10, s1;
	vm1 =	vlt.s32 v17, v14;
	vm2 =	vge.f32 v16, v15  }
0x3c0: {  	vm1 =	vmand vm1, vm2  }
0x3c1: {  	v15 =	vsel vm1, $0x1, v0  }
0x3c2: {  	(xrf0) =	vadd.scan.msk.s32 $0xffff, v15;
	_ =	sdelay $0x4  }
0x3c3: {  	v15, _, _ =	vpop (xrf0)  }
0x3c4: {  	(v2sf) =	vpush v15, $0xF;
	v15, _, _ =	vpop (xrf0)  }
0x3c5: {  	(v2sf) =	vpush v15, $0xF;
	_ =	sdelay $0xa  }
0x3c6: {  	s1 =	spop (v2sf)  }
0x3c7: {  	s0 =	sadd.s32 s0, s1;
	s17 =	spop (v2sf)  }
0x3c8: {  	s0 =	sadd.s32 s0, s17;
	s2 =	spop (v2sf)  }
0x3c9: {  	s0 =	sadd.s32 s0, s2;
	s13 =	spop (v2sf)  }
0x3ca: {  	s0 =	sadd.s32 s0, s13;
	s17 =	spop (v2sf)  }
0x3cb: {  	s0 =	sadd.s32 s0, s17  }
0x3cc: {  	s30 =	sadd.s32 $0x1, s30;
	p0 =	sgt.s32 s0, $0x3F  }
0x3cd: {  	s26 =	smov.u32 @p0 s31;
	s31 =	smov.u32 @p0 s29;
	p0 =	seq.s32 s30, $0x28  }
.Ltmp26:
0x3ce: {  	_ = 	snop;
	(pc) =	sbr.rel @!p0 .LBB2_45-.Ltmp26, $2  }
0x3cf: {  	_ =	sdelay $0x2  }
0x3d0: {  	s29 =	smov.u32 s31  }
0x3d1: {  	s0 =	simm.s32 $0x19700  }
0x3d2: {  	v16 =	vld [tilespmem:s0+$0x0];
	_ =	sdelay $0x2  }
0x3d3: {  	s29 =	simm.s32 $0x0  }
0x3d4: {  	v15 =	vmov s26;
	v17 =	vor.u32 s29, v1  }
0x3d5: {  	vm1 =	vlt.s32 v17, v14;
	vm2 =	vge.f32 v16, v15  }
0x3d6: {  	vm1 =	vmand vm1, vm2  }
0x3d7: {  	v17 =	vsel vm1, $0x1, v0  }
0x3d8: {  	(xrf0) =	vadd.scan.msk.s32 $0xffff, v17;
	_ =	sdelay $0x2  }
0x3d9: {  	v17 =	vmov s29  }
0x3da: {  	v17 =	vadd.s32 $0xFFFFFFFF, v17  }
0x3db: {  	v17 =	vbroadcast v17, $0x0  }
0x3dc: {  	v18, _, _ =	vpop (xrf0)  }
0x3dd: {  	s28 =	simm.s32 $0x19880;
	v17 =	vadd.s32 v18, v17;
	(v2sf) =	vpush v18, $0xF  }
0x3de: {  	v19 =	vld [tilespmem:s28+$0x0];
	_ =	sdelay $0x3  }
0x3df: {  	[tilespmem:v17+s18+$0x0] =	vst.idx.msk vm1, v16  }
0x3e0: {  	s0 =	simm.s32 $0x19710;
	[tilespmem:v17+s19+$0x0] =	vst.idx.msk vm1, v19  }
0x3e1: {  	s30 =	simm.s32 $0x10;
	s31 =	simm.s32 $0x20;
	v16 =	vld [tilespmem:s0+$0x0]  }
.LBB2_49:
0x3e2: {  	p0 =	sne.s32 s31, $0x110;
	_ =	sdelay $0x2  }
0x3e3: {  	v17 =	vor.u32 s30, v1;
	s30 =	smov.u32 s31  }
0x3e4: {  	vm1 =	vlt.s32 v17, v14;
	vm2 =	vge.f32 v16, v15  }
0x3e5: {  	vm1 =	vmand vm1, vm2  }
0x3e6: {  	v17 =	vsel vm1, $0x1, v0  }
0x3e7: {  	(xrf0) =	vadd.scan.msk.s32 $0xffff, v17;
	s1 =	spop (v2sf)  }
0x3e8: {  	s29 =	sadd.s32 s29, s1  }
0x3e9: {  	v17 =	vmov s29  }
0x3ea: {  	v17 =	vadd.s32 $0xFFFFFFFF, v17  }
0x3eb: {  	v17 =	vbroadcast v17, $0x0;
	_ =	sdelay $0x1  }
0x3ec: {  	v18, _, _ =	vpop (xrf0)  }
0x3ed: {  	s28 =	sadd.s32 $0x10, s28;
	v17 =	vadd.s32 v18, v17;
	(v2sf) =	vpush v18, $0xF  }
0x3ee: {  	v18 =	vld [tilespmem:s28+$0x0];
	_ =	sdelay $0x1  }
.Ltmp27:
0x3ef: {  	(pc) =	sbr.rel @p0 .LBB2_49-.Ltmp27, $4  }
0x3f0: {  	_ = 	snop  }
0x3f1: {  	[tilespmem:v17+s18+$0x0] =	vst.idx.msk vm1, v16  }
0x3f2: {  	s0 =	sadd.s32 $0x10, s0;
	[tilespmem:v17+s19+$0x0] =	vst.idx.msk vm1, v18  }
0x3f3: {  	s31 =	sadd.s32 $0x10, s31;
	v16 =	vld [tilespmem:s0+$0x0]  }
0x3f4: {  	_ =	sdelay $0x2  }
0x3f5: {  	v17 =	vor.u32 s30, v1  }
0x3f6: {  	vm1 =	vlt.s32 v17, v14;
	vm2 =	vge.f32 v16, v15  }
0x3f7: {  	vm1 =	vmand vm1, vm2  }
0x3f8: {  	v14 =	vsel vm1, $0x1, v0  }
0x3f9: {  	(xrf0) =	vadd.scan.msk.s32 $0xffff, v14;
	_ =	sdelay $0x5  }
0x3fa: {  	v14, _, _ =	vpop (xrf0)  }
0x3fb: {  	(v2sf) =	vpush v14, $0xF;
	_ =	sdelay $0x5  }
0x3fc: {  	s0 =	spop (v2sf)  }
0x3fd: {  	s0 =	sadd.s32 s29, s0  }
0x3fe: {  	v17 =	vmov s0  }
0x3ff: {  	v17 =	vadd.s32 $0xFFFFFFFF, v17  }
0x400: {  	v17 =	vbroadcast v17, $0x0;
	_ =	sdelay $0x1  }
0x401: {  	s1 =	sadd.s32 $0x10, s28;
	v14 =	vadd.s32 v14, v17  }
0x402: {  	v17 =	vld [tilespmem:s1+$0x0]  }
.Ltmp28:
0x403: {  	_ = 	snop;
	(pc) =	sbr.rel .LBB2_51-.Ltmp28, $4  }
0x404: {  	s31 =	spop (v2sf)  }
0x405: {  	s28 =	sadd.s32 s0, s31  }
0x406: {  	[tilespmem:v14+s18+$0x0] =	vst.idx.msk vm1, v16;
	p0 =	slt.s32 s28, $0xFF  }
0x407: {  	[tilespmem:v14+s19+$0x0] =	vst.idx.msk vm1, v17;
	s28 =	simm.s32 @!p0 $0xFF  }
.LBB2_53:
0x408: {  	p0 =	slt.s32 s28, $0x81  }
.Ltmp29:
0x409: {  	_ = 	snop;
	(pc) =	sbr.rel @p0 .LBB2_63-.Ltmp29, $1  }
0x40a: {  	_ =	sdelay $0x3  }
0x40b: {  	s0 =	simm.s32 $0x19700  }
0x40c: {  	v14 =	vld [tilespmem:s0+$0x0];
	_ =	sdelay $0x1  }
0x40d: {  	s2 =	simm.s32 $0x0  }
0x40e: {  	v13 =	vmov s28;
	v15 =	vor.u32 s2, v1  }
0x40f: {  	vm1 =	vlt.s32 v15, v13  }
0x410: {  	v15 =	vnsel vm1, $0xFF61B1E6, v14  }
0x411: {  	(xrf0) =	vmax.scan.msk.f32 $0xffff, v15  }
0x412: {  	v14 =	vnsel vm1, $0x7F61B1E6, v14  }
0x413: {  	(xrf0) =	vmin.scan.msk.f32 $0xffff, v14;
	_ =	sdelay $0x2  }
0x414: {  	s13 =	simm.s32 $0x19710  }
0x415: {  	v15 =	vld [tilespmem:s13+$0x0];
	v14, _, _ =	vpop (xrf0)  }
0x416: {  	s17 =	simm.s32 $0x19720;
	(v2sf) =	vpush v14, $0xF  }
0x417: {  	s1 =	simm.s32 $0x10;
	v16, _, _ =	vpop (xrf0);
	v14 =	vld [tilespmem:s17+$0x0]  }
0x418: {  	(v2sf) =	vpush v16, $0xF;
	v16 =	vor.u32 s1, v1  }
0x419: {  	s24 =	simm.s32 $0x20;
	vm1 =	vlt.s32 v16, v13  }
0x41a: {  	v17 =	vor.u32 s24, v1;
	v16 =	vnsel vm1, $0xFF61B1E6, v15  }
0x41b: {  	v15 =	vnsel vm1, $0x7F61B1E6, v15;
	vm1 =	vlt.s32 v17, v13;
	(xrf0) =	vmax.scan.msk.f32 $0xffff, v16  }
0x41c: {  	(xrf0) =	vmin.scan.msk.f32 $0xffff, v15;
	v15 =	vnsel vm1, $0xFF61B1E6, v14  }
0x41d: {  	s25 =	simm.s32 $0x19730;
	v14 =	vnsel vm1, $0x7F61B1E6, v14;
	(xrf0) =	vmax.scan.msk.f32 $0xffff, v15  }
0x41e: {  	v15 =	vld [tilespmem:s25+$0x0];
	(xrf0) =	vmin.scan.msk.f32 $0xffff, v14  }
0x41f: {  	s28 =	simm.s32 $0x30  }
0x420: {  	v17 =	vor.u32 s28, v1  }
0x421: {  	v14, _, _ =	vpop (xrf0)  }
0x422: {  	vm1 =	vlt.s32 v17, v13;
	v18, _, _ =	vpop (xrf0);
	(v2sf) =	vpush v14, $0xF  }
0x423: {  	v14 =	vnsel vm1, $0xFF61B1E6, v15;
	(v2sf) =	vpush v18, $0xF;
	v17, _, _ =	vpop (xrf0)  }
0x424: {  	(xrf0) =	vmax.scan.msk.f32 $0xffff, v14;
	v14 =	vnsel vm1, $0x7F61B1E6, v15;
	(v2sf) =	vpush v17, $0xF;
	v15, _, _ =	vpop (xrf0)  }
0x425: {  	s31 =	spop (v2sf);
	(v2sf) =	vpush v15, $0xF;
	_ =	sdelay $0x1  }
0x426: {  	s26 =	simm.s32 $0x19740  }
0x427: {  	v16 =	vld [tilespmem:s26+$0x0];
	_ =	sdelay $0x1  }
0x428: {  	s29 =	simm.s32 $0x40;
	(xrf0) =	vmin.scan.msk.f32 $0xffff, v14  }
0x429: {  	s30 =	simm.f32 $-3.000000010e+38;
	v63 =	vor.u32 s29, v1  }
0x42a: {  	s24 =	simm.f32 $3.000000010e+38;
	s26 =	simm.s32 $0x19750;
	vm1 =	vlt.s32 v63, v13  }
0x42b: {  	s25 =	simm.s32 $0x50;
	v14 =	vnsel vm1, $0x7F61B1E6, v16;
	v15 =	vnsel vm1, $0xFF61B1E6, v16;
	s0 =	smax.f32 s30, s31;
	s1 =	spop (v2sf)  }
.LBB2_55:
0x42c: {  	p0 =	sne.s32 s25, $0x110  }
0x42d: {  	v16 =	vld [tilespmem:s26+$0x0];
	(xrf0) =	vmax.scan.msk.f32 $0xffff, v15;
	v15, _, _ =	vpop (xrf0);
	s24 =	smin.f32 s24, s1;
	s1 =	smov.u32 s25;
	s25 =	sadd.s32 $0x10, s25  }
.Ltmp30:
0x42e: {  	(xrf0) =	vmin.scan.msk.f32 $0xffff, v14;
	v14, _, _ =	vpop (xrf0);
	(v2sf) =	vpush v15, $0xF;
	(pc) =	sbr.rel @p0 .LBB2_55-.Ltmp30, $4  }
0x42f: {  	(v2sf) =	vpush v14, $0xF  }
0x430: {  	v14 =	vor.u32 s1, v1  }
0x431: {  	vm1 =	vlt.s32 v14, v13;
	s1 =	spop (v2sf)  }
0x432: {  	s26 =	sadd.s32 $0x10, s26;
	v14 =	vnsel vm1, $0x7F61B1E6, v16;
	v15 =	vnsel vm1, $0xFF61B1E6, v16;
	s0 =	smax.f32 s0, s1;
	s1 =	spop (v2sf)  }
0x433: {  	(xrf0) =	vmax.scan.msk.f32 $0xffff, v15  }
0x434: {  	(xrf0) =	vmin.scan.msk.f32 $0xffff, v14;
	_ =	sdelay $0x2  }
0x435: {  	v14, _, _ =	vpop (xrf0)  }
0x436: {  	v15, _, _ =	vpop (xrf0);
	(v2sf) =	vpush v14, $0xF  }
0x437: {  	(v2sf) =	vpush v15, $0xF;
	v14, _, _ =	vpop (xrf0)  }
0x438: {  	v15, _, _ =	vpop (xrf0);
	(v2sf) =	vpush v14, $0xF  }
0x439: {  	(v2sf) =	vpush v15, $0xF;
	_ =	sdelay $0x7  }
0x43a: {  	s2 =	spop (v2sf)  }
0x43b: {  	s1 =	smin.f32 s24, s1;
	s13 =	spop (v2sf)  }
0x43c: {  	s0 =	smax.f32 s0, s2;
	s24 =	spop (v2sf)  }
0x43d: {  	s1 =	smin.f32 s1, s13;
	s25 =	spop (v2sf)  }
0x43e: {  	s0 =	smax.f32 s0, s24;
	s26 =	spop (v2sf)  }
0x43f: {  	s1 =	smin.f32 s1, s25;
	s29 =	spop (v2sf)  }
0x440: {  	s0 =	smax.f32 s0, s26;
	s30 =	spop (v2sf)  }
0x441: {  	s1 =	smin.f32 s1, s29;
	s31 =	spop (v2sf)  }
0x442: {  	s0 =	smax.f32 s0, s30;
	s24 =	smin.f32 s1, s31  }
0x443: {  	s1 =	ssub.f32 s0, s24;
	_ =	sdelay $0x1  }
0x444: {  	s1 =	smax.f32 s1, $1.000000000e-30  }
0x445: {  	s28 =	simm.s32 $0x0;
	s25 =	simm.s32 $0x0;
	s26 =	sadd.f32 s1, s0  }
.LBB2_57:
0x446: {  	_ = 	snop  }
0x447: {  	s0 =	ssub.f32 s26, s24  }
0x448: {  	s1 =	simm.s32 $0x19700  }
0x449: {  	v15 =	vld [tilespmem:s1+$0x0];
	s0 =	smul.f32 $5.000000000e-01, s0;
	_ =	sdelay $0x1  }
0x44a: {  	s29 =	sadd.f32 s0, s24  }
0x44b: {  	s30 =	simm.s32 $0x19710  }
0x44c: {  	s31 =	simm.s32 $0x19720;
	v18 =	vor.u32 s25, v1;
	v16 =	vld [tilespmem:s30+$0x0];
	v14 =	vmov s29  }
0x44d: {  	v17 =	vld [tilespmem:s31+$0x0];
	vm1 =	vlt.s32 v18, v13;
	vm2 =	vge.f32 v15, v14  }
0x44e: {  	vm1 =	vmand vm1, vm2  }
0x44f: {  	s1 =	simm.s32 $0x10;
	v57 =	vsel vm1, $0x1, v0  }
0x450: {  	s2 =	simm.s32 $0x20;
	v56 =	vor.u32 s1, v1;
	(xrf0) =	vadd.scan.msk.s32 $0xffff, v57  }
0x451: {  	vm3 =	vlt.s32 v56, v13;
	vm4 =	vge.f32 v16, v14;
	v15 =	vor.u32 s2, v1  }
0x452: {  	vm2 =	vmand vm3, vm4;
	vm3 =	vge.f32 v17, v14;
	vm1 =	vlt.s32 v15, v13  }
0x453: {  	v15 =	vsel vm2, $0x1, v0;
	vm1 =	vmand vm1, vm3  }
0x454: {  	s13 =	simm.s32 $0x19730;
	(xrf0) =	vadd.scan.msk.s32 $0xffff, v15;
	v58 =	vsel vm1, $0x1, v0  }
0x455: {  	v15 =	vld [tilespmem:s13+$0x0];
	(xrf0) =	vadd.scan.msk.s32 $0xffff, v58  }
0x456: {  	v61, _, _ =	vpop (xrf0)  }
0x457: {  	(v2sf) =	vpush v61, $0xF;
	_ =	sdelay $0x2  }
0x458: {  	vm2 =	vge.f32 v15, v14;
	v15, _, _ =	vpop (xrf0)  }
0x459: {  	(v2sf) =	vpush v15, $0xF;
	v62, _, _ =	vpop (xrf0)  }
0x45a: {  	(v2sf) =	vpush v62, $0xF  }
0x45b: {  	s30 =	simm.s32 $0x30  }
0x45c: {  	s17 =	simm.s32 $0x19740;
	v60 =	vor.u32 s30, v1  }
0x45d: {  	v59 =	vld [tilespmem:s17+$0x0];
	vm1 =	vlt.s32 v60, v13  }
0x45e: {  	vm1 =	vmand vm1, vm2  }
0x45f: {  	v15 =	vsel vm1, $0x1, v0  }
0x460: {  	s31 =	simm.s32 $0x40;
	(xrf0) =	vadd.scan.msk.s32 $0xffff, v15  }
0x461: {  	v63 =	vor.u32 s31, v1  }
0x462: {  	s1 =	simm.s32 $0x19750;
	s0 =	simm.s32 $0x0;
	s2 =	simm.s32 $0x50;
	vm2 =	vge.f32 v59, v14;
	vm1 =	vlt.s32 v63, v13  }
.LBB2_58:
0x463: {  	p0 =	sne.s32 s2, $0x110  }
0x464: {  	v15 =	vld [tilespmem:s1+$0x0];
	vm1 =	vmand vm1, vm2;
	s13 =	spop (v2sf);
	s17 =	smov.u32 s2;
	s2 =	sadd.s32 $0x10, s2  }
.Ltmp31:
0x465: {  	v17 =	vsel vm1, $0x1, v0;
	s0 =	sadd.s32 s0, s13;
	(pc) =	sbr.rel @p0 .LBB2_58-.Ltmp31, $4  }
0x466: {  	(xrf0) =	vadd.scan.msk.s32 $0xffff, v17;
	v16, _, _ =	vpop (xrf0)  }
0x467: {  	(v2sf) =	vpush v16, $0xF  }
0x468: {  	v16 =	vor.u32 s17, v1  }
0x469: {  	s1 =	sadd.s32 $0x10, s1;
	vm1 =	vlt.s32 v16, v13;
	vm2 =	vge.f32 v15, v14  }
0x46a: {  	vm1 =	vmand vm1, vm2  }
0x46b: {  	v14 =	vsel vm1, $0x1, v0  }
0x46c: {  	(xrf0) =	vadd.scan.msk.s32 $0xffff, v14;
	_ =	sdelay $0x4  }
0x46d: {  	v14, _, _ =	vpop (xrf0)  }
0x46e: {  	(v2sf) =	vpush v14, $0xF;
	v14, _, _ =	vpop (xrf0)  }
0x46f: {  	(v2sf) =	vpush v14, $0xF;
	_ =	sdelay $0xa  }
0x470: {  	s1 =	spop (v2sf)  }
0x471: {  	s0 =	sadd.s32 s0, s1;
	s13 =	spop (v2sf)  }
0x472: {  	s0 =	sadd.s32 s0, s13;
	s17 =	spop (v2sf)  }
0x473: {  	s0 =	sadd.s32 s0, s17;
	s30 =	spop (v2sf)  }
0x474: {  	s0 =	sadd.s32 s0, s30;
	s31 =	spop (v2sf)  }
0x475: {  	s0 =	sadd.s32 s0, s31  }
0x476: {  	s28 =	sadd.s32 $0x1, s28;
	p0 =	sgt.s32 s0, $0x3F  }
0x477: {  	s24 =	smov.u32 @p0 s29;
	s29 =	smov.u32 @p0 s26;
	p0 =	seq.s32 s28, $0x28  }
.Ltmp32:
0x478: {  	_ = 	snop;
	(pc) =	sbr.rel @!p0 .LBB2_57-.Ltmp32, $2  }
0x479: {  	_ =	sdelay $0x2  }
0x47a: {  	s26 =	smov.u32 s29  }
0x47b: {  	s0 =	simm.s32 $0x19700  }
0x47c: {  	v15 =	vld [tilespmem:s0+$0x0];
	_ =	sdelay $0x2  }
0x47d: {  	s25 =	simm.s32 $0x0  }
0x47e: {  	v14 =	vmov s24;
	v16 =	vor.u32 s25, v1  }
0x47f: {  	vm1 =	vlt.s32 v16, v13;
	vm2 =	vge.f32 v15, v14  }
0x480: {  	vm1 =	vmand vm1, vm2  }
0x481: {  	v16 =	vsel vm1, $0x1, v0  }
0x482: {  	(xrf0) =	vadd.scan.msk.s32 $0xffff, v16;
	_ =	sdelay $0x2  }
0x483: {  	v16 =	vmov s25  }
0x484: {  	v16 =	vadd.s32 $0xFFFFFFFF, v16  }
0x485: {  	v16 =	vbroadcast v16, $0x0  }
0x486: {  	v17, _, _ =	vpop (xrf0)  }
0x487: {  	s24 =	simm.s32 $0x19880;
	v16 =	vadd.s32 v17, v16;
	(v2sf) =	vpush v17, $0xF  }
0x488: {  	v18 =	vld [tilespmem:s24+$0x0];
	_ =	sdelay $0x3  }
0x489: {  	[tilespmem:v16+s18+$0x0] =	vst.idx.msk vm1, v15  }
0x48a: {  	s0 =	simm.s32 $0x19710;
	[tilespmem:v16+s19+$0x0] =	vst.idx.msk vm1, v18  }
0x48b: {  	s26 =	simm.s32 $0x10;
	s28 =	simm.s32 $0x20;
	v15 =	vld [tilespmem:s0+$0x0]  }
.LBB2_61:
0x48c: {  	p0 =	sne.s32 s28, $0x110;
	_ =	sdelay $0x2  }
0x48d: {  	v16 =	vor.u32 s26, v1;
	s26 =	smov.u32 s28  }
0x48e: {  	vm1 =	vlt.s32 v16, v13;
	vm2 =	vge.f32 v15, v14  }
0x48f: {  	vm1 =	vmand vm1, vm2  }
0x490: {  	v16 =	vsel vm1, $0x1, v0  }
0x491: {  	(xrf0) =	vadd.scan.msk.s32 $0xffff, v16;
	s1 =	spop (v2sf)  }
0x492: {  	s25 =	sadd.s32 s25, s1  }
0x493: {  	v16 =	vmov s25  }
0x494: {  	v16 =	vadd.s32 $0xFFFFFFFF, v16  }
0x495: {  	v16 =	vbroadcast v16, $0x0;
	_ =	sdelay $0x1  }
0x496: {  	v17, _, _ =	vpop (xrf0)  }
0x497: {  	s24 =	sadd.s32 $0x10, s24;
	v16 =	vadd.s32 v17, v16;
	(v2sf) =	vpush v17, $0xF  }
0x498: {  	v17 =	vld [tilespmem:s24+$0x0];
	_ =	sdelay $0x1  }
.Ltmp33:
0x499: {  	(pc) =	sbr.rel @p0 .LBB2_61-.Ltmp33, $4  }
0x49a: {  	_ = 	snop  }
0x49b: {  	[tilespmem:v16+s18+$0x0] =	vst.idx.msk vm1, v15  }
0x49c: {  	s0 =	sadd.s32 $0x10, s0;
	[tilespmem:v16+s19+$0x0] =	vst.idx.msk vm1, v17  }
0x49d: {  	s28 =	sadd.s32 $0x10, s28;
	v15 =	vld [tilespmem:s0+$0x0]  }
0x49e: {  	_ =	sdelay $0x2  }
0x49f: {  	v16 =	vor.u32 s26, v1  }
0x4a0: {  	vm1 =	vlt.s32 v16, v13;
	vm2 =	vge.f32 v15, v14  }
0x4a1: {  	vm1 =	vmand vm1, vm2  }
0x4a2: {  	v13 =	vsel vm1, $0x1, v0  }
0x4a3: {  	(xrf0) =	vadd.scan.msk.s32 $0xffff, v13;
	_ =	sdelay $0x5  }
0x4a4: {  	v13, _, _ =	vpop (xrf0)  }
0x4a5: {  	(v2sf) =	vpush v13, $0xF;
	_ =	sdelay $0x5  }
0x4a6: {  	s0 =	spop (v2sf)  }
0x4a7: {  	s0 =	sadd.s32 s25, s0  }
0x4a8: {  	v14 =	vmov s0  }
0x4a9: {  	v14 =	vadd.s32 $0xFFFFFFFF, v14  }
0x4aa: {  	v14 =	vbroadcast v14, $0x0;
	_ =	sdelay $0x1  }
0x4ab: {  	s1 =	sadd.s32 $0x10, s24;
	v13 =	vadd.s32 v13, v14  }
0x4ac: {  	v14 =	vld [tilespmem:s1+$0x0];
	_ =	sdelay $0x1  }
0x4ad: {  	s31 =	spop (v2sf)  }
0x4ae: {  	s28 =	sadd.s32 s0, s31  }
0x4af: {  	[tilespmem:v13+s18+$0x0] =	vst.idx.msk vm1, v15;
	p0 =	slt.s32 s28, $0xFF  }
0x4b0: {  	[tilespmem:v13+s19+$0x0] =	vst.idx.msk vm1, v14;
	s28 =	simm.s32 @!p0 $0xFF  }
.LBB2_63:
0x4b1: {  	v13 =	vld [tilespmem:$0x19700];
	_ =	sdelay $0x1  }
0x4b2: {  	v14 =	vld [tilespmem:$0x19710]  }
0x4b3: {  	p0 =	slt.s32 s28, $0x80;
	v15 =	vld [tilespmem:$0x19880]  }
0x4b4: {  	v16 =	vld [tilespmem:$0x19720];
	s28 =	simm.s32 @!p0 $0x80  }
0x4b5: {  	v18 =	vld [tilespmem:$0x19890];
	v17 =	vmov s28;
	v13 =	vmul.f32 v13, v9  }
0x4b6: {  	v19 =	vld [tilespmem:$0x19730];
	vm1 =	vgt.s32 v17, v1  }
0x4b7: {  	v20 =	vld [tilespmem:$0x198A0];
	v14 =	vmul.f32 v14, v9;
	v13 =	vnsel vm1, $0xFF61B1E6, v13  }
0x4b8: {  	[tilespmem:$0x19A00] =	vst v13;
	v13 =	vnsel vm1, $0x0, v15;
	vm1 =	vgt.s32 v17, v2;
	v15 =	vld [tilespmem:$0x19740]  }
0x4b9: {  	[tilespmem:$0x19B00] =	vst v13;
	v13 =	vnsel vm1, $0xFF61B1E6, v14;
	v14 =	vmul.f32 v16, v9;
	v16 =	vld [tilespmem:$0x198B0]  }
0x4ba: {  	[tilespmem:$0x19A10] =	vst v13;
	v13 =	vnsel vm1, $0x0, v18;
	vm1 =	vgt.s32 v17, v3;
	v18 =	vld [tilespmem:$0x19750]  }
0x4bb: {  	[tilespmem:$0x19B10] =	vst v13;
	v13 =	vnsel vm1, $0xFF61B1E6, v14;
	v14 =	vmul.f32 v19, v9;
	v19 =	vld [tilespmem:$0x198C0]  }
0x4bc: {  	[tilespmem:$0x19A20] =	vst v13;
	v13 =	vnsel vm1, $0x0, v20;
	vm1 =	vgt.s32 v17, v4;
	v20 =	vld [tilespmem:$0x19760]  }
0x4bd: {  	[tilespmem:$0x19B20] =	vst v13;
	v13 =	vnsel vm1, $0xFF61B1E6, v14;
	v14 =	vmul.f32 v15, v9;
	v15 =	vld [tilespmem:$0x198D0]  }
0x4be: {  	[tilespmem:$0x19A30] =	vst v13;
	v13 =	vnsel vm1, $0x0, v16;
	vm1 =	vgt.s32 v17, v6;
	v16 =	vld [tilespmem:$0x19770]  }
0x4bf: {  	[tilespmem:$0x19B30] =	vst v13;
	v13 =	vnsel vm1, $0xFF61B1E6, v14;
	v14 =	vmul.f32 v18, v9;
	v18 =	vld [tilespmem:$0x198E0]  }
0x4c0: {  	[tilespmem:$0x19A40] =	vst v13;
	v13 =	vnsel vm1, $0x0, v19;
	vm1 =	vgt.s32 v17, v7  }
0x4c1: {  	v19 =	vld [tilespmem:$0x198F0];
	[tilespmem:$0x19B40] =	vst v13;
	v13 =	vnsel vm1, $0xFF61B1E6, v14;
	v14 =	vmul.f32 v20, v9  }
0x4c2: {  	[tilespmem:$0x19A50] =	vst v13;
	v13 =	vnsel vm1, $0x0, v15;
	vm1 =	vgt.s32 v17, v8  }
0x4c3: {  	[tilespmem:$0x19B50] =	vst v13;
	v13 =	vnsel vm1, $0xFF61B1E6, v14;
	v14 =	vmul.f32 v16, v9  }
0x4c4: {  	v21 =	vld [tilespmem:$0x19A00];
	[tilespmem:$0x19A60] =	vst v13;
	v13 =	vnsel vm1, $0x0, v18;
	vm1 =	vgt.s32 v17, v10  }
0x4c5: {  	v20 =	vld [tilespmem:$0x19A10];
	[tilespmem:$0x19B60] =	vst v13;
	v13 =	vnsel vm1, $0xFF61B1E6, v14  }
0x4c6: {  	v16 =	vld [tilespmem:$0x19A50];
	[tilespmem:$0x19A70] =	vst v13;
	v13 =	vnsel vm1, $0x0, v19  }
0x4c7: {  	s0 =	simm.s32 $0x19A00;
	v18 =	vld [tilespmem:$0x19A30];
	[tilespmem:$0x19B70] =	vst v13  }
0x4c8: {  	v23 =	vld.msk [tilespmem:s0+$0x0 ss:$0x0], $0xffff  }
0x4c9: {  	s31 =	simm.s32 $0x0;
	v22 =	vimm.s32 $0x0;
	v26 =	vimm.s32 $0x0;
	v14 =	vld [tilespmem:$0x19A70]  }
0x4ca: {  	v30 =	vimm.s32 $0x0;
	v27 =	vimm.s32 $0x0;
	v24 =	vmov s31;
	v15 =	vld [tilespmem:$0x19A60]  }
0x4cb: {  	v28 =	vimm.s32 $0x0;
	vm3 =	vlt.u32 v24, v10;
	vm9 =	vlt.u32 v24, v2;
	v19 =	vld [tilespmem:$0x19A20]  }
0x4cc: {  	vm10 =	vlt.u32 v24, v3;
	vm11 =	vlt.u32 v24, v4;
	vm12 =	vlt.u32 v24, v6  }
0x4cd: {  	vm13 =	vlt.u32 v24, v7;
	vm14 =	vlt.u32 v24, v8;
	vm1 =	veq.f32 v23, v21  }
0x4ce: {  	v17 =	vld [tilespmem:$0x19A40];
	vm2 =	veq.f32 v23, v14;
	vm4 =	veq.f32 v23, v20;
	vm5 =	vgt.f32 v23, v14  }
0x4cf: {  	vm6 =	veq.f32 v23, v18;
	vm7 =	veq.f32 v23, v16;
	vm8 =	veq.f32 v23, v15  }
0x4d0: {  	vm2 =	vmand vm3, vm2;
	vm3 =	veq.f32 v23, v19;
	vm6 =	vmand vm11, vm6  }
0x4d1: {  	vm7 =	vmand vm13, vm7;
	vm8 =	vmand vm14, vm8;
	vm11 =	vgt.f32 v23, v18  }
0x4d2: {  	vm13 =	vgt.f32 v23, v16;
	vm14 =	vgt.f32 v23, v15;
	vm2 =	vmor vm5, vm2  }
0x4d3: {  	vm5 =	veq.f32 v23, v17;
	vm3 =	vmand vm10, vm3;
	vm10 =	vgt.f32 v23, v19  }
0x4d4: {  	vm7 =	vmor vm13, vm7;
	v25 =	vsel vm2, $0x1, v0;
	vm2 =	vlt.u32 v24, v1  }
0x4d5: {  	v24 =	vimm.s32 $0x0;
	v29 =	vadd.s32 v25, v22;
	vm1 =	vmand vm2, vm1  }
0x4d6: {  	vm2 =	vmand vm9, vm4;
	vm9 =	vmand vm12, vm5;
	vm4 =	vgt.f32 v23, v21  }
0x4d7: {  	vm5 =	vgt.f32 v23, v20;
	vm12 =	vgt.f32 v23, v17;
	v25 =	vimm.s32 $0x0  }
0x4d8: {  	s25 =	simm.s32 $0x19A01;
	vm1 =	vmor vm4, vm1;
	vm4 =	vmor vm5, vm2;
	vm5 =	vmor vm10, vm3  }
0x4d9: {  	s24 =	simm.s32 $0x1;
	s26 =	simm.s32 $0x2;
	v23 =	vld.msk [tilespmem:s25+$0x0 ss:$0x0], $0xffff;
	vm3 =	vmor vm11, vm6;
	vm6 =	vmor vm12, vm9;
	vm2 =	vmor vm14, vm8  }
.LBB2_64:
0x4da: {  	p0 =	sne.s32 s26, $0x7F;
	v31 =	vsel vm1, $0x1, v0;
	v32 =	vsel vm4, $0x1, v0;
	v33 =	vsel vm5, $0x1, v0  }
0x4db: {  	v34 =	vsel vm3, $0x1, v0;
	v35 =	vsel vm6, $0x1, v0;
	v36 =	vsel vm7, $0x1, v0  }
0x4dc: {  	v22 =	vadd.s32 v31, v22;
	v26 =	vadd.s32 v32, v26;
	v31 =	vsel vm2, $0x1, v0  }
0x4dd: {  	v24 =	vadd.s32 v33, v24;
	v25 =	vadd.s32 v34, v25;
	v30 =	vadd.s32 v35, v30  }
0x4de: {  	v32 =	vmov s24;
	v27 =	vadd.s32 v36, v27;
	s24 =	smov.u32 s26;
	v28 =	vadd.s32 v31, v28  }
0x4df: {  	vm3 =	vlt.u32 v32, v10;
	vm1 =	veq.f32 v23, v21;
	vm2 =	veq.f32 v23, v14  }
0x4e0: {  	vm4 =	veq.f32 v23, v20;
	vm5 =	vgt.f32 v23, v14;
	vm2 =	vmand vm3, vm2  }
0x4e1: {  	vm6 =	veq.f32 v23, v18;
	vm3 =	veq.f32 v23, v19;
	vm2 =	vmor vm5, vm2  }
0x4e2: {  	vm7 =	veq.f32 v23, v16;
	vm5 =	veq.f32 v23, v17;
	v31 =	vsel vm2, $0x1, v0  }
0x4e3: {  	vm8 =	veq.f32 v23, v15;
	vm2 =	vlt.u32 v32, v1;
	v29 =	vadd.s32 v31, v29  }
0x4e4: {  	vm9 =	vlt.u32 v32, v2;
	vm10 =	vlt.u32 v32, v3;
	vm11 =	vlt.u32 v32, v4  }
0x4e5: {  	vm12 =	vlt.u32 v32, v6;
	vm13 =	vlt.u32 v32, v7;
	vm14 =	vlt.u32 v32, v8  }
0x4e6: {  	vm3 =	vmand vm10, vm3;
	vm1 =	vmand vm2, vm1;
	vm2 =	vmand vm9, vm4  }
0x4e7: {  	vm6 =	vmand vm11, vm6;
	vm7 =	vmand vm13, vm7;
	vm9 =	vmand vm12, vm5  }
.Ltmp34:
0x4e8: {  	vm8 =	vmand vm14, vm8;
	vm4 =	vgt.f32 v23, v21;
	vm5 =	vgt.f32 v23, v20;
	(pc) =	sbr.rel @p0 .LBB2_64-.Ltmp34, $4  }
0x4e9: {  	vm11 =	vgt.f32 v23, v18;
	vm10 =	vgt.f32 v23, v19;
	vm12 =	vgt.f32 v23, v17  }
0x4ea: {  	vm13 =	vgt.f32 v23, v16;
	vm14 =	vgt.f32 v23, v15;
	vm1 =	vmor vm4, vm1  }
0x4eb: {  	s25 =	sadd.s32 $0x1, s25;
	vm4 =	vmor vm5, vm2;
	vm5 =	vmor vm10, vm3;
	vm3 =	vmor vm11, vm6  }
0x4ec: {  	s26 =	sadd.s32 $0x1, s26;
	vm7 =	vmor vm13, vm7;
	vm6 =	vmor vm12, vm9;
	vm2 =	vmor vm14, vm8;
	v23 =	vld.msk [tilespmem:s25+$0x0 ss:$0x0], $0xffff  }
0x4ed: {  	v31 =	vsel vm1, $0x1, v0;
	v32 =	vsel vm4, $0x1, v0;
	v33 =	vsel vm5, $0x1, v0  }
0x4ee: {  	v34 =	vsel vm3, $0x1, v0;
	v35 =	vsel vm6, $0x1, v0;
	v36 =	vsel vm7, $0x1, v0  }
0x4ef: {  	v53 =	vmov s24;
	v22 =	vadd.s32 v31, v22;
	v26 =	vadd.s32 v32, v26  }
0x4f0: {  	v31 =	vsel vm2, $0x1, v0;
	v24 =	vadd.s32 v33, v24;
	v25 =	vadd.s32 v34, v25  }
0x4f1: {  	v30 =	vadd.s32 v35, v30;
	v27 =	vadd.s32 v36, v27;
	vm3 =	vlt.u32 v53, v10  }
0x4f2: {  	vm9 =	vlt.u32 v53, v2;
	vm10 =	vlt.u32 v53, v3;
	vm11 =	vlt.u32 v53, v4  }
0x4f3: {  	vm12 =	vlt.u32 v53, v6;
	vm13 =	vlt.u32 v53, v7;
	vm14 =	vlt.u32 v53, v8  }
0x4f4: {  	v28 =	vadd.s32 v31, v28;
	vm1 =	veq.f32 v23, v21;
	vm2 =	veq.f32 v23, v14  }
0x4f5: {  	vm4 =	veq.f32 v23, v20;
	vm5 =	vgt.f32 v23, v14;
	vm6 =	veq.f32 v23, v18  }
0x4f6: {  	vm7 =	veq.f32 v23, v16;
	vm8 =	veq.f32 v23, v15;
	vm2 =	vmand vm3, vm2  }
0x4f7: {  	vm3 =	veq.f32 v23, v19;
	vm8 =	vmand vm14, vm8;
	vm2 =	vmor vm5, vm2  }
0x4f8: {  	vm5 =	veq.f32 v23, v17;
	vm3 =	vmand vm10, vm3;
	vm10 =	vgt.f32 v23, v19  }
0x4f9: {  	v31 =	vsel vm2, $0x1, v0;
	vm2 =	vlt.u32 v53, v1;
	vm5 =	vmand vm12, vm5  }
0x4fa: {  	vm12 =	vgt.f32 v23, v17;
	vm3 =	vmor vm10, vm3;
	vm1 =	vmand vm2, vm1  }
0x4fb: {  	vm2 =	vmand vm9, vm4;
	vm4 =	vmand vm11, vm6;
	vm6 =	vmand vm13, vm7  }
0x4fc: {  	vm7 =	vgt.f32 v23, v21;
	vm9 =	vgt.f32 v23, v20;
	vm11 =	vgt.f32 v23, v18  }
0x4fd: {  	vm13 =	vgt.f32 v23, v15;
	v54 =	vsel vm3, $0x1, v0;
	vm1 =	vmor vm7, vm1  }
0x4fe: {  	vm7 =	vgt.f32 v23, v16;
	vm2 =	vmor vm9, vm2;
	v23 =	vsel vm1, $0x1, v0  }
0x4ff: {  	vm4 =	vmor vm11, vm4;
	vm9 =	vmor vm12, vm5;
	v22 =	vadd.s32 v23, v22  }
0x500: {  	vm5 =	vmor vm13, vm8;
	v23 =	vsel vm2, $0x1, v0;
	vm1 =	veq.s32 v22, v12  }
0x501: {  	v23 =	vadd.s32 v23, v26;
	vm8 =	veq.s32 v22, $0x0;
	v26 =	vnsel vm1, $0x0, v21  }
0x502: {  	v24 =	vadd.s32 v54, v24;
	vm1 =	veq.s32 v23, v12;
	(xrf2) =	vadd.scan.msk.f32 $0xffff, v26;
	v26 =	vnsel vm8, $0x0, v21  }
0x503: {  	vm6 =	vmor vm7, vm6;
	(xrf2) =	vadd.scan.msk.f32 $0xffff, v26;
	v26 =	vnsel vm1, $0x0, v20;
	vm1 =	veq.s32 v23, $0x0  }
0x504: {  	v55 =	vsel vm4, $0x1, v0;
	vm2 =	veq.s32 v24, v12;
	(xrf2) =	vadd.scan.msk.f32 $0xffff, v26;
	v26 =	vnsel vm1, $0x0, v20  }
0x505: {  	v25 =	vadd.s32 v55, v25;
	(xrf2) =	vadd.scan.msk.f32 $0xffff, v26;
	v26 =	vnsel vm2, $0x0, v19;
	vm2 =	veq.s32 v24, $0x0  }
0x506: {  	v56 =	vsel vm9, $0x1, v0;
	vm3 =	veq.s32 v25, v12;
	(xrf2) =	vadd.scan.msk.f32 $0xffff, v26;
	v57 =	vnsel vm2, $0x0, v19  }
0x507: {  	v26 =	vadd.s32 v56, v30;
	v30 =	vnsel vm3, $0x0, v18;
	vm3 =	veq.s32 v25, $0x0;
	(xrf2) =	vadd.scan.msk.f32 $0xffff, v57  }
0x508: {  	v58 =	vsel vm6, $0x1, v0;
	vm4 =	veq.s32 v26, v12;
	(xrf2) =	vadd.scan.msk.f32 $0xffff, v30;
	v30 =	vnsel vm3, $0x0, v18  }
0x509: {  	v27 =	vadd.s32 v58, v27;
	(xrf2) =	vadd.scan.msk.f32 $0xffff, v30;
	v30 =	vnsel vm4, $0x0, v17;
	vm4 =	veq.s32 v26, $0x0  }
0x50a: {  	v59 =	vsel vm5, $0x1, v0;
	vm5 =	veq.s32 v27, v12;
	(xrf2) =	vadd.scan.msk.f32 $0xffff, v30;
	v30 =	vnsel vm4, $0x0, v17  }
0x50b: {  	v28 =	vadd.s32 v59, v28;
	(xrf2) =	vadd.scan.msk.f32 $0xffff, v30;
	v30 =	vnsel vm5, $0x0, v16;
	vm5 =	veq.s32 v27, $0x0  }
0x50c: {  	v29 =	vadd.s32 v31, v29;
	vm6 =	veq.s32 v28, v12;
	v31, _, _ =	vpop (xrf2);
	(xrf2) =	vadd.scan.msk.f32 $0xffff, v30;
	v30 =	vnsel vm5, $0x0, v16  }
0x50d: {  	(v2sf) =	vpush v31, $0xF;
	v31, _, _ =	vpop (xrf2);
	(xrf2) =	vadd.scan.msk.f32 $0xffff, v30;
	v30 =	vnsel vm6, $0x0, v15;
	vm6 =	veq.s32 v28, $0x0  }
0x50e: {  	vm7 =	veq.s32 v29, v12;
	(v2sf) =	vpush v31, $0xF;
	v31, _, _ =	vpop (xrf2);
	(xrf2) =	vadd.scan.msk.f32 $0xffff, v30;
	v30 =	vnsel vm6, $0x0, v15  }
0x50f: {  	(v2sf) =	vpush v31, $0xF;
	v12, _, _ =	vpop (xrf2);
	(xrf2) =	vadd.scan.msk.f32 $0xffff, v30;
	v30 =	vnsel vm7, $0x0, v14;
	vm7 =	veq.s32 v29, $0x0  }
0x510: {  	(v2sf) =	vpush v12, $0xF;
	v12, _, _ =	vpop (xrf2);
	(xrf2) =	vadd.scan.msk.f32 $0xffff, v30;
	v30 =	vnsel vm7, $0x0, v14;
	_ =	sdelay $0x1  }
0x511: {  	(v2sf) =	vpush v12, $0xF;
	v12, _, _ =	vpop (xrf2);
	(xrf2) =	vadd.scan.msk.f32 $0xffff, v30  }
0x512: {  	(v2sf) =	vpush v12, $0xF;
	v30, _, _ =	vpop (xrf2)  }
0x513: {  	v12, _, _ =	vpop (xrf2);
	(v2sf) =	vpush v30, $0xF  }
0x514: {  	v30, _, _ =	vpop (xrf2);
	(v2sf) =	vpush v12, $0xF  }
0x515: {  	v12, _, _ =	vpop (xrf2);
	(v2sf) =	vpush v30, $0xF  }
0x516: {  	v30, _, _ =	vpop (xrf2);
	(v2sf) =	vpush v12, $0xF  }
0x517: {  	(v2sf) =	vpush v30, $0xF;
	v12, _, _ =	vpop (xrf2)  }
0x518: {  	(v2sf) =	vpush v12, $0xF;
	v12, _, _ =	vpop (xrf2)  }
0x519: {  	(v2sf) =	vpush v12, $0xF;
	v12, _, _ =	vpop (xrf2)  }
0x51a: {  	(v2sf) =	vpush v12, $0xF;
	v12, _, _ =	vpop (xrf2)  }
0x51b: {  	(v2sf) =	vpush v12, $0xF;
	v12, _, _ =	vpop (xrf2)  }
0x51c: {  	s0 =	spop (v2sf);
	(v2sf) =	vpush v12, $0xF  }
0x51d: {  	s1 =	spop (v2sf)  }
0x51e: {  	s2 =	spop (v2sf);
	s1 =	sadd.f32 $0.0e+00, s1  }
0x51f: {  	s13 =	spop (v2sf)  }
0x520: {  	s17 =	spop (v2sf);
	s1 =	sadd.f32 s13, s1  }
0x521: {  	s28 =	spop (v2sf)  }
0x522: {  	s1 =	sadd.f32 s28, s1;
	s24 =	spop (v2sf)  }
0x523: {  	s29 =	spop (v2sf)  }
0x524: {  	s1 =	sadd.f32 s29, s1;
	s13 =	spop (v2sf)  }
0x525: {  	s25 =	spop (v2sf)  }
0x526: {  	s1 =	sadd.f32 s25, s1;
	s25 =	spop (v2sf)  }
0x527: {  	s26 =	spop (v2sf)  }
0x528: {  	s1 =	sadd.f32 s26, s1;
	s30 =	spop (v2sf)  }
0x529: {  	s28 =	spop (v2sf)  }
0x52a: {  	s1 =	sadd.f32 s28, s1;
	s31 =	spop (v2sf)  }
0x52b: {  	s0 =	sadd.f32 $0.0e+00, s0;
	s29 =	spop (v2sf)  }
0x52c: {  	s1 =	sadd.f32 s29, s1;
	_ =	sdelay $0x1  }
0x52d: {  	s0 =	sadd.f32 s2, s0;
	v12 =	vmov s1  }
0x52e: {  	v30 =	vsub.f32 v21, v12  }
0x52f: {  	s0 =	sadd.f32 s17, s0  }
0x530: {  	v31 =	vsub.f32 v20, v12;
	v30 =	vmul.f32 $1.442695020e+00, v30  }
0x531: {  	s0 =	sadd.f32 s24, s0  }
0x532: {  	(erf) = vpow2.f32 v30;
	v30 =	vmul.f32 $1.442695020e+00, v31  }
0x533: {  	s0 =	sadd.f32 s13, s0;
	v31 =	vsub.f32 v19, v12  }
0x534: {  	(erf) = vpow2.f32 v30  }
0x535: {  	s0 =	sadd.f32 s25, s0;
	v30 =	vmul.f32 $1.442695020e+00, v31;
	v31 =	vsub.f32 v18, v12;
	_ =	sdelay $0x1  }
0x536: {  	s0 =	sadd.f32 s30, s0;
	(erf) = vpow2.f32 v30;
	v30 =	vmul.f32 $1.442695020e+00, v31;
	v31 =	vsub.f32 v17, v12;
	_ =	sdelay $0x1  }
0x537: {  	s2 =	sadd.f32 s31, s0;
	(erf) = vpow2.f32 v30;
	v30 =	vmul.f32 $1.442695020e+00, v31;
	v31 =	vsub.f32 v16, v12  }
0x538: {  	v60 =	vsub.f32 v15, v12  }
0x539: {  	vm9 =	vge.f32 v21, s2;
	v21 =	vpop (erf);
	(erf) = vpow2.f32 v30;
	v30 =	vmul.f32 $1.442695020e+00, v31  }
0x53a: {  	v12 =	vsub.f32 v14, v12;
	v31 =	vmul.f32 $1.442695020e+00, v60  }
0x53b: {  	v21 =	vnsel vm9, $0x0, v21;
	vm9 =	vge.f32 v20, s2;
	v20 =	vpop (erf);
	(erf) = vpow2.f32 v30  }
0x53c: {  	v12 =	vmul.f32 $1.442695020e+00, v12;
	(xrf2) =	vadd.scan.msk.f32 $0xffff, v21;
	(erf) = vpow2.f32 v31  }
0x53d: {  	v20 =	vnsel vm9, $0x0, v20  }
0x53e: {  	vm9 =	vge.f32 v19, s2;
	(xrf2) =	vadd.scan.msk.f32 $0xffff, v20;
	v19 =	vpop (erf);
	(erf) = vpow2.f32 v12  }
0x53f: {  	v19 =	vnsel vm9, $0x0, v19  }
0x540: {  	vm9 =	vge.f32 v18, s2;
	v12 =	vpop (erf);
	(xrf2) =	vadd.scan.msk.f32 $0xffff, v19  }
0x541: {  	v18 =	vnsel vm9, $0x0, v12  }
0x542: {  	vm9 =	vge.f32 v17, s2;
	(xrf2) =	vadd.scan.msk.f32 $0xffff, v18;
	v12 =	vpop (erf)  }
0x543: {  	v17 =	vnsel vm9, $0x0, v12  }
0x544: {  	vm9 =	vge.f32 v16, s2;
	v12 =	vpop (erf);
	(xrf2) =	vadd.scan.msk.f32 $0xffff, v17  }
0x545: {  	v30 =	vpop (erf);
	v16 =	vnsel vm9, $0x0, v12  }
0x546: {  	v12, _, _ =	vpop (xrf2);
	vm9 =	vge.f32 v15, s2;
	(xrf2) =	vadd.scan.msk.f32 $0xffff, v16  }
0x547: {  	(v2sf) =	vpush v12, $0xF;
	v15 =	vnsel vm9, $0x0, v30;
	vm9 =	vge.f32 v14, s2;
	v14 =	vpop (erf)  }
0x548: {  	v12, _, _ =	vpop (xrf2);
	(xrf2) =	vadd.scan.msk.f32 $0xffff, v15  }
0x549: {  	(v2sf) =	vpush v12, $0xF;
	v12 =	vnsel vm9, $0x0, v14  }
0x54a: {  	v14, _, _ =	vpop (xrf2);
	(xrf2) =	vadd.scan.msk.f32 $0xffff, v12  }
0x54b: {  	(v2sf) =	vpush v14, $0xF  }
0x54c: {  	v14, _, _ =	vpop (xrf2)  }
0x54d: {  	(v2sf) =	vpush v14, $0xF  }
0x54e: {  	v14, _, _ =	vpop (xrf2)  }
0x54f: {  	(v2sf) =	vpush v14, $0xF  }
0x550: {  	v14, _, _ =	vpop (xrf2)  }
0x551: {  	(v2sf) =	vpush v14, $0xF  }
0x552: {  	v14, _, _ =	vpop (xrf2)  }
0x553: {  	(v2sf) =	vpush v14, $0xF  }
0x554: {  	v14, _, _ =	vpop (xrf2)  }
0x555: {  	(v2sf) =	vpush v14, $0xF  }
0x556: {  	s13 =	spop (v2sf)  }
0x557: {  	s0 =	sadd.f32 $0.0e+00, s13  }
0x558: {  	s17 =	spop (v2sf)  }
0x559: {  	s0 =	sadd.f32 s0, s17  }
0x55a: {  	s25 =	spop (v2sf)  }
0x55b: {  	s0 =	sadd.f32 s0, s25  }
0x55c: {  	s26 =	spop (v2sf)  }
0x55d: {  	s0 =	sadd.f32 s0, s26  }
0x55e: {  	s28 =	spop (v2sf)  }
0x55f: {  	s0 =	sadd.f32 s0, s28  }
0x560: {  	s29 =	spop (v2sf)  }
0x561: {  	s0 =	sadd.f32 s0, s29  }
0x562: {  	s30 =	spop (v2sf)  }
0x563: {  	s0 =	sadd.f32 s0, s30  }
0x564: {  	s31 =	spop (v2sf)  }
0x565: {  	s0 =	sadd.f32 s0, s31;
	_ =	sdelay $0x1  }
0x566: {  	v14 =	vmov s0  }
0x567: {  	(erf) = vrcp.f32 v14;
	_ =	sdelay $0x5  }
0x568: {  	v35 =	vld [tilespmem:$0x19B00]  }
0x569: {  	v34 =	vld [tilespmem:$0x19B10]  }
0x56a: {  	v33 =	vld [tilespmem:$0x19B20]  }
0x56b: {  	v32 =	vld [tilespmem:$0x19B30];
	v61 =	vpop (erf)  }
0x56c: {  	v31 =	vld [tilespmem:$0x19B40];
	v37 =	vmul.f32 v61, v21  }
0x56d: {  	v30 =	vld [tilespmem:$0x19B50];
	v38 =	vmul.f32 v61, v20  }
0x56e: {  	v14 =	vld [tilespmem:$0x19B60];
	v62 =	vmul.f32 v61, v19;
	[tilespmem:v22+s20+$0x0] =	vst.idx.msk $0xffff, v37  }
0x56f: {  	v63 =	vmul.f32 v61, v18;
	[tilespmem:v23+s20+$0x0] =	vst.idx.msk $0xffff, v38  }
0x570: {  	v40 =	vmul.f32 v61, v17;
	[tilespmem:v24+s20+$0x0] =	vst.idx.msk $0xffff, v62  }
0x571: {  	v41 =	vmul.f32 v61, v16;
	[tilespmem:v25+s20+$0x0] =	vst.idx.msk $0xffff, v63  }
0x572: {  	v42 =	vmul.f32 v61, v15;
	[tilespmem:v26+s20+$0x0] =	vst.idx.msk $0xffff, v40  }
0x573: {  	v36 =	vmul.f32 v61, v12;
	[tilespmem:v27+s20+$0x0] =	vst.idx.msk $0xffff, v41  }
0x574: {  	[tilespmem:v28+s20+$0x0] =	vst.idx.msk $0xffff, v42  }
0x575: {  	[tilespmem:v29+s20+$0x0] =	vst.idx.msk $0xffff, v36  }
0x576: {  	v36 =	vld [tilespmem:$0x19B80];
	_ =	sdelay $0x4  }
0x577: {  	(xrf2) =	vadd.scan.msk.f32 $0xffff, v36;
	_ =	sdelay $0x9  }
0x578: {  	v36, _, _ =	vpop (xrf2)  }
0x579: {  	v37 =	vld [tilespmem:$0x19B90];
	v36 =	vadd.f32 $0.0e+00, v36;
	_ =	sdelay $0x1  }
0x57a: {  	v43 =	vsel vm0, $0x0, v36  }
0x57b: {  	(xrf2) =	vadd.scan.msk.f32 $0xffff, v43;
	_ =	sdelay $0x1  }
0x57c: {  	(xrf2) =	vadd.scan.msk.f32 $0xffff, v37;
	_ =	sdelay $0x7  }
0x57d: {  	v44, _, _ =	vpop (xrf2)  }
0x57e: {  	v37 =	vbroadcast v44, $0xF  }
0x57f: {  	v45, _, _ =	vpop (xrf2)  }
0x580: {  	v46 =	vld [tilespmem:$0x19BA0];
	v37 =	vadd.f32 v37, v45;
	_ =	sdelay $0x1  }
0x581: {  	v39 =	vsel vm0, $0x0, v37  }
0x582: {  	(xrf2) =	vadd.scan.msk.f32 $0xffff, v39;
	_ =	sdelay $0x1  }
0x583: {  	(xrf2) =	vadd.scan.msk.f32 $0xffff, v46;
	_ =	sdelay $0x7  }
0x584: {  	v47, _, _ =	vpop (xrf2)  }
0x585: {  	v38 =	vbroadcast v47, $0xF  }
0x586: {  	v48, _, _ =	vpop (xrf2)  }
0x587: {  	v49 =	vld [tilespmem:$0x19BB0];
	v38 =	vadd.f32 v38, v48;
	_ =	sdelay $0x1  }
0x588: {  	v40 =	vsel vm0, $0x0, v38  }
0x589: {  	(xrf2) =	vadd.scan.msk.f32 $0xffff, v40;
	_ =	sdelay $0x1  }
0x58a: {  	(xrf2) =	vadd.scan.msk.f32 $0xffff, v49;
	_ =	sdelay $0x7  }
0x58b: {  	v50, _, _ =	vpop (xrf2)  }
0x58c: {  	v39 =	vbroadcast v50, $0xF  }
0x58d: {  	v51, _, _ =	vpop (xrf2)  }
0x58e: {  	v52 =	vld [tilespmem:$0x19BC0];
	v39 =	vadd.f32 v39, v51;
	_ =	sdelay $0x1  }
0x58f: {  	v41 =	vsel vm0, $0x0, v39  }
0x590: {  	(xrf2) =	vadd.scan.msk.f32 $0xffff, v41;
	_ =	sdelay $0x1  }
0x591: {  	(xrf2) =	vadd.scan.msk.f32 $0xffff, v52;
	_ =	sdelay $0x7  }
0x592: {  	v53, _, _ =	vpop (xrf2)  }
0x593: {  	v40 =	vbroadcast v53, $0xF  }
0x594: {  	v54, _, _ =	vpop (xrf2)  }
0x595: {  	v55 =	vld [tilespmem:$0x19BD0];
	v40 =	vadd.f32 v40, v54;
	_ =	sdelay $0x1  }
0x596: {  	v42 =	vsel vm0, $0x0, v40  }
0x597: {  	(xrf2) =	vadd.scan.msk.f32 $0xffff, v42;
	_ =	sdelay $0x1  }
0x598: {  	(xrf2) =	vadd.scan.msk.f32 $0xffff, v55;
	_ =	sdelay $0x7  }
0x599: {  	v56, _, _ =	vpop (xrf2)  }
0x59a: {  	v41 =	vbroadcast v56, $0xF  }
0x59b: {  	v57, _, _ =	vpop (xrf2)  }
0x59c: {  	v58 =	vld [tilespmem:$0x19BE0];
	v41 =	vadd.f32 v41, v57;
	_ =	sdelay $0x1  }
0x59d: {  	v43 =	vsel vm0, $0x0, v41  }
0x59e: {  	(xrf2) =	vadd.scan.msk.f32 $0xffff, v43;
	_ =	sdelay $0x1  }
0x59f: {  	(xrf2) =	vadd.scan.msk.f32 $0xffff, v58;
	_ =	sdelay $0x7  }
0x5a0: {  	v59, _, _ =	vpop (xrf2)  }
0x5a1: {  	v42 =	vbroadcast v59, $0xF  }
0x5a2: {  	v60, _, _ =	vpop (xrf2)  }
0x5a3: {  	v61 =	vld [tilespmem:$0x19BF0];
	v42 =	vadd.f32 v42, v60;
	_ =	sdelay $0x1  }
0x5a4: {  	v44 =	vsel vm0, $0x0, v42  }
0x5a5: {  	(xrf2) =	vadd.scan.msk.f32 $0xffff, v44;
	_ =	sdelay $0x1  }
0x5a6: {  	(xrf2) =	vadd.scan.msk.f32 $0xffff, v61;
	_ =	sdelay $0x5  }
0x5a7: {  	[tilespmem:$0x19C00] =	vst v36  }
0x5a8: {  	[tilespmem:$0x19C10] =	vst v37  }
0x5a9: {  	v45 =	vld [tilespmem:$0x19A00];
	[tilespmem:$0x19C20] =	vst v38;
	v62, _, _ =	vpop (xrf2)  }
0x5aa: {  	v37 =	vld [tilespmem:$0x19A40];
	[tilespmem:$0x19C30] =	vst v39;
	v36 =	vbroadcast v62, $0xF  }
0x5ab: {  	v39 =	vld [tilespmem:$0x19A30];
	[tilespmem:$0x19C40] =	vst v40;
	v63, _, _ =	vpop (xrf2)  }
0x5ac: {  	[tilespmem:$0x19C50] =	vst v41;
	v41 =	vld [tilespmem:$0x19A20];
	v36 =	vadd.f32 v36, v63  }
0x5ad: {  	v43 =	vld [tilespmem:$0x19A10];
	[tilespmem:$0x19C60] =	vst v42  }
0x5ae: {  	[tilespmem:$0x19C70] =	vst v36;
	v36 =	vld [tilespmem:$0x19A50]  }
0x5af: {  	v46 =	vld.idx.msk [tilespmem:v22+s21+$0x0], $0xffff  }
0x5b0: {  	v44 =	vld.idx.msk [tilespmem:v23+s21+$0x0], $0xffff  }
0x5b1: {  	v42 =	vld.idx.msk [tilespmem:v24+s21+$0x0], $0xffff  }
0x5b2: {  	v40 =	vld.idx.msk [tilespmem:v25+s21+$0x0], $0xffff  }
0x5b3: {  	v38 =	vld.idx.msk [tilespmem:v26+s21+$0x0], $0xffff  }
0x5b4: {  	v27 =	vld.idx.msk [tilespmem:v27+s21+$0x0], $0xffff  }
0x5b5: {  	v25 =	vld [tilespmem:$0x19A60]  }
0x5b6: {  	v26 =	vld.idx.msk [tilespmem:v28+s21+$0x0], $0xffff  }
0x5b7: {  	v22 =	vld [tilespmem:$0x19A70]  }
0x5b8: {  	s24 =	simm.s32 $0x0;
	s0 =	simm.s32 $0x40;
	v23 =	vmov s2;
	v24 =	vld.idx.msk [tilespmem:v29+s21+$0x0], $0xffff  }
.LBB2_66:
0x5b9: {  	p0 =	sne.s32 s0, $0x61A40;
	[tilespmem:s24+$0x0] =	vst v11;
	s1 =	smov.u32 s0;
	s0 =	sadd.s32 $0x40, s0  }
.Ltmp35:
0x5ba: {  	(pc) =	sbr.rel @p0 .LBB2_66-.Ltmp35, $2  }
0x5bb: {  	_ =	sdelay $0x2  }
0x5bc: {  	s24 =	sshra.s32 s1, $0x2  }
0x5bd: {  	v28 =	vnsel vm8, $0x0, v35  }
0x5be: {  	(xrf0) =	vadd.scan.msk.s32 $0xffff, v28;
	_ =	sdelay $0x1  }
0x5bf: {  	v59 =	vnsel vm1, $0x0, v34;
	v60 =	vnsel vm2, $0x0, v33;
	v61 =	vnsel vm3, $0x0, v32  }
0x5c0: {  	v29 =	vnsel vm4, $0x0, v31;
	vm9 =	vle.f32 v46, $8.999999760e-01;
	v32 =	vnsel vm5, $0x0, v30;
	(xrf0) =	vadd.scan.msk.s32 $0xffff, v59  }
0x5c1: {  	vm10 =	vge.f32 v45, v23;
	vm13 =	vle.f32 v44, $8.999999760e-01;
	vm14 =	vge.f32 v43, v23;
	(xrf0) =	vadd.scan.msk.s32 $0xffff, v60  }
0x5c2: {  	vm15 =	vle.f32 v42, $8.999999760e-01;
	vm12 =	vmor vm8, vm9;
	vm1 =	vmor vm1, vm13;
	(xrf0) =	vadd.scan.msk.s32 $0xffff, v61  }
0x5c3: {  	vm2 =	vmor vm2, vm15;
	vm8 =	vmand vm10, vm12;
	vm1 =	vmand vm14, vm1;
	v62, _, _ =	vpop (xrf0);
	(xrf0) =	vadd.scan.msk.s32 $0xffff, v29  }
0x5c4: {  	v35 =	vnsel vm8, $0x0, v21;
	v44 =	vnsel vm1, $0x0, v20;
	vm1 =	vge.f32 v41, v23  }
0x5c5: {  	v14 =	vnsel vm6, $0x0, v14;
	(xrf2) =	vadd.scan.msk.f32 $0xffff, v35;
	vm1 =	vmand vm1, vm2;
	vm2 =	vle.f32 v40, $8.999999760e-01  }
0x5c6: {  	(xrf2) =	vadd.scan.msk.f32 $0xffff, v44;
	v19 =	vnsel vm1, $0x0, v19;
	vm1 =	vge.f32 v39, v23;
	vm2 =	vmor vm3, vm2;
	v63, _, _ =	vpop (xrf0)  }
0x5c7: {  	v13 =	vnsel vm7, $0x0, v13;
	vm1 =	vmand vm1, vm2;
	vm2 =	vle.f32 v38, $8.999999760e-01;
	(xrf0) =	vadd.scan.msk.s32 $0xffff, v32;
	v33, _, _ =	vpop (xrf0)  }
0x5c8: {  	v18 =	vnsel vm1, $0x0, v18;
	vm1 =	vge.f32 v37, v23;
	vm2 =	vmor vm4, vm2;
	(xrf0) =	vadd.scan.msk.s32 $0xffff, v14;
	v34, _, _ =	vpop (xrf0)  }
0x5c9: {  	(v2sf) =	vpush v62, $0xF;
	vm1 =	vmand vm1, vm2;
	v43, _, _ =	vpop (xrf0);
	(xrf0) =	vadd.scan.msk.s32 $0xffff, v13  }
0x5ca: {  	(xrf2) =	vadd.scan.msk.f32 $0xffff, v19;
	vm2 =	vle.f32 v27, $8.999999760e-01;
	(v2sf) =	vpush v63, $0xF;
	v17 =	vnsel vm1, $0x0, v17  }
0x5cb: {  	vm1 =	vge.f32 v36, v23;
	vm2 =	vmor vm5, vm2;
	(v2sf) =	vpush v33, $0xF  }
0x5cc: {  	(xrf2) =	vadd.scan.msk.f32 $0xffff, v18;
	vm1 =	vmand vm1, vm2;
	(v2sf) =	vpush v34, $0xF  }
0x5cd: {  	vm2 =	vle.f32 v26, $8.999999760e-01;
	v16 =	vnsel vm1, $0x0, v16;
	(v2sf) =	vpush v43, $0xF;
	v45, _, _ =	vpop (xrf0)  }
0x5ce: {  	(xrf2) =	vadd.scan.msk.f32 $0xffff, v17;
	vm1 =	vge.f32 v25, v23;
	vm2 =	vmor vm6, vm2;
	(v2sf) =	vpush v45, $0xF;
	v46, _, _ =	vpop (xrf0)  }
0x5cf: {  	vm1 =	vmand vm1, vm2;
	(v2sf) =	vpush v46, $0xF;
	v47, _, _ =	vpop (xrf0)  }
0x5d0: {  	vm2 =	vle.f32 v24, $8.999999760e-01;
	v15 =	vnsel vm1, $0x0, v15;
	v48, _, _ =	vpop (xrf2);
	(xrf2) =	vadd.scan.msk.f32 $0xffff, v16;
	(v2sf) =	vpush v47, $0xF  }
0x5d1: {  	vm1 =	vge.f32 v22, v23;
	vm2 =	vmor vm7, vm2;
	(v2sf) =	vpush v48, $0xF  }
0x5d2: {  	vm1 =	vmand vm1, vm2;
	v49, _, _ =	vpop (xrf2);
	(xrf2) =	vadd.scan.msk.f32 $0xffff, v15  }
0x5d3: {  	v12 =	vnsel vm1, $0x0, v12;
	(v2sf) =	vpush v49, $0xF  }
0x5d4: {  	v50, _, _ =	vpop (xrf2);
	(xrf2) =	vadd.scan.msk.f32 $0xffff, v12  }
0x5d5: {  	(v2sf) =	vpush v50, $0xF  }
0x5d6: {  	v51, _, _ =	vpop (xrf2)  }
0x5d7: {  	(v2sf) =	vpush v51, $0xF  }
0x5d8: {  	v52, _, _ =	vpop (xrf2);
	s25 =	spop (v2sf)  }
0x5d9: {  	s26 =	spop (v2sf);
	(v2sf) =	vpush v52, $0xF  }
0x5da: {  	v53, _, _ =	vpop (xrf2);
	s28 =	spop (v2sf)  }
0x5db: {  	s29 =	spop (v2sf);
	(v2sf) =	vpush v53, $0xF  }
0x5dc: {  	v54, _, _ =	vpop (xrf2);
	s0 =	spop (v2sf)  }
0x5dd: {  	(v2sf) =	vpush v54, $0xF;
	s30 =	spop (v2sf)  }
0x5de: {  	v55, _, _ =	vpop (xrf2);
	s31 =	spop (v2sf)  }
0x5df: {  	(v2sf) =	vpush v55, $0xF;
	s1 =	spop (v2sf)  }
0x5e0: {  	s2 =	spop (v2sf)  }
0x5e1: {  	s2 =	sadd.f32 $0.0e+00, s2  }
0x5e2: {  	s13 =	spop (v2sf)  }
0x5e3: {  	s2 =	sadd.f32 s13, s2  }
0x5e4: {  	s17 =	spop (v2sf)  }
0x5e5: {  	s2 =	sadd.f32 s17, s2  }
0x5e6: {  	s17 =	spop (v2sf)  }
0x5e7: {  	s2 =	sadd.f32 s17, s2  }
0x5e8: {  	s17 =	spop (v2sf)  }
0x5e9: {  	s2 =	sadd.f32 s17, s2  }
0x5ea: {  	s17 =	spop (v2sf)  }
0x5eb: {  	s2 =	sadd.f32 s17, s2  }
0x5ec: {  	s17 =	spop (v2sf)  }
0x5ed: {  	s2 =	sadd.f32 s17, s2  }
0x5ee: {  	s17 =	spop (v2sf)  }
0x5ef: {  	s2 =	sadd.f32 s17, s2;
	_ =	sdelay $0x1  }
0x5f0: {  	v56 =	vmov s2  }
0x5f1: {  	(erf) = vrcp.f32 v56;
	_ =	sdelay $0x8  }
0x5f2: {  	[tilespmem:s24+$0x0] =	vst v11;
	v20 =	vpop (erf)  }
0x5f3: {  	v57 =	vld [tilespmem:$0x19B00];
	v14 =	vmul.f32 v20, v35;
	_ =	sdelay $0x1  }
0x5f4: {  	vm1 =	vgt.f32 v14, $0.0e+00;
	_ =	sdelay $0x5  }
0x5f5: {  	[tilespmem:v57+s3+$0x0] =	vst.idx.msk vm1, v14  }
0x5f6: {  	v13 =	vmul.f32 v20, v44;
	v14 =	vld [tilespmem:$0x19B10];
	_ =	sdelay $0x1  }
0x5f7: {  	vm1 =	vgt.f32 v13, $0.0e+00;
	_ =	sdelay $0x5  }
0x5f8: {  	[tilespmem:v14+s3+$0x0] =	vst.idx.msk vm1, v13  }
0x5f9: {  	v58 =	vmul.f32 v20, v19;
	v14 =	vld [tilespmem:$0x19B20];
	_ =	sdelay $0x1  }
0x5fa: {  	vm1 =	vgt.f32 v58, $0.0e+00;
	_ =	sdelay $0x5  }
0x5fb: {  	[tilespmem:v14+s3+$0x0] =	vst.idx.msk vm1, v58  }
0x5fc: {  	v59 =	vmul.f32 v20, v18;
	v14 =	vld [tilespmem:$0x19B30];
	_ =	sdelay $0x1  }
0x5fd: {  	vm1 =	vgt.f32 v59, $0.0e+00;
	_ =	sdelay $0x5  }
0x5fe: {  	[tilespmem:v14+s3+$0x0] =	vst.idx.msk vm1, v59  }
0x5ff: {  	v60 =	vmul.f32 v20, v17;
	v14 =	vld [tilespmem:$0x19B40];
	_ =	sdelay $0x1  }
0x600: {  	vm1 =	vgt.f32 v60, $0.0e+00;
	_ =	sdelay $0x5  }
0x601: {  	[tilespmem:v14+s3+$0x0] =	vst.idx.msk vm1, v60  }
0x602: {  	v61 =	vmul.f32 v20, v16;
	v14 =	vld [tilespmem:$0x19B50];
	_ =	sdelay $0x1  }
0x603: {  	vm1 =	vgt.f32 v61, $0.0e+00;
	_ =	sdelay $0x5  }
0x604: {  	[tilespmem:v14+s3+$0x0] =	vst.idx.msk vm1, v61  }
0x605: {  	v62 =	vmul.f32 v20, v15;
	v14 =	vld [tilespmem:$0x19B60];
	_ =	sdelay $0x1  }
0x606: {  	vm1 =	vgt.f32 v62, $0.0e+00;
	_ =	sdelay $0x5  }
0x607: {  	[tilespmem:v14+s3+$0x0] =	vst.idx.msk vm1, v62  }
0x608: {  	v12 =	vmul.f32 v20, v12;
	v13 =	vld [tilespmem:$0x19B70];
	_ =	sdelay $0x1  }
0x609: {  	vm1 =	vgt.f32 v12, $0.0e+00;
	_ =	sdelay $0x1  }
0x60a: {  	s1 =	sadd.s32 s1, s25  }
0x60b: {  	s1 =	sadd.s32 s26, s1  }
0x60c: {  	s1 =	sadd.s32 s28, s1  }
0x60d: {  	s1 =	sadd.s32 s29, s1  }
0x60e: {  	s0 =	sadd.s32 s0, s1;
	[tilespmem:v13+s3+$0x0] =	vst.idx.msk vm1, v12  }
0x60f: {  	[hbm4b:s10+s15] =	stream.strided.scatter [tilespmem:s3], [sflag:$0x1], $0x18700, s16, s15, $0x38;
	[tilespmem:$0x19D80] =	vst v63  }
0x610: {  	s0 =	sadd.s32 s30, s0;
	_ =	swait.ge [sflag:s14], $0x18700  }
0x611: {  	s23 =	sadd.s32 $0x1, s23;
	s0 =	sadd.s32 s31, s0;
	[sflag:s14] =	ssyncset.done $0x0  }
0x612: {  	p0 =	sne.s32 s23, s12;
	v63 =	vmov s0;
	[sflag:s14] =	ssyncadd.s32 $0xFFFE7900  }
.Ltmp36:
0x613: {  	[tilespmem:$0x19D00] =	vst v63;
	(pc) =	sbr.rel @p0 .LBB2_1-.Ltmp36, $4  }
0x614: {  	[hbm4b:s11+s3] =	stream.linear.scatter [tilespmem:s22], [sflag:$0x1], $0x80, $0x38;
	[tilespmem:$0x19D80] =	vst v63  }
0x615: {  	_ =	swait.ge [sflag:s14], $0x80  }
0x616: {  	[sflag:s14] =	ssyncset.done $0x0  }
0x617: {  	[sflag:s14] =	ssyncadd.s32 $0xFFFFFF80  }
0x618: {  	_ =	sfence.sel $0x180000  }
0x619: {  	[bflag:$0x0] =	sbarrier.arrive $0xFFFF  }
0x61a: {  	_ =	strace $0x90000047  }
0x61b: {  	s0 =	stileid.u32;
	[bflag:$0x2] =	sbarrier.arrive $0xFFFF  }
0x61c: {  	p0 =	sne.s32 s0, $0x0;
	s0 =	rddreg [dreg:$0x5]  }
0x61d: {  	s0 =	sadd.s32 @!p0 $0x100000, s0  }
0x61e: {  	[sflag:s0] =	ssyncadd.tile.s32 @!p0 $0x1;
	_ =	shalt  }
.Lfunc_end2:
_tile_overlayer_lowered:
.L_overlay_start_2:
0x61f: {  	(tag) =	ssettag $0x2  }
0x620: {  	s0 =	rddreg [dreg:$0x0];
	s2 =	stileid.u32  }
0x621: {  	s1 =	rddreg [dreg:$0x1];
	p0 =	sne.s32 s2, $0x0  }
0x622: {  	s3 =	rddreg [dreg:$0x2];
	[bflag:$0x3] =	sbarrier.arrive $0xFFFF;
	s2 =	simm.s32 @!p0 $0x1C01  }
0x623: {  	[timem:s3], [sflag:s2] =	dma.local @!p0 [hbm:s0], s1  }
0x624: {  	s0 =	simm.s32 @!p0 $0x1  }
0x625: {  	_ =	swait.ge @!p0 [sflag:s0], s1  }
0x626: {  	s1 =	ssub.s32 @!p0 $0x0, s1;
	[sflag:s0] =	ssyncset.done @!p0 $0x0  }
0x627: {  	[sflag:s0] =	ssyncadd.s32 @!p0 s1  }
0x628: {  	[bflag:$0x3] =	sbarrier.arrive $0xFFFF  }
0x629: {  	_ =	shalt  }

</sc_bundles>
